<compile_context>
chip_gen: v7x
topology: tpu7x:2x2x1
jax: 0.10.2.dev20260603
libtpu: 0.0.44.dev20260713+nightly
codegen_flags: <defaults>
</compile_context>

<pallas_src>
import functools

import jax
import jax.numpy as jnp
from jax import lax
from jax.experimental import pallas as pl
from jax.experimental.pallas import tpu as pltpu
from jax.experimental.pallas import tpu_sc as plsc

NC, NS, L = 2, 16, 16
NW = NC * NS
BATCH, HIST, D = 16384, 200, 64
RPW = BATCH // NW
TB = 16
NBLK = RPW // TB
DEPTH = 4
G0 = 128
G1 = HIST - G0
FULL_CHUNKS = HIST // L
TAIL = HIST - FULL_CHUNKS * L


def _sc_body(tok_hbm, table_hbm, out_hbm, tokbuf, rows, outbuf,
             tsem, gsem0, gsem1, gsem2, gsem3):
    wid = lax.axis_index("s") * NC + lax.axis_index("c")
    base = wid * RPW

    def issue_gathers(r_local, tslot, rslot, gsem):
        rl = r_local & (TB - 1)
        pltpu.async_copy(
            table_hbm.at[tokbuf.at[tslot, rl, pl.ds(0, G0)]],
            rows.at[rslot, pl.ds(0, G0)], gsem)
        pltpu.async_copy(
            table_hbm.at[tokbuf.at[tslot, rl, pl.ds(G0, G1)]],
            rows.at[rslot, pl.ds(G0, G1)], gsem)

    def wait_gathers(rslot, gsem):
        pltpu.make_async_copy(
            table_hbm.at[tokbuf.at[0, 0, pl.ds(0, G0)]],
            rows.at[rslot, pl.ds(0, G0)], gsem).wait()
        pltpu.make_async_copy(
            table_hbm.at[tokbuf.at[0, 0, pl.ds(G0, G1)]],
            rows.at[rslot, pl.ds(G0, G1)], gsem).wait()

    def compute_row(r_local, tslot, rslot):
        rl = r_local & (TB - 1)
        zeros = jnp.zeros((L,), jnp.float32)
        izeros = jnp.zeros((L,), jnp.int32)

        def chunk(i, carry):
            a0, a1, a2, a3, cnt = carry
            t = tokbuf[tslot, rl, pl.ds(i * L, L)]
            cnt = cnt + plsc.all_reduce_population_count(t != 0)
            for k in range(L):
                rr = i * L + k
                a0 = a0 + rows[rslot, rr, pl.ds(0, L)]
                a1 = a1 + rows[rslot, rr, pl.ds(L, L)]
                a2 = a2 + rows[rslot, rr, pl.ds(2 * L, L)]
                a3 = a3 + rows[rslot, rr, pl.ds(3 * L, L)]
            return (a0, a1, a2, a3, cnt)

        a0, a1, a2, a3, cnt = lax.fori_loop(
            0, FULL_CHUNKS, chunk, (zeros, zeros, zeros, zeros, izeros))

        t = tokbuf[tslot, rl, pl.ds(HIST - L, L)]
        lane = lax.iota(jnp.int32, 16)
        cnt = cnt + plsc.all_reduce_population_count(
            (lane >= L - TAIL) & (t != 0))
        for k in range(TAIL):
            rr = FULL_CHUNKS * L + k
            a0 = a0 + rows[rslot, rr, pl.ds(0, L)]
            a1 = a1 + rows[rslot, rr, pl.ds(L, L)]
            a2 = a2 + rows[rslot, rr, pl.ds(2 * L, L)]
            a3 = a3 + rows[rslot, rr, pl.ds(3 * L, L)]

        sv = 1.0 / jnp.maximum(cnt.astype(jnp.float32), 1.0)
        outbuf[r_local, pl.ds(0, L)] = a0 * sv
        outbuf[r_local, pl.ds(L, L)] = a1 * sv
        outbuf[r_local, pl.ds(2 * L, L)] = a2 * sv
        outbuf[r_local, pl.ds(3 * L, L)] = a3 * sv

    gsems = (gsem0, gsem1, gsem2, gsem3)

    pltpu.sync_copy(tok_hbm.at[pl.ds(base, TB)], tokbuf.at[0])
    for i in range(DEPTH - 1):
        issue_gathers(i, 0, i, gsems[i])

    GPB = TB // DEPTH
    NG = RPW // DEPTH

    def group(g, _):
        b = g // GPB
        tslot = b & 1
        r = DEPTH * g

        @pl.when(jnp.logical_and((g & (GPB - 1)) == 0, b + 1 < NBLK))
        def _():
            pltpu.async_copy(
                tok_hbm.at[pl.ds(base + (b + 1) * TB, TB)],
                tokbuf.at[(b + 1) & 1], tsem)

        @pl.when(jnp.logical_and((g & (GPB - 1)) == GPB - 1, b + 1 < NBLK))
        def _():
            pltpu.make_async_copy(
                tok_hbm.at[pl.ds(base, TB)], tokbuf.at[0], tsem).wait()

        for s in range(DEPTH):
            rr = r + s
            nxt = rr + DEPTH - 1
            nslot = (s + DEPTH - 1) % DEPTH

            wait_gathers(s, gsems[s])

            if s == 0:
                issue_gathers(nxt, (nxt // TB) & 1, nslot, gsems[nslot])
            else:
                @pl.when(g < NG - 1)
                def _():
                    issue_gathers(nxt, (nxt // TB) & 1, nslot, gsems[nslot])

            compute_row(rr, tslot, s)
        return ()

    lax.fori_loop(0, NG, group, ())
    pltpu.sync_copy(outbuf, out_hbm.at[pl.ds(base, RPW)])


_sc_kernel = functools.partial(
    pl.kernel,
    out_type=jax.ShapeDtypeStruct((BATCH, D), jnp.float32),
    mesh=plsc.VectorSubcoreMesh(
        core_axis_name="c", subcore_axis_name="s",
        num_cores=NC, num_subcores=NS),
    scratch_types=[
        pltpu.VMEM((2, TB, HIST), jnp.int32),
        pltpu.VMEM((DEPTH, HIST, D), jnp.float32),
        pltpu.VMEM((RPW, D), jnp.float32),
        pltpu.SemaphoreType.DMA,
        pltpu.SemaphoreType.DMA,
        pltpu.SemaphoreType.DMA,
        pltpu.SemaphoreType.DMA,
        pltpu.SemaphoreType.DMA,
    ],
    compiler_params=pltpu.CompilerParams(
        needs_layout_passes=False, use_tc_tiling_on_sc=False),
)(_sc_body)


def kernel(token_ids, table):
    return _sc_kernel(token_ids, table)

# --- scband reference (transcript-rebuilt; emitter-appended) ---
"""Pipeline reference for scband-expr-encoder-86208583565947 (READ-ONLY COPY).

The authoritative reference and input builder live on the scoring server;
editing this copy changes nothing except your own understanding.
"""

import jax, jax.numpy as jnp
import numpy as np

VOCAB = 1000000
EMBED_DIM = 64
BATCH = 16384
HIST = 200

def setup_inputs(seed: int = 0) -> dict:
    key = jax.random.key(seed)
    k1, k2 = jax.random.split(key)
    token_ids = jax.random.randint(k1, (BATCH, HIST), 0, VOCAB, dtype=jnp.int32)
    table = jax.random.normal(k2, (VOCAB, EMBED_DIM), dtype=jnp.float32) * 0.02
    # padding_idx=0 -> embedding row 0 is zeros
    table = table.at[0].set(0.0)
    return {"token_ids": token_ids, "table": table}

def reference(token_ids, table):
    embedded = jnp.take(table, token_ids, axis=0)  # [B, L, D]
    mask = (token_ids != 0).astype(jnp.float32)[..., None]  # [B, L, 1]
    sum_embed = (embedded * mask).sum(axis=1)  # [B, D]
    count = jnp.clip(mask.sum(axis=1), 1.0, None)  # [B, 1]
    z_e = sum_embed / count
    return z_e

if __name__ == "__main__":
    import jax
    _d = setup_inputs()
    print(jax.jit(kernel)(*tuple(_d.values())))

</pallas_src>

<mosaic_0001>
#map = affine_map<(d0, d1) -> (0, 0)>
module attributes {stable_mosaic.version = 14 : i64} {
  func.func @_sc_body(%arg0: i32, %arg1: i32, %arg2: memref<16384x200xi32, #tpu.memory_space<hbm>>, %arg3: memref<1000000x64xf32, #tpu.memory_space<hbm>>, %arg4: memref<16384x64xf32, #tpu.memory_space<hbm>>, %arg5: memref<2x16x200xi32, #tpu.memory_space<vmem>>, %arg6: memref<4x200x64xf32, #tpu.memory_space<vmem>>, %arg7: memref<512x64xf32, #tpu.memory_space<vmem>>, %arg8: memref<!tpu.dma_semaphore, #tpu.memory_space<semaphore_mem>>, %arg9: memref<!tpu.dma_semaphore, #tpu.memory_space<semaphore_mem>>, %arg10: memref<!tpu.dma_semaphore, #tpu.memory_space<semaphore_mem>>, %arg11: memref<!tpu.dma_semaphore, #tpu.memory_space<semaphore_mem>>, %arg12: memref<!tpu.dma_semaphore, #tpu.memory_space<semaphore_mem>>) attributes {dimension_semantics = [#tpu.dimension_semantics<core_parallel>, #tpu.dimension_semantics<subcore_parallel>], iteration_bounds = array<i64: 2, 16>, scalar_prefetch = 0 : i64, scratch_operands = 8 : i64, tpu.core_type = #tpu.core_type<sc_vector_subcore>, window_params = [{transform_indices = #map}, {transform_indices = #map}, {transform_indices = #map}]} {
    %mul3A = arith.constant 2 : i32
    %mul3A_0 = arith.muli %arg1, %mul3A : i32
    %add3A = arith.addi %mul3A_0, %arg0 : i32
    %mul3A_1 = arith.constant 512 : i32
    %mul3A_2 = arith.muli %add3A, %mul3A_1 : i32
    %run_scoped3A = arith.constant 0 : i32
    "tpu.region"() ({
      %run_scoped3A_84 = tpu.sem_alloc : memref<!tpu.dma_semaphore, #tpu.memory_space<semaphore_mem>>
      %dma_start3A_85 = arith.constant 0 : i32
      %dma_start3A_86 = arith.constant 0 : i32
      %dma_start3A_87 = tpu.memref_slice %arg5[%run_scoped3A, %dma_start3A_85, %dma_start3A_86] : memref<2x16x200xi32, #tpu.memory_space<vmem>> -> memref<1x16x200xi32, #tpu.memory_space<vmem>>
      %dma_start3A_88 = tpu.memref_squeeze %dma_start3A_87 : memref<1x16x200xi32, #tpu.memory_space<vmem>> -> memref<16x200xi32, #tpu.memory_space<vmem>>
      %dma_start3A_89 = arith.constant 0 : i32
      %dma_start3A_90 = tpu.memref_slice %arg2[%mul3A_2, %dma_start3A_89] : memref<16384x200xi32, #tpu.memory_space<hbm>> -> memref<16x200xi32, #tpu.memory_space<hbm>>
      %dma_start3A_91 = arith.constant 0 : i32
      %dma_start3A_92 = arith.constant 0 : i32
      %dma_start3A_93 = tpu.memref_slice %arg5[%run_scoped3A, %dma_start3A_91, %dma_start3A_92] : memref<2x16x200xi32, #tpu.memory_space<vmem>> -> memref<1x16x200xi32, #tpu.memory_space<vmem>>
      %dma_start3A_94 = tpu.memref_squeeze %dma_start3A_93 : memref<1x16x200xi32, #tpu.memory_space<vmem>> -> memref<16x200xi32, #tpu.memory_space<vmem>>
      %dma_start3A_95 = arith.constant 0 : i32
      %dma_start3A_96 = tpu.memref_slice %arg2[%mul3A_2, %dma_start3A_95] : memref<16384x200xi32, #tpu.memory_space<hbm>> -> memref<16x200xi32, #tpu.memory_space<hbm>>
      tpu.enqueue_dma source(%dma_start3A_96 : memref<16x200xi32, #tpu.memory_space<hbm>>) target(%dma_start3A_94 : memref<16x200xi32, #tpu.memory_space<vmem>>) target_semaphore(%run_scoped3A_84 : memref<!tpu.dma_semaphore, #tpu.memory_space<semaphore_mem>>)
      %dma_wait3A = arith.constant 0 : i32
      %dma_wait3A_97 = arith.constant 0 : i32
      %dma_wait3A_98 = tpu.memref_slice %arg5[%run_scoped3A, %dma_wait3A, %dma_wait3A_97] : memref<2x16x200xi32, #tpu.memory_space<vmem>> -> memref<1x16x200xi32, #tpu.memory_space<vmem>>
      %dma_wait3A_99 = tpu.memref_squeeze %dma_wait3A_98 : memref<1x16x200xi32, #tpu.memory_space<vmem>> -> memref<16x200xi32, #tpu.memory_space<vmem>>
      %dma_wait3A_100 = arith.constant 0 : i32
      %dma_wait3A_101 = tpu.memref_slice %arg2[%mul3A_2, %dma_wait3A_100] : memref<16384x200xi32, #tpu.memory_space<hbm>> -> memref<16x200xi32, #tpu.memory_space<hbm>>
      %dma_wait3A_102 = arith.constant 0 : i32
      %dma_wait3A_103 = arith.constant 0 : i32
      %dma_wait3A_104 = tpu.memref_slice %arg5[%run_scoped3A, %dma_wait3A_102, %dma_wait3A_103] : memref<2x16x200xi32, #tpu.memory_space<vmem>> -> memref<1x16x200xi32, #tpu.memory_space<vmem>>
      %dma_wait3A_105 = tpu.memref_squeeze %dma_wait3A_104 : memref<1x16x200xi32, #tpu.memory_space<vmem>> -> memref<16x200xi32, #tpu.memory_space<vmem>>
      %dma_wait3A_106 = arith.constant 0 : i32
      %dma_wait3A_107 = tpu.memref_slice %arg2[%mul3A_2, %dma_wait3A_106] : memref<16384x200xi32, #tpu.memory_space<hbm>> -> memref<16x200xi32, #tpu.memory_space<hbm>>
      tpu.wait_dma2 semaphore(%run_scoped3A_84 : memref<!tpu.dma_semaphore, #tpu.memory_space<semaphore_mem>>) src(%dma_wait3A_107 : memref<16x200xi32, #tpu.memory_space<hbm>>) dst(%dma_wait3A_105 : memref<16x200xi32, #tpu.memory_space<vmem>>)
      tpu.yield
    }) : () -> ()
    %dma_start3A = arith.constant 0 : i32
    %dma_start3A_3 = arith.constant 0 : i32
    %dma_start3A_4 = arith.constant 0 : i32
    %dma_start3A_5 = arith.constant 0 : i32
    %dma_start3A_6 = arith.constant 0 : i32
    %dma_start3A_7 = tpu.memref_slice %arg6[%dma_start3A_4, %dma_start3A_5, %dma_start3A_6] : memref<4x200x64xf32, #tpu.memory_space<vmem>> -> memref<1x128x64xf32, #tpu.memory_space<vmem>>
    %dma_start3A_8 = tpu.memref_squeeze %dma_start3A_7 : memref<1x128x64xf32, #tpu.memory_space<vmem>> -> memref<128x64xf32, #tpu.memory_space<vmem>>
    %dma_start3A_9 = arith.constant 0 : i32
    %dma_start3A_10 = tpu.memref_slice %arg5[%dma_start3A, %dma_start3A_3, %dma_start3A_9] : memref<2x16x200xi32, #tpu.memory_space<vmem>> -> memref<1x1x128xi32, #tpu.memory_space<vmem>>
    %dma_start3A_11 = tpu.memref_squeeze %dma_start3A_10 : memref<1x1x128xi32, #tpu.memory_space<vmem>> -> memref<128xi32, #tpu.memory_space<vmem>>
    %dma_start3A_12 = arith.constant 0 : i32
    %dma_start3A_13 = arith.constant 0 : i32
    %dma_start3A_14 = tpu.memref_slice %arg3[%dma_start3A_12, %dma_start3A_13] : memref<1000000x64xf32, #tpu.memory_space<hbm>> -> memref<1000000x64xf32, #tpu.memory_space<hbm>>
    tpu.enqueue_indirect_dma source(%dma_start3A_14 : memref<1000000x64xf32, #tpu.memory_space<hbm>>) target(%dma_start3A_8 : memref<128x64xf32, #tpu.memory_space<vmem>>) offsets(%dma_start3A_11 : memref<128xi32, #tpu.memory_space<vmem>>) semaphore(%arg9 : memref<!tpu.dma_semaphore, #tpu.memory_space<semaphore_mem>>)
    %dma_start3A_15 = arith.constant 0 : i32
    %dma_start3A_16 = arith.constant 0 : i32
    %dma_start3A_17 = arith.constant 0 : i32
    %dma_start3A_18 = arith.constant 128 : i32
    %dma_start3A_19 = arith.constant 0 : i32
    %dma_start3A_20 = tpu.memref_slice %arg6[%dma_start3A_17, %dma_start3A_18, %dma_start3A_19] : memref<4x200x64xf32, #tpu.memory_space<vmem>> -> memref<1x72x64xf32, #tpu.memory_space<vmem>>
    %dma_start3A_21 = tpu.memref_squeeze %dma_start3A_20 : memref<1x72x64xf32, #tpu.memory_space<vmem>> -> memref<72x64xf32, #tpu.memory_space<vmem>>
    %dma_start3A_22 = arith.constant 128 : i32
    %dma_start3A_23 = tpu.memref_slice %arg5[%dma_start3A_15, %dma_start3A_16, %dma_start3A_22] : memref<2x16x200xi32, #tpu.memory_space<vmem>> -> memref<1x1x72xi32, #tpu.memory_space<vmem>>
    %dma_start3A_24 = tpu.memref_squeeze %dma_start3A_23 : memref<1x1x72xi32, #tpu.memory_space<vmem>> -> memref<72xi32, #tpu.memory_space<vmem>>
    %dma_start3A_25 = arith.constant 0 : i32
    %dma_start3A_26 = arith.constant 0 : i32
    %dma_start3A_27 = tpu.memref_slice %arg3[%dma_start3A_25, %dma_start3A_26] : memref<1000000x64xf32, #tpu.memory_space<hbm>> -> memref<1000000x64xf32, #tpu.memory_space<hbm>>
    tpu.enqueue_indirect_dma source(%dma_start3A_27 : memref<1000000x64xf32, #tpu.memory_space<hbm>>) target(%dma_start3A_21 : memref<72x64xf32, #tpu.memory_space<vmem>>) offsets(%dma_start3A_24 : memref<72xi32, #tpu.memory_space<vmem>>) semaphore(%arg9 : memref<!tpu.dma_semaphore, #tpu.memory_space<semaphore_mem>>)
    %dma_start3A_28 = arith.constant 0 : i32
    %dma_start3A_29 = arith.constant 1 : i32
    %dma_start3A_30 = arith.constant 1 : i32
    %dma_start3A_31 = arith.constant 0 : i32
    %dma_start3A_32 = arith.constant 0 : i32
    %dma_start3A_33 = tpu.memref_slice %arg6[%dma_start3A_30, %dma_start3A_31, %dma_start3A_32] : memref<4x200x64xf32, #tpu.memory_space<vmem>> -> memref<1x128x64xf32, #tpu.memory_space<vmem>>
    %dma_start3A_34 = tpu.memref_squeeze %dma_start3A_33 : memref<1x128x64xf32, #tpu.memory_space<vmem>> -> memref<128x64xf32, #tpu.memory_space<vmem>>
    %dma_start3A_35 = arith.constant 0 : i32
    %dma_start3A_36 = tpu.memref_slice %arg5[%dma_start3A_28, %dma_start3A_29, %dma_start3A_35] : memref<2x16x200xi32, #tpu.memory_space<vmem>> -> memref<1x1x128xi32, #tpu.memory_space<vmem>>
    %dma_start3A_37 = tpu.memref_squeeze %dma_start3A_36 : memref<1x1x128xi32, #tpu.memory_space<vmem>> -> memref<128xi32, #tpu.memory_space<vmem>>
    %dma_start3A_38 = arith.constant 0 : i32
    %dma_start3A_39 = arith.constant 0 : i32
    %dma_start3A_40 = tpu.memref_slice %arg3[%dma_start3A_38, %dma_start3A_39] : memref<1000000x64xf32, #tpu.memory_space<hbm>> -> memref<1000000x64xf32, #tpu.memory_space<hbm>>
    tpu.enqueue_indirect_dma source(%dma_start3A_40 : memref<1000000x64xf32, #tpu.memory_space<hbm>>) target(%dma_start3A_34 : memref<128x64xf32, #tpu.memory_space<vmem>>) offsets(%dma_start3A_37 : memref<128xi32, #tpu.memory_space<vmem>>) semaphore(%arg10 : memref<!tpu.dma_semaphore, #tpu.memory_space<semaphore_mem>>)
    %dma_start3A_41 = arith.constant 0 : i32
    %dma_start3A_42 = arith.constant 1 : i32
    %dma_start3A_43 = arith.constant 1 : i32
    %dma_start3A_44 = arith.constant 128 : i32
    %dma_start3A_45 = arith.constant 0 : i32
    %dma_start3A_46 = tpu.memref_slice %arg6[%dma_start3A_43, %dma_start3A_44, %dma_start3A_45] : memref<4x200x64xf32, #tpu.memory_space<vmem>> -> memref<1x72x64xf32, #tpu.memory_space<vmem>>
    %dma_start3A_47 = tpu.memref_squeeze %dma_start3A_46 : memref<1x72x64xf32, #tpu.memory_space<vmem>> -> memref<72x64xf32, #tpu.memory_space<vmem>>
    %dma_start3A_48 = arith.constant 128 : i32
    %dma_start3A_49 = tpu.memref_slice %arg5[%dma_start3A_41, %dma_start3A_42, %dma_start3A_48] : memref<2x16x200xi32, #tpu.memory_space<vmem>> -> memref<1x1x72xi32, #tpu.memory_space<vmem>>
    %dma_start3A_50 = tpu.memref_squeeze %dma_start3A_49 : memref<1x1x72xi32, #tpu.memory_space<vmem>> -> memref<72xi32, #tpu.memory_space<vmem>>
    %dma_start3A_51 = arith.constant 0 : i32
    %dma_start3A_52 = arith.constant 0 : i32
    %dma_start3A_53 = tpu.memref_slice %arg3[%dma_start3A_51, %dma_start3A_52] : memref<1000000x64xf32, #tpu.memory_space<hbm>> -> memref<1000000x64xf32, #tpu.memory_space<hbm>>
    tpu.enqueue_indirect_dma source(%dma_start3A_53 : memref<1000000x64xf32, #tpu.memory_space<hbm>>) target(%dma_start3A_47 : memref<72x64xf32, #tpu.memory_space<vmem>>) offsets(%dma_start3A_50 : memref<72xi32, #tpu.memory_space<vmem>>) semaphore(%arg10 : memref<!tpu.dma_semaphore, #tpu.memory_space<semaphore_mem>>)
    %dma_start3A_54 = arith.constant 0 : i32
    %dma_start3A_55 = arith.constant 2 : i32
    %dma_start3A_56 = arith.constant 2 : i32
    %dma_start3A_57 = arith.constant 0 : i32
    %dma_start3A_58 = arith.constant 0 : i32
    %dma_start3A_59 = tpu.memref_slice %arg6[%dma_start3A_56, %dma_start3A_57, %dma_start3A_58] : memref<4x200x64xf32, #tpu.memory_space<vmem>> -> memref<1x128x64xf32, #tpu.memory_space<vmem>>
    %dma_start3A_60 = tpu.memref_squeeze %dma_start3A_59 : memref<1x128x64xf32, #tpu.memory_space<vmem>> -> memref<128x64xf32, #tpu.memory_space<vmem>>
    %dma_start3A_61 = arith.constant 0 : i32
    %dma_start3A_62 = tpu.memref_slice %arg5[%dma_start3A_54, %dma_start3A_55, %dma_start3A_61] : memref<2x16x200xi32, #tpu.memory_space<vmem>> -> memref<1x1x128xi32, #tpu.memory_space<vmem>>
    %dma_start3A_63 = tpu.memref_squeeze %dma_start3A_62 : memref<1x1x128xi32, #tpu.memory_space<vmem>> -> memref<128xi32, #tpu.memory_space<vmem>>
    %dma_start3A_64 = arith.constant 0 : i32
    %dma_start3A_65 = arith.constant 0 : i32
    %dma_start3A_66 = tpu.memref_slice %arg3[%dma_start3A_64, %dma_start3A_65] : memref<1000000x64xf32, #tpu.memory_space<hbm>> -> memref<1000000x64xf32, #tpu.memory_space<hbm>>
    tpu.enqueue_indirect_dma source(%dma_start3A_66 : memref<1000000x64xf32, #tpu.memory_space<hbm>>) target(%dma_start3A_60 : memref<128x64xf32, #tpu.memory_space<vmem>>) offsets(%dma_start3A_63 : memref<128xi32, #tpu.memory_space<vmem>>) semaphore(%arg11 : memref<!tpu.dma_semaphore, #tpu.memory_space<semaphore_mem>>)
    %dma_start3A_67 = arith.constant 0 : i32
    %dma_start3A_68 = arith.constant 2 : i32
    %dma_start3A_69 = arith.constant 2 : i32
    %dma_start3A_70 = arith.constant 128 : i32
    %dma_start3A_71 = arith.constant 0 : i32
    %dma_start3A_72 = tpu.memref_slice %arg6[%dma_start3A_69, %dma_start3A_70, %dma_start3A_71] : memref<4x200x64xf32, #tpu.memory_space<vmem>> -> memref<1x72x64xf32, #tpu.memory_space<vmem>>
    %dma_start3A_73 = tpu.memref_squeeze %dma_start3A_72 : memref<1x72x64xf32, #tpu.memory_space<vmem>> -> memref<72x64xf32, #tpu.memory_space<vmem>>
    %dma_start3A_74 = arith.constant 128 : i32
    %dma_start3A_75 = tpu.memref_slice %arg5[%dma_start3A_67, %dma_start3A_68, %dma_start3A_74] : memref<2x16x200xi32, #tpu.memory_space<vmem>> -> memref<1x1x72xi32, #tpu.memory_space<vmem>>
    %dma_start3A_76 = tpu.memref_squeeze %dma_start3A_75 : memref<1x1x72xi32, #tpu.memory_space<vmem>> -> memref<72xi32, #tpu.memory_space<vmem>>
    %dma_start3A_77 = arith.constant 0 : i32
    %dma_start3A_78 = arith.constant 0 : i32
    %dma_start3A_79 = tpu.memref_slice %arg3[%dma_start3A_77, %dma_start3A_78] : memref<1000000x64xf32, #tpu.memory_space<hbm>> -> memref<1000000x64xf32, #tpu.memory_space<hbm>>
    tpu.enqueue_indirect_dma source(%dma_start3A_79 : memref<1000000x64xf32, #tpu.memory_space<hbm>>) target(%dma_start3A_73 : memref<72x64xf32, #tpu.memory_space<vmem>>) offsets(%dma_start3A_76 : memref<72xi32, #tpu.memory_space<vmem>>) semaphore(%arg11 : memref<!tpu.dma_semaphore, #tpu.memory_space<semaphore_mem>>)
    %scan3A = arith.constant 0 : i32
    %scan3A_80 = arith.constant 128 : i32
    %scan3A_81 = arith.addi %scan3A, %scan3A_80 : i32
    %scan3A_82 = arith.constant 1 : i32
    scf.for %scan3A_84 = %scan3A to %scan3A_81 step %scan3A_82  : i32 {
      %jit3A = arith.constant 4 : i32
      %div3A = arith.divsi %scan3A_84, %jit3A : i32
      %sign3A = arith.constant 0 : i32
      %sign3A_85 = arith.cmpi sgt, %scan3A_84, %sign3A : i32
      %sign3A_86 = arith.extui %sign3A_85 : i1 to i32
      %sign3A_87 = arith.constant 0 : i32
      %sign3A_88 = arith.cmpi slt, %scan3A_84, %sign3A_87 : i32
      %sign3A_89 = arith.extui %sign3A_88 : i1 to i32
      %sign3A_90 = arith.subi %sign3A_86, %sign3A_89 : i32
      %sign3A_91 = arith.constant 0 : i32
      %sign3A_92 = arith.cmpi sgt, %jit3A, %sign3A_91 : i32
      %sign3A_93 = arith.extui %sign3A_92 : i1 to i32
      %sign3A_94 = arith.constant 0 : i32
      %sign3A_95 = arith.cmpi slt, %jit3A, %sign3A_94 : i32
      %sign3A_96 = arith.extui %sign3A_95 : i1 to i32
      %sign3A_97 = arith.subi %sign3A_93, %sign3A_96 : i32
      %ne3A = arith.cmpi ne, %sign3A_90, %sign3A_97 : i32
      %rem3A = arith.remsi %scan3A_84, %jit3A : i32
      %ne3A_98 = arith.constant 0 : i32
      %ne3A_99 = arith.cmpi ne, %rem3A, %ne3A_98 : i32
      %and3A = arith.andi %ne3A, %ne3A_99 : i1
      %sub3A = arith.constant 1 : i32
      %sub3A_100 = arith.subi %div3A, %sub3A : i32
      %select_n3A = arith.select %and3A, %sub3A_100, %div3A : i32
      %and3A_101 = arith.constant 1 : i32
      %and3A_102 = arith.andi %select_n3A, %and3A_101 : i32
      %mul3A_103 = arith.constant 4 : i32
      %mul3A_104 = arith.muli %mul3A_103, %scan3A_84 : i32
      %and3A_105 = arith.constant 3 : i32
      %and3A_106 = arith.andi %scan3A_84, %and3A_105 : i32
      %eq3A = arith.constant 0 : i32
      %eq3A_107 = arith.cmpi eq, %and3A_106, %eq3A : i32
      %add3A_108 = arith.constant 1 : i32
      %add3A_109 = arith.addi %select_n3A, %add3A_108 : i32
      %lt3A = arith.constant 32 : i32
      %lt3A_110 = arith.cmpi slt, %add3A_109, %lt3A : i32
      %and3A_111 = arith.andi %eq3A_107, %lt3A_110 : i1
      %convert_element_type3A = arith.extui %and3A_111 : i1 to i32
      %cond3A = arith.constant 0 : i32
      %cond3A_112 = arith.cmpi ne, %convert_element_type3A, %cond3A : i32
      scf.if %cond3A_112 {
        %add3A_1402 = arith.constant 1 : i32
        %add3A_1403 = arith.addi %select_n3A, %add3A_1402 : i32
        %mul3A_1404 = arith.constant 16 : i32
        %mul3A_1405 = arith.muli %add3A_1403, %mul3A_1404 : i32
        %add3A_1406 = arith.addi %mul3A_2, %mul3A_1405 : i32
        %add3A_1407 = arith.constant 1 : i32
        %add3A_1408 = arith.addi %select_n3A, %add3A_1407 : i32
        %and3A_1409 = arith.constant 1 : i32
        %and3A_1410 = arith.andi %add3A_1408, %and3A_1409 : i32
        %dma_start3A_1411 = arith.constant 0 : i32
        %dma_start3A_1412 = arith.constant 0 : i32
        %dma_start3A_1413 = tpu.memref_slice %arg5[%and3A_1410, %dma_start3A_1411, %dma_start3A_1412] : memref<2x16x200xi32, #tpu.memory_space<vmem>> -> memref<1x16x200xi32, #tpu.memory_space<vmem>>
        %dma_start3A_1414 = tpu.memref_squeeze %dma_start3A_1413 : memref<1x16x200xi32, #tpu.memory_space<vmem>> -> memref<16x200xi32, #tpu.memory_space<vmem>>
        %dma_start3A_1415 = arith.constant 0 : i32
        %dma_start3A_1416 = tpu.memref_slice %arg2[%add3A_1406, %dma_start3A_1415] : memref<16384x200xi32, #tpu.memory_space<hbm>> -> memref<16x200xi32, #tpu.memory_space<hbm>>
        %dma_start3A_1417 = arith.constant 0 : i32
        %dma_start3A_1418 = arith.constant 0 : i32
        %dma_start3A_1419 = tpu.memref_slice %arg5[%and3A_1410, %dma_start3A_1417, %dma_start3A_1418] : memref<2x16x200xi32, #tpu.memory_space<vmem>> -> memref<1x16x200xi32, #tpu.memory_space<vmem>>
        %dma_start3A_1420 = tpu.memref_squeeze %dma_start3A_1419 : memref<1x16x200xi32, #tpu.memory_space<vmem>> -> memref<16x200xi32, #tpu.memory_space<vmem>>
        %dma_start3A_1421 = arith.constant 0 : i32
        %dma_start3A_1422 = tpu.memref_slice %arg2[%add3A_1406, %dma_start3A_1421] : memref<16384x200xi32, #tpu.memory_space<hbm>> -> memref<16x200xi32, #tpu.memory_space<hbm>>
        tpu.enqueue_dma source(%dma_start3A_1422 : memref<16x200xi32, #tpu.memory_space<hbm>>) target(%dma_start3A_1420 : memref<16x200xi32, #tpu.memory_space<vmem>>) target_semaphore(%arg8 : memref<!tpu.dma_semaphore, #tpu.memory_space<semaphore_mem>>)
      } else {
      }
      %and3A_113 = arith.constant 3 : i32
      %and3A_114 = arith.andi %scan3A_84, %and3A_113 : i32
      %eq3A_115 = arith.constant 3 : i32
      %eq3A_116 = arith.cmpi eq, %and3A_114, %eq3A_115 : i32
      %add3A_117 = arith.constant 1 : i32
      %add3A_118 = arith.addi %select_n3A, %add3A_117 : i32
      %lt3A_119 = arith.constant 32 : i32
      %lt3A_120 = arith.cmpi slt, %add3A_118, %lt3A_119 : i32
      %and3A_121 = arith.andi %eq3A_116, %lt3A_120 : i1
      %convert_element_type3A_122 = arith.extui %and3A_121 : i1 to i32
      %cond3A_123 = arith.constant 0 : i32
      %cond3A_124 = arith.cmpi ne, %convert_element_type3A_122, %cond3A_123 : i32
      scf.if %cond3A_124 {
        %dma_wait3A_1402 = arith.constant 0 : i32
        %dma_wait3A_1403 = arith.constant 0 : i32
        %dma_wait3A_1404 = arith.constant 0 : i32
        %dma_wait3A_1405 = tpu.memref_slice %arg5[%dma_wait3A_1402, %dma_wait3A_1403, %dma_wait3A_1404] : memref<2x16x200xi32, #tpu.memory_space<vmem>> -> memref<1x16x200xi32, #tpu.memory_space<vmem>>
        %dma_wait3A_1406 = tpu.memref_squeeze %dma_wait3A_1405 : memref<1x16x200xi32, #tpu.memory_space<vmem>> -> memref<16x200xi32, #tpu.memory_space<vmem>>
        %dma_wait3A_1407 = arith.constant 0 : i32
        %dma_wait3A_1408 = tpu.memref_slice %arg2[%mul3A_2, %dma_wait3A_1407] : memref<16384x200xi32, #tpu.memory_space<hbm>> -> memref<16x200xi32, #tpu.memory_space<hbm>>
        %dma_wait3A_1409 = arith.constant 0 : i32
        %dma_wait3A_1410 = arith.constant 0 : i32
        %dma_wait3A_1411 = tpu.memref_slice %arg5[%dma_wait3A_1402, %dma_wait3A_1409, %dma_wait3A_1410] : memref<2x16x200xi32, #tpu.memory_space<vmem>> -> memref<1x16x200xi32, #tpu.memory_space<vmem>>
        %dma_wait3A_1412 = tpu.memref_squeeze %dma_wait3A_1411 : memref<1x16x200xi32, #tpu.memory_space<vmem>> -> memref<16x200xi32, #tpu.memory_space<vmem>>
        %dma_wait3A_1413 = arith.constant 0 : i32
        %dma_wait3A_1414 = tpu.memref_slice %arg2[%mul3A_2, %dma_wait3A_1413] : memref<16384x200xi32, #tpu.memory_space<hbm>> -> memref<16x200xi32, #tpu.memory_space<hbm>>
        tpu.wait_dma2 semaphore(%arg8 : memref<!tpu.dma_semaphore, #tpu.memory_space<semaphore_mem>>) src(%dma_wait3A_1414 : memref<16x200xi32, #tpu.memory_space<hbm>>) dst(%dma_wait3A_1412 : memref<16x200xi32, #tpu.memory_space<vmem>>)
      } else {
      }
      %add3A_125 = arith.constant 0 : i32
      %add3A_126 = arith.addi %mul3A_104, %add3A_125 : i32
      %add3A_127 = arith.constant 4 : i32
      %add3A_128 = arith.addi %add3A_126, %add3A_127 : i32
      %sub3A_129 = arith.constant 1 : i32
      %sub3A_130 = arith.subi %add3A_128, %sub3A_129 : i32
      %dma_wait3A = arith.constant 0 : i32
      %dma_wait3A_131 = arith.constant 0 : i32
      %dma_wait3A_132 = arith.constant 0 : i32
      %dma_wait3A_133 = arith.constant 0 : i32
      %dma_wait3A_134 = arith.constant 0 : i32
      %dma_wait3A_135 = tpu.memref_slice %arg6[%dma_wait3A_132, %dma_wait3A_133, %dma_wait3A_134] : memref<4x200x64xf32, #tpu.memory_space<vmem>> -> memref<1x128x64xf32, #tpu.memory_space<vmem>>
      %dma_wait3A_136 = tpu.memref_squeeze %dma_wait3A_135 : memref<1x128x64xf32, #tpu.memory_space<vmem>> -> memref<128x64xf32, #tpu.memory_space<vmem>>
      %dma_wait3A_137 = arith.constant 0 : i32
      %dma_wait3A_138 = tpu.memref_slice %arg5[%dma_wait3A, %dma_wait3A_131, %dma_wait3A_137] : memref<2x16x200xi32, #tpu.memory_space<vmem>> -> memref<1x1x128xi32, #tpu.memory_space<vmem>>
      %dma_wait3A_139 = tpu.memref_squeeze %dma_wait3A_138 : memref<1x1x128xi32, #tpu.memory_space<vmem>> -> memref<128xi32, #tpu.memory_space<vmem>>
      %dma_wait3A_140 = arith.constant 0 : i32
      %dma_wait3A_141 = arith.constant 0 : i32
      %dma_wait3A_142 = tpu.memref_slice %arg3[%dma_wait3A_140, %dma_wait3A_141] : memref<1000000x64xf32, #tpu.memory_space<hbm>> -> memref<1000000x64xf32, #tpu.memory_space<hbm>>
      tpu.wait_indirect_dma semaphore(%arg9 : memref<!tpu.dma_semaphore, #tpu.memory_space<semaphore_mem>>) src(%dma_wait3A_142 : memref<1000000x64xf32, #tpu.memory_space<hbm>>) dst(%dma_wait3A_136 : memref<128x64xf32, #tpu.memory_space<vmem>>)
      %dma_wait3A_143 = arith.constant 0 : i32
      %dma_wait3A_144 = arith.constant 0 : i32
      %dma_wait3A_145 = arith.constant 0 : i32
      %dma_wait3A_146 = arith.constant 128 : i32
      %dma_wait3A_147 = arith.constant 0 : i32
      %dma_wait3A_148 = tpu.memref_slice %arg6[%dma_wait3A_145, %dma_wait3A_146, %dma_wait3A_147] : memref<4x200x64xf32, #tpu.memory_space<vmem>> -> memref<1x72x64xf32, #tpu.memory_space<vmem>>
      %dma_wait3A_149 = tpu.memref_squeeze %dma_wait3A_148 : memref<1x72x64xf32, #tpu.memory_space<vmem>> -> memref<72x64xf32, #tpu.memory_space<vmem>>
      %dma_wait3A_150 = arith.constant 128 : i32
      %dma_wait3A_151 = tpu.memref_slice %arg5[%dma_wait3A_143, %dma_wait3A_144, %dma_wait3A_150] : memref<2x16x200xi32, #tpu.memory_space<vmem>> -> memref<1x1x72xi32, #tpu.memory_space<vmem>>
      %dma_wait3A_152 = tpu.memref_squeeze %dma_wait3A_151 : memref<1x1x72xi32, #tpu.memory_space<vmem>> -> memref<72xi32, #tpu.memory_space<vmem>>
      %dma_wait3A_153 = arith.constant 0 : i32
      %dma_wait3A_154 = arith.constant 0 : i32
      %dma_wait3A_155 = tpu.memref_slice %arg3[%dma_wait3A_153, %dma_wait3A_154] : memref<1000000x64xf32, #tpu.memory_space<hbm>> -> memref<1000000x64xf32, #tpu.memory_space<hbm>>
      tpu.wait_indirect_dma semaphore(%arg9 : memref<!tpu.dma_semaphore, #tpu.memory_space<semaphore_mem>>) src(%dma_wait3A_155 : memref<1000000x64xf32, #tpu.memory_space<hbm>>) dst(%dma_wait3A_149 : memref<72x64xf32, #tpu.memory_space<vmem>>)
      %jit3A_156 = arith.constant 16 : i32
      %div3A_157 = arith.divsi %sub3A_130, %jit3A_156 : i32
      %sign3A_158 = arith.constant 0 : i32
      %sign3A_159 = arith.cmpi sgt, %sub3A_130, %sign3A_158 : i32
      %sign3A_160 = arith.extui %sign3A_159 : i1 to i32
      %sign3A_161 = arith.constant 0 : i32
      %sign3A_162 = arith.cmpi slt, %sub3A_130, %sign3A_161 : i32
      %sign3A_163 = arith.extui %sign3A_162 : i1 to i32
      %sign3A_164 = arith.subi %sign3A_160, %sign3A_163 : i32
      %sign3A_165 = arith.constant 0 : i32
      %sign3A_166 = arith.cmpi sgt, %jit3A_156, %sign3A_165 : i32
      %sign3A_167 = arith.extui %sign3A_166 : i1 to i32
      %sign3A_168 = arith.constant 0 : i32
      %sign3A_169 = arith.cmpi slt, %jit3A_156, %sign3A_168 : i32
      %sign3A_170 = arith.extui %sign3A_169 : i1 to i32
      %sign3A_171 = arith.subi %sign3A_167, %sign3A_170 : i32
      %ne3A_172 = arith.cmpi ne, %sign3A_164, %sign3A_171 : i32
      %rem3A_173 = arith.remsi %sub3A_130, %jit3A_156 : i32
      %ne3A_174 = arith.constant 0 : i32
      %ne3A_175 = arith.cmpi ne, %rem3A_173, %ne3A_174 : i32
      %and3A_176 = arith.andi %ne3A_172, %ne3A_175 : i1
      %sub3A_177 = arith.constant 1 : i32
      %sub3A_178 = arith.subi %div3A_157, %sub3A_177 : i32
      %select_n3A_179 = arith.select %and3A_176, %sub3A_178, %div3A_157 : i32
      %and3A_180 = arith.constant 1 : i32
      %and3A_181 = arith.andi %select_n3A_179, %and3A_180 : i32
      %and3A_182 = arith.constant 15 : i32
      %and3A_183 = arith.andi %sub3A_130, %and3A_182 : i32
      %dma_start3A_184 = arith.constant 3 : i32
      %dma_start3A_185 = arith.constant 0 : i32
      %dma_start3A_186 = arith.constant 0 : i32
      %dma_start3A_187 = tpu.memref_slice %arg6[%dma_start3A_184, %dma_start3A_185, %dma_start3A_186] : memref<4x200x64xf32, #tpu.memory_space<vmem>> -> memref<1x128x64xf32, #tpu.memory_space<vmem>>
      %dma_start3A_188 = tpu.memref_squeeze %dma_start3A_187 : memref<1x128x64xf32, #tpu.memory_space<vmem>> -> memref<128x64xf32, #tpu.memory_space<vmem>>
      %dma_start3A_189 = arith.constant 0 : i32
      %dma_start3A_190 = tpu.memref_slice %arg5[%and3A_181, %and3A_183, %dma_start3A_189] : memref<2x16x200xi32, #tpu.memory_space<vmem>> -> memref<1x1x128xi32, #tpu.memory_space<vmem>>
      %dma_start3A_191 = tpu.memref_squeeze %dma_start3A_190 : memref<1x1x128xi32, #tpu.memory_space<vmem>> -> memref<128xi32, #tpu.memory_space<vmem>>
      %dma_start3A_192 = arith.constant 0 : i32
      %dma_start3A_193 = arith.constant 0 : i32
      %dma_start3A_194 = tpu.memref_slice %arg3[%dma_start3A_192, %dma_start3A_193] : memref<1000000x64xf32, #tpu.memory_space<hbm>> -> memref<1000000x64xf32, #tpu.memory_space<hbm>>
      tpu.enqueue_indirect_dma source(%dma_start3A_194 : memref<1000000x64xf32, #tpu.memory_space<hbm>>) target(%dma_start3A_188 : memref<128x64xf32, #tpu.memory_space<vmem>>) offsets(%dma_start3A_191 : memref<128xi32, #tpu.memory_space<vmem>>) semaphore(%arg12 : memref<!tpu.dma_semaphore, #tpu.memory_space<semaphore_mem>>)
      %dma_start3A_195 = arith.constant 3 : i32
      %dma_start3A_196 = arith.constant 128 : i32
      %dma_start3A_197 = arith.constant 0 : i32
      %dma_start3A_198 = tpu.memref_slice %arg6[%dma_start3A_195, %dma_start3A_196, %dma_start3A_197] : memref<4x200x64xf32, #tpu.memory_space<vmem>> -> memref<1x72x64xf32, #tpu.memory_space<vmem>>
      %dma_start3A_199 = tpu.memref_squeeze %dma_start3A_198 : memref<1x72x64xf32, #tpu.memory_space<vmem>> -> memref<72x64xf32, #tpu.memory_space<vmem>>
      %dma_start3A_200 = arith.constant 128 : i32
      %dma_start3A_201 = tpu.memref_slice %arg5[%and3A_181, %and3A_183, %dma_start3A_200] : memref<2x16x200xi32, #tpu.memory_space<vmem>> -> memref<1x1x72xi32, #tpu.memory_space<vmem>>
      %dma_start3A_202 = tpu.memref_squeeze %dma_start3A_201 : memref<1x1x72xi32, #tpu.memory_space<vmem>> -> memref<72xi32, #tpu.memory_space<vmem>>
      %dma_start3A_203 = arith.constant 0 : i32
      %dma_start3A_204 = arith.constant 0 : i32
      %dma_start3A_205 = tpu.memref_slice %arg3[%dma_start3A_203, %dma_start3A_204] : memref<1000000x64xf32, #tpu.memory_space<hbm>> -> memref<1000000x64xf32, #tpu.memory_space<hbm>>
      tpu.enqueue_indirect_dma source(%dma_start3A_205 : memref<1000000x64xf32, #tpu.memory_space<hbm>>) target(%dma_start3A_199 : memref<72x64xf32, #tpu.memory_space<vmem>>) offsets(%dma_start3A_202 : memref<72xi32, #tpu.memory_space<vmem>>) semaphore(%arg12 : memref<!tpu.dma_semaphore, #tpu.memory_space<semaphore_mem>>)
      %and3A_206 = arith.constant 15 : i32
      %and3A_207 = arith.andi %add3A_126, %and3A_206 : i32
      %broadcast_in_dim3A = arith.constant 0.000000e+00 : f32
      %broadcast_in_dim3A_208 = vector.broadcast %broadcast_in_dim3A : f32 to vector<16xf32>
      %broadcast_in_dim3A_209 = arith.constant 0 : i32
      %broadcast_in_dim3A_210 = vector.broadcast %broadcast_in_dim3A_209 : i32 to vector<16xi32>
      %scan3A_211 = arith.constant 0 : i32
      %scan3A_212 = arith.constant 12 : i32
      %scan3A_213 = arith.addi %scan3A_211, %scan3A_212 : i32
      %scan3A_214 = arith.constant 1 : i32
      %scan3A_215:5 = scf.for %scan3A_1402 = %scan3A_211 to %scan3A_213 step %scan3A_214 iter_args(%scan3A_1403 = %broadcast_in_dim3A_208, %scan3A_1404 = %broadcast_in_dim3A_208, %scan3A_1405 = %broadcast_in_dim3A_208, %scan3A_1406 = %broadcast_in_dim3A_208, %scan3A_1407 = %broadcast_in_dim3A_210) -> (vector<16xf32>, vector<16xf32>, vector<16xf32>, vector<16xf32>, vector<16xi32>)  : i32 {
        %mul3A_1408 = arith.constant 16 : i32
        %mul3A_1409 = arith.muli %scan3A_1402, %mul3A_1408 : i32
        %get3A_1410 = arith.index_cast %and3A_102 : i32 to index
        %get3A_1411 = arith.index_cast %and3A_207 : i32 to index
        %get3A_1412 = arith.index_cast %mul3A_1409 : i32 to index
        %get3A_1413 = tpu.vector_load %arg5[%get3A_1410, %get3A_1411, %get3A_1412] {strides = array<i32>} : memref<2x16x200xi32, #tpu.memory_space<vmem>>, vector<16xi32>,
        %ne3A_1414 = arith.constant 0 : i32
        %ne3A_1415 = vector.broadcast %ne3A_1414 : i32 to vector<16xi32>
        %ne3A_1416 = arith.cmpi ne, %get3A_1413, %ne3A_1415 : vector<16xi32>
        %all_reduce_population_count3A_1417 = tpu.all_reduce %ne3A_1416 {dim = 0 : i64, kind = #tpu.reduction_kind<sum>} : vector<16xi1> -> vector<16xi32>
        %add3A_1418 = arith.addi %scan3A_1407, %all_reduce_population_count3A_1417 : vector<16xi32>
        %mul3A_1419 = arith.constant 16 : i32
        %mul3A_1420 = arith.muli %scan3A_1402, %mul3A_1419 : i32
        %add3A_1421 = arith.constant 0 : i32
        %add3A_1422 = arith.addi %mul3A_1420, %add3A_1421 : i32
        %get3A_1423 = arith.constant 0 : i32
        %get3A_1424 = arith.index_cast %get3A_1423 : i32 to index
        %get3A_1425 = arith.index_cast %add3A_1422 : i32 to index
        %get3A_1426 = arith.constant 0 : index
        %get3A_1427 = tpu.vector_load %arg6[%get3A_1424, %get3A_1425, %get3A_1426] {strides = array<i32>} : memref<4x200x64xf32, #tpu.memory_space<vmem>>, vector<16xf32>,
        %add3A_1428 = arith.addf %scan3A_1403, %get3A_1427 : vector<16xf32>
        %get3A_1429 = arith.constant 0 : i32
        %get3A_1430 = arith.index_cast %get3A_1429 : i32 to index
        %get3A_1431 = arith.index_cast %add3A_1422 : i32 to index
        %get3A_1432 = arith.constant 16 : index
        %get3A_1433 = tpu.vector_load %arg6[%get3A_1430, %get3A_1431, %get3A_1432] {strides = array<i32>} : memref<4x200x64xf32, #tpu.memory_space<vmem>>, vector<16xf32>,
        %add3A_1434 = arith.addf %scan3A_1404, %get3A_1433 : vector<16xf32>
        %get3A_1435 = arith.constant 0 : i32
        %get3A_1436 = arith.index_cast %get3A_1435 : i32 to index
        %get3A_1437 = arith.index_cast %add3A_1422 : i32 to index
        %get3A_1438 = arith.constant 32 : index
        %get3A_1439 = tpu.vector_load %arg6[%get3A_1436, %get3A_1437, %get3A_1438] {strides = array<i32>} : memref<4x200x64xf32, #tpu.memory_space<vmem>>, vector<16xf32>,
        %add3A_1440 = arith.addf %scan3A_1405, %get3A_1439 : vector<16xf32>
        %get3A_1441 = arith.constant 0 : i32
        %get3A_1442 = arith.index_cast %get3A_1441 : i32 to index
        %get3A_1443 = arith.index_cast %add3A_1422 : i32 to index
        %get3A_1444 = arith.constant 48 : index
        %get3A_1445 = tpu.vector_load %arg6[%get3A_1442, %get3A_1443, %get3A_1444] {strides = array<i32>} : memref<4x200x64xf32, #tpu.memory_space<vmem>>, vector<16xf32>,
        %add3A_1446 = arith.addf %scan3A_1406, %get3A_1445 : vector<16xf32>
        %mul3A_1447 = arith.constant 16 : i32
        %mul3A_1448 = arith.muli %scan3A_1402, %mul3A_1447 : i32
        %add3A_1449 = arith.constant 1 : i32
        %add3A_1450 = arith.addi %mul3A_1448, %add3A_1449 : i32
        %get3A_1451 = arith.constant 0 : i32
        %get3A_1452 = arith.index_cast %get3A_1451 : i32 to index
        %get3A_1453 = arith.index_cast %add3A_1450 : i32 to index
        %get3A_1454 = arith.constant 0 : index
        %get3A_1455 = tpu.vector_load %arg6[%get3A_1452, %get3A_1453, %get3A_1454] {strides = array<i32>} : memref<4x200x64xf32, #tpu.memory_space<vmem>>, vector<16xf32>,
        %add3A_1456 = arith.addf %add3A_1428, %get3A_1455 : vector<16xf32>
        %get3A_1457 = arith.constant 0 : i32
        %get3A_1458 = arith.index_cast %get3A_1457 : i32 to index
        %get3A_1459 = arith.index_cast %add3A_1450 : i32 to index
        %get3A_1460 = arith.constant 16 : index
        %get3A_1461 = tpu.vector_load %arg6[%get3A_1458, %get3A_1459, %get3A_1460] {strides = array<i32>} : memref<4x200x64xf32, #tpu.memory_space<vmem>>, vector<16xf32>,
        %add3A_1462 = arith.addf %add3A_1434, %get3A_1461 : vector<16xf32>
        %get3A_1463 = arith.constant 0 : i32
        %get3A_1464 = arith.index_cast %get3A_1463 : i32 to index
        %get3A_1465 = arith.index_cast %add3A_1450 : i32 to index
        %get3A_1466 = arith.constant 32 : index
        %get3A_1467 = tpu.vector_load %arg6[%get3A_1464, %get3A_1465, %get3A_1466] {strides = array<i32>} : memref<4x200x64xf32, #tpu.memory_space<vmem>>, vector<16xf32>,
        %add3A_1468 = arith.addf %add3A_1440, %get3A_1467 : vector<16xf32>
        %get3A_1469 = arith.constant 0 : i32
        %get3A_1470 = arith.index_cast %get3A_1469 : i32 to index
        %get3A_1471 = arith.index_cast %add3A_1450 : i32 to index
        %get3A_1472 = arith.constant 48 : index
        %get3A_1473 = tpu.vector_load %arg6[%get3A_1470, %get3A_1471, %get3A_1472] {strides = array<i32>} : memref<4x200x64xf32, #tpu.memory_space<vmem>>, vector<16xf32>,
        %add3A_1474 = arith.addf %add3A_1446, %get3A_1473 : vector<16xf32>
        %mul3A_1475 = arith.constant 16 : i32
        %mul3A_1476 = arith.muli %scan3A_1402, %mul3A_1475 : i32
        %add3A_1477 = arith.constant 2 : i32
        %add3A_1478 = arith.addi %mul3A_1476, %add3A_1477 : i32
        %get3A_1479 = arith.constant 0 : i32
        %get3A_1480 = arith.index_cast %get3A_1479 : i32 to index
        %get3A_1481 = arith.index_cast %add3A_1478 : i32 to index
        %get3A_1482 = arith.constant 0 : index
        %get3A_1483 = tpu.vector_load %arg6[%get3A_1480, %get3A_1481, %get3A_1482] {strides = array<i32>} : memref<4x200x64xf32, #tpu.memory_space<vmem>>, vector<16xf32>,
        %add3A_1484 = arith.addf %add3A_1456, %get3A_1483 : vector<16xf32>
        %get3A_1485 = arith.constant 0 : i32
        %get3A_1486 = arith.index_cast %get3A_1485 : i32 to index
        %get3A_1487 = arith.index_cast %add3A_1478 : i32 to index
        %get3A_1488 = arith.constant 16 : index
        %get3A_1489 = tpu.vector_load %arg6[%get3A_1486, %get3A_1487, %get3A_1488] {strides = array<i32>} : memref<4x200x64xf32, #tpu.memory_space<vmem>>, vector<16xf32>,
        %add3A_1490 = arith.addf %add3A_1462, %get3A_1489 : vector<16xf32>
        %get3A_1491 = arith.constant 0 : i32
        %get3A_1492 = arith.index_cast %get3A_1491 : i32 to index
        %get3A_1493 = arith.index_cast %add3A_1478 : i32 to index
        %get3A_1494 = arith.constant 32 : index
        %get3A_1495 = tpu.vector_load %arg6[%get3A_1492, %get3A_1493, %get3A_1494] {strides = array<i32>} : memref<4x200x64xf32, #tpu.memory_space<vmem>>, vector<16xf32>,
        %add3A_1496 = arith.addf %add3A_1468, %get3A_1495 : vector<16xf32>
        %get3A_1497 = arith.constant 0 : i32
        %get3A_1498 = arith.index_cast %get3A_1497 : i32 to index
        %get3A_1499 = arith.index_cast %add3A_1478 : i32 to index
        %get3A_1500 = arith.constant 48 : index
        %get3A_1501 = tpu.vector_load %arg6[%get3A_1498, %get3A_1499, %get3A_1500] {strides = array<i32>} : memref<4x200x64xf32, #tpu.memory_space<vmem>>, vector<16xf32>,
        %add3A_1502 = arith.addf %add3A_1474, %get3A_1501 : vector<16xf32>
        %mul3A_1503 = arith.constant 16 : i32
        %mul3A_1504 = arith.muli %scan3A_1402, %mul3A_1503 : i32
        %add3A_1505 = arith.constant 3 : i32
        %add3A_1506 = arith.addi %mul3A_1504, %add3A_1505 : i32
        %get3A_1507 = arith.constant 0 : i32
        %get3A_1508 = arith.index_cast %get3A_1507 : i32 to index
        %get3A_1509 = arith.index_cast %add3A_1506 : i32 to index
        %get3A_1510 = arith.constant 0 : index
        %get3A_1511 = tpu.vector_load %arg6[%get3A_1508, %get3A_1509, %get3A_1510] {strides = array<i32>} : memref<4x200x64xf32, #tpu.memory_space<vmem>>, vector<16xf32>,
        %add3A_1512 = arith.addf %add3A_1484, %get3A_1511 : vector<16xf32>
        %get3A_1513 = arith.constant 0 : i32
        %get3A_1514 = arith.index_cast %get3A_1513 : i32 to index
        %get3A_1515 = arith.index_cast %add3A_1506 : i32 to index
        %get3A_1516 = arith.constant 16 : index
        %get3A_1517 = tpu.vector_load %arg6[%get3A_1514, %get3A_1515, %get3A_1516] {strides = array<i32>} : memref<4x200x64xf32, #tpu.memory_space<vmem>>, vector<16xf32>,
        %add3A_1518 = arith.addf %add3A_1490, %get3A_1517 : vector<16xf32>
        %get3A_1519 = arith.constant 0 : i32
        %get3A_1520 = arith.index_cast %get3A_1519 : i32 to index
        %get3A_1521 = arith.index_cast %add3A_1506 : i32 to index
        %get3A_1522 = arith.constant 32 : index
        %get3A_1523 = tpu.vector_load %arg6[%get3A_1520, %get3A_1521, %get3A_1522] {strides = array<i32>} : memref<4x200x64xf32, #tpu.memory_space<vmem>>, vector<16xf32>,
        %add3A_1524 = arith.addf %add3A_1496, %get3A_1523 : vector<16xf32>
        %get3A_1525 = arith.constant 0 : i32
        %get3A_1526 = arith.index_cast %get3A_1525 : i32 to index
        %get3A_1527 = arith.index_cast %add3A_1506 : i32 to index
        %get3A_1528 = arith.constant 48 : index
        %get3A_1529 = tpu.vector_load %arg6[%get3A_1526, %get3A_1527, %get3A_1528] {strides = array<i32>} : memref<4x200x64xf32, #tpu.memory_space<vmem>>, vector<16xf32>,
        %add3A_1530 = arith.addf %add3A_1502, %get3A_1529 : vector<16xf32>
        %mul3A_1531 = arith.constant 16 : i32
        %mul3A_1532 = arith.muli %scan3A_1402, %mul3A_1531 : i32
        %add3A_1533 = arith.constant 4 : i32
        %add3A_1534 = arith.addi %mul3A_1532, %add3A_1533 : i32
        %get3A_1535 = arith.constant 0 : i32
        %get3A_1536 = arith.index_cast %get3A_1535 : i32 to index
        %get3A_1537 = arith.index_cast %add3A_1534 : i32 to index
        %get3A_1538 = arith.constant 0 : index
        %get3A_1539 = tpu.vector_load %arg6[%get3A_1536, %get3A_1537, %get3A_1538] {strides = array<i32>} : memref<4x200x64xf32, #tpu.memory_space<vmem>>, vector<16xf32>,
        %add3A_1540 = arith.addf %add3A_1512, %get3A_1539 : vector<16xf32>
        %get3A_1541 = arith.constant 0 : i32
        %get3A_1542 = arith.index_cast %get3A_1541 : i32 to index
        %get3A_1543 = arith.index_cast %add3A_1534 : i32 to index
        %get3A_1544 = arith.constant 16 : index
        %get3A_1545 = tpu.vector_load %arg6[%get3A_1542, %get3A_1543, %get3A_1544] {strides = array<i32>} : memref<4x200x64xf32, #tpu.memory_space<vmem>>, vector<16xf32>,
        %add3A_1546 = arith.addf %add3A_1518, %get3A_1545 : vector<16xf32>
        %get3A_1547 = arith.constant 0 : i32
        %get3A_1548 = arith.index_cast %get3A_1547 : i32 to index
        %get3A_1549 = arith.index_cast %add3A_1534 : i32 to index
        %get3A_1550 = arith.constant 32 : index
        %get3A_1551 = tpu.vector_load %arg6[%get3A_1548, %get3A_1549, %get3A_1550] {strides = array<i32>} : memref<4x200x64xf32, #tpu.memory_space<vmem>>, vector<16xf32>,
        %add3A_1552 = arith.addf %add3A_1524, %get3A_1551 : vector<16xf32>
        %get3A_1553 = arith.constant 0 : i32
        %get3A_1554 = arith.index_cast %get3A_1553 : i32 to index
        %get3A_1555 = arith.index_cast %add3A_1534 : i32 to index
        %get3A_1556 = arith.constant 48 : index
        %get3A_1557 = tpu.vector_load %arg6[%get3A_1554, %get3A_1555, %get3A_1556] {strides = array<i32>} : memref<4x200x64xf32, #tpu.memory_space<vmem>>, vector<16xf32>,
        %add3A_1558 = arith.addf %add3A_1530, %get3A_1557 : vector<16xf32>
        %mul3A_1559 = arith.constant 16 : i32
        %mul3A_1560 = arith.muli %scan3A_1402, %mul3A_1559 : i32
        %add3A_1561 = arith.constant 5 : i32
        %add3A_1562 = arith.addi %mul3A_1560, %add3A_1561 : i32
        %get3A_1563 = arith.constant 0 : i32
        %get3A_1564 = arith.index_cast %get3A_1563 : i32 to index
        %get3A_1565 = arith.index_cast %add3A_1562 : i32 to index
        %get3A_1566 = arith.constant 0 : index
        %get3A_1567 = tpu.vector_load %arg6[%get3A_1564, %get3A_1565, %get3A_1566] {strides = array<i32>} : memref<4x200x64xf32, #tpu.memory_space<vmem>>, vector<16xf32>,
        %add3A_1568 = arith.addf %add3A_1540, %get3A_1567 : vector<16xf32>
        %get3A_1569 = arith.constant 0 : i32
        %get3A_1570 = arith.index_cast %get3A_1569 : i32 to index
        %get3A_1571 = arith.index_cast %add3A_1562 : i32 to index
        %get3A_1572 = arith.constant 16 : index
        %get3A_1573 = tpu.vector_load %arg6[%get3A_1570, %get3A_1571, %get3A_1572] {strides = array<i32>} : memref<4x200x64xf32, #tpu.memory_space<vmem>>, vector<16xf32>,
        %add3A_1574 = arith.addf %add3A_1546, %get3A_1573 : vector<16xf32>
        %get3A_1575 = arith.constant 0 : i32
        %get3A_1576 = arith.index_cast %get3A_1575 : i32 to index
        %get3A_1577 = arith.index_cast %add3A_1562 : i32 to index
        %get3A_1578 = arith.constant 32 : index
        %get3A_1579 = tpu.vector_load %arg6[%get3A_1576, %get3A_1577, %get3A_1578] {strides = array<i32>} : memref<4x200x64xf32, #tpu.memory_space<vmem>>, vector<16xf32>,
        %add3A_1580 = arith.addf %add3A_1552, %get3A_1579 : vector<16xf32>
        %get3A_1581 = arith.constant 0 : i32
        %get3A_1582 = arith.index_cast %get3A_1581 : i32 to index
        %get3A_1583 = arith.index_cast %add3A_1562 : i32 to index
        %get3A_1584 = arith.constant 48 : index
        %get3A_1585 = tpu.vector_load %arg6[%get3A_1582, %get3A_1583, %get3A_1584] {strides = array<i32>} : memref<4x200x64xf32, #tpu.memory_space<vmem>>, vector<16xf32>,
        %add3A_1586 = arith.addf %add3A_1558, %get3A_1585 : vector<16xf32>
        %mul3A_1587 = arith.constant 16 : i32
        %mul3A_1588 = arith.muli %scan3A_1402, %mul3A_1587 : i32
        %add3A_1589 = arith.constant 6 : i32
        %add3A_1590 = arith.addi %mul3A_1588, %add3A_1589 : i32
        %get3A_1591 = arith.constant 0 : i32
        %get3A_1592 = arith.index_cast %get3A_1591 : i32 to index
        %get3A_1593 = arith.index_cast %add3A_1590 : i32 to index
        %get3A_1594 = arith.constant 0 : index
        %get3A_1595 = tpu.vector_load %arg6[%get3A_1592, %get3A_1593, %get3A_1594] {strides = array<i32>} : memref<4x200x64xf32, #tpu.memory_space<vmem>>, vector<16xf32>,
        %add3A_1596 = arith.addf %add3A_1568, %get3A_1595 : vector<16xf32>
        %get3A_1597 = arith.constant 0 : i32
        %get3A_1598 = arith.index_cast %get3A_1597 : i32 to index
        %get3A_1599 = arith.index_cast %add3A_1590 : i32 to index
        %get3A_1600 = arith.constant 16 : index
        %get3A_1601 = tpu.vector_load %arg6[%get3A_1598, %get3A_1599, %get3A_1600] {strides = array<i32>} : memref<4x200x64xf32, #tpu.memory_space<vmem>>, vector<16xf32>,
        %add3A_1602 = arith.addf %add3A_1574, %get3A_1601 : vector<16xf32>
        %get3A_1603 = arith.constant 0 : i32
        %get3A_1604 = arith.index_cast %get3A_1603 : i32 to index
        %get3A_1605 = arith.index_cast %add3A_1590 : i32 to index
        %get3A_1606 = arith.constant 32 : index
        %get3A_1607 = tpu.vector_load %arg6[%get3A_1604, %get3A_1605, %get3A_1606] {strides = array<i32>} : memref<4x200x64xf32, #tpu.memory_space<vmem>>, vector<16xf32>,
        %add3A_1608 = arith.addf %add3A_1580, %get3A_1607 : vector<16xf32>
        %get3A_1609 = arith.constant 0 : i32
        %get3A_1610 = arith.index_cast %get3A_1609 : i32 to index
        %get3A_1611 = arith.index_cast %add3A_1590 : i32 to index
        %get3A_1612 = arith.constant 48 : index
        %get3A_1613 = tpu.vector_load %arg6[%get3A_1610, %get3A_1611, %get3A_1612] {strides = array<i32>} : memref<4x200x64xf32, #tpu.memory_space<vmem>>, vector<16xf32>,
        %add3A_1614 = arith.addf %add3A_1586, %get3A_1613 : vector<16xf32>
        %mul3A_1615 = arith.constant 16 : i32
        %mul3A_1616 = arith.muli %scan3A_1402, %mul3A_1615 : i32
        %add3A_1617 = arith.constant 7 : i32
        %add3A_1618 = arith.addi %mul3A_1616, %add3A_1617 : i32
        %get3A_1619 = arith.constant 0 : i32
        %get3A_1620 = arith.index_cast %get3A_1619 : i32 to index
        %get3A_1621 = arith.index_cast %add3A_1618 : i32 to index
        %get3A_1622 = arith.constant 0 : index
        %get3A_1623 = tpu.vector_load %arg6[%get3A_1620, %get3A_1621, %get3A_1622] {strides = array<i32>} : memref<4x200x64xf32, #tpu.memory_space<vmem>>, vector<16xf32>,
        %add3A_1624 = arith.addf %add3A_1596, %get3A_1623 : vector<16xf32>
        %get3A_1625 = arith.constant 0 : i32
        %get3A_1626 = arith.index_cast %get3A_1625 : i32 to index
        %get3A_1627 = arith.index_cast %add3A_1618 : i32 to index
        %get3A_1628 = arith.constant 16 : index
        %get3A_1629 = tpu.vector_load %arg6[%get3A_1626, %get3A_1627, %get3A_1628] {strides = array<i32>} : memref<4x200x64xf32, #tpu.memory_space<vmem>>, vector<16xf32>,
        %add3A_1630 = arith.addf %add3A_1602, %get3A_1629 : vector<16xf32>
        %get3A_1631 = arith.constant 0 : i32
        %get3A_1632 = arith.index_cast %get3A_1631 : i32 to index
        %get3A_1633 = arith.index_cast %add3A_1618 : i32 to index
        %get3A_1634 = arith.constant 32 : index
        %get3A_1635 = tpu.vector_load %arg6[%get3A_1632, %get3A_1633, %get3A_1634] {strides = array<i32>} : memref<4x200x64xf32, #tpu.memory_space<vmem>>, vector<16xf32>,
        %add3A_1636 = arith.addf %add3A_1608, %get3A_1635 : vector<16xf32>
        %get3A_1637 = arith.constant 0 : i32
        %get3A_1638 = arith.index_cast %get3A_1637 : i32 to index
        %get3A_1639 = arith.index_cast %add3A_1618 : i32 to index
        %get3A_1640 = arith.constant 48 : index
        %get3A_1641 = tpu.vector_load %arg6[%get3A_1638, %get3A_1639, %get3A_1640] {strides = array<i32>} : memref<4x200x64xf32, #tpu.memory_space<vmem>>, vector<16xf32>,
        %add3A_1642 = arith.addf %add3A_1614, %get3A_1641 : vector<16xf32>
        %mul3A_1643 = arith.constant 16 : i32
        %mul3A_1644 = arith.muli %scan3A_1402, %mul3A_1643 : i32
        %add3A_1645 = arith.constant 8 : i32
        %add3A_1646 = arith.addi %mul3A_1644, %add3A_1645 : i32
        %get3A_1647 = arith.constant 0 : i32
        %get3A_1648 = arith.index_cast %get3A_1647 : i32 to index
        %get3A_1649 = arith.index_cast %add3A_1646 : i32 to index
        %get3A_1650 = arith.constant 0 : index
        %get3A_1651 = tpu.vector_load %arg6[%get3A_1648, %get3A_1649, %get3A_1650] {strides = array<i32>} : memref<4x200x64xf32, #tpu.memory_space<vmem>>, vector<16xf32>,
        %add3A_1652 = arith.addf %add3A_1624, %get3A_1651 : vector<16xf32>
        %get3A_1653 = arith.constant 0 : i32
        %get3A_1654 = arith.index_cast %get3A_1653 : i32 to index
        %get3A_1655 = arith.index_cast %add3A_1646 : i32 to index
        %get3A_1656 = arith.constant 16 : index
        %get3A_1657 = tpu.vector_load %arg6[%get3A_1654, %get3A_1655, %get3A_1656] {strides = array<i32>} : memref<4x200x64xf32, #tpu.memory_space<vmem>>, vector<16xf32>,
        %add3A_1658 = arith.addf %add3A_1630, %get3A_1657 : vector<16xf32>
        %get3A_1659 = arith.constant 0 : i32
        %get3A_1660 = arith.index_cast %get3A_1659 : i32 to index
        %get3A_1661 = arith.index_cast %add3A_1646 : i32 to index
        %get3A_1662 = arith.constant 32 : index
        %get3A_1663 = tpu.vector_load %arg6[%get3A_1660, %get3A_1661, %get3A_1662] {strides = array<i32>} : memref<4x200x64xf32, #tpu.memory_space<vmem>>, vector<16xf32>,
        %add3A_1664 = arith.addf %add3A_1636, %get3A_1663 : vector<16xf32>
        %get3A_1665 = arith.constant 0 : i32
        %get3A_1666 = arith.index_cast %get3A_1665 : i32 to index
        %get3A_1667 = arith.index_cast %add3A_1646 : i32 to index
        %get3A_1668 = arith.constant 48 : index
        %get3A_1669 = tpu.vector_load %arg6[%get3A_1666, %get3A_1667, %get3A_1668] {strides = array<i32>} : memref<4x200x64xf32, #tpu.memory_space<vmem>>, vector<16xf32>,
        %add3A_1670 = arith.addf %add3A_1642, %get3A_1669 : vector<16xf32>
        %mul3A_1671 = arith.constant 16 : i32
        %mul3A_1672 = arith.muli %scan3A_1402, %mul3A_1671 : i32
        %add3A_1673 = arith.constant 9 : i32
        %add3A_1674 = arith.addi %mul3A_1672, %add3A_1673 : i32
        %get3A_1675 = arith.constant 0 : i32
        %get3A_1676 = arith.index_cast %get3A_1675 : i32 to index
        %get3A_1677 = arith.index_cast %add3A_1674 : i32 to index
        %get3A_1678 = arith.constant 0 : index
        %get3A_1679 = tpu.vector_load %arg6[%get3A_1676, %get3A_1677, %get3A_1678] {strides = array<i32>} : memref<4x200x64xf32, #tpu.memory_space<vmem>>, vector<16xf32>,
        %add3A_1680 = arith.addf %add3A_1652, %get3A_1679 : vector<16xf32>
        %get3A_1681 = arith.constant 0 : i32
        %get3A_1682 = arith.index_cast %get3A_1681 : i32 to index
        %get3A_1683 = arith.index_cast %add3A_1674 : i32 to index
        %get3A_1684 = arith.constant 16 : index
        %get3A_1685 = tpu.vector_load %arg6[%get3A_1682, %get3A_1683, %get3A_1684] {strides = array<i32>} : memref<4x200x64xf32, #tpu.memory_space<vmem>>, vector<16xf32>,
        %add3A_1686 = arith.addf %add3A_1658, %get3A_1685 : vector<16xf32>
        %get3A_1687 = arith.constant 0 : i32
        %get3A_1688 = arith.index_cast %get3A_1687 : i32 to index
        %get3A_1689 = arith.index_cast %add3A_1674 : i32 to index
        %get3A_1690 = arith.constant 32 : index
        %get3A_1691 = tpu.vector_load %arg6[%get3A_1688, %get3A_1689, %get3A_1690] {strides = array<i32>} : memref<4x200x64xf32, #tpu.memory_space<vmem>>, vector<16xf32>,
        %add3A_1692 = arith.addf %add3A_1664, %get3A_1691 : vector<16xf32>
        %get3A_1693 = arith.constant 0 : i32
        %get3A_1694 = arith.index_cast %get3A_1693 : i32 to index
        %get3A_1695 = arith.index_cast %add3A_1674 : i32 to index
        %get3A_1696 = arith.constant 48 : index
        %get3A_1697 = tpu.vector_load %arg6[%get3A_1694, %get3A_1695, %get3A_1696] {strides = array<i32>} : memref<4x200x64xf32, #tpu.memory_space<vmem>>, vector<16xf32>,
        %add3A_1698 = arith.addf %add3A_1670, %get3A_1697 : vector<16xf32>
        %mul3A_1699 = arith.constant 16 : i32
        %mul3A_1700 = arith.muli %scan3A_1402, %mul3A_1699 : i32
        %add3A_1701 = arith.constant 10 : i32
        %add3A_1702 = arith.addi %mul3A_1700, %add3A_1701 : i32
        %get3A_1703 = arith.constant 0 : i32
        %get3A_1704 = arith.index_cast %get3A_1703 : i32 to index
        %get3A_1705 = arith.index_cast %add3A_1702 : i32 to index
        %get3A_1706 = arith.constant 0 : index
        %get3A_1707 = tpu.vector_load %arg6[%get3A_1704, %get3A_1705, %get3A_1706] {strides = array<i32>} : memref<4x200x64xf32, #tpu.memory_space<vmem>>, vector<16xf32>,
        %add3A_1708 = arith.addf %add3A_1680, %get3A_1707 : vector<16xf32>
        %get3A_1709 = arith.constant 0 : i32
        %get3A_1710 = arith.index_cast %get3A_1709 : i32 to index
        %get3A_1711 = arith.index_cast %add3A_1702 : i32 to index
        %get3A_1712 = arith.constant 16 : index
        %get3A_1713 = tpu.vector_load %arg6[%get3A_1710, %get3A_1711, %get3A_1712] {strides = array<i32>} : memref<4x200x64xf32, #tpu.memory_space<vmem>>, vector<16xf32>,
        %add3A_1714 = arith.addf %add3A_1686, %get3A_1713 : vector<16xf32>
        %get3A_1715 = arith.constant 0 : i32
        %get3A_1716 = arith.index_cast %get3A_1715 : i32 to index
        %get3A_1717 = arith.index_cast %add3A_1702 : i32 to index
        %get3A_1718 = arith.constant 32 : index
        %get3A_1719 = tpu.vector_load %arg6[%get3A_1716, %get3A_1717, %get3A_1718] {strides = array<i32>} : memref<4x200x64xf32, #tpu.memory_space<vmem>>, vector<16xf32>,
        %add3A_1720 = arith.addf %add3A_1692, %get3A_1719 : vector<16xf32>
        %get3A_1721 = arith.constant 0 : i32
        %get3A_1722 = arith.index_cast %get3A_1721 : i32 to index
        %get3A_1723 = arith.index_cast %add3A_1702 : i32 to index
        %get3A_1724 = arith.constant 48 : index
        %get3A_1725 = tpu.vector_load %arg6[%get3A_1722, %get3A_1723, %get3A_1724] {strides = array<i32>} : memref<4x200x64xf32, #tpu.memory_space<vmem>>, vector<16xf32>,
        %add3A_1726 = arith.addf %add3A_1698, %get3A_1725 : vector<16xf32>
        %mul3A_1727 = arith.constant 16 : i32
        %mul3A_1728 = arith.muli %scan3A_1402, %mul3A_1727 : i32
        %add3A_1729 = arith.constant 11 : i32
        %add3A_1730 = arith.addi %mul3A_1728, %add3A_1729 : i32
        %get3A_1731 = arith.constant 0 : i32
        %get3A_1732 = arith.index_cast %get3A_1731 : i32 to index
        %get3A_1733 = arith.index_cast %add3A_1730 : i32 to index
        %get3A_1734 = arith.constant 0 : index
        %get3A_1735 = tpu.vector_load %arg6[%get3A_1732, %get3A_1733, %get3A_1734] {strides = array<i32>} : memref<4x200x64xf32, #tpu.memory_space<vmem>>, vector<16xf32>,
        %add3A_1736 = arith.addf %add3A_1708, %get3A_1735 : vector<16xf32>
        %get3A_1737 = arith.constant 0 : i32
        %get3A_1738 = arith.index_cast %get3A_1737 : i32 to index
        %get3A_1739 = arith.index_cast %add3A_1730 : i32 to index
        %get3A_1740 = arith.constant 16 : index
        %get3A_1741 = tpu.vector_load %arg6[%get3A_1738, %get3A_1739, %get3A_1740] {strides = array<i32>} : memref<4x200x64xf32, #tpu.memory_space<vmem>>, vector<16xf32>,
        %add3A_1742 = arith.addf %add3A_1714, %get3A_1741 : vector<16xf32>
        %get3A_1743 = arith.constant 0 : i32
        %get3A_1744 = arith.index_cast %get3A_1743 : i32 to index
        %get3A_1745 = arith.index_cast %add3A_1730 : i32 to index
        %get3A_1746 = arith.constant 32 : index
        %get3A_1747 = tpu.vector_load %arg6[%get3A_1744, %get3A_1745, %get3A_1746] {strides = array<i32>} : memref<4x200x64xf32, #tpu.memory_space<vmem>>, vector<16xf32>,
        %add3A_1748 = arith.addf %add3A_1720, %get3A_1747 : vector<16xf32>
        %get3A_1749 = arith.constant 0 : i32
        %get3A_1750 = arith.index_cast %get3A_1749 : i32 to index
        %get3A_1751 = arith.index_cast %add3A_1730 : i32 to index
        %get3A_1752 = arith.constant 48 : index
        %get3A_1753 = tpu.vector_load %arg6[%get3A_1750, %get3A_1751, %get3A_1752] {strides = array<i32>} : memref<4x200x64xf32, #tpu.memory_space<vmem>>, vector<16xf32>,
        %add3A_1754 = arith.addf %add3A_1726, %get3A_1753 : vector<16xf32>
        %mul3A_1755 = arith.constant 16 : i32
        %mul3A_1756 = arith.muli %scan3A_1402, %mul3A_1755 : i32
        %add3A_1757 = arith.constant 12 : i32
        %add3A_1758 = arith.addi %mul3A_1756, %add3A_1757 : i32
        %get3A_1759 = arith.constant 0 : i32
        %get3A_1760 = arith.index_cast %get3A_1759 : i32 to index
        %get3A_1761 = arith.index_cast %add3A_1758 : i32 to index
        %get3A_1762 = arith.constant 0 : index
        %get3A_1763 = tpu.vector_load %arg6[%get3A_1760, %get3A_1761, %get3A_1762] {strides = array<i32>} : memref<4x200x64xf32, #tpu.memory_space<vmem>>, vector<16xf32>,
        %add3A_1764 = arith.addf %add3A_1736, %get3A_1763 : vector<16xf32>
        %get3A_1765 = arith.constant 0 : i32
        %get3A_1766 = arith.index_cast %get3A_1765 : i32 to index
        %get3A_1767 = arith.index_cast %add3A_1758 : i32 to index
        %get3A_1768 = arith.constant 16 : index
        %get3A_1769 = tpu.vector_load %arg6[%get3A_1766, %get3A_1767, %get3A_1768] {strides = array<i32>} : memref<4x200x64xf32, #tpu.memory_space<vmem>>, vector<16xf32>,
        %add3A_1770 = arith.addf %add3A_1742, %get3A_1769 : vector<16xf32>
        %get3A_1771 = arith.constant 0 : i32
        %get3A_1772 = arith.index_cast %get3A_1771 : i32 to index
        %get3A_1773 = arith.index_cast %add3A_1758 : i32 to index
        %get3A_1774 = arith.constant 32 : index
        %get3A_1775 = tpu.vector_load %arg6[%get3A_1772, %get3A_1773, %get3A_1774] {strides = array<i32>} : memref<4x200x64xf32, #tpu.memory_space<vmem>>, vector<16xf32>,
        %add3A_1776 = arith.addf %add3A_1748, %get3A_1775 : vector<16xf32>
        %get3A_1777 = arith.constant 0 : i32
        %get3A_1778 = arith.index_cast %get3A_1777 : i32 to index
        %get3A_1779 = arith.index_cast %add3A_1758 : i32 to index
        %get3A_1780 = arith.constant 48 : index
        %get3A_1781 = tpu.vector_load %arg6[%get3A_1778, %get3A_1779, %get3A_1780] {strides = array<i32>} : memref<4x200x64xf32, #tpu.memory_space<vmem>>, vector<16xf32>,
        %add3A_1782 = arith.addf %add3A_1754, %get3A_1781 : vector<16xf32>
        %mul3A_1783 = arith.constant 16 : i32
        %mul3A_1784 = arith.muli %scan3A_1402, %mul3A_1783 : i32
        %add3A_1785 = arith.constant 13 : i32
        %add3A_1786 = arith.addi %mul3A_1784, %add3A_1785 : i32
        %get3A_1787 = arith.constant 0 : i32
        %get3A_1788 = arith.index_cast %get3A_1787 : i32 to index
        %get3A_1789 = arith.index_cast %add3A_1786 : i32 to index
        %get3A_1790 = arith.constant 0 : index
        %get3A_1791 = tpu.vector_load %arg6[%get3A_1788, %get3A_1789, %get3A_1790] {strides = array<i32>} : memref<4x200x64xf32, #tpu.memory_space<vmem>>, vector<16xf32>,
        %add3A_1792 = arith.addf %add3A_1764, %get3A_1791 : vector<16xf32>
        %get3A_1793 = arith.constant 0 : i32
        %get3A_1794 = arith.index_cast %get3A_1793 : i32 to index
        %get3A_1795 = arith.index_cast %add3A_1786 : i32 to index
        %get3A_1796 = arith.constant 16 : index
        %get3A_1797 = tpu.vector_load %arg6[%get3A_1794, %get3A_1795, %get3A_1796] {strides = array<i32>} : memref<4x200x64xf32, #tpu.memory_space<vmem>>, vector<16xf32>,
        %add3A_1798 = arith.addf %add3A_1770, %get3A_1797 : vector<16xf32>
        %get3A_1799 = arith.constant 0 : i32
        %get3A_1800 = arith.index_cast %get3A_1799 : i32 to index
        %get3A_1801 = arith.index_cast %add3A_1786 : i32 to index
        %get3A_1802 = arith.constant 32 : index
        %get3A_1803 = tpu.vector_load %arg6[%get3A_1800, %get3A_1801, %get3A_1802] {strides = array<i32>} : memref<4x200x64xf32, #tpu.memory_space<vmem>>, vector<16xf32>,
        %add3A_1804 = arith.addf %add3A_1776, %get3A_1803 : vector<16xf32>
        %get3A_1805 = arith.constant 0 : i32
        %get3A_1806 = arith.index_cast %get3A_1805 : i32 to index
        %get3A_1807 = arith.index_cast %add3A_1786 : i32 to index
        %get3A_1808 = arith.constant 48 : index
        %get3A_1809 = tpu.vector_load %arg6[%get3A_1806, %get3A_1807, %get3A_1808] {strides = array<i32>} : memref<4x200x64xf32, #tpu.memory_space<vmem>>, vector<16xf32>,
        %add3A_1810 = arith.addf %add3A_1782, %get3A_1809 : vector<16xf32>
        %mul3A_1811 = arith.constant 16 : i32
        %mul3A_1812 = arith.muli %scan3A_1402, %mul3A_1811 : i32
        %add3A_1813 = arith.constant 14 : i32
        %add3A_1814 = arith.addi %mul3A_1812, %add3A_1813 : i32
        %get3A_1815 = arith.constant 0 : i32
        %get3A_1816 = arith.index_cast %get3A_1815 : i32 to index
        %get3A_1817 = arith.index_cast %add3A_1814 : i32 to index
        %get3A_1818 = arith.constant 0 : index
        %get3A_1819 = tpu.vector_load %arg6[%get3A_1816, %get3A_1817, %get3A_1818] {strides = array<i32>} : memref<4x200x64xf32, #tpu.memory_space<vmem>>, vector<16xf32>,
        %add3A_1820 = arith.addf %add3A_1792, %get3A_1819 : vector<16xf32>
        %get3A_1821 = arith.constant 0 : i32
        %get3A_1822 = arith.index_cast %get3A_1821 : i32 to index
        %get3A_1823 = arith.index_cast %add3A_1814 : i32 to index
        %get3A_1824 = arith.constant 16 : index
        %get3A_1825 = tpu.vector_load %arg6[%get3A_1822, %get3A_1823, %get3A_1824] {strides = array<i32>} : memref<4x200x64xf32, #tpu.memory_space<vmem>>, vector<16xf32>,
        %add3A_1826 = arith.addf %add3A_1798, %get3A_1825 : vector<16xf32>
        %get3A_1827 = arith.constant 0 : i32
        %get3A_1828 = arith.index_cast %get3A_1827 : i32 to index
        %get3A_1829 = arith.index_cast %add3A_1814 : i32 to index
        %get3A_1830 = arith.constant 32 : index
        %get3A_1831 = tpu.vector_load %arg6[%get3A_1828, %get3A_1829, %get3A_1830] {strides = array<i32>} : memref<4x200x64xf32, #tpu.memory_space<vmem>>, vector<16xf32>,
        %add3A_1832 = arith.addf %add3A_1804, %get3A_1831 : vector<16xf32>
        %get3A_1833 = arith.constant 0 : i32
        %get3A_1834 = arith.index_cast %get3A_1833 : i32 to index
        %get3A_1835 = arith.index_cast %add3A_1814 : i32 to index
        %get3A_1836 = arith.constant 48 : index
        %get3A_1837 = tpu.vector_load %arg6[%get3A_1834, %get3A_1835, %get3A_1836] {strides = array<i32>} : memref<4x200x64xf32, #tpu.memory_space<vmem>>, vector<16xf32>,
        %add3A_1838 = arith.addf %add3A_1810, %get3A_1837 : vector<16xf32>
        %mul3A_1839 = arith.constant 16 : i32
        %mul3A_1840 = arith.muli %scan3A_1402, %mul3A_1839 : i32
        %add3A_1841 = arith.constant 15 : i32
        %add3A_1842 = arith.addi %mul3A_1840, %add3A_1841 : i32
        %get3A_1843 = arith.constant 0 : i32
        %get3A_1844 = arith.index_cast %get3A_1843 : i32 to index
        %get3A_1845 = arith.index_cast %add3A_1842 : i32 to index
        %get3A_1846 = arith.constant 0 : index
        %get3A_1847 = tpu.vector_load %arg6[%get3A_1844, %get3A_1845, %get3A_1846] {strides = array<i32>} : memref<4x200x64xf32, #tpu.memory_space<vmem>>, vector<16xf32>,
        %add3A_1848 = arith.addf %add3A_1820, %get3A_1847 : vector<16xf32>
        %get3A_1849 = arith.constant 0 : i32
        %get3A_1850 = arith.index_cast %get3A_1849 : i32 to index
        %get3A_1851 = arith.index_cast %add3A_1842 : i32 to index
        %get3A_1852 = arith.constant 16 : index
        %get3A_1853 = tpu.vector_load %arg6[%get3A_1850, %get3A_1851, %get3A_1852] {strides = array<i32>} : memref<4x200x64xf32, #tpu.memory_space<vmem>>, vector<16xf32>,
        %add3A_1854 = arith.addf %add3A_1826, %get3A_1853 : vector<16xf32>
        %get3A_1855 = arith.constant 0 : i32
        %get3A_1856 = arith.index_cast %get3A_1855 : i32 to index
        %get3A_1857 = arith.index_cast %add3A_1842 : i32 to index
        %get3A_1858 = arith.constant 32 : index
        %get3A_1859 = tpu.vector_load %arg6[%get3A_1856, %get3A_1857, %get3A_1858] {strides = array<i32>} : memref<4x200x64xf32, #tpu.memory_space<vmem>>, vector<16xf32>,
        %add3A_1860 = arith.addf %add3A_1832, %get3A_1859 : vector<16xf32>
        %get3A_1861 = arith.constant 0 : i32
        %get3A_1862 = arith.index_cast %get3A_1861 : i32 to index
        %get3A_1863 = arith.index_cast %add3A_1842 : i32 to index
        %get3A_1864 = arith.constant 48 : index
        %get3A_1865 = tpu.vector_load %arg6[%get3A_1862, %get3A_1863, %get3A_1864] {strides = array<i32>} : memref<4x200x64xf32, #tpu.memory_space<vmem>>, vector<16xf32>,
        %add3A_1866 = arith.addf %add3A_1838, %get3A_1865 : vector<16xf32>
        scf.yield %add3A_1848, %add3A_1854, %add3A_1860, %add3A_1866, %add3A_1418 : vector<16xf32>, vector<16xf32>, vector<16xf32>, vector<16xf32>, vector<16xi32>
      }
      %scan3A_216 = arith.constant 12 : i32
      %get3A = arith.index_cast %and3A_102 : i32 to index
      %get3A_217 = arith.index_cast %and3A_207 : i32 to index
      %get3A_218 = arith.constant 184 : index
      %get3A_219 = tpu.vector_load %arg5[%get3A, %get3A_217, %get3A_218] {strides = array<i32>} : memref<2x16x200xi32, #tpu.memory_space<vmem>>, vector<16xi32>,
      %iota3A = tpu.iota {dimensions = array<i32: 0>} : vector<16xi32>
      %ge3A = arith.constant 8 : i32
      %ge3A_220 = vector.broadcast %ge3A : i32 to vector<16xi32>
      %ge3A_221 = arith.cmpi sge, %iota3A, %ge3A_220 : vector<16xi32>
      %ne3A_222 = arith.constant 0 : i32
      %ne3A_223 = vector.broadcast %ne3A_222 : i32 to vector<16xi32>
      %ne3A_224 = arith.cmpi ne, %get3A_219, %ne3A_223 : vector<16xi32>
      %and3A_225 = arith.andi %ge3A_221, %ne3A_224 : vector<16xi1>
      %all_reduce_population_count3A = tpu.all_reduce %and3A_225 {dim = 0 : i64, kind = #tpu.reduction_kind<sum>} : vector<16xi1> -> vector<16xi32>
      %add3A_226 = arith.addi %scan3A_215#4, %all_reduce_population_count3A : vector<16xi32>
      %get3A_227 = arith.constant 0 : i32
      %get3A_228 = arith.constant 192 : i32
      %get3A_229 = arith.index_cast %get3A_227 : i32 to index
      %get3A_230 = arith.index_cast %get3A_228 : i32 to index
      %get3A_231 = arith.constant 0 : index
      %get3A_232 = tpu.vector_load %arg6[%get3A_229, %get3A_230, %get3A_231] {strides = array<i32>} : memref<4x200x64xf32, #tpu.memory_space<vmem>>, vector<16xf32>,
      %add3A_233 = arith.addf %scan3A_215#0, %get3A_232 : vector<16xf32>
      %get3A_234 = arith.constant 0 : i32
      %get3A_235 = arith.constant 192 : i32
      %get3A_236 = arith.index_cast %get3A_234 : i32 to index
      %get3A_237 = arith.index_cast %get3A_235 : i32 to index
      %get3A_238 = arith.constant 16 : index
      %get3A_239 = tpu.vector_load %arg6[%get3A_236, %get3A_237, %get3A_238] {strides = array<i32>} : memref<4x200x64xf32, #tpu.memory_space<vmem>>, vector<16xf32>,
      %add3A_240 = arith.addf %scan3A_215#1, %get3A_239 : vector<16xf32>
      %get3A_241 = arith.constant 0 : i32
      %get3A_242 = arith.constant 192 : i32
      %get3A_243 = arith.index_cast %get3A_241 : i32 to index
      %get3A_244 = arith.index_cast %get3A_242 : i32 to index
      %get3A_245 = arith.constant 32 : index
      %get3A_246 = tpu.vector_load %arg6[%get3A_243, %get3A_244, %get3A_245] {strides = array<i32>} : memref<4x200x64xf32, #tpu.memory_space<vmem>>, vector<16xf32>,
      %add3A_247 = arith.addf %scan3A_215#2, %get3A_246 : vector<16xf32>
      %get3A_248 = arith.constant 0 : i32
      %get3A_249 = arith.constant 192 : i32
      %get3A_250 = arith.index_cast %get3A_248 : i32 to index
      %get3A_251 = arith.index_cast %get3A_249 : i32 to index
      %get3A_252 = arith.constant 48 : index
      %get3A_253 = tpu.vector_load %arg6[%get3A_250, %get3A_251, %get3A_252] {strides = array<i32>} : memref<4x200x64xf32, #tpu.memory_space<vmem>>, vector<16xf32>,
      %add3A_254 = arith.addf %scan3A_215#3, %get3A_253 : vector<16xf32>
      %get3A_255 = arith.constant 0 : i32
      %get3A_256 = arith.constant 193 : i32
      %get3A_257 = arith.index_cast %get3A_255 : i32 to index
      %get3A_258 = arith.index_cast %get3A_256 : i32 to index
      %get3A_259 = arith.constant 0 : index
      %get3A_260 = tpu.vector_load %arg6[%get3A_257, %get3A_258, %get3A_259] {strides = array<i32>} : memref<4x200x64xf32, #tpu.memory_space<vmem>>, vector<16xf32>,
      %add3A_261 = arith.addf %add3A_233, %get3A_260 : vector<16xf32>
      %get3A_262 = arith.constant 0 : i32
      %get3A_263 = arith.constant 193 : i32
      %get3A_264 = arith.index_cast %get3A_262 : i32 to index
      %get3A_265 = arith.index_cast %get3A_263 : i32 to index
      %get3A_266 = arith.constant 16 : index
      %get3A_267 = tpu.vector_load %arg6[%get3A_264, %get3A_265, %get3A_266] {strides = array<i32>} : memref<4x200x64xf32, #tpu.memory_space<vmem>>, vector<16xf32>,
      %add3A_268 = arith.addf %add3A_240, %get3A_267 : vector<16xf32>
      %get3A_269 = arith.constant 0 : i32
      %get3A_270 = arith.constant 193 : i32
      %get3A_271 = arith.index_cast %get3A_269 : i32 to index
      %get3A_272 = arith.index_cast %get3A_270 : i32 to index
      %get3A_273 = arith.constant 32 : index
      %get3A_274 = tpu.vector_load %arg6[%get3A_271, %get3A_272, %get3A_273] {strides = array<i32>} : memref<4x200x64xf32, #tpu.memory_space<vmem>>, vector<16xf32>,
      %add3A_275 = arith.addf %add3A_247, %get3A_274 : vector<16xf32>
      %get3A_276 = arith.constant 0 : i32
      %get3A_277 = arith.constant 193 : i32
      %get3A_278 = arith.index_cast %get3A_276 : i32 to index
      %get3A_279 = arith.index_cast %get3A_277 : i32 to index
      %get3A_280 = arith.constant 48 : index
      %get3A_281 = tpu.vector_load %arg6[%get3A_278, %get3A_279, %get3A_280] {strides = array<i32>} : memref<4x200x64xf32, #tpu.memory_space<vmem>>, vector<16xf32>,
      %add3A_282 = arith.addf %add3A_254, %get3A_281 : vector<16xf32>
      %get3A_283 = arith.constant 0 : i32
      %get3A_284 = arith.constant 194 : i32
      %get3A_285 = arith.index_cast %get3A_283 : i32 to index
      %get3A_286 = arith.index_cast %get3A_284 : i32 to index
      %get3A_287 = arith.constant 0 : index
      %get3A_288 = tpu.vector_load %arg6[%get3A_285, %get3A_286, %get3A_287] {strides = array<i32>} : memref<4x200x64xf32, #tpu.memory_space<vmem>>, vector<16xf32>,
      %add3A_289 = arith.addf %add3A_261, %get3A_288 : vector<16xf32>
      %get3A_290 = arith.constant 0 : i32
      %get3A_291 = arith.constant 194 : i32
      %get3A_292 = arith.index_cast %get3A_290 : i32 to index
      %get3A_293 = arith.index_cast %get3A_291 : i32 to index
      %get3A_294 = arith.constant 16 : index
      %get3A_295 = tpu.vector_load %arg6[%get3A_292, %get3A_293, %get3A_294] {strides = array<i32>} : memref<4x200x64xf32, #tpu.memory_space<vmem>>, vector<16xf32>,
      %add3A_296 = arith.addf %add3A_268, %get3A_295 : vector<16xf32>
      %get3A_297 = arith.constant 0 : i32
      %get3A_298 = arith.constant 194 : i32
      %get3A_299 = arith.index_cast %get3A_297 : i32 to index
      %get3A_300 = arith.index_cast %get3A_298 : i32 to index
      %get3A_301 = arith.constant 32 : index
      %get3A_302 = tpu.vector_load %arg6[%get3A_299, %get3A_300, %get3A_301] {strides = array<i32>} : memref<4x200x64xf32, #tpu.memory_space<vmem>>, vector<16xf32>,
      %add3A_303 = arith.addf %add3A_275, %get3A_302 : vector<16xf32>
      %get3A_304 = arith.constant 0 : i32
      %get3A_305 = arith.constant 194 : i32
      %get3A_306 = arith.index_cast %get3A_304 : i32 to index
      %get3A_307 = arith.index_cast %get3A_305 : i32 to index
      %get3A_308 = arith.constant 48 : index
      %get3A_309 = tpu.vector_load %arg6[%get3A_306, %get3A_307, %get3A_308] {strides = array<i32>} : memref<4x200x64xf32, #tpu.memory_space<vmem>>, vector<16xf32>,
      %add3A_310 = arith.addf %add3A_282, %get3A_309 : vector<16xf32>
      %get3A_311 = arith.constant 0 : i32
      %get3A_312 = arith.constant 195 : i32
      %get3A_313 = arith.index_cast %get3A_311 : i32 to index
      %get3A_314 = arith.index_cast %get3A_312 : i32 to index
      %get3A_315 = arith.constant 0 : index
      %get3A_316 = tpu.vector_load %arg6[%get3A_313, %get3A_314, %get3A_315] {strides = array<i32>} : memref<4x200x64xf32, #tpu.memory_space<vmem>>, vector<16xf32>,
      %add3A_317 = arith.addf %add3A_289, %get3A_316 : vector<16xf32>
      %get3A_318 = arith.constant 0 : i32
      %get3A_319 = arith.constant 195 : i32
      %get3A_320 = arith.index_cast %get3A_318 : i32 to index
      %get3A_321 = arith.index_cast %get3A_319 : i32 to index
      %get3A_322 = arith.constant 16 : index
      %get3A_323 = tpu.vector_load %arg6[%get3A_320, %get3A_321, %get3A_322] {strides = array<i32>} : memref<4x200x64xf32, #tpu.memory_space<vmem>>, vector<16xf32>,
      %add3A_324 = arith.addf %add3A_296, %get3A_323 : vector<16xf32>
      %get3A_325 = arith.constant 0 : i32
      %get3A_326 = arith.constant 195 : i32
      %get3A_327 = arith.index_cast %get3A_325 : i32 to index
      %get3A_328 = arith.index_cast %get3A_326 : i32 to index
      %get3A_329 = arith.constant 32 : index
      %get3A_330 = tpu.vector_load %arg6[%get3A_327, %get3A_328, %get3A_329] {strides = array<i32>} : memref<4x200x64xf32, #tpu.memory_space<vmem>>, vector<16xf32>,
      %add3A_331 = arith.addf %add3A_303, %get3A_330 : vector<16xf32>
      %get3A_332 = arith.constant 0 : i32
      %get3A_333 = arith.constant 195 : i32
      %get3A_334 = arith.index_cast %get3A_332 : i32 to index
      %get3A_335 = arith.index_cast %get3A_333 : i32 to index
      %get3A_336 = arith.constant 48 : index
      %get3A_337 = tpu.vector_load %arg6[%get3A_334, %get3A_335, %get3A_336] {strides = array<i32>} : memref<4x200x64xf32, #tpu.memory_space<vmem>>, vector<16xf32>,
      %add3A_338 = arith.addf %add3A_310, %get3A_337 : vector<16xf32>
      %get3A_339 = arith.constant 0 : i32
      %get3A_340 = arith.constant 196 : i32
      %get3A_341 = arith.index_cast %get3A_339 : i32 to index
      %get3A_342 = arith.index_cast %get3A_340 : i32 to index
      %get3A_343 = arith.constant 0 : index
      %get3A_344 = tpu.vector_load %arg6[%get3A_341, %get3A_342, %get3A_343] {strides = array<i32>} : memref<4x200x64xf32, #tpu.memory_space<vmem>>, vector<16xf32>,
      %add3A_345 = arith.addf %add3A_317, %get3A_344 : vector<16xf32>
      %get3A_346 = arith.constant 0 : i32
      %get3A_347 = arith.constant 196 : i32
      %get3A_348 = arith.index_cast %get3A_346 : i32 to index
      %get3A_349 = arith.index_cast %get3A_347 : i32 to index
      %get3A_350 = arith.constant 16 : index
      %get3A_351 = tpu.vector_load %arg6[%get3A_348, %get3A_349, %get3A_350] {strides = array<i32>} : memref<4x200x64xf32, #tpu.memory_space<vmem>>, vector<16xf32>,
      %add3A_352 = arith.addf %add3A_324, %get3A_351 : vector<16xf32>
      %get3A_353 = arith.constant 0 : i32
      %get3A_354 = arith.constant 196 : i32
      %get3A_355 = arith.index_cast %get3A_353 : i32 to index
      %get3A_356 = arith.index_cast %get3A_354 : i32 to index
      %get3A_357 = arith.constant 32 : index
      %get3A_358 = tpu.vector_load %arg6[%get3A_355, %get3A_356, %get3A_357] {strides = array<i32>} : memref<4x200x64xf32, #tpu.memory_space<vmem>>, vector<16xf32>,
      %add3A_359 = arith.addf %add3A_331, %get3A_358 : vector<16xf32>
      %get3A_360 = arith.constant 0 : i32
      %get3A_361 = arith.constant 196 : i32
      %get3A_362 = arith.index_cast %get3A_360 : i32 to index
      %get3A_363 = arith.index_cast %get3A_361 : i32 to index
      %get3A_364 = arith.constant 48 : index
      %get3A_365 = tpu.vector_load %arg6[%get3A_362, %get3A_363, %get3A_364] {strides = array<i32>} : memref<4x200x64xf32, #tpu.memory_space<vmem>>, vector<16xf32>,
      %add3A_366 = arith.addf %add3A_338, %get3A_365 : vector<16xf32>
      %get3A_367 = arith.constant 0 : i32
      %get3A_368 = arith.constant 197 : i32
      %get3A_369 = arith.index_cast %get3A_367 : i32 to index
      %get3A_370 = arith.index_cast %get3A_368 : i32 to index
      %get3A_371 = arith.constant 0 : index
      %get3A_372 = tpu.vector_load %arg6[%get3A_369, %get3A_370, %get3A_371] {strides = array<i32>} : memref<4x200x64xf32, #tpu.memory_space<vmem>>, vector<16xf32>,
      %add3A_373 = arith.addf %add3A_345, %get3A_372 : vector<16xf32>
      %get3A_374 = arith.constant 0 : i32
      %get3A_375 = arith.constant 197 : i32
      %get3A_376 = arith.index_cast %get3A_374 : i32 to index
      %get3A_377 = arith.index_cast %get3A_375 : i32 to index
      %get3A_378 = arith.constant 16 : index
      %get3A_379 = tpu.vector_load %arg6[%get3A_376, %get3A_377, %get3A_378] {strides = array<i32>} : memref<4x200x64xf32, #tpu.memory_space<vmem>>, vector<16xf32>,
      %add3A_380 = arith.addf %add3A_352, %get3A_379 : vector<16xf32>
      %get3A_381 = arith.constant 0 : i32
      %get3A_382 = arith.constant 197 : i32
      %get3A_383 = arith.index_cast %get3A_381 : i32 to index
      %get3A_384 = arith.index_cast %get3A_382 : i32 to index
      %get3A_385 = arith.constant 32 : index
      %get3A_386 = tpu.vector_load %arg6[%get3A_383, %get3A_384, %get3A_385] {strides = array<i32>} : memref<4x200x64xf32, #tpu.memory_space<vmem>>, vector<16xf32>,
      %add3A_387 = arith.addf %add3A_359, %get3A_386 : vector<16xf32>
      %get3A_388 = arith.constant 0 : i32
      %get3A_389 = arith.constant 197 : i32
      %get3A_390 = arith.index_cast %get3A_388 : i32 to index
      %get3A_391 = arith.index_cast %get3A_389 : i32 to index
      %get3A_392 = arith.constant 48 : index
      %get3A_393 = tpu.vector_load %arg6[%get3A_390, %get3A_391, %get3A_392] {strides = array<i32>} : memref<4x200x64xf32, #tpu.memory_space<vmem>>, vector<16xf32>,
      %add3A_394 = arith.addf %add3A_366, %get3A_393 : vector<16xf32>
      %get3A_395 = arith.constant 0 : i32
      %get3A_396 = arith.constant 198 : i32
      %get3A_397 = arith.index_cast %get3A_395 : i32 to index
      %get3A_398 = arith.index_cast %get3A_396 : i32 to index
      %get3A_399 = arith.constant 0 : index
      %get3A_400 = tpu.vector_load %arg6[%get3A_397, %get3A_398, %get3A_399] {strides = array<i32>} : memref<4x200x64xf32, #tpu.memory_space<vmem>>, vector<16xf32>,
      %add3A_401 = arith.addf %add3A_373, %get3A_400 : vector<16xf32>
      %get3A_402 = arith.constant 0 : i32
      %get3A_403 = arith.constant 198 : i32
      %get3A_404 = arith.index_cast %get3A_402 : i32 to index
      %get3A_405 = arith.index_cast %get3A_403 : i32 to index
      %get3A_406 = arith.constant 16 : index
      %get3A_407 = tpu.vector_load %arg6[%get3A_404, %get3A_405, %get3A_406] {strides = array<i32>} : memref<4x200x64xf32, #tpu.memory_space<vmem>>, vector<16xf32>,
      %add3A_408 = arith.addf %add3A_380, %get3A_407 : vector<16xf32>
      %get3A_409 = arith.constant 0 : i32
      %get3A_410 = arith.constant 198 : i32
      %get3A_411 = arith.index_cast %get3A_409 : i32 to index
      %get3A_412 = arith.index_cast %get3A_410 : i32 to index
      %get3A_413 = arith.constant 32 : index
      %get3A_414 = tpu.vector_load %arg6[%get3A_411, %get3A_412, %get3A_413] {strides = array<i32>} : memref<4x200x64xf32, #tpu.memory_space<vmem>>, vector<16xf32>,
      %add3A_415 = arith.addf %add3A_387, %get3A_414 : vector<16xf32>
      %get3A_416 = arith.constant 0 : i32
      %get3A_417 = arith.constant 198 : i32
      %get3A_418 = arith.index_cast %get3A_416 : i32 to index
      %get3A_419 = arith.index_cast %get3A_417 : i32 to index
      %get3A_420 = arith.constant 48 : index
      %get3A_421 = tpu.vector_load %arg6[%get3A_418, %get3A_419, %get3A_420] {strides = array<i32>} : memref<4x200x64xf32, #tpu.memory_space<vmem>>, vector<16xf32>,
      %add3A_422 = arith.addf %add3A_394, %get3A_421 : vector<16xf32>
      %get3A_423 = arith.constant 0 : i32
      %get3A_424 = arith.constant 199 : i32
      %get3A_425 = arith.index_cast %get3A_423 : i32 to index
      %get3A_426 = arith.index_cast %get3A_424 : i32 to index
      %get3A_427 = arith.constant 0 : index
      %get3A_428 = tpu.vector_load %arg6[%get3A_425, %get3A_426, %get3A_427] {strides = array<i32>} : memref<4x200x64xf32, #tpu.memory_space<vmem>>, vector<16xf32>,
      %add3A_429 = arith.addf %add3A_401, %get3A_428 : vector<16xf32>
      %get3A_430 = arith.constant 0 : i32
      %get3A_431 = arith.constant 199 : i32
      %get3A_432 = arith.index_cast %get3A_430 : i32 to index
      %get3A_433 = arith.index_cast %get3A_431 : i32 to index
      %get3A_434 = arith.constant 16 : index
      %get3A_435 = tpu.vector_load %arg6[%get3A_432, %get3A_433, %get3A_434] {strides = array<i32>} : memref<4x200x64xf32, #tpu.memory_space<vmem>>, vector<16xf32>,
      %add3A_436 = arith.addf %add3A_408, %get3A_435 : vector<16xf32>
      %get3A_437 = arith.constant 0 : i32
      %get3A_438 = arith.constant 199 : i32
      %get3A_439 = arith.index_cast %get3A_437 : i32 to index
      %get3A_440 = arith.index_cast %get3A_438 : i32 to index
      %get3A_441 = arith.constant 32 : index
      %get3A_442 = tpu.vector_load %arg6[%get3A_439, %get3A_440, %get3A_441] {strides = array<i32>} : memref<4x200x64xf32, #tpu.memory_space<vmem>>, vector<16xf32>,
      %add3A_443 = arith.addf %add3A_415, %get3A_442 : vector<16xf32>
      %get3A_444 = arith.constant 0 : i32
      %get3A_445 = arith.constant 199 : i32
      %get3A_446 = arith.index_cast %get3A_444 : i32 to index
      %get3A_447 = arith.index_cast %get3A_445 : i32 to index
      %get3A_448 = arith.constant 48 : index
      %get3A_449 = tpu.vector_load %arg6[%get3A_446, %get3A_447, %get3A_448] {strides = array<i32>} : memref<4x200x64xf32, #tpu.memory_space<vmem>>, vector<16xf32>,
      %add3A_450 = arith.addf %add3A_422, %get3A_449 : vector<16xf32>
      %convert_element_type3A_451 = arith.sitofp %add3A_226 : vector<16xi32> to vector<16xf32>
      %max3A = arith.constant 1.000000e+00 : f32
      %max3A_452 = vector.broadcast %max3A : f32 to vector<16xf32>
      %max3A_453 = arith.maximumf %convert_element_type3A_451, %max3A_452 : vector<16xf32>
      %div3A_454 = arith.constant 1.000000e+00 : f32
      %div3A_455 = vector.broadcast %div3A_454 : f32 to vector<16xf32>
      %div3A_456 = arith.divf %div3A_455, %max3A_453 : vector<16xf32>
      %mul3A_457 = arith.mulf %add3A_429, %div3A_456 : vector<16xf32>
      %swap3A = arith.index_cast %add3A_126 : i32 to index
      %swap3A_458 = arith.constant 0 : index
      %swap3A_459 = tpu.vector_load %arg7[%swap3A, %swap3A_458] {strides = array<i32>} : memref<512x64xf32, #tpu.memory_space<vmem>>, vector<16xf32>,
      tpu.vector_store %arg7[%swap3A, %swap3A_458], %mul3A_457 {strides = array<i32>} : memref<512x64xf32, #tpu.memory_space<vmem>>, vector<16xf32>,
      %mul3A_460 = arith.mulf %add3A_436, %div3A_456 : vector<16xf32>
      %swap3A_461 = arith.index_cast %add3A_126 : i32 to index
      %swap3A_462 = arith.constant 16 : index
      %swap3A_463 = tpu.vector_load %arg7[%swap3A_461, %swap3A_462] {strides = array<i32>} : memref<512x64xf32, #tpu.memory_space<vmem>>, vector<16xf32>,
      tpu.vector_store %arg7[%swap3A_461, %swap3A_462], %mul3A_460 {strides = array<i32>} : memref<512x64xf32, #tpu.memory_space<vmem>>, vector<16xf32>,
      %mul3A_464 = arith.mulf %add3A_443, %div3A_456 : vector<16xf32>
      %swap3A_465 = arith.index_cast %add3A_126 : i32 to index
      %swap3A_466 = arith.constant 32 : index
      %swap3A_467 = tpu.vector_load %arg7[%swap3A_465, %swap3A_466] {strides = array<i32>} : memref<512x64xf32, #tpu.memory_space<vmem>>, vector<16xf32>,
      tpu.vector_store %arg7[%swap3A_465, %swap3A_466], %mul3A_464 {strides = array<i32>} : memref<512x64xf32, #tpu.memory_space<vmem>>, vector<16xf32>,
      %mul3A_468 = arith.mulf %add3A_450, %div3A_456 : vector<16xf32>
      %swap3A_469 = arith.index_cast %add3A_126 : i32 to index
      %swap3A_470 = arith.constant 48 : index
      %swap3A_471 = tpu.vector_load %arg7[%swap3A_469, %swap3A_470] {strides = array<i32>} : memref<512x64xf32, #tpu.memory_space<vmem>>, vector<16xf32>,
      tpu.vector_store %arg7[%swap3A_469, %swap3A_470], %mul3A_468 {strides = array<i32>} : memref<512x64xf32, #tpu.memory_space<vmem>>, vector<16xf32>,
      %add3A_472 = arith.constant 1 : i32
      %add3A_473 = arith.addi %mul3A_104, %add3A_472 : i32
      %add3A_474 = arith.constant 4 : i32
      %add3A_475 = arith.addi %add3A_473, %add3A_474 : i32
      %sub3A_476 = arith.constant 1 : i32
      %sub3A_477 = arith.subi %add3A_475, %sub3A_476 : i32
      %dma_wait3A_478 = arith.constant 0 : i32
      %dma_wait3A_479 = arith.constant 0 : i32
      %dma_wait3A_480 = arith.constant 1 : i32
      %dma_wait3A_481 = arith.constant 0 : i32
      %dma_wait3A_482 = arith.constant 0 : i32
      %dma_wait3A_483 = tpu.memref_slice %arg6[%dma_wait3A_480, %dma_wait3A_481, %dma_wait3A_482] : memref<4x200x64xf32, #tpu.memory_space<vmem>> -> memref<1x128x64xf32, #tpu.memory_space<vmem>>
      %dma_wait3A_484 = tpu.memref_squeeze %dma_wait3A_483 : memref<1x128x64xf32, #tpu.memory_space<vmem>> -> memref<128x64xf32, #tpu.memory_space<vmem>>
      %dma_wait3A_485 = arith.constant 0 : i32
      %dma_wait3A_486 = tpu.memref_slice %arg5[%dma_wait3A_478, %dma_wait3A_479, %dma_wait3A_485] : memref<2x16x200xi32, #tpu.memory_space<vmem>> -> memref<1x1x128xi32, #tpu.memory_space<vmem>>
      %dma_wait3A_487 = tpu.memref_squeeze %dma_wait3A_486 : memref<1x1x128xi32, #tpu.memory_space<vmem>> -> memref<128xi32, #tpu.memory_space<vmem>>
      %dma_wait3A_488 = arith.constant 0 : i32
      %dma_wait3A_489 = arith.constant 0 : i32
      %dma_wait3A_490 = tpu.memref_slice %arg3[%dma_wait3A_488, %dma_wait3A_489] : memref<1000000x64xf32, #tpu.memory_space<hbm>> -> memref<1000000x64xf32, #tpu.memory_space<hbm>>
      tpu.wait_indirect_dma semaphore(%arg10 : memref<!tpu.dma_semaphore, #tpu.memory_space<semaphore_mem>>) src(%dma_wait3A_490 : memref<1000000x64xf32, #tpu.memory_space<hbm>>) dst(%dma_wait3A_484 : memref<128x64xf32, #tpu.memory_space<vmem>>)
      %dma_wait3A_491 = arith.constant 0 : i32
      %dma_wait3A_492 = arith.constant 0 : i32
      %dma_wait3A_493 = arith.constant 1 : i32
      %dma_wait3A_494 = arith.constant 128 : i32
      %dma_wait3A_495 = arith.constant 0 : i32
      %dma_wait3A_496 = tpu.memref_slice %arg6[%dma_wait3A_493, %dma_wait3A_494, %dma_wait3A_495] : memref<4x200x64xf32, #tpu.memory_space<vmem>> -> memref<1x72x64xf32, #tpu.memory_space<vmem>>
      %dma_wait3A_497 = tpu.memref_squeeze %dma_wait3A_496 : memref<1x72x64xf32, #tpu.memory_space<vmem>> -> memref<72x64xf32, #tpu.memory_space<vmem>>
      %dma_wait3A_498 = arith.constant 128 : i32
      %dma_wait3A_499 = tpu.memref_slice %arg5[%dma_wait3A_491, %dma_wait3A_492, %dma_wait3A_498] : memref<2x16x200xi32, #tpu.memory_space<vmem>> -> memref<1x1x72xi32, #tpu.memory_space<vmem>>
      %dma_wait3A_500 = tpu.memref_squeeze %dma_wait3A_499 : memref<1x1x72xi32, #tpu.memory_space<vmem>> -> memref<72xi32, #tpu.memory_space<vmem>>
      %dma_wait3A_501 = arith.constant 0 : i32
      %dma_wait3A_502 = arith.constant 0 : i32
      %dma_wait3A_503 = tpu.memref_slice %arg3[%dma_wait3A_501, %dma_wait3A_502] : memref<1000000x64xf32, #tpu.memory_space<hbm>> -> memref<1000000x64xf32, #tpu.memory_space<hbm>>
      tpu.wait_indirect_dma semaphore(%arg10 : memref<!tpu.dma_semaphore, #tpu.memory_space<semaphore_mem>>) src(%dma_wait3A_503 : memref<1000000x64xf32, #tpu.memory_space<hbm>>) dst(%dma_wait3A_497 : memref<72x64xf32, #tpu.memory_space<vmem>>)
      %lt3A_504 = arith.constant 127 : i32
      %lt3A_505 = arith.cmpi slt, %scan3A_84, %lt3A_504 : i32
      %convert_element_type3A_506 = arith.extui %lt3A_505 : i1 to i32
      %cond3A_507 = arith.constant 0 : i32
      %cond3A_508 = arith.cmpi ne, %convert_element_type3A_506, %cond3A_507 : i32
      scf.if %cond3A_508 {
        %jit3A_1402 = arith.constant 16 : i32
        %div3A_1403 = arith.divsi %sub3A_477, %jit3A_1402 : i32
        %sign3A_1404 = arith.constant 0 : i32
        %sign3A_1405 = arith.cmpi sgt, %sub3A_477, %sign3A_1404 : i32
        %sign3A_1406 = arith.extui %sign3A_1405 : i1 to i32
        %sign3A_1407 = arith.constant 0 : i32
        %sign3A_1408 = arith.cmpi slt, %sub3A_477, %sign3A_1407 : i32
        %sign3A_1409 = arith.extui %sign3A_1408 : i1 to i32
        %sign3A_1410 = arith.subi %sign3A_1406, %sign3A_1409 : i32
        %sign3A_1411 = arith.constant 0 : i32
        %sign3A_1412 = arith.cmpi sgt, %jit3A_1402, %sign3A_1411 : i32
        %sign3A_1413 = arith.extui %sign3A_1412 : i1 to i32
        %sign3A_1414 = arith.constant 0 : i32
        %sign3A_1415 = arith.cmpi slt, %jit3A_1402, %sign3A_1414 : i32
        %sign3A_1416 = arith.extui %sign3A_1415 : i1 to i32
        %sign3A_1417 = arith.subi %sign3A_1413, %sign3A_1416 : i32
        %ne3A_1418 = arith.cmpi ne, %sign3A_1410, %sign3A_1417 : i32
        %rem3A_1419 = arith.remsi %sub3A_477, %jit3A_1402 : i32
        %ne3A_1420 = arith.constant 0 : i32
        %ne3A_1421 = arith.cmpi ne, %rem3A_1419, %ne3A_1420 : i32
        %and3A_1422 = arith.andi %ne3A_1418, %ne3A_1421 : i1
        %sub3A_1423 = arith.constant 1 : i32
        %sub3A_1424 = arith.subi %div3A_1403, %sub3A_1423 : i32
        %select_n3A_1425 = arith.select %and3A_1422, %sub3A_1424, %div3A_1403 : i32
        %and3A_1426 = arith.constant 1 : i32
        %and3A_1427 = arith.andi %select_n3A_1425, %and3A_1426 : i32
        %and3A_1428 = arith.constant 15 : i32
        %and3A_1429 = arith.andi %sub3A_477, %and3A_1428 : i32
        %dma_start3A_1430 = arith.constant 0 : i32
        %dma_start3A_1431 = arith.constant 0 : i32
        %dma_start3A_1432 = arith.constant 0 : i32
        %dma_start3A_1433 = tpu.memref_slice %arg6[%dma_start3A_1430, %dma_start3A_1431, %dma_start3A_1432] : memref<4x200x64xf32, #tpu.memory_space<vmem>> -> memref<1x128x64xf32, #tpu.memory_space<vmem>>
        %dma_start3A_1434 = tpu.memref_squeeze %dma_start3A_1433 : memref<1x128x64xf32, #tpu.memory_space<vmem>> -> memref<128x64xf32, #tpu.memory_space<vmem>>
        %dma_start3A_1435 = arith.constant 0 : i32
        %dma_start3A_1436 = tpu.memref_slice %arg5[%and3A_1427, %and3A_1429, %dma_start3A_1435] : memref<2x16x200xi32, #tpu.memory_space<vmem>> -> memref<1x1x128xi32, #tpu.memory_space<vmem>>
        %dma_start3A_1437 = tpu.memref_squeeze %dma_start3A_1436 : memref<1x1x128xi32, #tpu.memory_space<vmem>> -> memref<128xi32, #tpu.memory_space<vmem>>
        %dma_start3A_1438 = arith.constant 0 : i32
        %dma_start3A_1439 = arith.constant 0 : i32
        %dma_start3A_1440 = tpu.memref_slice %arg3[%dma_start3A_1438, %dma_start3A_1439] : memref<1000000x64xf32, #tpu.memory_space<hbm>> -> memref<1000000x64xf32, #tpu.memory_space<hbm>>
        tpu.enqueue_indirect_dma source(%dma_start3A_1440 : memref<1000000x64xf32, #tpu.memory_space<hbm>>) target(%dma_start3A_1434 : memref<128x64xf32, #tpu.memory_space<vmem>>) offsets(%dma_start3A_1437 : memref<128xi32, #tpu.memory_space<vmem>>) semaphore(%arg9 : memref<!tpu.dma_semaphore, #tpu.memory_space<semaphore_mem>>)
        %dma_start3A_1441 = arith.constant 0 : i32
        %dma_start3A_1442 = arith.constant 128 : i32
        %dma_start3A_1443 = arith.constant 0 : i32
        %dma_start3A_1444 = tpu.memref_slice %arg6[%dma_start3A_1441, %dma_start3A_1442, %dma_start3A_1443] : memref<4x200x64xf32, #tpu.memory_space<vmem>> -> memref<1x72x64xf32, #tpu.memory_space<vmem>>
        %dma_start3A_1445 = tpu.memref_squeeze %dma_start3A_1444 : memref<1x72x64xf32, #tpu.memory_space<vmem>> -> memref<72x64xf32, #tpu.memory_space<vmem>>
        %dma_start3A_1446 = arith.constant 128 : i32
        %dma_start3A_1447 = tpu.memref_slice %arg5[%and3A_1427, %and3A_1429, %dma_start3A_1446] : memref<2x16x200xi32, #tpu.memory_space<vmem>> -> memref<1x1x72xi32, #tpu.memory_space<vmem>>
        %dma_start3A_1448 = tpu.memref_squeeze %dma_start3A_1447 : memref<1x1x72xi32, #tpu.memory_space<vmem>> -> memref<72xi32, #tpu.memory_space<vmem>>
        %dma_start3A_1449 = arith.constant 0 : i32
        %dma_start3A_1450 = arith.constant 0 : i32
        %dma_start3A_1451 = tpu.memref_slice %arg3[%dma_start3A_1449, %dma_start3A_1450] : memref<1000000x64xf32, #tpu.memory_space<hbm>> -> memref<1000000x64xf32, #tpu.memory_space<hbm>>
        tpu.enqueue_indirect_dma source(%dma_start3A_1451 : memref<1000000x64xf32, #tpu.memory_space<hbm>>) target(%dma_start3A_1445 : memref<72x64xf32, #tpu.memory_space<vmem>>) offsets(%dma_start3A_1448 : memref<72xi32, #tpu.memory_space<vmem>>) semaphore(%arg9 : memref<!tpu.dma_semaphore, #tpu.memory_space<semaphore_mem>>)
      } else {
      }
      %and3A_509 = arith.constant 15 : i32
      %and3A_510 = arith.andi %add3A_473, %and3A_509 : i32
      %broadcast_in_dim3A_511 = arith.constant 0.000000e+00 : f32
      %broadcast_in_dim3A_512 = vector.broadcast %broadcast_in_dim3A_511 : f32 to vector<16xf32>
      %broadcast_in_dim3A_513 = arith.constant 0 : i32
      %broadcast_in_dim3A_514 = vector.broadcast %broadcast_in_dim3A_513 : i32 to vector<16xi32>
      %scan3A_515 = arith.constant 0 : i32
      %scan3A_516 = arith.constant 12 : i32
      %scan3A_517 = arith.addi %scan3A_515, %scan3A_516 : i32
      %scan3A_518 = arith.constant 1 : i32
      %scan3A_519:5 = scf.for %scan3A_1402 = %scan3A_515 to %scan3A_517 step %scan3A_518 iter_args(%scan3A_1403 = %broadcast_in_dim3A_512, %scan3A_1404 = %broadcast_in_dim3A_512, %scan3A_1405 = %broadcast_in_dim3A_512, %scan3A_1406 = %broadcast_in_dim3A_512, %scan3A_1407 = %broadcast_in_dim3A_514) -> (vector<16xf32>, vector<16xf32>, vector<16xf32>, vector<16xf32>, vector<16xi32>)  : i32 {
        %mul3A_1408 = arith.constant 16 : i32
        %mul3A_1409 = arith.muli %scan3A_1402, %mul3A_1408 : i32
        %get3A_1410 = arith.index_cast %and3A_102 : i32 to index
        %get3A_1411 = arith.index_cast %and3A_510 : i32 to index
        %get3A_1412 = arith.index_cast %mul3A_1409 : i32 to index
        %get3A_1413 = tpu.vector_load %arg5[%get3A_1410, %get3A_1411, %get3A_1412] {strides = array<i32>} : memref<2x16x200xi32, #tpu.memory_space<vmem>>, vector<16xi32>,
        %ne3A_1414 = arith.constant 0 : i32
        %ne3A_1415 = vector.broadcast %ne3A_1414 : i32 to vector<16xi32>
        %ne3A_1416 = arith.cmpi ne, %get3A_1413, %ne3A_1415 : vector<16xi32>
        %all_reduce_population_count3A_1417 = tpu.all_reduce %ne3A_1416 {dim = 0 : i64, kind = #tpu.reduction_kind<sum>} : vector<16xi1> -> vector<16xi32>
        %add3A_1418 = arith.addi %scan3A_1407, %all_reduce_population_count3A_1417 : vector<16xi32>
        %mul3A_1419 = arith.constant 16 : i32
        %mul3A_1420 = arith.muli %scan3A_1402, %mul3A_1419 : i32
        %add3A_1421 = arith.constant 0 : i32
        %add3A_1422 = arith.addi %mul3A_1420, %add3A_1421 : i32
        %get3A_1423 = arith.constant 1 : i32
        %get3A_1424 = arith.index_cast %get3A_1423 : i32 to index
        %get3A_1425 = arith.index_cast %add3A_1422 : i32 to index
        %get3A_1426 = arith.constant 0 : index
        %get3A_1427 = tpu.vector_load %arg6[%get3A_1424, %get3A_1425, %get3A_1426] {strides = array<i32>} : memref<4x200x64xf32, #tpu.memory_space<vmem>>, vector<16xf32>,
        %add3A_1428 = arith.addf %scan3A_1403, %get3A_1427 : vector<16xf32>
        %get3A_1429 = arith.constant 1 : i32
        %get3A_1430 = arith.index_cast %get3A_1429 : i32 to index
        %get3A_1431 = arith.index_cast %add3A_1422 : i32 to index
        %get3A_1432 = arith.constant 16 : index
        %get3A_1433 = tpu.vector_load %arg6[%get3A_1430, %get3A_1431, %get3A_1432] {strides = array<i32>} : memref<4x200x64xf32, #tpu.memory_space<vmem>>, vector<16xf32>,
        %add3A_1434 = arith.addf %scan3A_1404, %get3A_1433 : vector<16xf32>
        %get3A_1435 = arith.constant 1 : i32
        %get3A_1436 = arith.index_cast %get3A_1435 : i32 to index
        %get3A_1437 = arith.index_cast %add3A_1422 : i32 to index
        %get3A_1438 = arith.constant 32 : index
        %get3A_1439 = tpu.vector_load %arg6[%get3A_1436, %get3A_1437, %get3A_1438] {strides = array<i32>} : memref<4x200x64xf32, #tpu.memory_space<vmem>>, vector<16xf32>,
        %add3A_1440 = arith.addf %scan3A_1405, %get3A_1439 : vector<16xf32>
        %get3A_1441 = arith.constant 1 : i32
        %get3A_1442 = arith.index_cast %get3A_1441 : i32 to index
        %get3A_1443 = arith.index_cast %add3A_1422 : i32 to index
        %get3A_1444 = arith.constant 48 : index
        %get3A_1445 = tpu.vector_load %arg6[%get3A_1442, %get3A_1443, %get3A_1444] {strides = array<i32>} : memref<4x200x64xf32, #tpu.memory_space<vmem>>, vector<16xf32>,
        %add3A_1446 = arith.addf %scan3A_1406, %get3A_1445 : vector<16xf32>
        %mul3A_1447 = arith.constant 16 : i32
        %mul3A_1448 = arith.muli %scan3A_1402, %mul3A_1447 : i32
        %add3A_1449 = arith.constant 1 : i32
        %add3A_1450 = arith.addi %mul3A_1448, %add3A_1449 : i32
        %get3A_1451 = arith.constant 1 : i32
        %get3A_1452 = arith.index_cast %get3A_1451 : i32 to index
        %get3A_1453 = arith.index_cast %add3A_1450 : i32 to index
        %get3A_1454 = arith.constant 0 : index
        %get3A_1455 = tpu.vector_load %arg6[%get3A_1452, %get3A_1453, %get3A_1454] {strides = array<i32>} : memref<4x200x64xf32, #tpu.memory_space<vmem>>, vector<16xf32>,
        %add3A_1456 = arith.addf %add3A_1428, %get3A_1455 : vector<16xf32>
        %get3A_1457 = arith.constant 1 : i32
        %get3A_1458 = arith.index_cast %get3A_1457 : i32 to index
        %get3A_1459 = arith.index_cast %add3A_1450 : i32 to index
        %get3A_1460 = arith.constant 16 : index
        %get3A_1461 = tpu.vector_load %arg6[%get3A_1458, %get3A_1459, %get3A_1460] {strides = array<i32>} : memref<4x200x64xf32, #tpu.memory_space<vmem>>, vector<16xf32>,
        %add3A_1462 = arith.addf %add3A_1434, %get3A_1461 : vector<16xf32>
        %get3A_1463 = arith.constant 1 : i32
        %get3A_1464 = arith.index_cast %get3A_1463 : i32 to index
        %get3A_1465 = arith.index_cast %add3A_1450 : i32 to index
        %get3A_1466 = arith.constant 32 : index
        %get3A_1467 = tpu.vector_load %arg6[%get3A_1464, %get3A_1465, %get3A_1466] {strides = array<i32>} : memref<4x200x64xf32, #tpu.memory_space<vmem>>, vector<16xf32>,
        %add3A_1468 = arith.addf %add3A_1440, %get3A_1467 : vector<16xf32>
        %get3A_1469 = arith.constant 1 : i32
        %get3A_1470 = arith.index_cast %get3A_1469 : i32 to index
        %get3A_1471 = arith.index_cast %add3A_1450 : i32 to index
        %get3A_1472 = arith.constant 48 : index
        %get3A_1473 = tpu.vector_load %arg6[%get3A_1470, %get3A_1471, %get3A_1472] {strides = array<i32>} : memref<4x200x64xf32, #tpu.memory_space<vmem>>, vector<16xf32>,
        %add3A_1474 = arith.addf %add3A_1446, %get3A_1473 : vector<16xf32>
        %mul3A_1475 = arith.constant 16 : i32
        %mul3A_1476 = arith.muli %scan3A_1402, %mul3A_1475 : i32
        %add3A_1477 = arith.constant 2 : i32
        %add3A_1478 = arith.addi %mul3A_1476, %add3A_1477 : i32
        %get3A_1479 = arith.constant 1 : i32
        %get3A_1480 = arith.index_cast %get3A_1479 : i32 to index
        %get3A_1481 = arith.index_cast %add3A_1478 : i32 to index
        %get3A_1482 = arith.constant 0 : index
        %get3A_1483 = tpu.vector_load %arg6[%get3A_1480, %get3A_1481, %get3A_1482] {strides = array<i32>} : memref<4x200x64xf32, #tpu.memory_space<vmem>>, vector<16xf32>,
        %add3A_1484 = arith.addf %add3A_1456, %get3A_1483 : vector<16xf32>
        %get3A_1485 = arith.constant 1 : i32
        %get3A_1486 = arith.index_cast %get3A_1485 : i32 to index
        %get3A_1487 = arith.index_cast %add3A_1478 : i32 to index
        %get3A_1488 = arith.constant 16 : index
        %get3A_1489 = tpu.vector_load %arg6[%get3A_1486, %get3A_1487, %get3A_1488] {strides = array<i32>} : memref<4x200x64xf32, #tpu.memory_space<vmem>>, vector<16xf32>,
        %add3A_1490 = arith.addf %add3A_1462, %get3A_1489 : vector<16xf32>
        %get3A_1491 = arith.constant 1 : i32
        %get3A_1492 = arith.index_cast %get3A_1491 : i32 to index
        %get3A_1493 = arith.index_cast %add3A_1478 : i32 to index
        %get3A_1494 = arith.constant 32 : index
        %get3A_1495 = tpu.vector_load %arg6[%get3A_1492, %get3A_1493, %get3A_1494] {strides = array<i32>} : memref<4x200x64xf32, #tpu.memory_space<vmem>>, vector<16xf32>,
        %add3A_1496 = arith.addf %add3A_1468, %get3A_1495 : vector<16xf32>
        %get3A_1497 = arith.constant 1 : i32
        %get3A_1498 = arith.index_cast %get3A_1497 : i32 to index
        %get3A_1499 = arith.index_cast %add3A_1478 : i32 to index
        %get3A_1500 = arith.constant 48 : index
        %get3A_1501 = tpu.vector_load %arg6[%get3A_1498, %get3A_1499, %get3A_1500] {strides = array<i32>} : memref<4x200x64xf32, #tpu.memory_space<vmem>>, vector<16xf32>,
        %add3A_1502 = arith.addf %add3A_1474, %get3A_1501 : vector<16xf32>
        %mul3A_1503 = arith.constant 16 : i32
        %mul3A_1504 = arith.muli %scan3A_1402, %mul3A_1503 : i32
        %add3A_1505 = arith.constant 3 : i32
        %add3A_1506 = arith.addi %mul3A_1504, %add3A_1505 : i32
        %get3A_1507 = arith.constant 1 : i32
        %get3A_1508 = arith.index_cast %get3A_1507 : i32 to index
        %get3A_1509 = arith.index_cast %add3A_1506 : i32 to index
        %get3A_1510 = arith.constant 0 : index
        %get3A_1511 = tpu.vector_load %arg6[%get3A_1508, %get3A_1509, %get3A_1510] {strides = array<i32>} : memref<4x200x64xf32, #tpu.memory_space<vmem>>, vector<16xf32>,
        %add3A_1512 = arith.addf %add3A_1484, %get3A_1511 : vector<16xf32>
        %get3A_1513 = arith.constant 1 : i32
        %get3A_1514 = arith.index_cast %get3A_1513 : i32 to index
        %get3A_1515 = arith.index_cast %add3A_1506 : i32 to index
        %get3A_1516 = arith.constant 16 : index
        %get3A_1517 = tpu.vector_load %arg6[%get3A_1514, %get3A_1515, %get3A_1516] {strides = array<i32>} : memref<4x200x64xf32, #tpu.memory_space<vmem>>, vector<16xf32>,
        %add3A_1518 = arith.addf %add3A_1490, %get3A_1517 : vector<16xf32>
        %get3A_1519 = arith.constant 1 : i32
        %get3A_1520 = arith.index_cast %get3A_1519 : i32 to index
        %get3A_1521 = arith.index_cast %add3A_1506 : i32 to index
        %get3A_1522 = arith.constant 32 : index
        %get3A_1523 = tpu.vector_load %arg6[%get3A_1520, %get3A_1521, %get3A_1522] {strides = array<i32>} : memref<4x200x64xf32, #tpu.memory_space<vmem>>, vector<16xf32>,
        %add3A_1524 = arith.addf %add3A_1496, %get3A_1523 : vector<16xf32>
        %get3A_1525 = arith.constant 1 : i32
        %get3A_1526 = arith.index_cast %get3A_1525 : i32 to index
        %get3A_1527 = arith.index_cast %add3A_1506 : i32 to index
        %get3A_1528 = arith.constant 48 : index
        %get3A_1529 = tpu.vector_load %arg6[%get3A_1526, %get3A_1527, %get3A_1528] {strides = array<i32>} : memref<4x200x64xf32, #tpu.memory_space<vmem>>, vector<16xf32>,
        %add3A_1530 = arith.addf %add3A_1502, %get3A_1529 : vector<16xf32>
        %mul3A_1531 = arith.constant 16 : i32
        %mul3A_1532 = arith.muli %scan3A_1402, %mul3A_1531 : i32
        %add3A_1533 = arith.constant 4 : i32
        %add3A_1534 = arith.addi %mul3A_1532, %add3A_1533 : i32
        %get3A_1535 = arith.constant 1 : i32
        %get3A_1536 = arith.index_cast %get3A_1535 : i32 to index
        %get3A_1537 = arith.index_cast %add3A_1534 : i32 to index
        %get3A_1538 = arith.constant 0 : index
        %get3A_1539 = tpu.vector_load %arg6[%get3A_1536, %get3A_1537, %get3A_1538] {strides = array<i32>} : memref<4x200x64xf32, #tpu.memory_space<vmem>>, vector<16xf32>,
        %add3A_1540 = arith.addf %add3A_1512, %get3A_1539 : vector<16xf32>
        %get3A_1541 = arith.constant 1 : i32
        %get3A_1542 = arith.index_cast %get3A_1541 : i32 to index
        %get3A_1543 = arith.index_cast %add3A_1534 : i32 to index
        %get3A_1544 = arith.constant 16 : index
        %get3A_1545 = tpu.vector_load %arg6[%get3A_1542, %get3A_1543, %get3A_1544] {strides = array<i32>} : memref<4x200x64xf32, #tpu.memory_space<vmem>>, vector<16xf32>,
        %add3A_1546 = arith.addf %add3A_1518, %get3A_1545 : vector<16xf32>
        %get3A_1547 = arith.constant 1 : i32
        %get3A_1548 = arith.index_cast %get3A_1547 : i32 to index
        %get3A_1549 = arith.index_cast %add3A_1534 : i32 to index
        %get3A_1550 = arith.constant 32 : index
        %get3A_1551 = tpu.vector_load %arg6[%get3A_1548, %get3A_1549, %get3A_1550] {strides = array<i32>} : memref<4x200x64xf32, #tpu.memory_space<vmem>>, vector<16xf32>,
        %add3A_1552 = arith.addf %add3A_1524, %get3A_1551 : vector<16xf32>
        %get3A_1553 = arith.constant 1 : i32
        %get3A_1554 = arith.index_cast %get3A_1553 : i32 to index
        %get3A_1555 = arith.index_cast %add3A_1534 : i32 to index
        %get3A_1556 = arith.constant 48 : index
        %get3A_1557 = tpu.vector_load %arg6[%get3A_1554, %get3A_1555, %get3A_1556] {strides = array<i32>} : memref<4x200x64xf32, #tpu.memory_space<vmem>>, vector<16xf32>,
        %add3A_1558 = arith.addf %add3A_1530, %get3A_1557 : vector<16xf32>
        %mul3A_1559 = arith.constant 16 : i32
        %mul3A_1560 = arith.muli %scan3A_1402, %mul3A_1559 : i32
        %add3A_1561 = arith.constant 5 : i32
        %add3A_1562 = arith.addi %mul3A_1560, %add3A_1561 : i32
        %get3A_1563 = arith.constant 1 : i32
        %get3A_1564 = arith.index_cast %get3A_1563 : i32 to index
        %get3A_1565 = arith.index_cast %add3A_1562 : i32 to index
        %get3A_1566 = arith.constant 0 : index
        %get3A_1567 = tpu.vector_load %arg6[%get3A_1564, %get3A_1565, %get3A_1566] {strides = array<i32>} : memref<4x200x64xf32, #tpu.memory_space<vmem>>, vector<16xf32>,
        %add3A_1568 = arith.addf %add3A_1540, %get3A_1567 : vector<16xf32>
        %get3A_1569 = arith.constant 1 : i32
        %get3A_1570 = arith.index_cast %get3A_1569 : i32 to index
        %get3A_1571 = arith.index_cast %add3A_1562 : i32 to index
        %get3A_1572 = arith.constant 16 : index
        %get3A_1573 = tpu.vector_load %arg6[%get3A_1570, %get3A_1571, %get3A_1572] {strides = array<i32>} : memref<4x200x64xf32, #tpu.memory_space<vmem>>, vector<16xf32>,
        %add3A_1574 = arith.addf %add3A_1546, %get3A_1573 : vector<16xf32>
        %get3A_1575 = arith.constant 1 : i32
        %get3A_1576 = arith.index_cast %get3A_1575 : i32 to index
        %get3A_1577 = arith.index_cast %add3A_1562 : i32 to index
        %get3A_1578 = arith.constant 32 : index
        %get3A_1579 = tpu.vector_load %arg6[%get3A_1576, %get3A_1577, %get3A_1578] {strides = array<i32>} : memref<4x200x64xf32, #tpu.memory_space<vmem>>, vector<16xf32>,
        %add3A_1580 = arith.addf %add3A_1552, %get3A_1579 : vector<16xf32>
        %get3A_1581 = arith.constant 1 : i32
        %get3A_1582 = arith.index_cast %get3A_1581 : i32 to index
        %get3A_1583 = arith.index_cast %add3A_1562 : i32 to index
        %get3A_1584 = arith.constant 48 : index
        %get3A_1585 = tpu.vector_load %arg6[%get3A_1582, %get3A_1583, %get3A_1584] {strides = array<i32>} : memref<4x200x64xf32, #tpu.memory_space<vmem>>, vector<16xf32>,
        %add3A_1586 = arith.addf %add3A_1558, %get3A_1585 : vector<16xf32>
        %mul3A_1587 = arith.constant 16 : i32
        %mul3A_1588 = arith.muli %scan3A_1402, %mul3A_1587 : i32
        %add3A_1589 = arith.constant 6 : i32
        %add3A_1590 = arith.addi %mul3A_1588, %add3A_1589 : i32
        %get3A_1591 = arith.constant 1 : i32
        %get3A_1592 = arith.index_cast %get3A_1591 : i32 to index
        %get3A_1593 = arith.index_cast %add3A_1590 : i32 to index
        %get3A_1594 = arith.constant 0 : index
        %get3A_1595 = tpu.vector_load %arg6[%get3A_1592, %get3A_1593, %get3A_1594] {strides = array<i32>} : memref<4x200x64xf32, #tpu.memory_space<vmem>>, vector<16xf32>,
        %add3A_1596 = arith.addf %add3A_1568, %get3A_1595 : vector<16xf32>
        %get3A_1597 = arith.constant 1 : i32
        %get3A_1598 = arith.index_cast %get3A_1597 : i32 to index
        %get3A_1599 = arith.index_cast %add3A_1590 : i32 to index
        %get3A_1600 = arith.constant 16 : index
        %get3A_1601 = tpu.vector_load %arg6[%get3A_1598, %get3A_1599, %get3A_1600] {strides = array<i32>} : memref<4x200x64xf32, #tpu.memory_space<vmem>>, vector<16xf32>,
        %add3A_1602 = arith.addf %add3A_1574, %get3A_1601 : vector<16xf32>
        %get3A_1603 = arith.constant 1 : i32
        %get3A_1604 = arith.index_cast %get3A_1603 : i32 to index
        %get3A_1605 = arith.index_cast %add3A_1590 : i32 to index
        %get3A_1606 = arith.constant 32 : index
        %get3A_1607 = tpu.vector_load %arg6[%get3A_1604, %get3A_1605, %get3A_1606] {strides = array<i32>} : memref<4x200x64xf32, #tpu.memory_space<vmem>>, vector<16xf32>,
        %add3A_1608 = arith.addf %add3A_1580, %get3A_1607 : vector<16xf32>
        %get3A_1609 = arith.constant 1 : i32
        %get3A_1610 = arith.index_cast %get3A_1609 : i32 to index
        %get3A_1611 = arith.index_cast %add3A_1590 : i32 to index
        %get3A_1612 = arith.constant 48 : index
        %get3A_1613 = tpu.vector_load %arg6[%get3A_1610, %get3A_1611, %get3A_1612] {strides = array<i32>} : memref<4x200x64xf32, #tpu.memory_space<vmem>>, vector<16xf32>,
        %add3A_1614 = arith.addf %add3A_1586, %get3A_1613 : vector<16xf32>
        %mul3A_1615 = arith.constant 16 : i32
        %mul3A_1616 = arith.muli %scan3A_1402, %mul3A_1615 : i32
        %add3A_1617 = arith.constant 7 : i32
        %add3A_1618 = arith.addi %mul3A_1616, %add3A_1617 : i32
        %get3A_1619 = arith.constant 1 : i32
        %get3A_1620 = arith.index_cast %get3A_1619 : i32 to index
        %get3A_1621 = arith.index_cast %add3A_1618 : i32 to index
        %get3A_1622 = arith.constant 0 : index
        %get3A_1623 = tpu.vector_load %arg6[%get3A_1620, %get3A_1621, %get3A_1622] {strides = array<i32>} : memref<4x200x64xf32, #tpu.memory_space<vmem>>, vector<16xf32>,
        %add3A_1624 = arith.addf %add3A_1596, %get3A_1623 : vector<16xf32>
        %get3A_1625 = arith.constant 1 : i32
        %get3A_1626 = arith.index_cast %get3A_1625 : i32 to index
        %get3A_1627 = arith.index_cast %add3A_1618 : i32 to index
        %get3A_1628 = arith.constant 16 : index
        %get3A_1629 = tpu.vector_load %arg6[%get3A_1626, %get3A_1627, %get3A_1628] {strides = array<i32>} : memref<4x200x64xf32, #tpu.memory_space<vmem>>, vector<16xf32>,
        %add3A_1630 = arith.addf %add3A_1602, %get3A_1629 : vector<16xf32>
        %get3A_1631 = arith.constant 1 : i32
        %get3A_1632 = arith.index_cast %get3A_1631 : i32 to index
        %get3A_1633 = arith.index_cast %add3A_1618 : i32 to index
        %get3A_1634 = arith.constant 32 : index
        %get3A_1635 = tpu.vector_load %arg6[%get3A_1632, %get3A_1633, %get3A_1634] {strides = array<i32>} : memref<4x200x64xf32, #tpu.memory_space<vmem>>, vector<16xf32>,
        %add3A_1636 = arith.addf %add3A_1608, %get3A_1635 : vector<16xf32>
        %get3A_1637 = arith.constant 1 : i32
        %get3A_1638 = arith.index_cast %get3A_1637 : i32 to index
        %get3A_1639 = arith.index_cast %add3A_1618 : i32 to index
        %get3A_1640 = arith.constant 48 : index
        %get3A_1641 = tpu.vector_load %arg6[%get3A_1638, %get3A_1639, %get3A_1640] {strides = array<i32>} : memref<4x200x64xf32, #tpu.memory_space<vmem>>, vector<16xf32>,
        %add3A_1642 = arith.addf %add3A_1614, %get3A_1641 : vector<16xf32>
        %mul3A_1643 = arith.constant 16 : i32
        %mul3A_1644 = arith.muli %scan3A_1402, %mul3A_1643 : i32
        %add3A_1645 = arith.constant 8 : i32
        %add3A_1646 = arith.addi %mul3A_1644, %add3A_1645 : i32
        %get3A_1647 = arith.constant 1 : i32
        %get3A_1648 = arith.index_cast %get3A_1647 : i32 to index
        %get3A_1649 = arith.index_cast %add3A_1646 : i32 to index
        %get3A_1650 = arith.constant 0 : index
        %get3A_1651 = tpu.vector_load %arg6[%get3A_1648, %get3A_1649, %get3A_1650] {strides = array<i32>} : memref<4x200x64xf32, #tpu.memory_space<vmem>>, vector<16xf32>,
        %add3A_1652 = arith.addf %add3A_1624, %get3A_1651 : vector<16xf32>
        %get3A_1653 = arith.constant 1 : i32
        %get3A_1654 = arith.index_cast %get3A_1653 : i32 to index
        %get3A_1655 = arith.index_cast %add3A_1646 : i32 to index
        %get3A_1656 = arith.constant 16 : index
        %get3A_1657 = tpu.vector_load %arg6[%get3A_1654, %get3A_1655, %get3A_1656] {strides = array<i32>} : memref<4x200x64xf32, #tpu.memory_space<vmem>>, vector<16xf32>,
        %add3A_1658 = arith.addf %add3A_1630, %get3A_1657 : vector<16xf32>
        %get3A_1659 = arith.constant 1 : i32
        %get3A_1660 = arith.index_cast %get3A_1659 : i32 to index
        %get3A_1661 = arith.index_cast %add3A_1646 : i32 to index
        %get3A_1662 = arith.constant 32 : index
        %get3A_1663 = tpu.vector_load %arg6[%get3A_1660, %get3A_1661, %get3A_1662] {strides = array<i32>} : memref<4x200x64xf32, #tpu.memory_space<vmem>>, vector<16xf32>,
        %add3A_1664 = arith.addf %add3A_1636, %get3A_1663 : vector<16xf32>
        %get3A_1665 = arith.constant 1 : i32
        %get3A_1666 = arith.index_cast %get3A_1665 : i32 to index
        %get3A_1667 = arith.index_cast %add3A_1646 : i32 to index
        %get3A_1668 = arith.constant 48 : index
        %get3A_1669 = tpu.vector_load %arg6[%get3A_1666, %get3A_1667, %get3A_1668] {strides = array<i32>} : memref<4x200x64xf32, #tpu.memory_space<vmem>>, vector<16xf32>,
        %add3A_1670 = arith.addf %add3A_1642, %get3A_1669 : vector<16xf32>
        %mul3A_1671 = arith.constant 16 : i32
        %mul3A_1672 = arith.muli %scan3A_1402, %mul3A_1671 : i32
        %add3A_1673 = arith.constant 9 : i32
        %add3A_1674 = arith.addi %mul3A_1672, %add3A_1673 : i32
        %get3A_1675 = arith.constant 1 : i32
        %get3A_1676 = arith.index_cast %get3A_1675 : i32 to index
        %get3A_1677 = arith.index_cast %add3A_1674 : i32 to index
        %get3A_1678 = arith.constant 0 : index
        %get3A_1679 = tpu.vector_load %arg6[%get3A_1676, %get3A_1677, %get3A_1678] {strides = array<i32>} : memref<4x200x64xf32, #tpu.memory_space<vmem>>, vector<16xf32>,
        %add3A_1680 = arith.addf %add3A_1652, %get3A_1679 : vector<16xf32>
        %get3A_1681 = arith.constant 1 : i32
        %get3A_1682 = arith.index_cast %get3A_1681 : i32 to index
        %get3A_1683 = arith.index_cast %add3A_1674 : i32 to index
        %get3A_1684 = arith.constant 16 : index
        %get3A_1685 = tpu.vector_load %arg6[%get3A_1682, %get3A_1683, %get3A_1684] {strides = array<i32>} : memref<4x200x64xf32, #tpu.memory_space<vmem>>, vector<16xf32>,
        %add3A_1686 = arith.addf %add3A_1658, %get3A_1685 : vector<16xf32>
        %get3A_1687 = arith.constant 1 : i32
        %get3A_1688 = arith.index_cast %get3A_1687 : i32 to index
        %get3A_1689 = arith.index_cast %add3A_1674 : i32 to index
        %get3A_1690 = arith.constant 32 : index
        %get3A_1691 = tpu.vector_load %arg6[%get3A_1688, %get3A_1689, %get3A_1690] {strides = array<i32>} : memref<4x200x64xf32, #tpu.memory_space<vmem>>, vector<16xf32>,
        %add3A_1692 = arith.addf %add3A_1664, %get3A_1691 : vector<16xf32>
        %get3A_1693 = arith.constant 1 : i32
        %get3A_1694 = arith.index_cast %get3A_1693 : i32 to index
        %get3A_1695 = arith.index_cast %add3A_1674 : i32 to index
        %get3A_1696 = arith.constant 48 : index
        %get3A_1697 = tpu.vector_load %arg6[%get3A_1694, %get3A_1695, %get3A_1696] {strides = array<i32>} : memref<4x200x64xf32, #tpu.memory_space<vmem>>, vector<16xf32>,
        %add3A_1698 = arith.addf %add3A_1670, %get3A_1697 : vector<16xf32>
        %mul3A_1699 = arith.constant 16 : i32
        %mul3A_1700 = arith.muli %scan3A_1402, %mul3A_1699 : i32
        %add3A_1701 = arith.constant 10 : i32
        %add3A_1702 = arith.addi %mul3A_1700, %add3A_1701 : i32
        %get3A_1703 = arith.constant 1 : i32
        %get3A_1704 = arith.index_cast %get3A_1703 : i32 to index
        %get3A_1705 = arith.index_cast %add3A_1702 : i32 to index
        %get3A_1706 = arith.constant 0 : index
        %get3A_1707 = tpu.vector_load %arg6[%get3A_1704, %get3A_1705, %get3A_1706] {strides = array<i32>} : memref<4x200x64xf32, #tpu.memory_space<vmem>>, vector<16xf32>,
        %add3A_1708 = arith.addf %add3A_1680, %get3A_1707 : vector<16xf32>
        %get3A_1709 = arith.constant 1 : i32
        %get3A_1710 = arith.index_cast %get3A_1709 : i32 to index
        %get3A_1711 = arith.index_cast %add3A_1702 : i32 to index
        %get3A_1712 = arith.constant 16 : index
        %get3A_1713 = tpu.vector_load %arg6[%get3A_1710, %get3A_1711, %get3A_1712] {strides = array<i32>} : memref<4x200x64xf32, #tpu.memory_space<vmem>>, vector<16xf32>,
        %add3A_1714 = arith.addf %add3A_1686, %get3A_1713 : vector<16xf32>
        %get3A_1715 = arith.constant 1 : i32
        %get3A_1716 = arith.index_cast %get3A_1715 : i32 to index
        %get3A_1717 = arith.index_cast %add3A_1702 : i32 to index
        %get3A_1718 = arith.constant 32 : index
        %get3A_1719 = tpu.vector_load %arg6[%get3A_1716, %get3A_1717, %get3A_1718] {strides = array<i32>} : memref<4x200x64xf32, #tpu.memory_space<vmem>>, vector<16xf32>,
        %add3A_1720 = arith.addf %add3A_1692, %get3A_1719 : vector<16xf32>
        %get3A_1721 = arith.constant 1 : i32
        %get3A_1722 = arith.index_cast %get3A_1721 : i32 to index
        %get3A_1723 = arith.index_cast %add3A_1702 : i32 to index
        %get3A_1724 = arith.constant 48 : index
        %get3A_1725 = tpu.vector_load %arg6[%get3A_1722, %get3A_1723, %get3A_1724] {strides = array<i32>} : memref<4x200x64xf32, #tpu.memory_space<vmem>>, vector<16xf32>,
        %add3A_1726 = arith.addf %add3A_1698, %get3A_1725 : vector<16xf32>
        %mul3A_1727 = arith.constant 16 : i32
        %mul3A_1728 = arith.muli %scan3A_1402, %mul3A_1727 : i32
        %add3A_1729 = arith.constant 11 : i32
        %add3A_1730 = arith.addi %mul3A_1728, %add3A_1729 : i32
        %get3A_1731 = arith.constant 1 : i32
        %get3A_1732 = arith.index_cast %get3A_1731 : i32 to index
        %get3A_1733 = arith.index_cast %add3A_1730 : i32 to index
        %get3A_1734 = arith.constant 0 : index
        %get3A_1735 = tpu.vector_load %arg6[%get3A_1732, %get3A_1733, %get3A_1734] {strides = array<i32>} : memref<4x200x64xf32, #tpu.memory_space<vmem>>, vector<16xf32>,
        %add3A_1736 = arith.addf %add3A_1708, %get3A_1735 : vector<16xf32>
        %get3A_1737 = arith.constant 1 : i32
        %get3A_1738 = arith.index_cast %get3A_1737 : i32 to index
        %get3A_1739 = arith.index_cast %add3A_1730 : i32 to index
        %get3A_1740 = arith.constant 16 : index
        %get3A_1741 = tpu.vector_load %arg6[%get3A_1738, %get3A_1739, %get3A_1740] {strides = array<i32>} : memref<4x200x64xf32, #tpu.memory_space<vmem>>, vector<16xf32>,
        %add3A_1742 = arith.addf %add3A_1714, %get3A_1741 : vector<16xf32>
        %get3A_1743 = arith.constant 1 : i32
        %get3A_1744 = arith.index_cast %get3A_1743 : i32 to index
        %get3A_1745 = arith.index_cast %add3A_1730 : i32 to index
        %get3A_1746 = arith.constant 32 : index
        %get3A_1747 = tpu.vector_load %arg6[%get3A_1744, %get3A_1745, %get3A_1746] {strides = array<i32>} : memref<4x200x64xf32, #tpu.memory_space<vmem>>, vector<16xf32>,
        %add3A_1748 = arith.addf %add3A_1720, %get3A_1747 : vector<16xf32>
        %get3A_1749 = arith.constant 1 : i32
        %get3A_1750 = arith.index_cast %get3A_1749 : i32 to index
        %get3A_1751 = arith.index_cast %add3A_1730 : i32 to index
        %get3A_1752 = arith.constant 48 : index
        %get3A_1753 = tpu.vector_load %arg6[%get3A_1750, %get3A_1751, %get3A_1752] {strides = array<i32>} : memref<4x200x64xf32, #tpu.memory_space<vmem>>, vector<16xf32>,
        %add3A_1754 = arith.addf %add3A_1726, %get3A_1753 : vector<16xf32>
        %mul3A_1755 = arith.constant 16 : i32
        %mul3A_1756 = arith.muli %scan3A_1402, %mul3A_1755 : i32
        %add3A_1757 = arith.constant 12 : i32
        %add3A_1758 = arith.addi %mul3A_1756, %add3A_1757 : i32
        %get3A_1759 = arith.constant 1 : i32
        %get3A_1760 = arith.index_cast %get3A_1759 : i32 to index
        %get3A_1761 = arith.index_cast %add3A_1758 : i32 to index
        %get3A_1762 = arith.constant 0 : index
        %get3A_1763 = tpu.vector_load %arg6[%get3A_1760, %get3A_1761, %get3A_1762] {strides = array<i32>} : memref<4x200x64xf32, #tpu.memory_space<vmem>>, vector<16xf32>,
        %add3A_1764 = arith.addf %add3A_1736, %get3A_1763 : vector<16xf32>
        %get3A_1765 = arith.constant 1 : i32
        %get3A_1766 = arith.index_cast %get3A_1765 : i32 to index
        %get3A_1767 = arith.index_cast %add3A_1758 : i32 to index
        %get3A_1768 = arith.constant 16 : index
        %get3A_1769 = tpu.vector_load %arg6[%get3A_1766, %get3A_1767, %get3A_1768] {strides = array<i32>} : memref<4x200x64xf32, #tpu.memory_space<vmem>>, vector<16xf32>,
        %add3A_1770 = arith.addf %add3A_1742, %get3A_1769 : vector<16xf32>
        %get3A_1771 = arith.constant 1 : i32
        %get3A_1772 = arith.index_cast %get3A_1771 : i32 to index
        %get3A_1773 = arith.index_cast %add3A_1758 : i32 to index
        %get3A_1774 = arith.constant 32 : index
        %get3A_1775 = tpu.vector_load %arg6[%get3A_1772, %get3A_1773, %get3A_1774] {strides = array<i32>} : memref<4x200x64xf32, #tpu.memory_space<vmem>>, vector<16xf32>,
        %add3A_1776 = arith.addf %add3A_1748, %get3A_1775 : vector<16xf32>
        %get3A_1777 = arith.constant 1 : i32
        %get3A_1778 = arith.index_cast %get3A_1777 : i32 to index
        %get3A_1779 = arith.index_cast %add3A_1758 : i32 to index
        %get3A_1780 = arith.constant 48 : index
        %get3A_1781 = tpu.vector_load %arg6[%get3A_1778, %get3A_1779, %get3A_1780] {strides = array<i32>} : memref<4x200x64xf32, #tpu.memory_space<vmem>>, vector<16xf32>,
        %add3A_1782 = arith.addf %add3A_1754, %get3A_1781 : vector<16xf32>
        %mul3A_1783 = arith.constant 16 : i32
        %mul3A_1784 = arith.muli %scan3A_1402, %mul3A_1783 : i32
        %add3A_1785 = arith.constant 13 : i32
        %add3A_1786 = arith.addi %mul3A_1784, %add3A_1785 : i32
        %get3A_1787 = arith.constant 1 : i32
        %get3A_1788 = arith.index_cast %get3A_1787 : i32 to index
        %get3A_1789 = arith.index_cast %add3A_1786 : i32 to index
        %get3A_1790 = arith.constant 0 : index
        %get3A_1791 = tpu.vector_load %arg6[%get3A_1788, %get3A_1789, %get3A_1790] {strides = array<i32>} : memref<4x200x64xf32, #tpu.memory_space<vmem>>, vector<16xf32>,
        %add3A_1792 = arith.addf %add3A_1764, %get3A_1791 : vector<16xf32>
        %get3A_1793 = arith.constant 1 : i32
        %get3A_1794 = arith.index_cast %get3A_1793 : i32 to index
        %get3A_1795 = arith.index_cast %add3A_1786 : i32 to index
        %get3A_1796 = arith.constant 16 : index
        %get3A_1797 = tpu.vector_load %arg6[%get3A_1794, %get3A_1795, %get3A_1796] {strides = array<i32>} : memref<4x200x64xf32, #tpu.memory_space<vmem>>, vector<16xf32>,
        %add3A_1798 = arith.addf %add3A_1770, %get3A_1797 : vector<16xf32>
        %get3A_1799 = arith.constant 1 : i32
        %get3A_1800 = arith.index_cast %get3A_1799 : i32 to index
        %get3A_1801 = arith.index_cast %add3A_1786 : i32 to index
        %get3A_1802 = arith.constant 32 : index
        %get3A_1803 = tpu.vector_load %arg6[%get3A_1800, %get3A_1801, %get3A_1802] {strides = array<i32>} : memref<4x200x64xf32, #tpu.memory_space<vmem>>, vector<16xf32>,
        %add3A_1804 = arith.addf %add3A_1776, %get3A_1803 : vector<16xf32>
        %get3A_1805 = arith.constant 1 : i32
        %get3A_1806 = arith.index_cast %get3A_1805 : i32 to index
        %get3A_1807 = arith.index_cast %add3A_1786 : i32 to index
        %get3A_1808 = arith.constant 48 : index
        %get3A_1809 = tpu.vector_load %arg6[%get3A_1806, %get3A_1807, %get3A_1808] {strides = array<i32>} : memref<4x200x64xf32, #tpu.memory_space<vmem>>, vector<16xf32>,
        %add3A_1810 = arith.addf %add3A_1782, %get3A_1809 : vector<16xf32>
        %mul3A_1811 = arith.constant 16 : i32
        %mul3A_1812 = arith.muli %scan3A_1402, %mul3A_1811 : i32
        %add3A_1813 = arith.constant 14 : i32
        %add3A_1814 = arith.addi %mul3A_1812, %add3A_1813 : i32
        %get3A_1815 = arith.constant 1 : i32
        %get3A_1816 = arith.index_cast %get3A_1815 : i32 to index
        %get3A_1817 = arith.index_cast %add3A_1814 : i32 to index
        %get3A_1818 = arith.constant 0 : index
        %get3A_1819 = tpu.vector_load %arg6[%get3A_1816, %get3A_1817, %get3A_1818] {strides = array<i32>} : memref<4x200x64xf32, #tpu.memory_space<vmem>>, vector<16xf32>,
        %add3A_1820 = arith.addf %add3A_1792, %get3A_1819 : vector<16xf32>
        %get3A_1821 = arith.constant 1 : i32
        %get3A_1822 = arith.index_cast %get3A_1821 : i32 to index
        %get3A_1823 = arith.index_cast %add3A_1814 : i32 to index
        %get3A_1824 = arith.constant 16 : index
        %get3A_1825 = tpu.vector_load %arg6[%get3A_1822, %get3A_1823, %get3A_1824] {strides = array<i32>} : memref<4x200x64xf32, #tpu.memory_space<vmem>>, vector<16xf32>,
        %add3A_1826 = arith.addf %add3A_1798, %get3A_1825 : vector<16xf32>
        %get3A_1827 = arith.constant 1 : i32
        %get3A_1828 = arith.index_cast %get3A_1827 : i32 to index
        %get3A_1829 = arith.index_cast %add3A_1814 : i32 to index
        %get3A_1830 = arith.constant 32 : index
        %get3A_1831 = tpu.vector_load %arg6[%get3A_1828, %get3A_1829, %get3A_1830] {strides = array<i32>} : memref<4x200x64xf32, #tpu.memory_space<vmem>>, vector<16xf32>,
        %add3A_1832 = arith.addf %add3A_1804, %get3A_1831 : vector<16xf32>
        %get3A_1833 = arith.constant 1 : i32
        %get3A_1834 = arith.index_cast %get3A_1833 : i32 to index
        %get3A_1835 = arith.index_cast %add3A_1814 : i32 to index
        %get3A_1836 = arith.constant 48 : index
        %get3A_1837 = tpu.vector_load %arg6[%get3A_1834, %get3A_1835, %get3A_1836] {strides = array<i32>} : memref<4x200x64xf32, #tpu.memory_space<vmem>>, vector<16xf32>,
        %add3A_1838 = arith.addf %add3A_1810, %get3A_1837 : vector<16xf32>
        %mul3A_1839 = arith.constant 16 : i32
        %mul3A_1840 = arith.muli %scan3A_1402, %mul3A_1839 : i32
        %add3A_1841 = arith.constant 15 : i32
        %add3A_1842 = arith.addi %mul3A_1840, %add3A_1841 : i32
        %get3A_1843 = arith.constant 1 : i32
        %get3A_1844 = arith.index_cast %get3A_1843 : i32 to index
        %get3A_1845 = arith.index_cast %add3A_1842 : i32 to index
        %get3A_1846 = arith.constant 0 : index
        %get3A_1847 = tpu.vector_load %arg6[%get3A_1844, %get3A_1845, %get3A_1846] {strides = array<i32>} : memref<4x200x64xf32, #tpu.memory_space<vmem>>, vector<16xf32>,
        %add3A_1848 = arith.addf %add3A_1820, %get3A_1847 : vector<16xf32>
        %get3A_1849 = arith.constant 1 : i32
        %get3A_1850 = arith.index_cast %get3A_1849 : i32 to index
        %get3A_1851 = arith.index_cast %add3A_1842 : i32 to index
        %get3A_1852 = arith.constant 16 : index
        %get3A_1853 = tpu.vector_load %arg6[%get3A_1850, %get3A_1851, %get3A_1852] {strides = array<i32>} : memref<4x200x64xf32, #tpu.memory_space<vmem>>, vector<16xf32>,
        %add3A_1854 = arith.addf %add3A_1826, %get3A_1853 : vector<16xf32>
        %get3A_1855 = arith.constant 1 : i32
        %get3A_1856 = arith.index_cast %get3A_1855 : i32 to index
        %get3A_1857 = arith.index_cast %add3A_1842 : i32 to index
        %get3A_1858 = arith.constant 32 : index
        %get3A_1859 = tpu.vector_load %arg6[%get3A_1856, %get3A_1857, %get3A_1858] {strides = array<i32>} : memref<4x200x64xf32, #tpu.memory_space<vmem>>, vector<16xf32>,
        %add3A_1860 = arith.addf %add3A_1832, %get3A_1859 : vector<16xf32>
        %get3A_1861 = arith.constant 1 : i32
        %get3A_1862 = arith.index_cast %get3A_1861 : i32 to index
        %get3A_1863 = arith.index_cast %add3A_1842 : i32 to index
        %get3A_1864 = arith.constant 48 : index
        %get3A_1865 = tpu.vector_load %arg6[%get3A_1862, %get3A_1863, %get3A_1864] {strides = array<i32>} : memref<4x200x64xf32, #tpu.memory_space<vmem>>, vector<16xf32>,
        %add3A_1866 = arith.addf %add3A_1838, %get3A_1865 : vector<16xf32>
        scf.yield %add3A_1848, %add3A_1854, %add3A_1860, %add3A_1866, %add3A_1418 : vector<16xf32>, vector<16xf32>, vector<16xf32>, vector<16xf32>, vector<16xi32>
      }
      %scan3A_520 = arith.constant 12 : i32
      %get3A_521 = arith.index_cast %and3A_102 : i32 to index
      %get3A_522 = arith.index_cast %and3A_510 : i32 to index
      %get3A_523 = arith.constant 184 : index
      %get3A_524 = tpu.vector_load %arg5[%get3A_521, %get3A_522, %get3A_523] {strides = array<i32>} : memref<2x16x200xi32, #tpu.memory_space<vmem>>, vector<16xi32>,
      %iota3A_525 = tpu.iota {dimensions = array<i32: 0>} : vector<16xi32>
      %ge3A_526 = arith.constant 8 : i32
      %ge3A_527 = vector.broadcast %ge3A_526 : i32 to vector<16xi32>
      %ge3A_528 = arith.cmpi sge, %iota3A_525, %ge3A_527 : vector<16xi32>
      %ne3A_529 = arith.constant 0 : i32
      %ne3A_530 = vector.broadcast %ne3A_529 : i32 to vector<16xi32>
      %ne3A_531 = arith.cmpi ne, %get3A_524, %ne3A_530 : vector<16xi32>
      %and3A_532 = arith.andi %ge3A_528, %ne3A_531 : vector<16xi1>
      %all_reduce_population_count3A_533 = tpu.all_reduce %and3A_532 {dim = 0 : i64, kind = #tpu.reduction_kind<sum>} : vector<16xi1> -> vector<16xi32>
      %add3A_534 = arith.addi %scan3A_519#4, %all_reduce_population_count3A_533 : vector<16xi32>
      %get3A_535 = arith.constant 1 : i32
      %get3A_536 = arith.constant 192 : i32
      %get3A_537 = arith.index_cast %get3A_535 : i32 to index
      %get3A_538 = arith.index_cast %get3A_536 : i32 to index
      %get3A_539 = arith.constant 0 : index
      %get3A_540 = tpu.vector_load %arg6[%get3A_537, %get3A_538, %get3A_539] {strides = array<i32>} : memref<4x200x64xf32, #tpu.memory_space<vmem>>, vector<16xf32>,
      %add3A_541 = arith.addf %scan3A_519#0, %get3A_540 : vector<16xf32>
      %get3A_542 = arith.constant 1 : i32
      %get3A_543 = arith.constant 192 : i32
      %get3A_544 = arith.index_cast %get3A_542 : i32 to index
      %get3A_545 = arith.index_cast %get3A_543 : i32 to index
      %get3A_546 = arith.constant 16 : index
      %get3A_547 = tpu.vector_load %arg6[%get3A_544, %get3A_545, %get3A_546] {strides = array<i32>} : memref<4x200x64xf32, #tpu.memory_space<vmem>>, vector<16xf32>,
      %add3A_548 = arith.addf %scan3A_519#1, %get3A_547 : vector<16xf32>
      %get3A_549 = arith.constant 1 : i32
      %get3A_550 = arith.constant 192 : i32
      %get3A_551 = arith.index_cast %get3A_549 : i32 to index
      %get3A_552 = arith.index_cast %get3A_550 : i32 to index
      %get3A_553 = arith.constant 32 : index
      %get3A_554 = tpu.vector_load %arg6[%get3A_551, %get3A_552, %get3A_553] {strides = array<i32>} : memref<4x200x64xf32, #tpu.memory_space<vmem>>, vector<16xf32>,
      %add3A_555 = arith.addf %scan3A_519#2, %get3A_554 : vector<16xf32>
      %get3A_556 = arith.constant 1 : i32
      %get3A_557 = arith.constant 192 : i32
      %get3A_558 = arith.index_cast %get3A_556 : i32 to index
      %get3A_559 = arith.index_cast %get3A_557 : i32 to index
      %get3A_560 = arith.constant 48 : index
      %get3A_561 = tpu.vector_load %arg6[%get3A_558, %get3A_559, %get3A_560] {strides = array<i32>} : memref<4x200x64xf32, #tpu.memory_space<vmem>>, vector<16xf32>,
      %add3A_562 = arith.addf %scan3A_519#3, %get3A_561 : vector<16xf32>
      %get3A_563 = arith.constant 1 : i32
      %get3A_564 = arith.constant 193 : i32
      %get3A_565 = arith.index_cast %get3A_563 : i32 to index
      %get3A_566 = arith.index_cast %get3A_564 : i32 to index
      %get3A_567 = arith.constant 0 : index
      %get3A_568 = tpu.vector_load %arg6[%get3A_565, %get3A_566, %get3A_567] {strides = array<i32>} : memref<4x200x64xf32, #tpu.memory_space<vmem>>, vector<16xf32>,
      %add3A_569 = arith.addf %add3A_541, %get3A_568 : vector<16xf32>
      %get3A_570 = arith.constant 1 : i32
      %get3A_571 = arith.constant 193 : i32
      %get3A_572 = arith.index_cast %get3A_570 : i32 to index
      %get3A_573 = arith.index_cast %get3A_571 : i32 to index
      %get3A_574 = arith.constant 16 : index
      %get3A_575 = tpu.vector_load %arg6[%get3A_572, %get3A_573, %get3A_574] {strides = array<i32>} : memref<4x200x64xf32, #tpu.memory_space<vmem>>, vector<16xf32>,
      %add3A_576 = arith.addf %add3A_548, %get3A_575 : vector<16xf32>
      %get3A_577 = arith.constant 1 : i32
      %get3A_578 = arith.constant 193 : i32
      %get3A_579 = arith.index_cast %get3A_577 : i32 to index
      %get3A_580 = arith.index_cast %get3A_578 : i32 to index
      %get3A_581 = arith.constant 32 : index
      %get3A_582 = tpu.vector_load %arg6[%get3A_579, %get3A_580, %get3A_581] {strides = array<i32>} : memref<4x200x64xf32, #tpu.memory_space<vmem>>, vector<16xf32>,
      %add3A_583 = arith.addf %add3A_555, %get3A_582 : vector<16xf32>
      %get3A_584 = arith.constant 1 : i32
      %get3A_585 = arith.constant 193 : i32
      %get3A_586 = arith.index_cast %get3A_584 : i32 to index
      %get3A_587 = arith.index_cast %get3A_585 : i32 to index
      %get3A_588 = arith.constant 48 : index
      %get3A_589 = tpu.vector_load %arg6[%get3A_586, %get3A_587, %get3A_588] {strides = array<i32>} : memref<4x200x64xf32, #tpu.memory_space<vmem>>, vector<16xf32>,
      %add3A_590 = arith.addf %add3A_562, %get3A_589 : vector<16xf32>
      %get3A_591 = arith.constant 1 : i32
      %get3A_592 = arith.constant 194 : i32
      %get3A_593 = arith.index_cast %get3A_591 : i32 to index
      %get3A_594 = arith.index_cast %get3A_592 : i32 to index
      %get3A_595 = arith.constant 0 : index
      %get3A_596 = tpu.vector_load %arg6[%get3A_593, %get3A_594, %get3A_595] {strides = array<i32>} : memref<4x200x64xf32, #tpu.memory_space<vmem>>, vector<16xf32>,
      %add3A_597 = arith.addf %add3A_569, %get3A_596 : vector<16xf32>
      %get3A_598 = arith.constant 1 : i32
      %get3A_599 = arith.constant 194 : i32
      %get3A_600 = arith.index_cast %get3A_598 : i32 to index
      %get3A_601 = arith.index_cast %get3A_599 : i32 to index
      %get3A_602 = arith.constant 16 : index
      %get3A_603 = tpu.vector_load %arg6[%get3A_600, %get3A_601, %get3A_602] {strides = array<i32>} : memref<4x200x64xf32, #tpu.memory_space<vmem>>, vector<16xf32>,
      %add3A_604 = arith.addf %add3A_576, %get3A_603 : vector<16xf32>
      %get3A_605 = arith.constant 1 : i32
      %get3A_606 = arith.constant 194 : i32
      %get3A_607 = arith.index_cast %get3A_605 : i32 to index
      %get3A_608 = arith.index_cast %get3A_606 : i32 to index
      %get3A_609 = arith.constant 32 : index
      %get3A_610 = tpu.vector_load %arg6[%get3A_607, %get3A_608, %get3A_609] {strides = array<i32>} : memref<4x200x64xf32, #tpu.memory_space<vmem>>, vector<16xf32>,
      %add3A_611 = arith.addf %add3A_583, %get3A_610 : vector<16xf32>
      %get3A_612 = arith.constant 1 : i32
      %get3A_613 = arith.constant 194 : i32
      %get3A_614 = arith.index_cast %get3A_612 : i32 to index
      %get3A_615 = arith.index_cast %get3A_613 : i32 to index
      %get3A_616 = arith.constant 48 : index
      %get3A_617 = tpu.vector_load %arg6[%get3A_614, %get3A_615, %get3A_616] {strides = array<i32>} : memref<4x200x64xf32, #tpu.memory_space<vmem>>, vector<16xf32>,
      %add3A_618 = arith.addf %add3A_590, %get3A_617 : vector<16xf32>
      %get3A_619 = arith.constant 1 : i32
      %get3A_620 = arith.constant 195 : i32
      %get3A_621 = arith.index_cast %get3A_619 : i32 to index
      %get3A_622 = arith.index_cast %get3A_620 : i32 to index
      %get3A_623 = arith.constant 0 : index
      %get3A_624 = tpu.vector_load %arg6[%get3A_621, %get3A_622, %get3A_623] {strides = array<i32>} : memref<4x200x64xf32, #tpu.memory_space<vmem>>, vector<16xf32>,
      %add3A_625 = arith.addf %add3A_597, %get3A_624 : vector<16xf32>
      %get3A_626 = arith.constant 1 : i32
      %get3A_627 = arith.constant 195 : i32
      %get3A_628 = arith.index_cast %get3A_626 : i32 to index
      %get3A_629 = arith.index_cast %get3A_627 : i32 to index
      %get3A_630 = arith.constant 16 : index
      %get3A_631 = tpu.vector_load %arg6[%get3A_628, %get3A_629, %get3A_630] {strides = array<i32>} : memref<4x200x64xf32, #tpu.memory_space<vmem>>, vector<16xf32>,
      %add3A_632 = arith.addf %add3A_604, %get3A_631 : vector<16xf32>
      %get3A_633 = arith.constant 1 : i32
      %get3A_634 = arith.constant 195 : i32
      %get3A_635 = arith.index_cast %get3A_633 : i32 to index
      %get3A_636 = arith.index_cast %get3A_634 : i32 to index
      %get3A_637 = arith.constant 32 : index
      %get3A_638 = tpu.vector_load %arg6[%get3A_635, %get3A_636, %get3A_637] {strides = array<i32>} : memref<4x200x64xf32, #tpu.memory_space<vmem>>, vector<16xf32>,
      %add3A_639 = arith.addf %add3A_611, %get3A_638 : vector<16xf32>
      %get3A_640 = arith.constant 1 : i32
      %get3A_641 = arith.constant 195 : i32
      %get3A_642 = arith.index_cast %get3A_640 : i32 to index
      %get3A_643 = arith.index_cast %get3A_641 : i32 to index
      %get3A_644 = arith.constant 48 : index
      %get3A_645 = tpu.vector_load %arg6[%get3A_642, %get3A_643, %get3A_644] {strides = array<i32>} : memref<4x200x64xf32, #tpu.memory_space<vmem>>, vector<16xf32>,
      %add3A_646 = arith.addf %add3A_618, %get3A_645 : vector<16xf32>
      %get3A_647 = arith.constant 1 : i32
      %get3A_648 = arith.constant 196 : i32
      %get3A_649 = arith.index_cast %get3A_647 : i32 to index
      %get3A_650 = arith.index_cast %get3A_648 : i32 to index
      %get3A_651 = arith.constant 0 : index
      %get3A_652 = tpu.vector_load %arg6[%get3A_649, %get3A_650, %get3A_651] {strides = array<i32>} : memref<4x200x64xf32, #tpu.memory_space<vmem>>, vector<16xf32>,
      %add3A_653 = arith.addf %add3A_625, %get3A_652 : vector<16xf32>
      %get3A_654 = arith.constant 1 : i32
      %get3A_655 = arith.constant 196 : i32
      %get3A_656 = arith.index_cast %get3A_654 : i32 to index
      %get3A_657 = arith.index_cast %get3A_655 : i32 to index
      %get3A_658 = arith.constant 16 : index
      %get3A_659 = tpu.vector_load %arg6[%get3A_656, %get3A_657, %get3A_658] {strides = array<i32>} : memref<4x200x64xf32, #tpu.memory_space<vmem>>, vector<16xf32>,
      %add3A_660 = arith.addf %add3A_632, %get3A_659 : vector<16xf32>
      %get3A_661 = arith.constant 1 : i32
      %get3A_662 = arith.constant 196 : i32
      %get3A_663 = arith.index_cast %get3A_661 : i32 to index
      %get3A_664 = arith.index_cast %get3A_662 : i32 to index
      %get3A_665 = arith.constant 32 : index
      %get3A_666 = tpu.vector_load %arg6[%get3A_663, %get3A_664, %get3A_665] {strides = array<i32>} : memref<4x200x64xf32, #tpu.memory_space<vmem>>, vector<16xf32>,
      %add3A_667 = arith.addf %add3A_639, %get3A_666 : vector<16xf32>
      %get3A_668 = arith.constant 1 : i32
      %get3A_669 = arith.constant 196 : i32
      %get3A_670 = arith.index_cast %get3A_668 : i32 to index
      %get3A_671 = arith.index_cast %get3A_669 : i32 to index
      %get3A_672 = arith.constant 48 : index
      %get3A_673 = tpu.vector_load %arg6[%get3A_670, %get3A_671, %get3A_672] {strides = array<i32>} : memref<4x200x64xf32, #tpu.memory_space<vmem>>, vector<16xf32>,
      %add3A_674 = arith.addf %add3A_646, %get3A_673 : vector<16xf32>
      %get3A_675 = arith.constant 1 : i32
      %get3A_676 = arith.constant 197 : i32
      %get3A_677 = arith.index_cast %get3A_675 : i32 to index
      %get3A_678 = arith.index_cast %get3A_676 : i32 to index
      %get3A_679 = arith.constant 0 : index
      %get3A_680 = tpu.vector_load %arg6[%get3A_677, %get3A_678, %get3A_679] {strides = array<i32>} : memref<4x200x64xf32, #tpu.memory_space<vmem>>, vector<16xf32>,
      %add3A_681 = arith.addf %add3A_653, %get3A_680 : vector<16xf32>
      %get3A_682 = arith.constant 1 : i32
      %get3A_683 = arith.constant 197 : i32
      %get3A_684 = arith.index_cast %get3A_682 : i32 to index
      %get3A_685 = arith.index_cast %get3A_683 : i32 to index
      %get3A_686 = arith.constant 16 : index
      %get3A_687 = tpu.vector_load %arg6[%get3A_684, %get3A_685, %get3A_686] {strides = array<i32>} : memref<4x200x64xf32, #tpu.memory_space<vmem>>, vector<16xf32>,
      %add3A_688 = arith.addf %add3A_660, %get3A_687 : vector<16xf32>
      %get3A_689 = arith.constant 1 : i32
      %get3A_690 = arith.constant 197 : i32
      %get3A_691 = arith.index_cast %get3A_689 : i32 to index
      %get3A_692 = arith.index_cast %get3A_690 : i32 to index
      %get3A_693 = arith.constant 32 : index
      %get3A_694 = tpu.vector_load %arg6[%get3A_691, %get3A_692, %get3A_693] {strides = array<i32>} : memref<4x200x64xf32, #tpu.memory_space<vmem>>, vector<16xf32>,
      %add3A_695 = arith.addf %add3A_667, %get3A_694 : vector<16xf32>
      %get3A_696 = arith.constant 1 : i32
      %get3A_697 = arith.constant 197 : i32
      %get3A_698 = arith.index_cast %get3A_696 : i32 to index
      %get3A_699 = arith.index_cast %get3A_697 : i32 to index
      %get3A_700 = arith.constant 48 : index
      %get3A_701 = tpu.vector_load %arg6[%get3A_698, %get3A_699, %get3A_700] {strides = array<i32>} : memref<4x200x64xf32, #tpu.memory_space<vmem>>, vector<16xf32>,
      %add3A_702 = arith.addf %add3A_674, %get3A_701 : vector<16xf32>
      %get3A_703 = arith.constant 1 : i32
      %get3A_704 = arith.constant 198 : i32
      %get3A_705 = arith.index_cast %get3A_703 : i32 to index
      %get3A_706 = arith.index_cast %get3A_704 : i32 to index
      %get3A_707 = arith.constant 0 : index
      %get3A_708 = tpu.vector_load %arg6[%get3A_705, %get3A_706, %get3A_707] {strides = array<i32>} : memref<4x200x64xf32, #tpu.memory_space<vmem>>, vector<16xf32>,
      %add3A_709 = arith.addf %add3A_681, %get3A_708 : vector<16xf32>
      %get3A_710 = arith.constant 1 : i32
      %get3A_711 = arith.constant 198 : i32
      %get3A_712 = arith.index_cast %get3A_710 : i32 to index
      %get3A_713 = arith.index_cast %get3A_711 : i32 to index
      %get3A_714 = arith.constant 16 : index
      %get3A_715 = tpu.vector_load %arg6[%get3A_712, %get3A_713, %get3A_714] {strides = array<i32>} : memref<4x200x64xf32, #tpu.memory_space<vmem>>, vector<16xf32>,
      %add3A_716 = arith.addf %add3A_688, %get3A_715 : vector<16xf32>
      %get3A_717 = arith.constant 1 : i32
      %get3A_718 = arith.constant 198 : i32
      %get3A_719 = arith.index_cast %get3A_717 : i32 to index
      %get3A_720 = arith.index_cast %get3A_718 : i32 to index
      %get3A_721 = arith.constant 32 : index
      %get3A_722 = tpu.vector_load %arg6[%get3A_719, %get3A_720, %get3A_721] {strides = array<i32>} : memref<4x200x64xf32, #tpu.memory_space<vmem>>, vector<16xf32>,
      %add3A_723 = arith.addf %add3A_695, %get3A_722 : vector<16xf32>
      %get3A_724 = arith.constant 1 : i32
      %get3A_725 = arith.constant 198 : i32
      %get3A_726 = arith.index_cast %get3A_724 : i32 to index
      %get3A_727 = arith.index_cast %get3A_725 : i32 to index
      %get3A_728 = arith.constant 48 : index
      %get3A_729 = tpu.vector_load %arg6[%get3A_726, %get3A_727, %get3A_728] {strides = array<i32>} : memref<4x200x64xf32, #tpu.memory_space<vmem>>, vector<16xf32>,
      %add3A_730 = arith.addf %add3A_702, %get3A_729 : vector<16xf32>
      %get3A_731 = arith.constant 1 : i32
      %get3A_732 = arith.constant 199 : i32
      %get3A_733 = arith.index_cast %get3A_731 : i32 to index
      %get3A_734 = arith.index_cast %get3A_732 : i32 to index
      %get3A_735 = arith.constant 0 : index
      %get3A_736 = tpu.vector_load %arg6[%get3A_733, %get3A_734, %get3A_735] {strides = array<i32>} : memref<4x200x64xf32, #tpu.memory_space<vmem>>, vector<16xf32>,
      %add3A_737 = arith.addf %add3A_709, %get3A_736 : vector<16xf32>
      %get3A_738 = arith.constant 1 : i32
      %get3A_739 = arith.constant 199 : i32
      %get3A_740 = arith.index_cast %get3A_738 : i32 to index
      %get3A_741 = arith.index_cast %get3A_739 : i32 to index
      %get3A_742 = arith.constant 16 : index
      %get3A_743 = tpu.vector_load %arg6[%get3A_740, %get3A_741, %get3A_742] {strides = array<i32>} : memref<4x200x64xf32, #tpu.memory_space<vmem>>, vector<16xf32>,
      %add3A_744 = arith.addf %add3A_716, %get3A_743 : vector<16xf32>
      %get3A_745 = arith.constant 1 : i32
      %get3A_746 = arith.constant 199 : i32
      %get3A_747 = arith.index_cast %get3A_745 : i32 to index
      %get3A_748 = arith.index_cast %get3A_746 : i32 to index
      %get3A_749 = arith.constant 32 : index
      %get3A_750 = tpu.vector_load %arg6[%get3A_747, %get3A_748, %get3A_749] {strides = array<i32>} : memref<4x200x64xf32, #tpu.memory_space<vmem>>, vector<16xf32>,
      %add3A_751 = arith.addf %add3A_723, %get3A_750 : vector<16xf32>
      %get3A_752 = arith.constant 1 : i32
      %get3A_753 = arith.constant 199 : i32
      %get3A_754 = arith.index_cast %get3A_752 : i32 to index
      %get3A_755 = arith.index_cast %get3A_753 : i32 to index
      %get3A_756 = arith.constant 48 : index
      %get3A_757 = tpu.vector_load %arg6[%get3A_754, %get3A_755, %get3A_756] {strides = array<i32>} : memref<4x200x64xf32, #tpu.memory_space<vmem>>, vector<16xf32>,
      %add3A_758 = arith.addf %add3A_730, %get3A_757 : vector<16xf32>
      %convert_element_type3A_759 = arith.sitofp %add3A_534 : vector<16xi32> to vector<16xf32>
      %max3A_760 = arith.constant 1.000000e+00 : f32
      %max3A_761 = vector.broadcast %max3A_760 : f32 to vector<16xf32>
      %max3A_762 = arith.maximumf %convert_element_type3A_759, %max3A_761 : vector<16xf32>
      %div3A_763 = arith.constant 1.000000e+00 : f32
      %div3A_764 = vector.broadcast %div3A_763 : f32 to vector<16xf32>
      %div3A_765 = arith.divf %div3A_764, %max3A_762 : vector<16xf32>
      %mul3A_766 = arith.mulf %add3A_737, %div3A_765 : vector<16xf32>
      %swap3A_767 = arith.index_cast %add3A_473 : i32 to index
      %swap3A_768 = arith.constant 0 : index
      %swap3A_769 = tpu.vector_load %arg7[%swap3A_767, %swap3A_768] {strides = array<i32>} : memref<512x64xf32, #tpu.memory_space<vmem>>, vector<16xf32>,
      tpu.vector_store %arg7[%swap3A_767, %swap3A_768], %mul3A_766 {strides = array<i32>} : memref<512x64xf32, #tpu.memory_space<vmem>>, vector<16xf32>,
      %mul3A_770 = arith.mulf %add3A_744, %div3A_765 : vector<16xf32>
      %swap3A_771 = arith.index_cast %add3A_473 : i32 to index
      %swap3A_772 = arith.constant 16 : index
      %swap3A_773 = tpu.vector_load %arg7[%swap3A_771, %swap3A_772] {strides = array<i32>} : memref<512x64xf32, #tpu.memory_space<vmem>>, vector<16xf32>,
      tpu.vector_store %arg7[%swap3A_771, %swap3A_772], %mul3A_770 {strides = array<i32>} : memref<512x64xf32, #tpu.memory_space<vmem>>, vector<16xf32>,
      %mul3A_774 = arith.mulf %add3A_751, %div3A_765 : vector<16xf32>
      %swap3A_775 = arith.index_cast %add3A_473 : i32 to index
      %swap3A_776 = arith.constant 32 : index
      %swap3A_777 = tpu.vector_load %arg7[%swap3A_775, %swap3A_776] {strides = array<i32>} : memref<512x64xf32, #tpu.memory_space<vmem>>, vector<16xf32>,
      tpu.vector_store %arg7[%swap3A_775, %swap3A_776], %mul3A_774 {strides = array<i32>} : memref<512x64xf32, #tpu.memory_space<vmem>>, vector<16xf32>,
      %mul3A_778 = arith.mulf %add3A_758, %div3A_765 : vector<16xf32>
      %swap3A_779 = arith.index_cast %add3A_473 : i32 to index
      %swap3A_780 = arith.constant 48 : index
      %swap3A_781 = tpu.vector_load %arg7[%swap3A_779, %swap3A_780] {strides = array<i32>} : memref<512x64xf32, #tpu.memory_space<vmem>>, vector<16xf32>,
      tpu.vector_store %arg7[%swap3A_779, %swap3A_780], %mul3A_778 {strides = array<i32>} : memref<512x64xf32, #tpu.memory_space<vmem>>, vector<16xf32>,
      %add3A_782 = arith.constant 2 : i32
      %add3A_783 = arith.addi %mul3A_104, %add3A_782 : i32
      %add3A_784 = arith.constant 4 : i32
      %add3A_785 = arith.addi %add3A_783, %add3A_784 : i32
      %sub3A_786 = arith.constant 1 : i32
      %sub3A_787 = arith.subi %add3A_785, %sub3A_786 : i32
      %dma_wait3A_788 = arith.constant 0 : i32
      %dma_wait3A_789 = arith.constant 0 : i32
      %dma_wait3A_790 = arith.constant 2 : i32
      %dma_wait3A_791 = arith.constant 0 : i32
      %dma_wait3A_792 = arith.constant 0 : i32
      %dma_wait3A_793 = tpu.memref_slice %arg6[%dma_wait3A_790, %dma_wait3A_791, %dma_wait3A_792] : memref<4x200x64xf32, #tpu.memory_space<vmem>> -> memref<1x128x64xf32, #tpu.memory_space<vmem>>
      %dma_wait3A_794 = tpu.memref_squeeze %dma_wait3A_793 : memref<1x128x64xf32, #tpu.memory_space<vmem>> -> memref<128x64xf32, #tpu.memory_space<vmem>>
      %dma_wait3A_795 = arith.constant 0 : i32
      %dma_wait3A_796 = tpu.memref_slice %arg5[%dma_wait3A_788, %dma_wait3A_789, %dma_wait3A_795] : memref<2x16x200xi32, #tpu.memory_space<vmem>> -> memref<1x1x128xi32, #tpu.memory_space<vmem>>
      %dma_wait3A_797 = tpu.memref_squeeze %dma_wait3A_796 : memref<1x1x128xi32, #tpu.memory_space<vmem>> -> memref<128xi32, #tpu.memory_space<vmem>>
      %dma_wait3A_798 = arith.constant 0 : i32
      %dma_wait3A_799 = arith.constant 0 : i32
      %dma_wait3A_800 = tpu.memref_slice %arg3[%dma_wait3A_798, %dma_wait3A_799] : memref<1000000x64xf32, #tpu.memory_space<hbm>> -> memref<1000000x64xf32, #tpu.memory_space<hbm>>
      tpu.wait_indirect_dma semaphore(%arg11 : memref<!tpu.dma_semaphore, #tpu.memory_space<semaphore_mem>>) src(%dma_wait3A_800 : memref<1000000x64xf32, #tpu.memory_space<hbm>>) dst(%dma_wait3A_794 : memref<128x64xf32, #tpu.memory_space<vmem>>)
      %dma_wait3A_801 = arith.constant 0 : i32
      %dma_wait3A_802 = arith.constant 0 : i32
      %dma_wait3A_803 = arith.constant 2 : i32
      %dma_wait3A_804 = arith.constant 128 : i32
      %dma_wait3A_805 = arith.constant 0 : i32
      %dma_wait3A_806 = tpu.memref_slice %arg6[%dma_wait3A_803, %dma_wait3A_804, %dma_wait3A_805] : memref<4x200x64xf32, #tpu.memory_space<vmem>> -> memref<1x72x64xf32, #tpu.memory_space<vmem>>
      %dma_wait3A_807 = tpu.memref_squeeze %dma_wait3A_806 : memref<1x72x64xf32, #tpu.memory_space<vmem>> -> memref<72x64xf32, #tpu.memory_space<vmem>>
      %dma_wait3A_808 = arith.constant 128 : i32
      %dma_wait3A_809 = tpu.memref_slice %arg5[%dma_wait3A_801, %dma_wait3A_802, %dma_wait3A_808] : memref<2x16x200xi32, #tpu.memory_space<vmem>> -> memref<1x1x72xi32, #tpu.memory_space<vmem>>
      %dma_wait3A_810 = tpu.memref_squeeze %dma_wait3A_809 : memref<1x1x72xi32, #tpu.memory_space<vmem>> -> memref<72xi32, #tpu.memory_space<vmem>>
      %dma_wait3A_811 = arith.constant 0 : i32
      %dma_wait3A_812 = arith.constant 0 : i32
      %dma_wait3A_813 = tpu.memref_slice %arg3[%dma_wait3A_811, %dma_wait3A_812] : memref<1000000x64xf32, #tpu.memory_space<hbm>> -> memref<1000000x64xf32, #tpu.memory_space<hbm>>
      tpu.wait_indirect_dma semaphore(%arg11 : memref<!tpu.dma_semaphore, #tpu.memory_space<semaphore_mem>>) src(%dma_wait3A_813 : memref<1000000x64xf32, #tpu.memory_space<hbm>>) dst(%dma_wait3A_807 : memref<72x64xf32, #tpu.memory_space<vmem>>)
      %lt3A_814 = arith.constant 127 : i32
      %lt3A_815 = arith.cmpi slt, %scan3A_84, %lt3A_814 : i32
      %convert_element_type3A_816 = arith.extui %lt3A_815 : i1 to i32
      %cond3A_817 = arith.constant 0 : i32
      %cond3A_818 = arith.cmpi ne, %convert_element_type3A_816, %cond3A_817 : i32
      scf.if %cond3A_818 {
        %jit3A_1402 = arith.constant 16 : i32
        %div3A_1403 = arith.divsi %sub3A_787, %jit3A_1402 : i32
        %sign3A_1404 = arith.constant 0 : i32
        %sign3A_1405 = arith.cmpi sgt, %sub3A_787, %sign3A_1404 : i32
        %sign3A_1406 = arith.extui %sign3A_1405 : i1 to i32
        %sign3A_1407 = arith.constant 0 : i32
        %sign3A_1408 = arith.cmpi slt, %sub3A_787, %sign3A_1407 : i32
        %sign3A_1409 = arith.extui %sign3A_1408 : i1 to i32
        %sign3A_1410 = arith.subi %sign3A_1406, %sign3A_1409 : i32
        %sign3A_1411 = arith.constant 0 : i32
        %sign3A_1412 = arith.cmpi sgt, %jit3A_1402, %sign3A_1411 : i32
        %sign3A_1413 = arith.extui %sign3A_1412 : i1 to i32
        %sign3A_1414 = arith.constant 0 : i32
        %sign3A_1415 = arith.cmpi slt, %jit3A_1402, %sign3A_1414 : i32
        %sign3A_1416 = arith.extui %sign3A_1415 : i1 to i32
        %sign3A_1417 = arith.subi %sign3A_1413, %sign3A_1416 : i32
        %ne3A_1418 = arith.cmpi ne, %sign3A_1410, %sign3A_1417 : i32
        %rem3A_1419 = arith.remsi %sub3A_787, %jit3A_1402 : i32
        %ne3A_1420 = arith.constant 0 : i32
        %ne3A_1421 = arith.cmpi ne, %rem3A_1419, %ne3A_1420 : i32
        %and3A_1422 = arith.andi %ne3A_1418, %ne3A_1421 : i1
        %sub3A_1423 = arith.constant 1 : i32
        %sub3A_1424 = arith.subi %div3A_1403, %sub3A_1423 : i32
        %select_n3A_1425 = arith.select %and3A_1422, %sub3A_1424, %div3A_1403 : i32
        %and3A_1426 = arith.constant 1 : i32
        %and3A_1427 = arith.andi %select_n3A_1425, %and3A_1426 : i32
        %and3A_1428 = arith.constant 15 : i32
        %and3A_1429 = arith.andi %sub3A_787, %and3A_1428 : i32
        %dma_start3A_1430 = arith.constant 1 : i32
        %dma_start3A_1431 = arith.constant 0 : i32
        %dma_start3A_1432 = arith.constant 0 : i32
        %dma_start3A_1433 = tpu.memref_slice %arg6[%dma_start3A_1430, %dma_start3A_1431, %dma_start3A_1432] : memref<4x200x64xf32, #tpu.memory_space<vmem>> -> memref<1x128x64xf32, #tpu.memory_space<vmem>>
        %dma_start3A_1434 = tpu.memref_squeeze %dma_start3A_1433 : memref<1x128x64xf32, #tpu.memory_space<vmem>> -> memref<128x64xf32, #tpu.memory_space<vmem>>
        %dma_start3A_1435 = arith.constant 0 : i32
        %dma_start3A_1436 = tpu.memref_slice %arg5[%and3A_1427, %and3A_1429, %dma_start3A_1435] : memref<2x16x200xi32, #tpu.memory_space<vmem>> -> memref<1x1x128xi32, #tpu.memory_space<vmem>>
        %dma_start3A_1437 = tpu.memref_squeeze %dma_start3A_1436 : memref<1x1x128xi32, #tpu.memory_space<vmem>> -> memref<128xi32, #tpu.memory_space<vmem>>
        %dma_start3A_1438 = arith.constant 0 : i32
        %dma_start3A_1439 = arith.constant 0 : i32
        %dma_start3A_1440 = tpu.memref_slice %arg3[%dma_start3A_1438, %dma_start3A_1439] : memref<1000000x64xf32, #tpu.memory_space<hbm>> -> memref<1000000x64xf32, #tpu.memory_space<hbm>>
        tpu.enqueue_indirect_dma source(%dma_start3A_1440 : memref<1000000x64xf32, #tpu.memory_space<hbm>>) target(%dma_start3A_1434 : memref<128x64xf32, #tpu.memory_space<vmem>>) offsets(%dma_start3A_1437 : memref<128xi32, #tpu.memory_space<vmem>>) semaphore(%arg10 : memref<!tpu.dma_semaphore, #tpu.memory_space<semaphore_mem>>)
        %dma_start3A_1441 = arith.constant 1 : i32
        %dma_start3A_1442 = arith.constant 128 : i32
        %dma_start3A_1443 = arith.constant 0 : i32
        %dma_start3A_1444 = tpu.memref_slice %arg6[%dma_start3A_1441, %dma_start3A_1442, %dma_start3A_1443] : memref<4x200x64xf32, #tpu.memory_space<vmem>> -> memref<1x72x64xf32, #tpu.memory_space<vmem>>
        %dma_start3A_1445 = tpu.memref_squeeze %dma_start3A_1444 : memref<1x72x64xf32, #tpu.memory_space<vmem>> -> memref<72x64xf32, #tpu.memory_space<vmem>>
        %dma_start3A_1446 = arith.constant 128 : i32
        %dma_start3A_1447 = tpu.memref_slice %arg5[%and3A_1427, %and3A_1429, %dma_start3A_1446] : memref<2x16x200xi32, #tpu.memory_space<vmem>> -> memref<1x1x72xi32, #tpu.memory_space<vmem>>
        %dma_start3A_1448 = tpu.memref_squeeze %dma_start3A_1447 : memref<1x1x72xi32, #tpu.memory_space<vmem>> -> memref<72xi32, #tpu.memory_space<vmem>>
        %dma_start3A_1449 = arith.constant 0 : i32
        %dma_start3A_1450 = arith.constant 0 : i32
        %dma_start3A_1451 = tpu.memref_slice %arg3[%dma_start3A_1449, %dma_start3A_1450] : memref<1000000x64xf32, #tpu.memory_space<hbm>> -> memref<1000000x64xf32, #tpu.memory_space<hbm>>
        tpu.enqueue_indirect_dma source(%dma_start3A_1451 : memref<1000000x64xf32, #tpu.memory_space<hbm>>) target(%dma_start3A_1445 : memref<72x64xf32, #tpu.memory_space<vmem>>) offsets(%dma_start3A_1448 : memref<72xi32, #tpu.memory_space<vmem>>) semaphore(%arg10 : memref<!tpu.dma_semaphore, #tpu.memory_space<semaphore_mem>>)
      } else {
      }
      %and3A_819 = arith.constant 15 : i32
      %and3A_820 = arith.andi %add3A_783, %and3A_819 : i32
      %broadcast_in_dim3A_821 = arith.constant 0.000000e+00 : f32
      %broadcast_in_dim3A_822 = vector.broadcast %broadcast_in_dim3A_821 : f32 to vector<16xf32>
      %broadcast_in_dim3A_823 = arith.constant 0 : i32
      %broadcast_in_dim3A_824 = vector.broadcast %broadcast_in_dim3A_823 : i32 to vector<16xi32>
      %scan3A_825 = arith.constant 0 : i32
      %scan3A_826 = arith.constant 12 : i32
      %scan3A_827 = arith.addi %scan3A_825, %scan3A_826 : i32
      %scan3A_828 = arith.constant 1 : i32
      %scan3A_829:5 = scf.for %scan3A_1402 = %scan3A_825 to %scan3A_827 step %scan3A_828 iter_args(%scan3A_1403 = %broadcast_in_dim3A_822, %scan3A_1404 = %broadcast_in_dim3A_822, %scan3A_1405 = %broadcast_in_dim3A_822, %scan3A_1406 = %broadcast_in_dim3A_822, %scan3A_1407 = %broadcast_in_dim3A_824) -> (vector<16xf32>, vector<16xf32>, vector<16xf32>, vector<16xf32>, vector<16xi32>)  : i32 {
        %mul3A_1408 = arith.constant 16 : i32
        %mul3A_1409 = arith.muli %scan3A_1402, %mul3A_1408 : i32
        %get3A_1410 = arith.index_cast %and3A_102 : i32 to index
        %get3A_1411 = arith.index_cast %and3A_820 : i32 to index
        %get3A_1412 = arith.index_cast %mul3A_1409 : i32 to index
        %get3A_1413 = tpu.vector_load %arg5[%get3A_1410, %get3A_1411, %get3A_1412] {strides = array<i32>} : memref<2x16x200xi32, #tpu.memory_space<vmem>>, vector<16xi32>,
        %ne3A_1414 = arith.constant 0 : i32
        %ne3A_1415 = vector.broadcast %ne3A_1414 : i32 to vector<16xi32>
        %ne3A_1416 = arith.cmpi ne, %get3A_1413, %ne3A_1415 : vector<16xi32>
        %all_reduce_population_count3A_1417 = tpu.all_reduce %ne3A_1416 {dim = 0 : i64, kind = #tpu.reduction_kind<sum>} : vector<16xi1> -> vector<16xi32>
        %add3A_1418 = arith.addi %scan3A_1407, %all_reduce_population_count3A_1417 : vector<16xi32>
        %mul3A_1419 = arith.constant 16 : i32
        %mul3A_1420 = arith.muli %scan3A_1402, %mul3A_1419 : i32
        %add3A_1421 = arith.constant 0 : i32
        %add3A_1422 = arith.addi %mul3A_1420, %add3A_1421 : i32
        %get3A_1423 = arith.constant 2 : i32
        %get3A_1424 = arith.index_cast %get3A_1423 : i32 to index
        %get3A_1425 = arith.index_cast %add3A_1422 : i32 to index
        %get3A_1426 = arith.constant 0 : index
        %get3A_1427 = tpu.vector_load %arg6[%get3A_1424, %get3A_1425, %get3A_1426] {strides = array<i32>} : memref<4x200x64xf32, #tpu.memory_space<vmem>>, vector<16xf32>,
        %add3A_1428 = arith.addf %scan3A_1403, %get3A_1427 : vector<16xf32>
        %get3A_1429 = arith.constant 2 : i32
        %get3A_1430 = arith.index_cast %get3A_1429 : i32 to index
        %get3A_1431 = arith.index_cast %add3A_1422 : i32 to index
        %get3A_1432 = arith.constant 16 : index
        %get3A_1433 = tpu.vector_load %arg6[%get3A_1430, %get3A_1431, %get3A_1432] {strides = array<i32>} : memref<4x200x64xf32, #tpu.memory_space<vmem>>, vector<16xf32>,
        %add3A_1434 = arith.addf %scan3A_1404, %get3A_1433 : vector<16xf32>
        %get3A_1435 = arith.constant 2 : i32
        %get3A_1436 = arith.index_cast %get3A_1435 : i32 to index
        %get3A_1437 = arith.index_cast %add3A_1422 : i32 to index
        %get3A_1438 = arith.constant 32 : index
        %get3A_1439 = tpu.vector_load %arg6[%get3A_1436, %get3A_1437, %get3A_1438] {strides = array<i32>} : memref<4x200x64xf32, #tpu.memory_space<vmem>>, vector<16xf32>,
        %add3A_1440 = arith.addf %scan3A_1405, %get3A_1439 : vector<16xf32>
        %get3A_1441 = arith.constant 2 : i32
        %get3A_1442 = arith.index_cast %get3A_1441 : i32 to index
        %get3A_1443 = arith.index_cast %add3A_1422 : i32 to index
        %get3A_1444 = arith.constant 48 : index
        %get3A_1445 = tpu.vector_load %arg6[%get3A_1442, %get3A_1443, %get3A_1444] {strides = array<i32>} : memref<4x200x64xf32, #tpu.memory_space<vmem>>, vector<16xf32>,
        %add3A_1446 = arith.addf %scan3A_1406, %get3A_1445 : vector<16xf32>
        %mul3A_1447 = arith.constant 16 : i32
        %mul3A_1448 = arith.muli %scan3A_1402, %mul3A_1447 : i32
        %add3A_1449 = arith.constant 1 : i32
        %add3A_1450 = arith.addi %mul3A_1448, %add3A_1449 : i32
        %get3A_1451 = arith.constant 2 : i32
        %get3A_1452 = arith.index_cast %get3A_1451 : i32 to index
        %get3A_1453 = arith.index_cast %add3A_1450 : i32 to index
        %get3A_1454 = arith.constant 0 : index
        %get3A_1455 = tpu.vector_load %arg6[%get3A_1452, %get3A_1453, %get3A_1454] {strides = array<i32>} : memref<4x200x64xf32, #tpu.memory_space<vmem>>, vector<16xf32>,
        %add3A_1456 = arith.addf %add3A_1428, %get3A_1455 : vector<16xf32>
        %get3A_1457 = arith.constant 2 : i32
        %get3A_1458 = arith.index_cast %get3A_1457 : i32 to index
        %get3A_1459 = arith.index_cast %add3A_1450 : i32 to index
        %get3A_1460 = arith.constant 16 : index
        %get3A_1461 = tpu.vector_load %arg6[%get3A_1458, %get3A_1459, %get3A_1460] {strides = array<i32>} : memref<4x200x64xf32, #tpu.memory_space<vmem>>, vector<16xf32>,
        %add3A_1462 = arith.addf %add3A_1434, %get3A_1461 : vector<16xf32>
        %get3A_1463 = arith.constant 2 : i32
        %get3A_1464 = arith.index_cast %get3A_1463 : i32 to index
        %get3A_1465 = arith.index_cast %add3A_1450 : i32 to index
        %get3A_1466 = arith.constant 32 : index
        %get3A_1467 = tpu.vector_load %arg6[%get3A_1464, %get3A_1465, %get3A_1466] {strides = array<i32>} : memref<4x200x64xf32, #tpu.memory_space<vmem>>, vector<16xf32>,
        %add3A_1468 = arith.addf %add3A_1440, %get3A_1467 : vector<16xf32>
        %get3A_1469 = arith.constant 2 : i32
        %get3A_1470 = arith.index_cast %get3A_1469 : i32 to index
        %get3A_1471 = arith.index_cast %add3A_1450 : i32 to index
        %get3A_1472 = arith.constant 48 : index
        %get3A_1473 = tpu.vector_load %arg6[%get3A_1470, %get3A_1471, %get3A_1472] {strides = array<i32>} : memref<4x200x64xf32, #tpu.memory_space<vmem>>, vector<16xf32>,
        %add3A_1474 = arith.addf %add3A_1446, %get3A_1473 : vector<16xf32>
        %mul3A_1475 = arith.constant 16 : i32
        %mul3A_1476 = arith.muli %scan3A_1402, %mul3A_1475 : i32
        %add3A_1477 = arith.constant 2 : i32
        %add3A_1478 = arith.addi %mul3A_1476, %add3A_1477 : i32
        %get3A_1479 = arith.constant 2 : i32
        %get3A_1480 = arith.index_cast %get3A_1479 : i32 to index
        %get3A_1481 = arith.index_cast %add3A_1478 : i32 to index
        %get3A_1482 = arith.constant 0 : index
        %get3A_1483 = tpu.vector_load %arg6[%get3A_1480, %get3A_1481, %get3A_1482] {strides = array<i32>} : memref<4x200x64xf32, #tpu.memory_space<vmem>>, vector<16xf32>,
        %add3A_1484 = arith.addf %add3A_1456, %get3A_1483 : vector<16xf32>
        %get3A_1485 = arith.constant 2 : i32
        %get3A_1486 = arith.index_cast %get3A_1485 : i32 to index
        %get3A_1487 = arith.index_cast %add3A_1478 : i32 to index
        %get3A_1488 = arith.constant 16 : index
        %get3A_1489 = tpu.vector_load %arg6[%get3A_1486, %get3A_1487, %get3A_1488] {strides = array<i32>} : memref<4x200x64xf32, #tpu.memory_space<vmem>>, vector<16xf32>,
        %add3A_1490 = arith.addf %add3A_1462, %get3A_1489 : vector<16xf32>
        %get3A_1491 = arith.constant 2 : i32
        %get3A_1492 = arith.index_cast %get3A_1491 : i32 to index
        %get3A_1493 = arith.index_cast %add3A_1478 : i32 to index
        %get3A_1494 = arith.constant 32 : index
        %get3A_1495 = tpu.vector_load %arg6[%get3A_1492, %get3A_1493, %get3A_1494] {strides = array<i32>} : memref<4x200x64xf32, #tpu.memory_space<vmem>>, vector<16xf32>,
        %add3A_1496 = arith.addf %add3A_1468, %get3A_1495 : vector<16xf32>
        %get3A_1497 = arith.constant 2 : i32
        %get3A_1498 = arith.index_cast %get3A_1497 : i32 to index
        %get3A_1499 = arith.index_cast %add3A_1478 : i32 to index
        %get3A_1500 = arith.constant 48 : index
        %get3A_1501 = tpu.vector_load %arg6[%get3A_1498, %get3A_1499, %get3A_1500] {strides = array<i32>} : memref<4x200x64xf32, #tpu.memory_space<vmem>>, vector<16xf32>,
        %add3A_1502 = arith.addf %add3A_1474, %get3A_1501 : vector<16xf32>
        %mul3A_1503 = arith.constant 16 : i32
        %mul3A_1504 = arith.muli %scan3A_1402, %mul3A_1503 : i32
        %add3A_1505 = arith.constant 3 : i32
        %add3A_1506 = arith.addi %mul3A_1504, %add3A_1505 : i32
        %get3A_1507 = arith.constant 2 : i32
        %get3A_1508 = arith.index_cast %get3A_1507 : i32 to index
        %get3A_1509 = arith.index_cast %add3A_1506 : i32 to index
        %get3A_1510 = arith.constant 0 : index
        %get3A_1511 = tpu.vector_load %arg6[%get3A_1508, %get3A_1509, %get3A_1510] {strides = array<i32>} : memref<4x200x64xf32, #tpu.memory_space<vmem>>, vector<16xf32>,
        %add3A_1512 = arith.addf %add3A_1484, %get3A_1511 : vector<16xf32>
        %get3A_1513 = arith.constant 2 : i32
        %get3A_1514 = arith.index_cast %get3A_1513 : i32 to index
        %get3A_1515 = arith.index_cast %add3A_1506 : i32 to index
        %get3A_1516 = arith.constant 16 : index
        %get3A_1517 = tpu.vector_load %arg6[%get3A_1514, %get3A_1515, %get3A_1516] {strides = array<i32>} : memref<4x200x64xf32, #tpu.memory_space<vmem>>, vector<16xf32>,
        %add3A_1518 = arith.addf %add3A_1490, %get3A_1517 : vector<16xf32>
        %get3A_1519 = arith.constant 2 : i32
        %get3A_1520 = arith.index_cast %get3A_1519 : i32 to index
        %get3A_1521 = arith.index_cast %add3A_1506 : i32 to index
        %get3A_1522 = arith.constant 32 : index
        %get3A_1523 = tpu.vector_load %arg6[%get3A_1520, %get3A_1521, %get3A_1522] {strides = array<i32>} : memref<4x200x64xf32, #tpu.memory_space<vmem>>, vector<16xf32>,
        %add3A_1524 = arith.addf %add3A_1496, %get3A_1523 : vector<16xf32>
        %get3A_1525 = arith.constant 2 : i32
        %get3A_1526 = arith.index_cast %get3A_1525 : i32 to index
        %get3A_1527 = arith.index_cast %add3A_1506 : i32 to index
        %get3A_1528 = arith.constant 48 : index
        %get3A_1529 = tpu.vector_load %arg6[%get3A_1526, %get3A_1527, %get3A_1528] {strides = array<i32>} : memref<4x200x64xf32, #tpu.memory_space<vmem>>, vector<16xf32>,
        %add3A_1530 = arith.addf %add3A_1502, %get3A_1529 : vector<16xf32>
        %mul3A_1531 = arith.constant 16 : i32
        %mul3A_1532 = arith.muli %scan3A_1402, %mul3A_1531 : i32
        %add3A_1533 = arith.constant 4 : i32
        %add3A_1534 = arith.addi %mul3A_1532, %add3A_1533 : i32
        %get3A_1535 = arith.constant 2 : i32
        %get3A_1536 = arith.index_cast %get3A_1535 : i32 to index
        %get3A_1537 = arith.index_cast %add3A_1534 : i32 to index
        %get3A_1538 = arith.constant 0 : index
        %get3A_1539 = tpu.vector_load %arg6[%get3A_1536, %get3A_1537, %get3A_1538] {strides = array<i32>} : memref<4x200x64xf32, #tpu.memory_space<vmem>>, vector<16xf32>,
        %add3A_1540 = arith.addf %add3A_1512, %get3A_1539 : vector<16xf32>
        %get3A_1541 = arith.constant 2 : i32
        %get3A_1542 = arith.index_cast %get3A_1541 : i32 to index
        %get3A_1543 = arith.index_cast %add3A_1534 : i32 to index
        %get3A_1544 = arith.constant 16 : index
        %get3A_1545 = tpu.vector_load %arg6[%get3A_1542, %get3A_1543, %get3A_1544] {strides = array<i32>} : memref<4x200x64xf32, #tpu.memory_space<vmem>>, vector<16xf32>,
        %add3A_1546 = arith.addf %add3A_1518, %get3A_1545 : vector<16xf32>
        %get3A_1547 = arith.constant 2 : i32
        %get3A_1548 = arith.index_cast %get3A_1547 : i32 to index
        %get3A_1549 = arith.index_cast %add3A_1534 : i32 to index
        %get3A_1550 = arith.constant 32 : index
        %get3A_1551 = tpu.vector_load %arg6[%get3A_1548, %get3A_1549, %get3A_1550] {strides = array<i32>} : memref<4x200x64xf32, #tpu.memory_space<vmem>>, vector<16xf32>,
        %add3A_1552 = arith.addf %add3A_1524, %get3A_1551 : vector<16xf32>
        %get3A_1553 = arith.constant 2 : i32
        %get3A_1554 = arith.index_cast %get3A_1553 : i32 to index
        %get3A_1555 = arith.index_cast %add3A_1534 : i32 to index
        %get3A_1556 = arith.constant 48 : index
        %get3A_1557 = tpu.vector_load %arg6[%get3A_1554, %get3A_1555, %get3A_1556] {strides = array<i32>} : memref<4x200x64xf32, #tpu.memory_space<vmem>>, vector<16xf32>,
        %add3A_1558 = arith.addf %add3A_1530, %get3A_1557 : vector<16xf32>
        %mul3A_1559 = arith.constant 16 : i32
        %mul3A_1560 = arith.muli %scan3A_1402, %mul3A_1559 : i32
        %add3A_1561 = arith.constant 5 : i32
        %add3A_1562 = arith.addi %mul3A_1560, %add3A_1561 : i32
        %get3A_1563 = arith.constant 2 : i32
        %get3A_1564 = arith.index_cast %get3A_1563 : i32 to index
        %get3A_1565 = arith.index_cast %add3A_1562 : i32 to index
        %get3A_1566 = arith.constant 0 : index
        %get3A_1567 = tpu.vector_load %arg6[%get3A_1564, %get3A_1565, %get3A_1566] {strides = array<i32>} : memref<4x200x64xf32, #tpu.memory_space<vmem>>, vector<16xf32>,
        %add3A_1568 = arith.addf %add3A_1540, %get3A_1567 : vector<16xf32>
        %get3A_1569 = arith.constant 2 : i32
        %get3A_1570 = arith.index_cast %get3A_1569 : i32 to index
        %get3A_1571 = arith.index_cast %add3A_1562 : i32 to index
        %get3A_1572 = arith.constant 16 : index
        %get3A_1573 = tpu.vector_load %arg6[%get3A_1570, %get3A_1571, %get3A_1572] {strides = array<i32>} : memref<4x200x64xf32, #tpu.memory_space<vmem>>, vector<16xf32>,
        %add3A_1574 = arith.addf %add3A_1546, %get3A_1573 : vector<16xf32>
        %get3A_1575 = arith.constant 2 : i32
        %get3A_1576 = arith.index_cast %get3A_1575 : i32 to index
        %get3A_1577 = arith.index_cast %add3A_1562 : i32 to index
        %get3A_1578 = arith.constant 32 : index
        %get3A_1579 = tpu.vector_load %arg6[%get3A_1576, %get3A_1577, %get3A_1578] {strides = array<i32>} : memref<4x200x64xf32, #tpu.memory_space<vmem>>, vector<16xf32>,
        %add3A_1580 = arith.addf %add3A_1552, %get3A_1579 : vector<16xf32>
        %get3A_1581 = arith.constant 2 : i32
        %get3A_1582 = arith.index_cast %get3A_1581 : i32 to index
        %get3A_1583 = arith.index_cast %add3A_1562 : i32 to index
        %get3A_1584 = arith.constant 48 : index
        %get3A_1585 = tpu.vector_load %arg6[%get3A_1582, %get3A_1583, %get3A_1584] {strides = array<i32>} : memref<4x200x64xf32, #tpu.memory_space<vmem>>, vector<16xf32>,
        %add3A_1586 = arith.addf %add3A_1558, %get3A_1585 : vector<16xf32>
        %mul3A_1587 = arith.constant 16 : i32
        %mul3A_1588 = arith.muli %scan3A_1402, %mul3A_1587 : i32
        %add3A_1589 = arith.constant 6 : i32
        %add3A_1590 = arith.addi %mul3A_1588, %add3A_1589 : i32
        %get3A_1591 = arith.constant 2 : i32
        %get3A_1592 = arith.index_cast %get3A_1591 : i32 to index
        %get3A_1593 = arith.index_cast %add3A_1590 : i32 to index
        %get3A_1594 = arith.constant 0 : index
        %get3A_1595 = tpu.vector_load %arg6[%get3A_1592, %get3A_1593, %get3A_1594] {strides = array<i32>} : memref<4x200x64xf32, #tpu.memory_space<vmem>>, vector<16xf32>,
        %add3A_1596 = arith.addf %add3A_1568, %get3A_1595 : vector<16xf32>
        %get3A_1597 = arith.constant 2 : i32
        %get3A_1598 = arith.index_cast %get3A_1597 : i32 to index
        %get3A_1599 = arith.index_cast %add3A_1590 : i32 to index
        %get3A_1600 = arith.constant 16 : index
        %get3A_1601 = tpu.vector_load %arg6[%get3A_1598, %get3A_1599, %get3A_1600] {strides = array<i32>} : memref<4x200x64xf32, #tpu.memory_space<vmem>>, vector<16xf32>,
        %add3A_1602 = arith.addf %add3A_1574, %get3A_1601 : vector<16xf32>
        %get3A_1603 = arith.constant 2 : i32
        %get3A_1604 = arith.index_cast %get3A_1603 : i32 to index
        %get3A_1605 = arith.index_cast %add3A_1590 : i32 to index
        %get3A_1606 = arith.constant 32 : index
        %get3A_1607 = tpu.vector_load %arg6[%get3A_1604, %get3A_1605, %get3A_1606] {strides = array<i32>} : memref<4x200x64xf32, #tpu.memory_space<vmem>>, vector<16xf32>,
        %add3A_1608 = arith.addf %add3A_1580, %get3A_1607 : vector<16xf32>
        %get3A_1609 = arith.constant 2 : i32
        %get3A_1610 = arith.index_cast %get3A_1609 : i32 to index
        %get3A_1611 = arith.index_cast %add3A_1590 : i32 to index
        %get3A_1612 = arith.constant 48 : index
        %get3A_1613 = tpu.vector_load %arg6[%get3A_1610, %get3A_1611, %get3A_1612] {strides = array<i32>} : memref<4x200x64xf32, #tpu.memory_space<vmem>>, vector<16xf32>,
        %add3A_1614 = arith.addf %add3A_1586, %get3A_1613 : vector<16xf32>
        %mul3A_1615 = arith.constant 16 : i32
        %mul3A_1616 = arith.muli %scan3A_1402, %mul3A_1615 : i32
        %add3A_1617 = arith.constant 7 : i32
        %add3A_1618 = arith.addi %mul3A_1616, %add3A_1617 : i32
        %get3A_1619 = arith.constant 2 : i32
        %get3A_1620 = arith.index_cast %get3A_1619 : i32 to index
        %get3A_1621 = arith.index_cast %add3A_1618 : i32 to index
        %get3A_1622 = arith.constant 0 : index
        %get3A_1623 = tpu.vector_load %arg6[%get3A_1620, %get3A_1621, %get3A_1622] {strides = array<i32>} : memref<4x200x64xf32, #tpu.memory_space<vmem>>, vector<16xf32>,
        %add3A_1624 = arith.addf %add3A_1596, %get3A_1623 : vector<16xf32>
        %get3A_1625 = arith.constant 2 : i32
        %get3A_1626 = arith.index_cast %get3A_1625 : i32 to index
        %get3A_1627 = arith.index_cast %add3A_1618 : i32 to index
        %get3A_1628 = arith.constant 16 : index
        %get3A_1629 = tpu.vector_load %arg6[%get3A_1626, %get3A_1627, %get3A_1628] {strides = array<i32>} : memref<4x200x64xf32, #tpu.memory_space<vmem>>, vector<16xf32>,
        %add3A_1630 = arith.addf %add3A_1602, %get3A_1629 : vector<16xf32>
        %get3A_1631 = arith.constant 2 : i32
        %get3A_1632 = arith.index_cast %get3A_1631 : i32 to index
        %get3A_1633 = arith.index_cast %add3A_1618 : i32 to index
        %get3A_1634 = arith.constant 32 : index
        %get3A_1635 = tpu.vector_load %arg6[%get3A_1632, %get3A_1633, %get3A_1634] {strides = array<i32>} : memref<4x200x64xf32, #tpu.memory_space<vmem>>, vector<16xf32>,
        %add3A_1636 = arith.addf %add3A_1608, %get3A_1635 : vector<16xf32>
        %get3A_1637 = arith.constant 2 : i32
        %get3A_1638 = arith.index_cast %get3A_1637 : i32 to index
        %get3A_1639 = arith.index_cast %add3A_1618 : i32 to index
        %get3A_1640 = arith.constant 48 : index
        %get3A_1641 = tpu.vector_load %arg6[%get3A_1638, %get3A_1639, %get3A_1640] {strides = array<i32>} : memref<4x200x64xf32, #tpu.memory_space<vmem>>, vector<16xf32>,
        %add3A_1642 = arith.addf %add3A_1614, %get3A_1641 : vector<16xf32>
        %mul3A_1643 = arith.constant 16 : i32
        %mul3A_1644 = arith.muli %scan3A_1402, %mul3A_1643 : i32
        %add3A_1645 = arith.constant 8 : i32
        %add3A_1646 = arith.addi %mul3A_1644, %add3A_1645 : i32
        %get3A_1647 = arith.constant 2 : i32
        %get3A_1648 = arith.index_cast %get3A_1647 : i32 to index
        %get3A_1649 = arith.index_cast %add3A_1646 : i32 to index
        %get3A_1650 = arith.constant 0 : index
        %get3A_1651 = tpu.vector_load %arg6[%get3A_1648, %get3A_1649, %get3A_1650] {strides = array<i32>} : memref<4x200x64xf32, #tpu.memory_space<vmem>>, vector<16xf32>,
        %add3A_1652 = arith.addf %add3A_1624, %get3A_1651 : vector<16xf32>
        %get3A_1653 = arith.constant 2 : i32
        %get3A_1654 = arith.index_cast %get3A_1653 : i32 to index
        %get3A_1655 = arith.index_cast %add3A_1646 : i32 to index
        %get3A_1656 = arith.constant 16 : index
        %get3A_1657 = tpu.vector_load %arg6[%get3A_1654, %get3A_1655, %get3A_1656] {strides = array<i32>} : memref<4x200x64xf32, #tpu.memory_space<vmem>>, vector<16xf32>,
        %add3A_1658 = arith.addf %add3A_1630, %get3A_1657 : vector<16xf32>
        %get3A_1659 = arith.constant 2 : i32
        %get3A_1660 = arith.index_cast %get3A_1659 : i32 to index
        %get3A_1661 = arith.index_cast %add3A_1646 : i32 to index
        %get3A_1662 = arith.constant 32 : index
        %get3A_1663 = tpu.vector_load %arg6[%get3A_1660, %get3A_1661, %get3A_1662] {strides = array<i32>} : memref<4x200x64xf32, #tpu.memory_space<vmem>>, vector<16xf32>,
        %add3A_1664 = arith.addf %add3A_1636, %get3A_1663 : vector<16xf32>
        %get3A_1665 = arith.constant 2 : i32
        %get3A_1666 = arith.index_cast %get3A_1665 : i32 to index
        %get3A_1667 = arith.index_cast %add3A_1646 : i32 to index
        %get3A_1668 = arith.constant 48 : index
        %get3A_1669 = tpu.vector_load %arg6[%get3A_1666, %get3A_1667, %get3A_1668] {strides = array<i32>} : memref<4x200x64xf32, #tpu.memory_space<vmem>>, vector<16xf32>,
        %add3A_1670 = arith.addf %add3A_1642, %get3A_1669 : vector<16xf32>
        %mul3A_1671 = arith.constant 16 : i32
        %mul3A_1672 = arith.muli %scan3A_1402, %mul3A_1671 : i32
        %add3A_1673 = arith.constant 9 : i32
        %add3A_1674 = arith.addi %mul3A_1672, %add3A_1673 : i32
        %get3A_1675 = arith.constant 2 : i32
        %get3A_1676 = arith.index_cast %get3A_1675 : i32 to index
        %get3A_1677 = arith.index_cast %add3A_1674 : i32 to index
        %get3A_1678 = arith.constant 0 : index
        %get3A_1679 = tpu.vector_load %arg6[%get3A_1676, %get3A_1677, %get3A_1678] {strides = array<i32>} : memref<4x200x64xf32, #tpu.memory_space<vmem>>, vector<16xf32>,
        %add3A_1680 = arith.addf %add3A_1652, %get3A_1679 : vector<16xf32>
        %get3A_1681 = arith.constant 2 : i32
        %get3A_1682 = arith.index_cast %get3A_1681 : i32 to index
        %get3A_1683 = arith.index_cast %add3A_1674 : i32 to index
        %get3A_1684 = arith.constant 16 : index
        %get3A_1685 = tpu.vector_load %arg6[%get3A_1682, %get3A_1683, %get3A_1684] {strides = array<i32>} : memref<4x200x64xf32, #tpu.memory_space<vmem>>, vector<16xf32>,
        %add3A_1686 = arith.addf %add3A_1658, %get3A_1685 : vector<16xf32>
        %get3A_1687 = arith.constant 2 : i32
        %get3A_1688 = arith.index_cast %get3A_1687 : i32 to index
        %get3A_1689 = arith.index_cast %add3A_1674 : i32 to index
        %get3A_1690 = arith.constant 32 : index
        %get3A_1691 = tpu.vector_load %arg6[%get3A_1688, %get3A_1689, %get3A_1690] {strides = array<i32>} : memref<4x200x64xf32, #tpu.memory_space<vmem>>, vector<16xf32>,
        %add3A_1692 = arith.addf %add3A_1664, %get3A_1691 : vector<16xf32>
        %get3A_1693 = arith.constant 2 : i32
        %get3A_1694 = arith.index_cast %get3A_1693 : i32 to index
        %get3A_1695 = arith.index_cast %add3A_1674 : i32 to index
        %get3A_1696 = arith.constant 48 : index
        %get3A_1697 = tpu.vector_load %arg6[%get3A_1694, %get3A_1695, %get3A_1696] {strides = array<i32>} : memref<4x200x64xf32, #tpu.memory_space<vmem>>, vector<16xf32>,
        %add3A_1698 = arith.addf %add3A_1670, %get3A_1697 : vector<16xf32>
        %mul3A_1699 = arith.constant 16 : i32
        %mul3A_1700 = arith.muli %scan3A_1402, %mul3A_1699 : i32
        %add3A_1701 = arith.constant 10 : i32
        %add3A_1702 = arith.addi %mul3A_1700, %add3A_1701 : i32
        %get3A_1703 = arith.constant 2 : i32
        %get3A_1704 = arith.index_cast %get3A_1703 : i32 to index
        %get3A_1705 = arith.index_cast %add3A_1702 : i32 to index
        %get3A_1706 = arith.constant 0 : index
        %get3A_1707 = tpu.vector_load %arg6[%get3A_1704, %get3A_1705, %get3A_1706] {strides = array<i32>} : memref<4x200x64xf32, #tpu.memory_space<vmem>>, vector<16xf32>,
        %add3A_1708 = arith.addf %add3A_1680, %get3A_1707 : vector<16xf32>
        %get3A_1709 = arith.constant 2 : i32
        %get3A_1710 = arith.index_cast %get3A_1709 : i32 to index
        %get3A_1711 = arith.index_cast %add3A_1702 : i32 to index
        %get3A_1712 = arith.constant 16 : index
        %get3A_1713 = tpu.vector_load %arg6[%get3A_1710, %get3A_1711, %get3A_1712] {strides = array<i32>} : memref<4x200x64xf32, #tpu.memory_space<vmem>>, vector<16xf32>,
        %add3A_1714 = arith.addf %add3A_1686, %get3A_1713 : vector<16xf32>
        %get3A_1715 = arith.constant 2 : i32
        %get3A_1716 = arith.index_cast %get3A_1715 : i32 to index
        %get3A_1717 = arith.index_cast %add3A_1702 : i32 to index
        %get3A_1718 = arith.constant 32 : index
        %get3A_1719 = tpu.vector_load %arg6[%get3A_1716, %get3A_1717, %get3A_1718] {strides = array<i32>} : memref<4x200x64xf32, #tpu.memory_space<vmem>>, vector<16xf32>,
        %add3A_1720 = arith.addf %add3A_1692, %get3A_1719 : vector<16xf32>
        %get3A_1721 = arith.constant 2 : i32
        %get3A_1722 = arith.index_cast %get3A_1721 : i32 to index
        %get3A_1723 = arith.index_cast %add3A_1702 : i32 to index
        %get3A_1724 = arith.constant 48 : index
        %get3A_1725 = tpu.vector_load %arg6[%get3A_1722, %get3A_1723, %get3A_1724] {strides = array<i32>} : memref<4x200x64xf32, #tpu.memory_space<vmem>>, vector<16xf32>,
        %add3A_1726 = arith.addf %add3A_1698, %get3A_1725 : vector<16xf32>
        %mul3A_1727 = arith.constant 16 : i32
        %mul3A_1728 = arith.muli %scan3A_1402, %mul3A_1727 : i32
        %add3A_1729 = arith.constant 11 : i32
        %add3A_1730 = arith.addi %mul3A_1728, %add3A_1729 : i32
        %get3A_1731 = arith.constant 2 : i32
        %get3A_1732 = arith.index_cast %get3A_1731 : i32 to index
        %get3A_1733 = arith.index_cast %add3A_1730 : i32 to index
        %get3A_1734 = arith.constant 0 : index
        %get3A_1735 = tpu.vector_load %arg6[%get3A_1732, %get3A_1733, %get3A_1734] {strides = array<i32>} : memref<4x200x64xf32, #tpu.memory_space<vmem>>, vector<16xf32>,
        %add3A_1736 = arith.addf %add3A_1708, %get3A_1735 : vector<16xf32>
        %get3A_1737 = arith.constant 2 : i32
        %get3A_1738 = arith.index_cast %get3A_1737 : i32 to index
        %get3A_1739 = arith.index_cast %add3A_1730 : i32 to index
        %get3A_1740 = arith.constant 16 : index
        %get3A_1741 = tpu.vector_load %arg6[%get3A_1738, %get3A_1739, %get3A_1740] {strides = array<i32>} : memref<4x200x64xf32, #tpu.memory_space<vmem>>, vector<16xf32>,
        %add3A_1742 = arith.addf %add3A_1714, %get3A_1741 : vector<16xf32>
        %get3A_1743 = arith.constant 2 : i32
        %get3A_1744 = arith.index_cast %get3A_1743 : i32 to index
        %get3A_1745 = arith.index_cast %add3A_1730 : i32 to index
        %get3A_1746 = arith.constant 32 : index
        %get3A_1747 = tpu.vector_load %arg6[%get3A_1744, %get3A_1745, %get3A_1746] {strides = array<i32>} : memref<4x200x64xf32, #tpu.memory_space<vmem>>, vector<16xf32>,
        %add3A_1748 = arith.addf %add3A_1720, %get3A_1747 : vector<16xf32>
        %get3A_1749 = arith.constant 2 : i32
        %get3A_1750 = arith.index_cast %get3A_1749 : i32 to index
        %get3A_1751 = arith.index_cast %add3A_1730 : i32 to index
        %get3A_1752 = arith.constant 48 : index
        %get3A_1753 = tpu.vector_load %arg6[%get3A_1750, %get3A_1751, %get3A_1752] {strides = array<i32>} : memref<4x200x64xf32, #tpu.memory_space<vmem>>, vector<16xf32>,
        %add3A_1754 = arith.addf %add3A_1726, %get3A_1753 : vector<16xf32>
        %mul3A_1755 = arith.constant 16 : i32
        %mul3A_1756 = arith.muli %scan3A_1402, %mul3A_1755 : i32
        %add3A_1757 = arith.constant 12 : i32
        %add3A_1758 = arith.addi %mul3A_1756, %add3A_1757 : i32
        %get3A_1759 = arith.constant 2 : i32
        %get3A_1760 = arith.index_cast %get3A_1759 : i32 to index
        %get3A_1761 = arith.index_cast %add3A_1758 : i32 to index
        %get3A_1762 = arith.constant 0 : index
        %get3A_1763 = tpu.vector_load %arg6[%get3A_1760, %get3A_1761, %get3A_1762] {strides = array<i32>} : memref<4x200x64xf32, #tpu.memory_space<vmem>>, vector<16xf32>,
        %add3A_1764 = arith.addf %add3A_1736, %get3A_1763 : vector<16xf32>
        %get3A_1765 = arith.constant 2 : i32
        %get3A_1766 = arith.index_cast %get3A_1765 : i32 to index
        %get3A_1767 = arith.index_cast %add3A_1758 : i32 to index
        %get3A_1768 = arith.constant 16 : index
        %get3A_1769 = tpu.vector_load %arg6[%get3A_1766, %get3A_1767, %get3A_1768] {strides = array<i32>} : memref<4x200x64xf32, #tpu.memory_space<vmem>>, vector<16xf32>,
        %add3A_1770 = arith.addf %add3A_1742, %get3A_1769 : vector<16xf32>
        %get3A_1771 = arith.constant 2 : i32
        %get3A_1772 = arith.index_cast %get3A_1771 : i32 to index
        %get3A_1773 = arith.index_cast %add3A_1758 : i32 to index
        %get3A_1774 = arith.constant 32 : index
        %get3A_1775 = tpu.vector_load %arg6[%get3A_1772, %get3A_1773, %get3A_1774] {strides = array<i32>} : memref<4x200x64xf32, #tpu.memory_space<vmem>>, vector<16xf32>,
        %add3A_1776 = arith.addf %add3A_1748, %get3A_1775 : vector<16xf32>
        %get3A_1777 = arith.constant 2 : i32
        %get3A_1778 = arith.index_cast %get3A_1777 : i32 to index
        %get3A_1779 = arith.index_cast %add3A_1758 : i32 to index
        %get3A_1780 = arith.constant 48 : index
        %get3A_1781 = tpu.vector_load %arg6[%get3A_1778, %get3A_1779, %get3A_1780] {strides = array<i32>} : memref<4x200x64xf32, #tpu.memory_space<vmem>>, vector<16xf32>,
        %add3A_1782 = arith.addf %add3A_1754, %get3A_1781 : vector<16xf32>
        %mul3A_1783 = arith.constant 16 : i32
        %mul3A_1784 = arith.muli %scan3A_1402, %mul3A_1783 : i32
        %add3A_1785 = arith.constant 13 : i32
        %add3A_1786 = arith.addi %mul3A_1784, %add3A_1785 : i32
        %get3A_1787 = arith.constant 2 : i32
        %get3A_1788 = arith.index_cast %get3A_1787 : i32 to index
        %get3A_1789 = arith.index_cast %add3A_1786 : i32 to index
        %get3A_1790 = arith.constant 0 : index
        %get3A_1791 = tpu.vector_load %arg6[%get3A_1788, %get3A_1789, %get3A_1790] {strides = array<i32>} : memref<4x200x64xf32, #tpu.memory_space<vmem>>, vector<16xf32>,
        %add3A_1792 = arith.addf %add3A_1764, %get3A_1791 : vector<16xf32>
        %get3A_1793 = arith.constant 2 : i32
        %get3A_1794 = arith.index_cast %get3A_1793 : i32 to index
        %get3A_1795 = arith.index_cast %add3A_1786 : i32 to index
        %get3A_1796 = arith.constant 16 : index
        %get3A_1797 = tpu.vector_load %arg6[%get3A_1794, %get3A_1795, %get3A_1796] {strides = array<i32>} : memref<4x200x64xf32, #tpu.memory_space<vmem>>, vector<16xf32>,
        %add3A_1798 = arith.addf %add3A_1770, %get3A_1797 : vector<16xf32>
        %get3A_1799 = arith.constant 2 : i32
        %get3A_1800 = arith.index_cast %get3A_1799 : i32 to index
        %get3A_1801 = arith.index_cast %add3A_1786 : i32 to index
        %get3A_1802 = arith.constant 32 : index
        %get3A_1803 = tpu.vector_load %arg6[%get3A_1800, %get3A_1801, %get3A_1802] {strides = array<i32>} : memref<4x200x64xf32, #tpu.memory_space<vmem>>, vector<16xf32>,
        %add3A_1804 = arith.addf %add3A_1776, %get3A_1803 : vector<16xf32>
        %get3A_1805 = arith.constant 2 : i32
        %get3A_1806 = arith.index_cast %get3A_1805 : i32 to index
        %get3A_1807 = arith.index_cast %add3A_1786 : i32 to index
        %get3A_1808 = arith.constant 48 : index
        %get3A_1809 = tpu.vector_load %arg6[%get3A_1806, %get3A_1807, %get3A_1808] {strides = array<i32>} : memref<4x200x64xf32, #tpu.memory_space<vmem>>, vector<16xf32>,
        %add3A_1810 = arith.addf %add3A_1782, %get3A_1809 : vector<16xf32>
        %mul3A_1811 = arith.constant 16 : i32
        %mul3A_1812 = arith.muli %scan3A_1402, %mul3A_1811 : i32
        %add3A_1813 = arith.constant 14 : i32
        %add3A_1814 = arith.addi %mul3A_1812, %add3A_1813 : i32
        %get3A_1815 = arith.constant 2 : i32
        %get3A_1816 = arith.index_cast %get3A_1815 : i32 to index
        %get3A_1817 = arith.index_cast %add3A_1814 : i32 to index
        %get3A_1818 = arith.constant 0 : index
        %get3A_1819 = tpu.vector_load %arg6[%get3A_1816, %get3A_1817, %get3A_1818] {strides = array<i32>} : memref<4x200x64xf32, #tpu.memory_space<vmem>>, vector<16xf32>,
        %add3A_1820 = arith.addf %add3A_1792, %get3A_1819 : vector<16xf32>
        %get3A_1821 = arith.constant 2 : i32
        %get3A_1822 = arith.index_cast %get3A_1821 : i32 to index
        %get3A_1823 = arith.index_cast %add3A_1814 : i32 to index
        %get3A_1824 = arith.constant 16 : index
        %get3A_1825 = tpu.vector_load %arg6[%get3A_1822, %get3A_1823, %get3A_1824] {strides = array<i32>} : memref<4x200x64xf32, #tpu.memory_space<vmem>>, vector<16xf32>,
        %add3A_1826 = arith.addf %add3A_1798, %get3A_1825 : vector<16xf32>
        %get3A_1827 = arith.constant 2 : i32
        %get3A_1828 = arith.index_cast %get3A_1827 : i32 to index
        %get3A_1829 = arith.index_cast %add3A_1814 : i32 to index
        %get3A_1830 = arith.constant 32 : index
        %get3A_1831 = tpu.vector_load %arg6[%get3A_1828, %get3A_1829, %get3A_1830] {strides = array<i32>} : memref<4x200x64xf32, #tpu.memory_space<vmem>>, vector<16xf32>,
        %add3A_1832 = arith.addf %add3A_1804, %get3A_1831 : vector<16xf32>
        %get3A_1833 = arith.constant 2 : i32
        %get3A_1834 = arith.index_cast %get3A_1833 : i32 to index
        %get3A_1835 = arith.index_cast %add3A_1814 : i32 to index
        %get3A_1836 = arith.constant 48 : index
        %get3A_1837 = tpu.vector_load %arg6[%get3A_1834, %get3A_1835, %get3A_1836] {strides = array<i32>} : memref<4x200x64xf32, #tpu.memory_space<vmem>>, vector<16xf32>,
        %add3A_1838 = arith.addf %add3A_1810, %get3A_1837 : vector<16xf32>
        %mul3A_1839 = arith.constant 16 : i32
        %mul3A_1840 = arith.muli %scan3A_1402, %mul3A_1839 : i32
        %add3A_1841 = arith.constant 15 : i32
        %add3A_1842 = arith.addi %mul3A_1840, %add3A_1841 : i32
        %get3A_1843 = arith.constant 2 : i32
        %get3A_1844 = arith.index_cast %get3A_1843 : i32 to index
        %get3A_1845 = arith.index_cast %add3A_1842 : i32 to index
        %get3A_1846 = arith.constant 0 : index
        %get3A_1847 = tpu.vector_load %arg6[%get3A_1844, %get3A_1845, %get3A_1846] {strides = array<i32>} : memref<4x200x64xf32, #tpu.memory_space<vmem>>, vector<16xf32>,
        %add3A_1848 = arith.addf %add3A_1820, %get3A_1847 : vector<16xf32>
        %get3A_1849 = arith.constant 2 : i32
        %get3A_1850 = arith.index_cast %get3A_1849 : i32 to index
        %get3A_1851 = arith.index_cast %add3A_1842 : i32 to index
        %get3A_1852 = arith.constant 16 : index
        %get3A_1853 = tpu.vector_load %arg6[%get3A_1850, %get3A_1851, %get3A_1852] {strides = array<i32>} : memref<4x200x64xf32, #tpu.memory_space<vmem>>, vector<16xf32>,
        %add3A_1854 = arith.addf %add3A_1826, %get3A_1853 : vector<16xf32>
        %get3A_1855 = arith.constant 2 : i32
        %get3A_1856 = arith.index_cast %get3A_1855 : i32 to index
        %get3A_1857 = arith.index_cast %add3A_1842 : i32 to index
        %get3A_1858 = arith.constant 32 : index
        %get3A_1859 = tpu.vector_load %arg6[%get3A_1856, %get3A_1857, %get3A_1858] {strides = array<i32>} : memref<4x200x64xf32, #tpu.memory_space<vmem>>, vector<16xf32>,
        %add3A_1860 = arith.addf %add3A_1832, %get3A_1859 : vector<16xf32>
        %get3A_1861 = arith.constant 2 : i32
        %get3A_1862 = arith.index_cast %get3A_1861 : i32 to index
        %get3A_1863 = arith.index_cast %add3A_1842 : i32 to index
        %get3A_1864 = arith.constant 48 : index
        %get3A_1865 = tpu.vector_load %arg6[%get3A_1862, %get3A_1863, %get3A_1864] {strides = array<i32>} : memref<4x200x64xf32, #tpu.memory_space<vmem>>, vector<16xf32>,
        %add3A_1866 = arith.addf %add3A_1838, %get3A_1865 : vector<16xf32>
        scf.yield %add3A_1848, %add3A_1854, %add3A_1860, %add3A_1866, %add3A_1418 : vector<16xf32>, vector<16xf32>, vector<16xf32>, vector<16xf32>, vector<16xi32>
      }
      %scan3A_830 = arith.constant 12 : i32
      %get3A_831 = arith.index_cast %and3A_102 : i32 to index
      %get3A_832 = arith.index_cast %and3A_820 : i32 to index
      %get3A_833 = arith.constant 184 : index
      %get3A_834 = tpu.vector_load %arg5[%get3A_831, %get3A_832, %get3A_833] {strides = array<i32>} : memref<2x16x200xi32, #tpu.memory_space<vmem>>, vector<16xi32>,
      %iota3A_835 = tpu.iota {dimensions = array<i32: 0>} : vector<16xi32>
      %ge3A_836 = arith.constant 8 : i32
      %ge3A_837 = vector.broadcast %ge3A_836 : i32 to vector<16xi32>
      %ge3A_838 = arith.cmpi sge, %iota3A_835, %ge3A_837 : vector<16xi32>
      %ne3A_839 = arith.constant 0 : i32
      %ne3A_840 = vector.broadcast %ne3A_839 : i32 to vector<16xi32>
      %ne3A_841 = arith.cmpi ne, %get3A_834, %ne3A_840 : vector<16xi32>
      %and3A_842 = arith.andi %ge3A_838, %ne3A_841 : vector<16xi1>
      %all_reduce_population_count3A_843 = tpu.all_reduce %and3A_842 {dim = 0 : i64, kind = #tpu.reduction_kind<sum>} : vector<16xi1> -> vector<16xi32>
      %add3A_844 = arith.addi %scan3A_829#4, %all_reduce_population_count3A_843 : vector<16xi32>
      %get3A_845 = arith.constant 2 : i32
      %get3A_846 = arith.constant 192 : i32
      %get3A_847 = arith.index_cast %get3A_845 : i32 to index
      %get3A_848 = arith.index_cast %get3A_846 : i32 to index
      %get3A_849 = arith.constant 0 : index
      %get3A_850 = tpu.vector_load %arg6[%get3A_847, %get3A_848, %get3A_849] {strides = array<i32>} : memref<4x200x64xf32, #tpu.memory_space<vmem>>, vector<16xf32>,
      %add3A_851 = arith.addf %scan3A_829#0, %get3A_850 : vector<16xf32>
      %get3A_852 = arith.constant 2 : i32
      %get3A_853 = arith.constant 192 : i32
      %get3A_854 = arith.index_cast %get3A_852 : i32 to index
      %get3A_855 = arith.index_cast %get3A_853 : i32 to index
      %get3A_856 = arith.constant 16 : index
      %get3A_857 = tpu.vector_load %arg6[%get3A_854, %get3A_855, %get3A_856] {strides = array<i32>} : memref<4x200x64xf32, #tpu.memory_space<vmem>>, vector<16xf32>,
      %add3A_858 = arith.addf %scan3A_829#1, %get3A_857 : vector<16xf32>
      %get3A_859 = arith.constant 2 : i32
      %get3A_860 = arith.constant 192 : i32
      %get3A_861 = arith.index_cast %get3A_859 : i32 to index
      %get3A_862 = arith.index_cast %get3A_860 : i32 to index
      %get3A_863 = arith.constant 32 : index
      %get3A_864 = tpu.vector_load %arg6[%get3A_861, %get3A_862, %get3A_863] {strides = array<i32>} : memref<4x200x64xf32, #tpu.memory_space<vmem>>, vector<16xf32>,
      %add3A_865 = arith.addf %scan3A_829#2, %get3A_864 : vector<16xf32>
      %get3A_866 = arith.constant 2 : i32
      %get3A_867 = arith.constant 192 : i32
      %get3A_868 = arith.index_cast %get3A_866 : i32 to index
      %get3A_869 = arith.index_cast %get3A_867 : i32 to index
      %get3A_870 = arith.constant 48 : index
      %get3A_871 = tpu.vector_load %arg6[%get3A_868, %get3A_869, %get3A_870] {strides = array<i32>} : memref<4x200x64xf32, #tpu.memory_space<vmem>>, vector<16xf32>,
      %add3A_872 = arith.addf %scan3A_829#3, %get3A_871 : vector<16xf32>
      %get3A_873 = arith.constant 2 : i32
      %get3A_874 = arith.constant 193 : i32
      %get3A_875 = arith.index_cast %get3A_873 : i32 to index
      %get3A_876 = arith.index_cast %get3A_874 : i32 to index
      %get3A_877 = arith.constant 0 : index
      %get3A_878 = tpu.vector_load %arg6[%get3A_875, %get3A_876, %get3A_877] {strides = array<i32>} : memref<4x200x64xf32, #tpu.memory_space<vmem>>, vector<16xf32>,
      %add3A_879 = arith.addf %add3A_851, %get3A_878 : vector<16xf32>
      %get3A_880 = arith.constant 2 : i32
      %get3A_881 = arith.constant 193 : i32
      %get3A_882 = arith.index_cast %get3A_880 : i32 to index
      %get3A_883 = arith.index_cast %get3A_881 : i32 to index
      %get3A_884 = arith.constant 16 : index
      %get3A_885 = tpu.vector_load %arg6[%get3A_882, %get3A_883, %get3A_884] {strides = array<i32>} : memref<4x200x64xf32, #tpu.memory_space<vmem>>, vector<16xf32>,
      %add3A_886 = arith.addf %add3A_858, %get3A_885 : vector<16xf32>
      %get3A_887 = arith.constant 2 : i32
      %get3A_888 = arith.constant 193 : i32
      %get3A_889 = arith.index_cast %get3A_887 : i32 to index
      %get3A_890 = arith.index_cast %get3A_888 : i32 to index
      %get3A_891 = arith.constant 32 : index
      %get3A_892 = tpu.vector_load %arg6[%get3A_889, %get3A_890, %get3A_891] {strides = array<i32>} : memref<4x200x64xf32, #tpu.memory_space<vmem>>, vector<16xf32>,
      %add3A_893 = arith.addf %add3A_865, %get3A_892 : vector<16xf32>
      %get3A_894 = arith.constant 2 : i32
      %get3A_895 = arith.constant 193 : i32
      %get3A_896 = arith.index_cast %get3A_894 : i32 to index
      %get3A_897 = arith.index_cast %get3A_895 : i32 to index
      %get3A_898 = arith.constant 48 : index
      %get3A_899 = tpu.vector_load %arg6[%get3A_896, %get3A_897, %get3A_898] {strides = array<i32>} : memref<4x200x64xf32, #tpu.memory_space<vmem>>, vector<16xf32>,
      %add3A_900 = arith.addf %add3A_872, %get3A_899 : vector<16xf32>
      %get3A_901 = arith.constant 2 : i32
      %get3A_902 = arith.constant 194 : i32
      %get3A_903 = arith.index_cast %get3A_901 : i32 to index
      %get3A_904 = arith.index_cast %get3A_902 : i32 to index
      %get3A_905 = arith.constant 0 : index
      %get3A_906 = tpu.vector_load %arg6[%get3A_903, %get3A_904, %get3A_905] {strides = array<i32>} : memref<4x200x64xf32, #tpu.memory_space<vmem>>, vector<16xf32>,
      %add3A_907 = arith.addf %add3A_879, %get3A_906 : vector<16xf32>
      %get3A_908 = arith.constant 2 : i32
      %get3A_909 = arith.constant 194 : i32
      %get3A_910 = arith.index_cast %get3A_908 : i32 to index
      %get3A_911 = arith.index_cast %get3A_909 : i32 to index
      %get3A_912 = arith.constant 16 : index
      %get3A_913 = tpu.vector_load %arg6[%get3A_910, %get3A_911, %get3A_912] {strides = array<i32>} : memref<4x200x64xf32, #tpu.memory_space<vmem>>, vector<16xf32>,
      %add3A_914 = arith.addf %add3A_886, %get3A_913 : vector<16xf32>
      %get3A_915 = arith.constant 2 : i32
      %get3A_916 = arith.constant 194 : i32
      %get3A_917 = arith.index_cast %get3A_915 : i32 to index
      %get3A_918 = arith.index_cast %get3A_916 : i32 to index
      %get3A_919 = arith.constant 32 : index
      %get3A_920 = tpu.vector_load %arg6[%get3A_917, %get3A_918, %get3A_919] {strides = array<i32>} : memref<4x200x64xf32, #tpu.memory_space<vmem>>, vector<16xf32>,
      %add3A_921 = arith.addf %add3A_893, %get3A_920 : vector<16xf32>
      %get3A_922 = arith.constant 2 : i32
      %get3A_923 = arith.constant 194 : i32
      %get3A_924 = arith.index_cast %get3A_922 : i32 to index
      %get3A_925 = arith.index_cast %get3A_923 : i32 to index
      %get3A_926 = arith.constant 48 : index
      %get3A_927 = tpu.vector_load %arg6[%get3A_924, %get3A_925, %get3A_926] {strides = array<i32>} : memref<4x200x64xf32, #tpu.memory_space<vmem>>, vector<16xf32>,
      %add3A_928 = arith.addf %add3A_900, %get3A_927 : vector<16xf32>
      %get3A_929 = arith.constant 2 : i32
      %get3A_930 = arith.constant 195 : i32
      %get3A_931 = arith.index_cast %get3A_929 : i32 to index
      %get3A_932 = arith.index_cast %get3A_930 : i32 to index
      %get3A_933 = arith.constant 0 : index
      %get3A_934 = tpu.vector_load %arg6[%get3A_931, %get3A_932, %get3A_933] {strides = array<i32>} : memref<4x200x64xf32, #tpu.memory_space<vmem>>, vector<16xf32>,
      %add3A_935 = arith.addf %add3A_907, %get3A_934 : vector<16xf32>
      %get3A_936 = arith.constant 2 : i32
      %get3A_937 = arith.constant 195 : i32
      %get3A_938 = arith.index_cast %get3A_936 : i32 to index
      %get3A_939 = arith.index_cast %get3A_937 : i32 to index
      %get3A_940 = arith.constant 16 : index
      %get3A_941 = tpu.vector_load %arg6[%get3A_938, %get3A_939, %get3A_940] {strides = array<i32>} : memref<4x200x64xf32, #tpu.memory_space<vmem>>, vector<16xf32>,
      %add3A_942 = arith.addf %add3A_914, %get3A_941 : vector<16xf32>
      %get3A_943 = arith.constant 2 : i32
      %get3A_944 = arith.constant 195 : i32
      %get3A_945 = arith.index_cast %get3A_943 : i32 to index
      %get3A_946 = arith.index_cast %get3A_944 : i32 to index
      %get3A_947 = arith.constant 32 : index
      %get3A_948 = tpu.vector_load %arg6[%get3A_945, %get3A_946, %get3A_947] {strides = array<i32>} : memref<4x200x64xf32, #tpu.memory_space<vmem>>, vector<16xf32>,
      %add3A_949 = arith.addf %add3A_921, %get3A_948 : vector<16xf32>
      %get3A_950 = arith.constant 2 : i32
      %get3A_951 = arith.constant 195 : i32
      %get3A_952 = arith.index_cast %get3A_950 : i32 to index
      %get3A_953 = arith.index_cast %get3A_951 : i32 to index
      %get3A_954 = arith.constant 48 : index
      %get3A_955 = tpu.vector_load %arg6[%get3A_952, %get3A_953, %get3A_954] {strides = array<i32>} : memref<4x200x64xf32, #tpu.memory_space<vmem>>, vector<16xf32>,
      %add3A_956 = arith.addf %add3A_928, %get3A_955 : vector<16xf32>
      %get3A_957 = arith.constant 2 : i32
      %get3A_958 = arith.constant 196 : i32
      %get3A_959 = arith.index_cast %get3A_957 : i32 to index
      %get3A_960 = arith.index_cast %get3A_958 : i32 to index
      %get3A_961 = arith.constant 0 : index
      %get3A_962 = tpu.vector_load %arg6[%get3A_959, %get3A_960, %get3A_961] {strides = array<i32>} : memref<4x200x64xf32, #tpu.memory_space<vmem>>, vector<16xf32>,
      %add3A_963 = arith.addf %add3A_935, %get3A_962 : vector<16xf32>
      %get3A_964 = arith.constant 2 : i32
      %get3A_965 = arith.constant 196 : i32
      %get3A_966 = arith.index_cast %get3A_964 : i32 to index
      %get3A_967 = arith.index_cast %get3A_965 : i32 to index
      %get3A_968 = arith.constant 16 : index
      %get3A_969 = tpu.vector_load %arg6[%get3A_966, %get3A_967, %get3A_968] {strides = array<i32>} : memref<4x200x64xf32, #tpu.memory_space<vmem>>, vector<16xf32>,
      %add3A_970 = arith.addf %add3A_942, %get3A_969 : vector<16xf32>
      %get3A_971 = arith.constant 2 : i32
      %get3A_972 = arith.constant 196 : i32
      %get3A_973 = arith.index_cast %get3A_971 : i32 to index
      %get3A_974 = arith.index_cast %get3A_972 : i32 to index
      %get3A_975 = arith.constant 32 : index
      %get3A_976 = tpu.vector_load %arg6[%get3A_973, %get3A_974, %get3A_975] {strides = array<i32>} : memref<4x200x64xf32, #tpu.memory_space<vmem>>, vector<16xf32>,
      %add3A_977 = arith.addf %add3A_949, %get3A_976 : vector<16xf32>
      %get3A_978 = arith.constant 2 : i32
      %get3A_979 = arith.constant 196 : i32
      %get3A_980 = arith.index_cast %get3A_978 : i32 to index
      %get3A_981 = arith.index_cast %get3A_979 : i32 to index
      %get3A_982 = arith.constant 48 : index
      %get3A_983 = tpu.vector_load %arg6[%get3A_980, %get3A_981, %get3A_982] {strides = array<i32>} : memref<4x200x64xf32, #tpu.memory_space<vmem>>, vector<16xf32>,
      %add3A_984 = arith.addf %add3A_956, %get3A_983 : vector<16xf32>
      %get3A_985 = arith.constant 2 : i32
      %get3A_986 = arith.constant 197 : i32
      %get3A_987 = arith.index_cast %get3A_985 : i32 to index
      %get3A_988 = arith.index_cast %get3A_986 : i32 to index
      %get3A_989 = arith.constant 0 : index
      %get3A_990 = tpu.vector_load %arg6[%get3A_987, %get3A_988, %get3A_989] {strides = array<i32>} : memref<4x200x64xf32, #tpu.memory_space<vmem>>, vector<16xf32>,
      %add3A_991 = arith.addf %add3A_963, %get3A_990 : vector<16xf32>
      %get3A_992 = arith.constant 2 : i32
      %get3A_993 = arith.constant 197 : i32
      %get3A_994 = arith.index_cast %get3A_992 : i32 to index
      %get3A_995 = arith.index_cast %get3A_993 : i32 to index
      %get3A_996 = arith.constant 16 : index
      %get3A_997 = tpu.vector_load %arg6[%get3A_994, %get3A_995, %get3A_996] {strides = array<i32>} : memref<4x200x64xf32, #tpu.memory_space<vmem>>, vector<16xf32>,
      %add3A_998 = arith.addf %add3A_970, %get3A_997 : vector<16xf32>
      %get3A_999 = arith.constant 2 : i32
      %get3A_1000 = arith.constant 197 : i32
      %get3A_1001 = arith.index_cast %get3A_999 : i32 to index
      %get3A_1002 = arith.index_cast %get3A_1000 : i32 to index
      %get3A_1003 = arith.constant 32 : index
      %get3A_1004 = tpu.vector_load %arg6[%get3A_1001, %get3A_1002, %get3A_1003] {strides = array<i32>} : memref<4x200x64xf32, #tpu.memory_space<vmem>>, vector<16xf32>,
      %add3A_1005 = arith.addf %add3A_977, %get3A_1004 : vector<16xf32>
      %get3A_1006 = arith.constant 2 : i32
      %get3A_1007 = arith.constant 197 : i32
      %get3A_1008 = arith.index_cast %get3A_1006 : i32 to index
      %get3A_1009 = arith.index_cast %get3A_1007 : i32 to index
      %get3A_1010 = arith.constant 48 : index
      %get3A_1011 = tpu.vector_load %arg6[%get3A_1008, %get3A_1009, %get3A_1010] {strides = array<i32>} : memref<4x200x64xf32, #tpu.memory_space<vmem>>, vector<16xf32>,
      %add3A_1012 = arith.addf %add3A_984, %get3A_1011 : vector<16xf32>
      %get3A_1013 = arith.constant 2 : i32
      %get3A_1014 = arith.constant 198 : i32
      %get3A_1015 = arith.index_cast %get3A_1013 : i32 to index
      %get3A_1016 = arith.index_cast %get3A_1014 : i32 to index
      %get3A_1017 = arith.constant 0 : index
      %get3A_1018 = tpu.vector_load %arg6[%get3A_1015, %get3A_1016, %get3A_1017] {strides = array<i32>} : memref<4x200x64xf32, #tpu.memory_space<vmem>>, vector<16xf32>,
      %add3A_1019 = arith.addf %add3A_991, %get3A_1018 : vector<16xf32>
      %get3A_1020 = arith.constant 2 : i32
      %get3A_1021 = arith.constant 198 : i32
      %get3A_1022 = arith.index_cast %get3A_1020 : i32 to index
      %get3A_1023 = arith.index_cast %get3A_1021 : i32 to index
      %get3A_1024 = arith.constant 16 : index
      %get3A_1025 = tpu.vector_load %arg6[%get3A_1022, %get3A_1023, %get3A_1024] {strides = array<i32>} : memref<4x200x64xf32, #tpu.memory_space<vmem>>, vector<16xf32>,
      %add3A_1026 = arith.addf %add3A_998, %get3A_1025 : vector<16xf32>
      %get3A_1027 = arith.constant 2 : i32
      %get3A_1028 = arith.constant 198 : i32
      %get3A_1029 = arith.index_cast %get3A_1027 : i32 to index
      %get3A_1030 = arith.index_cast %get3A_1028 : i32 to index
      %get3A_1031 = arith.constant 32 : index
      %get3A_1032 = tpu.vector_load %arg6[%get3A_1029, %get3A_1030, %get3A_1031] {strides = array<i32>} : memref<4x200x64xf32, #tpu.memory_space<vmem>>, vector<16xf32>,
      %add3A_1033 = arith.addf %add3A_1005, %get3A_1032 : vector<16xf32>
      %get3A_1034 = arith.constant 2 : i32
      %get3A_1035 = arith.constant 198 : i32
      %get3A_1036 = arith.index_cast %get3A_1034 : i32 to index
      %get3A_1037 = arith.index_cast %get3A_1035 : i32 to index
      %get3A_1038 = arith.constant 48 : index
      %get3A_1039 = tpu.vector_load %arg6[%get3A_1036, %get3A_1037, %get3A_1038] {strides = array<i32>} : memref<4x200x64xf32, #tpu.memory_space<vmem>>, vector<16xf32>,
      %add3A_1040 = arith.addf %add3A_1012, %get3A_1039 : vector<16xf32>
      %get3A_1041 = arith.constant 2 : i32
      %get3A_1042 = arith.constant 199 : i32
      %get3A_1043 = arith.index_cast %get3A_1041 : i32 to index
      %get3A_1044 = arith.index_cast %get3A_1042 : i32 to index
      %get3A_1045 = arith.constant 0 : index
      %get3A_1046 = tpu.vector_load %arg6[%get3A_1043, %get3A_1044, %get3A_1045] {strides = array<i32>} : memref<4x200x64xf32, #tpu.memory_space<vmem>>, vector<16xf32>,
      %add3A_1047 = arith.addf %add3A_1019, %get3A_1046 : vector<16xf32>
      %get3A_1048 = arith.constant 2 : i32
      %get3A_1049 = arith.constant 199 : i32
      %get3A_1050 = arith.index_cast %get3A_1048 : i32 to index
      %get3A_1051 = arith.index_cast %get3A_1049 : i32 to index
      %get3A_1052 = arith.constant 16 : index
      %get3A_1053 = tpu.vector_load %arg6[%get3A_1050, %get3A_1051, %get3A_1052] {strides = array<i32>} : memref<4x200x64xf32, #tpu.memory_space<vmem>>, vector<16xf32>,
      %add3A_1054 = arith.addf %add3A_1026, %get3A_1053 : vector<16xf32>
      %get3A_1055 = arith.constant 2 : i32
      %get3A_1056 = arith.constant 199 : i32
      %get3A_1057 = arith.index_cast %get3A_1055 : i32 to index
      %get3A_1058 = arith.index_cast %get3A_1056 : i32 to index
      %get3A_1059 = arith.constant 32 : index
      %get3A_1060 = tpu.vector_load %arg6[%get3A_1057, %get3A_1058, %get3A_1059] {strides = array<i32>} : memref<4x200x64xf32, #tpu.memory_space<vmem>>, vector<16xf32>,
      %add3A_1061 = arith.addf %add3A_1033, %get3A_1060 : vector<16xf32>
      %get3A_1062 = arith.constant 2 : i32
      %get3A_1063 = arith.constant 199 : i32
      %get3A_1064 = arith.index_cast %get3A_1062 : i32 to index
      %get3A_1065 = arith.index_cast %get3A_1063 : i32 to index
      %get3A_1066 = arith.constant 48 : index
      %get3A_1067 = tpu.vector_load %arg6[%get3A_1064, %get3A_1065, %get3A_1066] {strides = array<i32>} : memref<4x200x64xf32, #tpu.memory_space<vmem>>, vector<16xf32>,
      %add3A_1068 = arith.addf %add3A_1040, %get3A_1067 : vector<16xf32>
      %convert_element_type3A_1069 = arith.sitofp %add3A_844 : vector<16xi32> to vector<16xf32>
      %max3A_1070 = arith.constant 1.000000e+00 : f32
      %max3A_1071 = vector.broadcast %max3A_1070 : f32 to vector<16xf32>
      %max3A_1072 = arith.maximumf %convert_element_type3A_1069, %max3A_1071 : vector<16xf32>
      %div3A_1073 = arith.constant 1.000000e+00 : f32
      %div3A_1074 = vector.broadcast %div3A_1073 : f32 to vector<16xf32>
      %div3A_1075 = arith.divf %div3A_1074, %max3A_1072 : vector<16xf32>
      %mul3A_1076 = arith.mulf %add3A_1047, %div3A_1075 : vector<16xf32>
      %swap3A_1077 = arith.index_cast %add3A_783 : i32 to index
      %swap3A_1078 = arith.constant 0 : index
      %swap3A_1079 = tpu.vector_load %arg7[%swap3A_1077, %swap3A_1078] {strides = array<i32>} : memref<512x64xf32, #tpu.memory_space<vmem>>, vector<16xf32>,
      tpu.vector_store %arg7[%swap3A_1077, %swap3A_1078], %mul3A_1076 {strides = array<i32>} : memref<512x64xf32, #tpu.memory_space<vmem>>, vector<16xf32>,
      %mul3A_1080 = arith.mulf %add3A_1054, %div3A_1075 : vector<16xf32>
      %swap3A_1081 = arith.index_cast %add3A_783 : i32 to index
      %swap3A_1082 = arith.constant 16 : index
      %swap3A_1083 = tpu.vector_load %arg7[%swap3A_1081, %swap3A_1082] {strides = array<i32>} : memref<512x64xf32, #tpu.memory_space<vmem>>, vector<16xf32>,
      tpu.vector_store %arg7[%swap3A_1081, %swap3A_1082], %mul3A_1080 {strides = array<i32>} : memref<512x64xf32, #tpu.memory_space<vmem>>, vector<16xf32>,
      %mul3A_1084 = arith.mulf %add3A_1061, %div3A_1075 : vector<16xf32>
      %swap3A_1085 = arith.index_cast %add3A_783 : i32 to index
      %swap3A_1086 = arith.constant 32 : index
      %swap3A_1087 = tpu.vector_load %arg7[%swap3A_1085, %swap3A_1086] {strides = array<i32>} : memref<512x64xf32, #tpu.memory_space<vmem>>, vector<16xf32>,
      tpu.vector_store %arg7[%swap3A_1085, %swap3A_1086], %mul3A_1084 {strides = array<i32>} : memref<512x64xf32, #tpu.memory_space<vmem>>, vector<16xf32>,
      %mul3A_1088 = arith.mulf %add3A_1068, %div3A_1075 : vector<16xf32>
      %swap3A_1089 = arith.index_cast %add3A_783 : i32 to index
      %swap3A_1090 = arith.constant 48 : index
      %swap3A_1091 = tpu.vector_load %arg7[%swap3A_1089, %swap3A_1090] {strides = array<i32>} : memref<512x64xf32, #tpu.memory_space<vmem>>, vector<16xf32>,
      tpu.vector_store %arg7[%swap3A_1089, %swap3A_1090], %mul3A_1088 {strides = array<i32>} : memref<512x64xf32, #tpu.memory_space<vmem>>, vector<16xf32>,
      %add3A_1092 = arith.constant 3 : i32
      %add3A_1093 = arith.addi %mul3A_104, %add3A_1092 : i32
      %add3A_1094 = arith.constant 4 : i32
      %add3A_1095 = arith.addi %add3A_1093, %add3A_1094 : i32
      %sub3A_1096 = arith.constant 1 : i32
      %sub3A_1097 = arith.subi %add3A_1095, %sub3A_1096 : i32
      %dma_wait3A_1098 = arith.constant 0 : i32
      %dma_wait3A_1099 = arith.constant 0 : i32
      %dma_wait3A_1100 = arith.constant 3 : i32
      %dma_wait3A_1101 = arith.constant 0 : i32
      %dma_wait3A_1102 = arith.constant 0 : i32
      %dma_wait3A_1103 = tpu.memref_slice %arg6[%dma_wait3A_1100, %dma_wait3A_1101, %dma_wait3A_1102] : memref<4x200x64xf32, #tpu.memory_space<vmem>> -> memref<1x128x64xf32, #tpu.memory_space<vmem>>
      %dma_wait3A_1104 = tpu.memref_squeeze %dma_wait3A_1103 : memref<1x128x64xf32, #tpu.memory_space<vmem>> -> memref<128x64xf32, #tpu.memory_space<vmem>>
      %dma_wait3A_1105 = arith.constant 0 : i32
      %dma_wait3A_1106 = tpu.memref_slice %arg5[%dma_wait3A_1098, %dma_wait3A_1099, %dma_wait3A_1105] : memref<2x16x200xi32, #tpu.memory_space<vmem>> -> memref<1x1x128xi32, #tpu.memory_space<vmem>>
      %dma_wait3A_1107 = tpu.memref_squeeze %dma_wait3A_1106 : memref<1x1x128xi32, #tpu.memory_space<vmem>> -> memref<128xi32, #tpu.memory_space<vmem>>
      %dma_wait3A_1108 = arith.constant 0 : i32
      %dma_wait3A_1109 = arith.constant 0 : i32
      %dma_wait3A_1110 = tpu.memref_slice %arg3[%dma_wait3A_1108, %dma_wait3A_1109] : memref<1000000x64xf32, #tpu.memory_space<hbm>> -> memref<1000000x64xf32, #tpu.memory_space<hbm>>
      tpu.wait_indirect_dma semaphore(%arg12 : memref<!tpu.dma_semaphore, #tpu.memory_space<semaphore_mem>>) src(%dma_wait3A_1110 : memref<1000000x64xf32, #tpu.memory_space<hbm>>) dst(%dma_wait3A_1104 : memref<128x64xf32, #tpu.memory_space<vmem>>)
      %dma_wait3A_1111 = arith.constant 0 : i32
      %dma_wait3A_1112 = arith.constant 0 : i32
      %dma_wait3A_1113 = arith.constant 3 : i32
      %dma_wait3A_1114 = arith.constant 128 : i32
      %dma_wait3A_1115 = arith.constant 0 : i32
      %dma_wait3A_1116 = tpu.memref_slice %arg6[%dma_wait3A_1113, %dma_wait3A_1114, %dma_wait3A_1115] : memref<4x200x64xf32, #tpu.memory_space<vmem>> -> memref<1x72x64xf32, #tpu.memory_space<vmem>>
      %dma_wait3A_1117 = tpu.memref_squeeze %dma_wait3A_1116 : memref<1x72x64xf32, #tpu.memory_space<vmem>> -> memref<72x64xf32, #tpu.memory_space<vmem>>
      %dma_wait3A_1118 = arith.constant 128 : i32
      %dma_wait3A_1119 = tpu.memref_slice %arg5[%dma_wait3A_1111, %dma_wait3A_1112, %dma_wait3A_1118] : memref<2x16x200xi32, #tpu.memory_space<vmem>> -> memref<1x1x72xi32, #tpu.memory_space<vmem>>
      %dma_wait3A_1120 = tpu.memref_squeeze %dma_wait3A_1119 : memref<1x1x72xi32, #tpu.memory_space<vmem>> -> memref<72xi32, #tpu.memory_space<vmem>>
      %dma_wait3A_1121 = arith.constant 0 : i32
      %dma_wait3A_1122 = arith.constant 0 : i32
      %dma_wait3A_1123 = tpu.memref_slice %arg3[%dma_wait3A_1121, %dma_wait3A_1122] : memref<1000000x64xf32, #tpu.memory_space<hbm>> -> memref<1000000x64xf32, #tpu.memory_space<hbm>>
      tpu.wait_indirect_dma semaphore(%arg12 : memref<!tpu.dma_semaphore, #tpu.memory_space<semaphore_mem>>) src(%dma_wait3A_1123 : memref<1000000x64xf32, #tpu.memory_space<hbm>>) dst(%dma_wait3A_1117 : memref<72x64xf32, #tpu.memory_space<vmem>>)
      %lt3A_1124 = arith.constant 127 : i32
      %lt3A_1125 = arith.cmpi slt, %scan3A_84, %lt3A_1124 : i32
      %convert_element_type3A_1126 = arith.extui %lt3A_1125 : i1 to i32
      %cond3A_1127 = arith.constant 0 : i32
      %cond3A_1128 = arith.cmpi ne, %convert_element_type3A_1126, %cond3A_1127 : i32
      scf.if %cond3A_1128 {
        %jit3A_1402 = arith.constant 16 : i32
        %div3A_1403 = arith.divsi %sub3A_1097, %jit3A_1402 : i32
        %sign3A_1404 = arith.constant 0 : i32
        %sign3A_1405 = arith.cmpi sgt, %sub3A_1097, %sign3A_1404 : i32
        %sign3A_1406 = arith.extui %sign3A_1405 : i1 to i32
        %sign3A_1407 = arith.constant 0 : i32
        %sign3A_1408 = arith.cmpi slt, %sub3A_1097, %sign3A_1407 : i32
        %sign3A_1409 = arith.extui %sign3A_1408 : i1 to i32
        %sign3A_1410 = arith.subi %sign3A_1406, %sign3A_1409 : i32
        %sign3A_1411 = arith.constant 0 : i32
        %sign3A_1412 = arith.cmpi sgt, %jit3A_1402, %sign3A_1411 : i32
        %sign3A_1413 = arith.extui %sign3A_1412 : i1 to i32
        %sign3A_1414 = arith.constant 0 : i32
        %sign3A_1415 = arith.cmpi slt, %jit3A_1402, %sign3A_1414 : i32
        %sign3A_1416 = arith.extui %sign3A_1415 : i1 to i32
        %sign3A_1417 = arith.subi %sign3A_1413, %sign3A_1416 : i32
        %ne3A_1418 = arith.cmpi ne, %sign3A_1410, %sign3A_1417 : i32
        %rem3A_1419 = arith.remsi %sub3A_1097, %jit3A_1402 : i32
        %ne3A_1420 = arith.constant 0 : i32
        %ne3A_1421 = arith.cmpi ne, %rem3A_1419, %ne3A_1420 : i32
        %and3A_1422 = arith.andi %ne3A_1418, %ne3A_1421 : i1
        %sub3A_1423 = arith.constant 1 : i32
        %sub3A_1424 = arith.subi %div3A_1403, %sub3A_1423 : i32
        %select_n3A_1425 = arith.select %and3A_1422, %sub3A_1424, %div3A_1403 : i32
        %and3A_1426 = arith.constant 1 : i32
        %and3A_1427 = arith.andi %select_n3A_1425, %and3A_1426 : i32
        %and3A_1428 = arith.constant 15 : i32
        %and3A_1429 = arith.andi %sub3A_1097, %and3A_1428 : i32
        %dma_start3A_1430 = arith.constant 2 : i32
        %dma_start3A_1431 = arith.constant 0 : i32
        %dma_start3A_1432 = arith.constant 0 : i32
        %dma_start3A_1433 = tpu.memref_slice %arg6[%dma_start3A_1430, %dma_start3A_1431, %dma_start3A_1432] : memref<4x200x64xf32, #tpu.memory_space<vmem>> -> memref<1x128x64xf32, #tpu.memory_space<vmem>>
        %dma_start3A_1434 = tpu.memref_squeeze %dma_start3A_1433 : memref<1x128x64xf32, #tpu.memory_space<vmem>> -> memref<128x64xf32, #tpu.memory_space<vmem>>
        %dma_start3A_1435 = arith.constant 0 : i32
        %dma_start3A_1436 = tpu.memref_slice %arg5[%and3A_1427, %and3A_1429, %dma_start3A_1435] : memref<2x16x200xi32, #tpu.memory_space<vmem>> -> memref<1x1x128xi32, #tpu.memory_space<vmem>>
        %dma_start3A_1437 = tpu.memref_squeeze %dma_start3A_1436 : memref<1x1x128xi32, #tpu.memory_space<vmem>> -> memref<128xi32, #tpu.memory_space<vmem>>
        %dma_start3A_1438 = arith.constant 0 : i32
        %dma_start3A_1439 = arith.constant 0 : i32
        %dma_start3A_1440 = tpu.memref_slice %arg3[%dma_start3A_1438, %dma_start3A_1439] : memref<1000000x64xf32, #tpu.memory_space<hbm>> -> memref<1000000x64xf32, #tpu.memory_space<hbm>>
        tpu.enqueue_indirect_dma source(%dma_start3A_1440 : memref<1000000x64xf32, #tpu.memory_space<hbm>>) target(%dma_start3A_1434 : memref<128x64xf32, #tpu.memory_space<vmem>>) offsets(%dma_start3A_1437 : memref<128xi32, #tpu.memory_space<vmem>>) semaphore(%arg11 : memref<!tpu.dma_semaphore, #tpu.memory_space<semaphore_mem>>)
        %dma_start3A_1441 = arith.constant 2 : i32
        %dma_start3A_1442 = arith.constant 128 : i32
        %dma_start3A_1443 = arith.constant 0 : i32
        %dma_start3A_1444 = tpu.memref_slice %arg6[%dma_start3A_1441, %dma_start3A_1442, %dma_start3A_1443] : memref<4x200x64xf32, #tpu.memory_space<vmem>> -> memref<1x72x64xf32, #tpu.memory_space<vmem>>
        %dma_start3A_1445 = tpu.memref_squeeze %dma_start3A_1444 : memref<1x72x64xf32, #tpu.memory_space<vmem>> -> memref<72x64xf32, #tpu.memory_space<vmem>>
        %dma_start3A_1446 = arith.constant 128 : i32
        %dma_start3A_1447 = tpu.memref_slice %arg5[%and3A_1427, %and3A_1429, %dma_start3A_1446] : memref<2x16x200xi32, #tpu.memory_space<vmem>> -> memref<1x1x72xi32, #tpu.memory_space<vmem>>
        %dma_start3A_1448 = tpu.memref_squeeze %dma_start3A_1447 : memref<1x1x72xi32, #tpu.memory_space<vmem>> -> memref<72xi32, #tpu.memory_space<vmem>>
        %dma_start3A_1449 = arith.constant 0 : i32
        %dma_start3A_1450 = arith.constant 0 : i32
        %dma_start3A_1451 = tpu.memref_slice %arg3[%dma_start3A_1449, %dma_start3A_1450] : memref<1000000x64xf32, #tpu.memory_space<hbm>> -> memref<1000000x64xf32, #tpu.memory_space<hbm>>
        tpu.enqueue_indirect_dma source(%dma_start3A_1451 : memref<1000000x64xf32, #tpu.memory_space<hbm>>) target(%dma_start3A_1445 : memref<72x64xf32, #tpu.memory_space<vmem>>) offsets(%dma_start3A_1448 : memref<72xi32, #tpu.memory_space<vmem>>) semaphore(%arg11 : memref<!tpu.dma_semaphore, #tpu.memory_space<semaphore_mem>>)
      } else {
      }
      %and3A_1129 = arith.constant 15 : i32
      %and3A_1130 = arith.andi %add3A_1093, %and3A_1129 : i32
      %broadcast_in_dim3A_1131 = arith.constant 0.000000e+00 : f32
      %broadcast_in_dim3A_1132 = vector.broadcast %broadcast_in_dim3A_1131 : f32 to vector<16xf32>
      %broadcast_in_dim3A_1133 = arith.constant 0 : i32
      %broadcast_in_dim3A_1134 = vector.broadcast %broadcast_in_dim3A_1133 : i32 to vector<16xi32>
      %scan3A_1135 = arith.constant 0 : i32
      %scan3A_1136 = arith.constant 12 : i32
      %scan3A_1137 = arith.addi %scan3A_1135, %scan3A_1136 : i32
      %scan3A_1138 = arith.constant 1 : i32
      %scan3A_1139:5 = scf.for %scan3A_1402 = %scan3A_1135 to %scan3A_1137 step %scan3A_1138 iter_args(%scan3A_1403 = %broadcast_in_dim3A_1132, %scan3A_1404 = %broadcast_in_dim3A_1132, %scan3A_1405 = %broadcast_in_dim3A_1132, %scan3A_1406 = %broadcast_in_dim3A_1132, %scan3A_1407 = %broadcast_in_dim3A_1134) -> (vector<16xf32>, vector<16xf32>, vector<16xf32>, vector<16xf32>, vector<16xi32>)  : i32 {
        %mul3A_1408 = arith.constant 16 : i32
        %mul3A_1409 = arith.muli %scan3A_1402, %mul3A_1408 : i32
        %get3A_1410 = arith.index_cast %and3A_102 : i32 to index
        %get3A_1411 = arith.index_cast %and3A_1130 : i32 to index
        %get3A_1412 = arith.index_cast %mul3A_1409 : i32 to index
        %get3A_1413 = tpu.vector_load %arg5[%get3A_1410, %get3A_1411, %get3A_1412] {strides = array<i32>} : memref<2x16x200xi32, #tpu.memory_space<vmem>>, vector<16xi32>,
        %ne3A_1414 = arith.constant 0 : i32
        %ne3A_1415 = vector.broadcast %ne3A_1414 : i32 to vector<16xi32>
        %ne3A_1416 = arith.cmpi ne, %get3A_1413, %ne3A_1415 : vector<16xi32>
        %all_reduce_population_count3A_1417 = tpu.all_reduce %ne3A_1416 {dim = 0 : i64, kind = #tpu.reduction_kind<sum>} : vector<16xi1> -> vector<16xi32>
        %add3A_1418 = arith.addi %scan3A_1407, %all_reduce_population_count3A_1417 : vector<16xi32>
        %mul3A_1419 = arith.constant 16 : i32
        %mul3A_1420 = arith.muli %scan3A_1402, %mul3A_1419 : i32
        %add3A_1421 = arith.constant 0 : i32
        %add3A_1422 = arith.addi %mul3A_1420, %add3A_1421 : i32
        %get3A_1423 = arith.constant 3 : i32
        %get3A_1424 = arith.index_cast %get3A_1423 : i32 to index
        %get3A_1425 = arith.index_cast %add3A_1422 : i32 to index
        %get3A_1426 = arith.constant 0 : index
        %get3A_1427 = tpu.vector_load %arg6[%get3A_1424, %get3A_1425, %get3A_1426] {strides = array<i32>} : memref<4x200x64xf32, #tpu.memory_space<vmem>>, vector<16xf32>,
        %add3A_1428 = arith.addf %scan3A_1403, %get3A_1427 : vector<16xf32>
        %get3A_1429 = arith.constant 3 : i32
        %get3A_1430 = arith.index_cast %get3A_1429 : i32 to index
        %get3A_1431 = arith.index_cast %add3A_1422 : i32 to index
        %get3A_1432 = arith.constant 16 : index
        %get3A_1433 = tpu.vector_load %arg6[%get3A_1430, %get3A_1431, %get3A_1432] {strides = array<i32>} : memref<4x200x64xf32, #tpu.memory_space<vmem>>, vector<16xf32>,
        %add3A_1434 = arith.addf %scan3A_1404, %get3A_1433 : vector<16xf32>
        %get3A_1435 = arith.constant 3 : i32
        %get3A_1436 = arith.index_cast %get3A_1435 : i32 to index
        %get3A_1437 = arith.index_cast %add3A_1422 : i32 to index
        %get3A_1438 = arith.constant 32 : index
        %get3A_1439 = tpu.vector_load %arg6[%get3A_1436, %get3A_1437, %get3A_1438] {strides = array<i32>} : memref<4x200x64xf32, #tpu.memory_space<vmem>>, vector<16xf32>,
        %add3A_1440 = arith.addf %scan3A_1405, %get3A_1439 : vector<16xf32>
        %get3A_1441 = arith.constant 3 : i32
        %get3A_1442 = arith.index_cast %get3A_1441 : i32 to index
        %get3A_1443 = arith.index_cast %add3A_1422 : i32 to index
        %get3A_1444 = arith.constant 48 : index
        %get3A_1445 = tpu.vector_load %arg6[%get3A_1442, %get3A_1443, %get3A_1444] {strides = array<i32>} : memref<4x200x64xf32, #tpu.memory_space<vmem>>, vector<16xf32>,
        %add3A_1446 = arith.addf %scan3A_1406, %get3A_1445 : vector<16xf32>
        %mul3A_1447 = arith.constant 16 : i32
        %mul3A_1448 = arith.muli %scan3A_1402, %mul3A_1447 : i32
        %add3A_1449 = arith.constant 1 : i32
        %add3A_1450 = arith.addi %mul3A_1448, %add3A_1449 : i32
        %get3A_1451 = arith.constant 3 : i32
        %get3A_1452 = arith.index_cast %get3A_1451 : i32 to index
        %get3A_1453 = arith.index_cast %add3A_1450 : i32 to index
        %get3A_1454 = arith.constant 0 : index
        %get3A_1455 = tpu.vector_load %arg6[%get3A_1452, %get3A_1453, %get3A_1454] {strides = array<i32>} : memref<4x200x64xf32, #tpu.memory_space<vmem>>, vector<16xf32>,
        %add3A_1456 = arith.addf %add3A_1428, %get3A_1455 : vector<16xf32>
        %get3A_1457 = arith.constant 3 : i32
        %get3A_1458 = arith.index_cast %get3A_1457 : i32 to index
        %get3A_1459 = arith.index_cast %add3A_1450 : i32 to index
        %get3A_1460 = arith.constant 16 : index
        %get3A_1461 = tpu.vector_load %arg6[%get3A_1458, %get3A_1459, %get3A_1460] {strides = array<i32>} : memref<4x200x64xf32, #tpu.memory_space<vmem>>, vector<16xf32>,
        %add3A_1462 = arith.addf %add3A_1434, %get3A_1461 : vector<16xf32>
        %get3A_1463 = arith.constant 3 : i32
        %get3A_1464 = arith.index_cast %get3A_1463 : i32 to index
        %get3A_1465 = arith.index_cast %add3A_1450 : i32 to index
        %get3A_1466 = arith.constant 32 : index
        %get3A_1467 = tpu.vector_load %arg6[%get3A_1464, %get3A_1465, %get3A_1466] {strides = array<i32>} : memref<4x200x64xf32, #tpu.memory_space<vmem>>, vector<16xf32>,
        %add3A_1468 = arith.addf %add3A_1440, %get3A_1467 : vector<16xf32>
        %get3A_1469 = arith.constant 3 : i32
        %get3A_1470 = arith.index_cast %get3A_1469 : i32 to index
        %get3A_1471 = arith.index_cast %add3A_1450 : i32 to index
        %get3A_1472 = arith.constant 48 : index
        %get3A_1473 = tpu.vector_load %arg6[%get3A_1470, %get3A_1471, %get3A_1472] {strides = array<i32>} : memref<4x200x64xf32, #tpu.memory_space<vmem>>, vector<16xf32>,
        %add3A_1474 = arith.addf %add3A_1446, %get3A_1473 : vector<16xf32>
        %mul3A_1475 = arith.constant 16 : i32
        %mul3A_1476 = arith.muli %scan3A_1402, %mul3A_1475 : i32
        %add3A_1477 = arith.constant 2 : i32
        %add3A_1478 = arith.addi %mul3A_1476, %add3A_1477 : i32
        %get3A_1479 = arith.constant 3 : i32
        %get3A_1480 = arith.index_cast %get3A_1479 : i32 to index
        %get3A_1481 = arith.index_cast %add3A_1478 : i32 to index
        %get3A_1482 = arith.constant 0 : index
        %get3A_1483 = tpu.vector_load %arg6[%get3A_1480, %get3A_1481, %get3A_1482] {strides = array<i32>} : memref<4x200x64xf32, #tpu.memory_space<vmem>>, vector<16xf32>,
        %add3A_1484 = arith.addf %add3A_1456, %get3A_1483 : vector<16xf32>
        %get3A_1485 = arith.constant 3 : i32
        %get3A_1486 = arith.index_cast %get3A_1485 : i32 to index
        %get3A_1487 = arith.index_cast %add3A_1478 : i32 to index
        %get3A_1488 = arith.constant 16 : index
        %get3A_1489 = tpu.vector_load %arg6[%get3A_1486, %get3A_1487, %get3A_1488] {strides = array<i32>} : memref<4x200x64xf32, #tpu.memory_space<vmem>>, vector<16xf32>,
        %add3A_1490 = arith.addf %add3A_1462, %get3A_1489 : vector<16xf32>
        %get3A_1491 = arith.constant 3 : i32
        %get3A_1492 = arith.index_cast %get3A_1491 : i32 to index
        %get3A_1493 = arith.index_cast %add3A_1478 : i32 to index
        %get3A_1494 = arith.constant 32 : index
        %get3A_1495 = tpu.vector_load %arg6[%get3A_1492, %get3A_1493, %get3A_1494] {strides = array<i32>} : memref<4x200x64xf32, #tpu.memory_space<vmem>>, vector<16xf32>,
        %add3A_1496 = arith.addf %add3A_1468, %get3A_1495 : vector<16xf32>
        %get3A_1497 = arith.constant 3 : i32
        %get3A_1498 = arith.index_cast %get3A_1497 : i32 to index
        %get3A_1499 = arith.index_cast %add3A_1478 : i32 to index
        %get3A_1500 = arith.constant 48 : index
        %get3A_1501 = tpu.vector_load %arg6[%get3A_1498, %get3A_1499, %get3A_1500] {strides = array<i32>} : memref<4x200x64xf32, #tpu.memory_space<vmem>>, vector<16xf32>,
        %add3A_1502 = arith.addf %add3A_1474, %get3A_1501 : vector<16xf32>
        %mul3A_1503 = arith.constant 16 : i32
        %mul3A_1504 = arith.muli %scan3A_1402, %mul3A_1503 : i32
        %add3A_1505 = arith.constant 3 : i32
        %add3A_1506 = arith.addi %mul3A_1504, %add3A_1505 : i32
        %get3A_1507 = arith.constant 3 : i32
        %get3A_1508 = arith.index_cast %get3A_1507 : i32 to index
        %get3A_1509 = arith.index_cast %add3A_1506 : i32 to index
        %get3A_1510 = arith.constant 0 : index
        %get3A_1511 = tpu.vector_load %arg6[%get3A_1508, %get3A_1509, %get3A_1510] {strides = array<i32>} : memref<4x200x64xf32, #tpu.memory_space<vmem>>, vector<16xf32>,
        %add3A_1512 = arith.addf %add3A_1484, %get3A_1511 : vector<16xf32>
        %get3A_1513 = arith.constant 3 : i32
        %get3A_1514 = arith.index_cast %get3A_1513 : i32 to index
        %get3A_1515 = arith.index_cast %add3A_1506 : i32 to index
        %get3A_1516 = arith.constant 16 : index
        %get3A_1517 = tpu.vector_load %arg6[%get3A_1514, %get3A_1515, %get3A_1516] {strides = array<i32>} : memref<4x200x64xf32, #tpu.memory_space<vmem>>, vector<16xf32>,
        %add3A_1518 = arith.addf %add3A_1490, %get3A_1517 : vector<16xf32>
        %get3A_1519 = arith.constant 3 : i32
        %get3A_1520 = arith.index_cast %get3A_1519 : i32 to index
        %get3A_1521 = arith.index_cast %add3A_1506 : i32 to index
        %get3A_1522 = arith.constant 32 : index
        %get3A_1523 = tpu.vector_load %arg6[%get3A_1520, %get3A_1521, %get3A_1522] {strides = array<i32>} : memref<4x200x64xf32, #tpu.memory_space<vmem>>, vector<16xf32>,
        %add3A_1524 = arith.addf %add3A_1496, %get3A_1523 : vector<16xf32>
        %get3A_1525 = arith.constant 3 : i32
        %get3A_1526 = arith.index_cast %get3A_1525 : i32 to index
        %get3A_1527 = arith.index_cast %add3A_1506 : i32 to index
        %get3A_1528 = arith.constant 48 : index
        %get3A_1529 = tpu.vector_load %arg6[%get3A_1526, %get3A_1527, %get3A_1528] {strides = array<i32>} : memref<4x200x64xf32, #tpu.memory_space<vmem>>, vector<16xf32>,
        %add3A_1530 = arith.addf %add3A_1502, %get3A_1529 : vector<16xf32>
        %mul3A_1531 = arith.constant 16 : i32
        %mul3A_1532 = arith.muli %scan3A_1402, %mul3A_1531 : i32
        %add3A_1533 = arith.constant 4 : i32
        %add3A_1534 = arith.addi %mul3A_1532, %add3A_1533 : i32
        %get3A_1535 = arith.constant 3 : i32
        %get3A_1536 = arith.index_cast %get3A_1535 : i32 to index
        %get3A_1537 = arith.index_cast %add3A_1534 : i32 to index
        %get3A_1538 = arith.constant 0 : index
        %get3A_1539 = tpu.vector_load %arg6[%get3A_1536, %get3A_1537, %get3A_1538] {strides = array<i32>} : memref<4x200x64xf32, #tpu.memory_space<vmem>>, vector<16xf32>,
        %add3A_1540 = arith.addf %add3A_1512, %get3A_1539 : vector<16xf32>
        %get3A_1541 = arith.constant 3 : i32
        %get3A_1542 = arith.index_cast %get3A_1541 : i32 to index
        %get3A_1543 = arith.index_cast %add3A_1534 : i32 to index
        %get3A_1544 = arith.constant 16 : index
        %get3A_1545 = tpu.vector_load %arg6[%get3A_1542, %get3A_1543, %get3A_1544] {strides = array<i32>} : memref<4x200x64xf32, #tpu.memory_space<vmem>>, vector<16xf32>,
        %add3A_1546 = arith.addf %add3A_1518, %get3A_1545 : vector<16xf32>
        %get3A_1547 = arith.constant 3 : i32
        %get3A_1548 = arith.index_cast %get3A_1547 : i32 to index
        %get3A_1549 = arith.index_cast %add3A_1534 : i32 to index
        %get3A_1550 = arith.constant 32 : index
        %get3A_1551 = tpu.vector_load %arg6[%get3A_1548, %get3A_1549, %get3A_1550] {strides = array<i32>} : memref<4x200x64xf32, #tpu.memory_space<vmem>>, vector<16xf32>,
        %add3A_1552 = arith.addf %add3A_1524, %get3A_1551 : vector<16xf32>
        %get3A_1553 = arith.constant 3 : i32
        %get3A_1554 = arith.index_cast %get3A_1553 : i32 to index
        %get3A_1555 = arith.index_cast %add3A_1534 : i32 to index
        %get3A_1556 = arith.constant 48 : index
        %get3A_1557 = tpu.vector_load %arg6[%get3A_1554, %get3A_1555, %get3A_1556] {strides = array<i32>} : memref<4x200x64xf32, #tpu.memory_space<vmem>>, vector<16xf32>,
        %add3A_1558 = arith.addf %add3A_1530, %get3A_1557 : vector<16xf32>
        %mul3A_1559 = arith.constant 16 : i32
        %mul3A_1560 = arith.muli %scan3A_1402, %mul3A_1559 : i32
        %add3A_1561 = arith.constant 5 : i32
        %add3A_1562 = arith.addi %mul3A_1560, %add3A_1561 : i32
        %get3A_1563 = arith.constant 3 : i32
        %get3A_1564 = arith.index_cast %get3A_1563 : i32 to index
        %get3A_1565 = arith.index_cast %add3A_1562 : i32 to index
        %get3A_1566 = arith.constant 0 : index
        %get3A_1567 = tpu.vector_load %arg6[%get3A_1564, %get3A_1565, %get3A_1566] {strides = array<i32>} : memref<4x200x64xf32, #tpu.memory_space<vmem>>, vector<16xf32>,
        %add3A_1568 = arith.addf %add3A_1540, %get3A_1567 : vector<16xf32>
        %get3A_1569 = arith.constant 3 : i32
        %get3A_1570 = arith.index_cast %get3A_1569 : i32 to index
        %get3A_1571 = arith.index_cast %add3A_1562 : i32 to index
        %get3A_1572 = arith.constant 16 : index
        %get3A_1573 = tpu.vector_load %arg6[%get3A_1570, %get3A_1571, %get3A_1572] {strides = array<i32>} : memref<4x200x64xf32, #tpu.memory_space<vmem>>, vector<16xf32>,
        %add3A_1574 = arith.addf %add3A_1546, %get3A_1573 : vector<16xf32>
        %get3A_1575 = arith.constant 3 : i32
        %get3A_1576 = arith.index_cast %get3A_1575 : i32 to index
        %get3A_1577 = arith.index_cast %add3A_1562 : i32 to index
        %get3A_1578 = arith.constant 32 : index
        %get3A_1579 = tpu.vector_load %arg6[%get3A_1576, %get3A_1577, %get3A_1578] {strides = array<i32>} : memref<4x200x64xf32, #tpu.memory_space<vmem>>, vector<16xf32>,
        %add3A_1580 = arith.addf %add3A_1552, %get3A_1579 : vector<16xf32>
        %get3A_1581 = arith.constant 3 : i32
        %get3A_1582 = arith.index_cast %get3A_1581 : i32 to index
        %get3A_1583 = arith.index_cast %add3A_1562 : i32 to index
        %get3A_1584 = arith.constant 48 : index
        %get3A_1585 = tpu.vector_load %arg6[%get3A_1582, %get3A_1583, %get3A_1584] {strides = array<i32>} : memref<4x200x64xf32, #tpu.memory_space<vmem>>, vector<16xf32>,
        %add3A_1586 = arith.addf %add3A_1558, %get3A_1585 : vector<16xf32>
        %mul3A_1587 = arith.constant 16 : i32
        %mul3A_1588 = arith.muli %scan3A_1402, %mul3A_1587 : i32
        %add3A_1589 = arith.constant 6 : i32
        %add3A_1590 = arith.addi %mul3A_1588, %add3A_1589 : i32
        %get3A_1591 = arith.constant 3 : i32
        %get3A_1592 = arith.index_cast %get3A_1591 : i32 to index
        %get3A_1593 = arith.index_cast %add3A_1590 : i32 to index
        %get3A_1594 = arith.constant 0 : index
        %get3A_1595 = tpu.vector_load %arg6[%get3A_1592, %get3A_1593, %get3A_1594] {strides = array<i32>} : memref<4x200x64xf32, #tpu.memory_space<vmem>>, vector<16xf32>,
        %add3A_1596 = arith.addf %add3A_1568, %get3A_1595 : vector<16xf32>
        %get3A_1597 = arith.constant 3 : i32
        %get3A_1598 = arith.index_cast %get3A_1597 : i32 to index
        %get3A_1599 = arith.index_cast %add3A_1590 : i32 to index
        %get3A_1600 = arith.constant 16 : index
        %get3A_1601 = tpu.vector_load %arg6[%get3A_1598, %get3A_1599, %get3A_1600] {strides = array<i32>} : memref<4x200x64xf32, #tpu.memory_space<vmem>>, vector<16xf32>,
        %add3A_1602 = arith.addf %add3A_1574, %get3A_1601 : vector<16xf32>
        %get3A_1603 = arith.constant 3 : i32
        %get3A_1604 = arith.index_cast %get3A_1603 : i32 to index
        %get3A_1605 = arith.index_cast %add3A_1590 : i32 to index
        %get3A_1606 = arith.constant 32 : index
        %get3A_1607 = tpu.vector_load %arg6[%get3A_1604, %get3A_1605, %get3A_1606] {strides = array<i32>} : memref<4x200x64xf32, #tpu.memory_space<vmem>>, vector<16xf32>,
        %add3A_1608 = arith.addf %add3A_1580, %get3A_1607 : vector<16xf32>
        %get3A_1609 = arith.constant 3 : i32
        %get3A_1610 = arith.index_cast %get3A_1609 : i32 to index
        %get3A_1611 = arith.index_cast %add3A_1590 : i32 to index
        %get3A_1612 = arith.constant 48 : index
        %get3A_1613 = tpu.vector_load %arg6[%get3A_1610, %get3A_1611, %get3A_1612] {strides = array<i32>} : memref<4x200x64xf32, #tpu.memory_space<vmem>>, vector<16xf32>,
        %add3A_1614 = arith.addf %add3A_1586, %get3A_1613 : vector<16xf32>
        %mul3A_1615 = arith.constant 16 : i32
        %mul3A_1616 = arith.muli %scan3A_1402, %mul3A_1615 : i32
        %add3A_1617 = arith.constant 7 : i32
        %add3A_1618 = arith.addi %mul3A_1616, %add3A_1617 : i32
        %get3A_1619 = arith.constant 3 : i32
        %get3A_1620 = arith.index_cast %get3A_1619 : i32 to index
        %get3A_1621 = arith.index_cast %add3A_1618 : i32 to index
        %get3A_1622 = arith.constant 0 : index
        %get3A_1623 = tpu.vector_load %arg6[%get3A_1620, %get3A_1621, %get3A_1622] {strides = array<i32>} : memref<4x200x64xf32, #tpu.memory_space<vmem>>, vector<16xf32>,
        %add3A_1624 = arith.addf %add3A_1596, %get3A_1623 : vector<16xf32>
        %get3A_1625 = arith.constant 3 : i32
        %get3A_1626 = arith.index_cast %get3A_1625 : i32 to index
        %get3A_1627 = arith.index_cast %add3A_1618 : i32 to index
        %get3A_1628 = arith.constant 16 : index
        %get3A_1629 = tpu.vector_load %arg6[%get3A_1626, %get3A_1627, %get3A_1628] {strides = array<i32>} : memref<4x200x64xf32, #tpu.memory_space<vmem>>, vector<16xf32>,
        %add3A_1630 = arith.addf %add3A_1602, %get3A_1629 : vector<16xf32>
        %get3A_1631 = arith.constant 3 : i32
        %get3A_1632 = arith.index_cast %get3A_1631 : i32 to index
        %get3A_1633 = arith.index_cast %add3A_1618 : i32 to index
        %get3A_1634 = arith.constant 32 : index
        %get3A_1635 = tpu.vector_load %arg6[%get3A_1632, %get3A_1633, %get3A_1634] {strides = array<i32>} : memref<4x200x64xf32, #tpu.memory_space<vmem>>, vector<16xf32>,
        %add3A_1636 = arith.addf %add3A_1608, %get3A_1635 : vector<16xf32>
        %get3A_1637 = arith.constant 3 : i32
        %get3A_1638 = arith.index_cast %get3A_1637 : i32 to index
        %get3A_1639 = arith.index_cast %add3A_1618 : i32 to index
        %get3A_1640 = arith.constant 48 : index
        %get3A_1641 = tpu.vector_load %arg6[%get3A_1638, %get3A_1639, %get3A_1640] {strides = array<i32>} : memref<4x200x64xf32, #tpu.memory_space<vmem>>, vector<16xf32>,
        %add3A_1642 = arith.addf %add3A_1614, %get3A_1641 : vector<16xf32>
        %mul3A_1643 = arith.constant 16 : i32
        %mul3A_1644 = arith.muli %scan3A_1402, %mul3A_1643 : i32
        %add3A_1645 = arith.constant 8 : i32
        %add3A_1646 = arith.addi %mul3A_1644, %add3A_1645 : i32
        %get3A_1647 = arith.constant 3 : i32
        %get3A_1648 = arith.index_cast %get3A_1647 : i32 to index
        %get3A_1649 = arith.index_cast %add3A_1646 : i32 to index
        %get3A_1650 = arith.constant 0 : index
        %get3A_1651 = tpu.vector_load %arg6[%get3A_1648, %get3A_1649, %get3A_1650] {strides = array<i32>} : memref<4x200x64xf32, #tpu.memory_space<vmem>>, vector<16xf32>,
        %add3A_1652 = arith.addf %add3A_1624, %get3A_1651 : vector<16xf32>
        %get3A_1653 = arith.constant 3 : i32
        %get3A_1654 = arith.index_cast %get3A_1653 : i32 to index
        %get3A_1655 = arith.index_cast %add3A_1646 : i32 to index
        %get3A_1656 = arith.constant 16 : index
        %get3A_1657 = tpu.vector_load %arg6[%get3A_1654, %get3A_1655, %get3A_1656] {strides = array<i32>} : memref<4x200x64xf32, #tpu.memory_space<vmem>>, vector<16xf32>,
        %add3A_1658 = arith.addf %add3A_1630, %get3A_1657 : vector<16xf32>
        %get3A_1659 = arith.constant 3 : i32
        %get3A_1660 = arith.index_cast %get3A_1659 : i32 to index
        %get3A_1661 = arith.index_cast %add3A_1646 : i32 to index
        %get3A_1662 = arith.constant 32 : index
        %get3A_1663 = tpu.vector_load %arg6[%get3A_1660, %get3A_1661, %get3A_1662] {strides = array<i32>} : memref<4x200x64xf32, #tpu.memory_space<vmem>>, vector<16xf32>,
        %add3A_1664 = arith.addf %add3A_1636, %get3A_1663 : vector<16xf32>
        %get3A_1665 = arith.constant 3 : i32
        %get3A_1666 = arith.index_cast %get3A_1665 : i32 to index
        %get3A_1667 = arith.index_cast %add3A_1646 : i32 to index
        %get3A_1668 = arith.constant 48 : index
        %get3A_1669 = tpu.vector_load %arg6[%get3A_1666, %get3A_1667, %get3A_1668] {strides = array<i32>} : memref<4x200x64xf32, #tpu.memory_space<vmem>>, vector<16xf32>,
        %add3A_1670 = arith.addf %add3A_1642, %get3A_1669 : vector<16xf32>
        %mul3A_1671 = arith.constant 16 : i32
        %mul3A_1672 = arith.muli %scan3A_1402, %mul3A_1671 : i32
        %add3A_1673 = arith.constant 9 : i32
        %add3A_1674 = arith.addi %mul3A_1672, %add3A_1673 : i32
        %get3A_1675 = arith.constant 3 : i32
        %get3A_1676 = arith.index_cast %get3A_1675 : i32 to index
        %get3A_1677 = arith.index_cast %add3A_1674 : i32 to index
        %get3A_1678 = arith.constant 0 : index
        %get3A_1679 = tpu.vector_load %arg6[%get3A_1676, %get3A_1677, %get3A_1678] {strides = array<i32>} : memref<4x200x64xf32, #tpu.memory_space<vmem>>, vector<16xf32>,
        %add3A_1680 = arith.addf %add3A_1652, %get3A_1679 : vector<16xf32>
        %get3A_1681 = arith.constant 3 : i32
        %get3A_1682 = arith.index_cast %get3A_1681 : i32 to index
        %get3A_1683 = arith.index_cast %add3A_1674 : i32 to index
        %get3A_1684 = arith.constant 16 : index
        %get3A_1685 = tpu.vector_load %arg6[%get3A_1682, %get3A_1683, %get3A_1684] {strides = array<i32>} : memref<4x200x64xf32, #tpu.memory_space<vmem>>, vector<16xf32>,
        %add3A_1686 = arith.addf %add3A_1658, %get3A_1685 : vector<16xf32>
        %get3A_1687 = arith.constant 3 : i32
        %get3A_1688 = arith.index_cast %get3A_1687 : i32 to index
        %get3A_1689 = arith.index_cast %add3A_1674 : i32 to index
        %get3A_1690 = arith.constant 32 : index
        %get3A_1691 = tpu.vector_load %arg6[%get3A_1688, %get3A_1689, %get3A_1690] {strides = array<i32>} : memref<4x200x64xf32, #tpu.memory_space<vmem>>, vector<16xf32>,
        %add3A_1692 = arith.addf %add3A_1664, %get3A_1691 : vector<16xf32>
        %get3A_1693 = arith.constant 3 : i32
        %get3A_1694 = arith.index_cast %get3A_1693 : i32 to index
        %get3A_1695 = arith.index_cast %add3A_1674 : i32 to index
        %get3A_1696 = arith.constant 48 : index
        %get3A_1697 = tpu.vector_load %arg6[%get3A_1694, %get3A_1695, %get3A_1696] {strides = array<i32>} : memref<4x200x64xf32, #tpu.memory_space<vmem>>, vector<16xf32>,
        %add3A_1698 = arith.addf %add3A_1670, %get3A_1697 : vector<16xf32>
        %mul3A_1699 = arith.constant 16 : i32
        %mul3A_1700 = arith.muli %scan3A_1402, %mul3A_1699 : i32
        %add3A_1701 = arith.constant 10 : i32
        %add3A_1702 = arith.addi %mul3A_1700, %add3A_1701 : i32
        %get3A_1703 = arith.constant 3 : i32
        %get3A_1704 = arith.index_cast %get3A_1703 : i32 to index
        %get3A_1705 = arith.index_cast %add3A_1702 : i32 to index
        %get3A_1706 = arith.constant 0 : index
        %get3A_1707 = tpu.vector_load %arg6[%get3A_1704, %get3A_1705, %get3A_1706] {strides = array<i32>} : memref<4x200x64xf32, #tpu.memory_space<vmem>>, vector<16xf32>,
        %add3A_1708 = arith.addf %add3A_1680, %get3A_1707 : vector<16xf32>
        %get3A_1709 = arith.constant 3 : i32
        %get3A_1710 = arith.index_cast %get3A_1709 : i32 to index
        %get3A_1711 = arith.index_cast %add3A_1702 : i32 to index
        %get3A_1712 = arith.constant 16 : index
        %get3A_1713 = tpu.vector_load %arg6[%get3A_1710, %get3A_1711, %get3A_1712] {strides = array<i32>} : memref<4x200x64xf32, #tpu.memory_space<vmem>>, vector<16xf32>,
        %add3A_1714 = arith.addf %add3A_1686, %get3A_1713 : vector<16xf32>
        %get3A_1715 = arith.constant 3 : i32
        %get3A_1716 = arith.index_cast %get3A_1715 : i32 to index
        %get3A_1717 = arith.index_cast %add3A_1702 : i32 to index
        %get3A_1718 = arith.constant 32 : index
        %get3A_1719 = tpu.vector_load %arg6[%get3A_1716, %get3A_1717, %get3A_1718] {strides = array<i32>} : memref<4x200x64xf32, #tpu.memory_space<vmem>>, vector<16xf32>,
        %add3A_1720 = arith.addf %add3A_1692, %get3A_1719 : vector<16xf32>
        %get3A_1721 = arith.constant 3 : i32
        %get3A_1722 = arith.index_cast %get3A_1721 : i32 to index
        %get3A_1723 = arith.index_cast %add3A_1702 : i32 to index
        %get3A_1724 = arith.constant 48 : index
        %get3A_1725 = tpu.vector_load %arg6[%get3A_1722, %get3A_1723, %get3A_1724] {strides = array<i32>} : memref<4x200x64xf32, #tpu.memory_space<vmem>>, vector<16xf32>,
        %add3A_1726 = arith.addf %add3A_1698, %get3A_1725 : vector<16xf32>
        %mul3A_1727 = arith.constant 16 : i32
        %mul3A_1728 = arith.muli %scan3A_1402, %mul3A_1727 : i32
        %add3A_1729 = arith.constant 11 : i32
        %add3A_1730 = arith.addi %mul3A_1728, %add3A_1729 : i32
        %get3A_1731 = arith.constant 3 : i32
        %get3A_1732 = arith.index_cast %get3A_1731 : i32 to index
        %get3A_1733 = arith.index_cast %add3A_1730 : i32 to index
        %get3A_1734 = arith.constant 0 : index
        %get3A_1735 = tpu.vector_load %arg6[%get3A_1732, %get3A_1733, %get3A_1734] {strides = array<i32>} : memref<4x200x64xf32, #tpu.memory_space<vmem>>, vector<16xf32>,
        %add3A_1736 = arith.addf %add3A_1708, %get3A_1735 : vector<16xf32>
        %get3A_1737 = arith.constant 3 : i32
        %get3A_1738 = arith.index_cast %get3A_1737 : i32 to index
        %get3A_1739 = arith.index_cast %add3A_1730 : i32 to index
        %get3A_1740 = arith.constant 16 : index
        %get3A_1741 = tpu.vector_load %arg6[%get3A_1738, %get3A_1739, %get3A_1740] {strides = array<i32>} : memref<4x200x64xf32, #tpu.memory_space<vmem>>, vector<16xf32>,
        %add3A_1742 = arith.addf %add3A_1714, %get3A_1741 : vector<16xf32>
        %get3A_1743 = arith.constant 3 : i32
        %get3A_1744 = arith.index_cast %get3A_1743 : i32 to index
        %get3A_1745 = arith.index_cast %add3A_1730 : i32 to index
        %get3A_1746 = arith.constant 32 : index
        %get3A_1747 = tpu.vector_load %arg6[%get3A_1744, %get3A_1745, %get3A_1746] {strides = array<i32>} : memref<4x200x64xf32, #tpu.memory_space<vmem>>, vector<16xf32>,
        %add3A_1748 = arith.addf %add3A_1720, %get3A_1747 : vector<16xf32>
        %get3A_1749 = arith.constant 3 : i32
        %get3A_1750 = arith.index_cast %get3A_1749 : i32 to index
        %get3A_1751 = arith.index_cast %add3A_1730 : i32 to index
        %get3A_1752 = arith.constant 48 : index
        %get3A_1753 = tpu.vector_load %arg6[%get3A_1750, %get3A_1751, %get3A_1752] {strides = array<i32>} : memref<4x200x64xf32, #tpu.memory_space<vmem>>, vector<16xf32>,
        %add3A_1754 = arith.addf %add3A_1726, %get3A_1753 : vector<16xf32>
        %mul3A_1755 = arith.constant 16 : i32
        %mul3A_1756 = arith.muli %scan3A_1402, %mul3A_1755 : i32
        %add3A_1757 = arith.constant 12 : i32
        %add3A_1758 = arith.addi %mul3A_1756, %add3A_1757 : i32
        %get3A_1759 = arith.constant 3 : i32
        %get3A_1760 = arith.index_cast %get3A_1759 : i32 to index
        %get3A_1761 = arith.index_cast %add3A_1758 : i32 to index
        %get3A_1762 = arith.constant 0 : index
        %get3A_1763 = tpu.vector_load %arg6[%get3A_1760, %get3A_1761, %get3A_1762] {strides = array<i32>} : memref<4x200x64xf32, #tpu.memory_space<vmem>>, vector<16xf32>,
        %add3A_1764 = arith.addf %add3A_1736, %get3A_1763 : vector<16xf32>
        %get3A_1765 = arith.constant 3 : i32
        %get3A_1766 = arith.index_cast %get3A_1765 : i32 to index
        %get3A_1767 = arith.index_cast %add3A_1758 : i32 to index
        %get3A_1768 = arith.constant 16 : index
        %get3A_1769 = tpu.vector_load %arg6[%get3A_1766, %get3A_1767, %get3A_1768] {strides = array<i32>} : memref<4x200x64xf32, #tpu.memory_space<vmem>>, vector<16xf32>,
        %add3A_1770 = arith.addf %add3A_1742, %get3A_1769 : vector<16xf32>
        %get3A_1771 = arith.constant 3 : i32
        %get3A_1772 = arith.index_cast %get3A_1771 : i32 to index
        %get3A_1773 = arith.index_cast %add3A_1758 : i32 to index
        %get3A_1774 = arith.constant 32 : index
        %get3A_1775 = tpu.vector_load %arg6[%get3A_1772, %get3A_1773, %get3A_1774] {strides = array<i32>} : memref<4x200x64xf32, #tpu.memory_space<vmem>>, vector<16xf32>,
        %add3A_1776 = arith.addf %add3A_1748, %get3A_1775 : vector<16xf32>
        %get3A_1777 = arith.constant 3 : i32
        %get3A_1778 = arith.index_cast %get3A_1777 : i32 to index
        %get3A_1779 = arith.index_cast %add3A_1758 : i32 to index
        %get3A_1780 = arith.constant 48 : index
        %get3A_1781 = tpu.vector_load %arg6[%get3A_1778, %get3A_1779, %get3A_1780] {strides = array<i32>} : memref<4x200x64xf32, #tpu.memory_space<vmem>>, vector<16xf32>,
        %add3A_1782 = arith.addf %add3A_1754, %get3A_1781 : vector<16xf32>
        %mul3A_1783 = arith.constant 16 : i32
        %mul3A_1784 = arith.muli %scan3A_1402, %mul3A_1783 : i32
        %add3A_1785 = arith.constant 13 : i32
        %add3A_1786 = arith.addi %mul3A_1784, %add3A_1785 : i32
        %get3A_1787 = arith.constant 3 : i32
        %get3A_1788 = arith.index_cast %get3A_1787 : i32 to index
        %get3A_1789 = arith.index_cast %add3A_1786 : i32 to index
        %get3A_1790 = arith.constant 0 : index
        %get3A_1791 = tpu.vector_load %arg6[%get3A_1788, %get3A_1789, %get3A_1790] {strides = array<i32>} : memref<4x200x64xf32, #tpu.memory_space<vmem>>, vector<16xf32>,
        %add3A_1792 = arith.addf %add3A_1764, %get3A_1791 : vector<16xf32>
        %get3A_1793 = arith.constant 3 : i32
        %get3A_1794 = arith.index_cast %get3A_1793 : i32 to index
        %get3A_1795 = arith.index_cast %add3A_1786 : i32 to index
        %get3A_1796 = arith.constant 16 : index
        %get3A_1797 = tpu.vector_load %arg6[%get3A_1794, %get3A_1795, %get3A_1796] {strides = array<i32>} : memref<4x200x64xf32, #tpu.memory_space<vmem>>, vector<16xf32>,
        %add3A_1798 = arith.addf %add3A_1770, %get3A_1797 : vector<16xf32>
        %get3A_1799 = arith.constant 3 : i32
        %get3A_1800 = arith.index_cast %get3A_1799 : i32 to index
        %get3A_1801 = arith.index_cast %add3A_1786 : i32 to index
        %get3A_1802 = arith.constant 32 : index
        %get3A_1803 = tpu.vector_load %arg6[%get3A_1800, %get3A_1801, %get3A_1802] {strides = array<i32>} : memref<4x200x64xf32, #tpu.memory_space<vmem>>, vector<16xf32>,
        %add3A_1804 = arith.addf %add3A_1776, %get3A_1803 : vector<16xf32>
        %get3A_1805 = arith.constant 3 : i32
        %get3A_1806 = arith.index_cast %get3A_1805 : i32 to index
        %get3A_1807 = arith.index_cast %add3A_1786 : i32 to index
        %get3A_1808 = arith.constant 48 : index
        %get3A_1809 = tpu.vector_load %arg6[%get3A_1806, %get3A_1807, %get3A_1808] {strides = array<i32>} : memref<4x200x64xf32, #tpu.memory_space<vmem>>, vector<16xf32>,
        %add3A_1810 = arith.addf %add3A_1782, %get3A_1809 : vector<16xf32>
        %mul3A_1811 = arith.constant 16 : i32
        %mul3A_1812 = arith.muli %scan3A_1402, %mul3A_1811 : i32
        %add3A_1813 = arith.constant 14 : i32
        %add3A_1814 = arith.addi %mul3A_1812, %add3A_1813 : i32
        %get3A_1815 = arith.constant 3 : i32
        %get3A_1816 = arith.index_cast %get3A_1815 : i32 to index
        %get3A_1817 = arith.index_cast %add3A_1814 : i32 to index
        %get3A_1818 = arith.constant 0 : index
        %get3A_1819 = tpu.vector_load %arg6[%get3A_1816, %get3A_1817, %get3A_1818] {strides = array<i32>} : memref<4x200x64xf32, #tpu.memory_space<vmem>>, vector<16xf32>,
        %add3A_1820 = arith.addf %add3A_1792, %get3A_1819 : vector<16xf32>
        %get3A_1821 = arith.constant 3 : i32
        %get3A_1822 = arith.index_cast %get3A_1821 : i32 to index
        %get3A_1823 = arith.index_cast %add3A_1814 : i32 to index
        %get3A_1824 = arith.constant 16 : index
        %get3A_1825 = tpu.vector_load %arg6[%get3A_1822, %get3A_1823, %get3A_1824] {strides = array<i32>} : memref<4x200x64xf32, #tpu.memory_space<vmem>>, vector<16xf32>,
        %add3A_1826 = arith.addf %add3A_1798, %get3A_1825 : vector<16xf32>
        %get3A_1827 = arith.constant 3 : i32
        %get3A_1828 = arith.index_cast %get3A_1827 : i32 to index
        %get3A_1829 = arith.index_cast %add3A_1814 : i32 to index
        %get3A_1830 = arith.constant 32 : index
        %get3A_1831 = tpu.vector_load %arg6[%get3A_1828, %get3A_1829, %get3A_1830] {strides = array<i32>} : memref<4x200x64xf32, #tpu.memory_space<vmem>>, vector<16xf32>,
        %add3A_1832 = arith.addf %add3A_1804, %get3A_1831 : vector<16xf32>
        %get3A_1833 = arith.constant 3 : i32
        %get3A_1834 = arith.index_cast %get3A_1833 : i32 to index
        %get3A_1835 = arith.index_cast %add3A_1814 : i32 to index
        %get3A_1836 = arith.constant 48 : index
        %get3A_1837 = tpu.vector_load %arg6[%get3A_1834, %get3A_1835, %get3A_1836] {strides = array<i32>} : memref<4x200x64xf32, #tpu.memory_space<vmem>>, vector<16xf32>,
        %add3A_1838 = arith.addf %add3A_1810, %get3A_1837 : vector<16xf32>
        %mul3A_1839 = arith.constant 16 : i32
        %mul3A_1840 = arith.muli %scan3A_1402, %mul3A_1839 : i32
        %add3A_1841 = arith.constant 15 : i32
        %add3A_1842 = arith.addi %mul3A_1840, %add3A_1841 : i32
        %get3A_1843 = arith.constant 3 : i32
        %get3A_1844 = arith.index_cast %get3A_1843 : i32 to index
        %get3A_1845 = arith.index_cast %add3A_1842 : i32 to index
        %get3A_1846 = arith.constant 0 : index
        %get3A_1847 = tpu.vector_load %arg6[%get3A_1844, %get3A_1845, %get3A_1846] {strides = array<i32>} : memref<4x200x64xf32, #tpu.memory_space<vmem>>, vector<16xf32>,
        %add3A_1848 = arith.addf %add3A_1820, %get3A_1847 : vector<16xf32>
        %get3A_1849 = arith.constant 3 : i32
        %get3A_1850 = arith.index_cast %get3A_1849 : i32 to index
        %get3A_1851 = arith.index_cast %add3A_1842 : i32 to index
        %get3A_1852 = arith.constant 16 : index
        %get3A_1853 = tpu.vector_load %arg6[%get3A_1850, %get3A_1851, %get3A_1852] {strides = array<i32>} : memref<4x200x64xf32, #tpu.memory_space<vmem>>, vector<16xf32>,
        %add3A_1854 = arith.addf %add3A_1826, %get3A_1853 : vector<16xf32>
        %get3A_1855 = arith.constant 3 : i32
        %get3A_1856 = arith.index_cast %get3A_1855 : i32 to index
        %get3A_1857 = arith.index_cast %add3A_1842 : i32 to index
        %get3A_1858 = arith.constant 32 : index
        %get3A_1859 = tpu.vector_load %arg6[%get3A_1856, %get3A_1857, %get3A_1858] {strides = array<i32>} : memref<4x200x64xf32, #tpu.memory_space<vmem>>, vector<16xf32>,
        %add3A_1860 = arith.addf %add3A_1832, %get3A_1859 : vector<16xf32>
        %get3A_1861 = arith.constant 3 : i32
        %get3A_1862 = arith.index_cast %get3A_1861 : i32 to index
        %get3A_1863 = arith.index_cast %add3A_1842 : i32 to index
        %get3A_1864 = arith.constant 48 : index
        %get3A_1865 = tpu.vector_load %arg6[%get3A_1862, %get3A_1863, %get3A_1864] {strides = array<i32>} : memref<4x200x64xf32, #tpu.memory_space<vmem>>, vector<16xf32>,
        %add3A_1866 = arith.addf %add3A_1838, %get3A_1865 : vector<16xf32>
        scf.yield %add3A_1848, %add3A_1854, %add3A_1860, %add3A_1866, %add3A_1418 : vector<16xf32>, vector<16xf32>, vector<16xf32>, vector<16xf32>, vector<16xi32>
      }
      %scan3A_1140 = arith.constant 12 : i32
      %get3A_1141 = arith.index_cast %and3A_102 : i32 to index
      %get3A_1142 = arith.index_cast %and3A_1130 : i32 to index
      %get3A_1143 = arith.constant 184 : index
      %get3A_1144 = tpu.vector_load %arg5[%get3A_1141, %get3A_1142, %get3A_1143] {strides = array<i32>} : memref<2x16x200xi32, #tpu.memory_space<vmem>>, vector<16xi32>,
      %iota3A_1145 = tpu.iota {dimensions = array<i32: 0>} : vector<16xi32>
      %ge3A_1146 = arith.constant 8 : i32
      %ge3A_1147 = vector.broadcast %ge3A_1146 : i32 to vector<16xi32>
      %ge3A_1148 = arith.cmpi sge, %iota3A_1145, %ge3A_1147 : vector<16xi32>
      %ne3A_1149 = arith.constant 0 : i32
      %ne3A_1150 = vector.broadcast %ne3A_1149 : i32 to vector<16xi32>
      %ne3A_1151 = arith.cmpi ne, %get3A_1144, %ne3A_1150 : vector<16xi32>
      %and3A_1152 = arith.andi %ge3A_1148, %ne3A_1151 : vector<16xi1>
      %all_reduce_population_count3A_1153 = tpu.all_reduce %and3A_1152 {dim = 0 : i64, kind = #tpu.reduction_kind<sum>} : vector<16xi1> -> vector<16xi32>
      %add3A_1154 = arith.addi %scan3A_1139#4, %all_reduce_population_count3A_1153 : vector<16xi32>
      %get3A_1155 = arith.constant 3 : i32
      %get3A_1156 = arith.constant 192 : i32
      %get3A_1157 = arith.index_cast %get3A_1155 : i32 to index
      %get3A_1158 = arith.index_cast %get3A_1156 : i32 to index
      %get3A_1159 = arith.constant 0 : index
      %get3A_1160 = tpu.vector_load %arg6[%get3A_1157, %get3A_1158, %get3A_1159] {strides = array<i32>} : memref<4x200x64xf32, #tpu.memory_space<vmem>>, vector<16xf32>,
      %add3A_1161 = arith.addf %scan3A_1139#0, %get3A_1160 : vector<16xf32>
      %get3A_1162 = arith.constant 3 : i32
      %get3A_1163 = arith.constant 192 : i32
      %get3A_1164 = arith.index_cast %get3A_1162 : i32 to index
      %get3A_1165 = arith.index_cast %get3A_1163 : i32 to index
      %get3A_1166 = arith.constant 16 : index
      %get3A_1167 = tpu.vector_load %arg6[%get3A_1164, %get3A_1165, %get3A_1166] {strides = array<i32>} : memref<4x200x64xf32, #tpu.memory_space<vmem>>, vector<16xf32>,
      %add3A_1168 = arith.addf %scan3A_1139#1, %get3A_1167 : vector<16xf32>
      %get3A_1169 = arith.constant 3 : i32
      %get3A_1170 = arith.constant 192 : i32
      %get3A_1171 = arith.index_cast %get3A_1169 : i32 to index
      %get3A_1172 = arith.index_cast %get3A_1170 : i32 to index
      %get3A_1173 = arith.constant 32 : index
      %get3A_1174 = tpu.vector_load %arg6[%get3A_1171, %get3A_1172, %get3A_1173] {strides = array<i32>} : memref<4x200x64xf32, #tpu.memory_space<vmem>>, vector<16xf32>,
      %add3A_1175 = arith.addf %scan3A_1139#2, %get3A_1174 : vector<16xf32>
      %get3A_1176 = arith.constant 3 : i32
      %get3A_1177 = arith.constant 192 : i32
      %get3A_1178 = arith.index_cast %get3A_1176 : i32 to index
      %get3A_1179 = arith.index_cast %get3A_1177 : i32 to index
      %get3A_1180 = arith.constant 48 : index
      %get3A_1181 = tpu.vector_load %arg6[%get3A_1178, %get3A_1179, %get3A_1180] {strides = array<i32>} : memref<4x200x64xf32, #tpu.memory_space<vmem>>, vector<16xf32>,
      %add3A_1182 = arith.addf %scan3A_1139#3, %get3A_1181 : vector<16xf32>
      %get3A_1183 = arith.constant 3 : i32
      %get3A_1184 = arith.constant 193 : i32
      %get3A_1185 = arith.index_cast %get3A_1183 : i32 to index
      %get3A_1186 = arith.index_cast %get3A_1184 : i32 to index
      %get3A_1187 = arith.constant 0 : index
      %get3A_1188 = tpu.vector_load %arg6[%get3A_1185, %get3A_1186, %get3A_1187] {strides = array<i32>} : memref<4x200x64xf32, #tpu.memory_space<vmem>>, vector<16xf32>,
      %add3A_1189 = arith.addf %add3A_1161, %get3A_1188 : vector<16xf32>
      %get3A_1190 = arith.constant 3 : i32
      %get3A_1191 = arith.constant 193 : i32
      %get3A_1192 = arith.index_cast %get3A_1190 : i32 to index
      %get3A_1193 = arith.index_cast %get3A_1191 : i32 to index
      %get3A_1194 = arith.constant 16 : index
      %get3A_1195 = tpu.vector_load %arg6[%get3A_1192, %get3A_1193, %get3A_1194] {strides = array<i32>} : memref<4x200x64xf32, #tpu.memory_space<vmem>>, vector<16xf32>,
      %add3A_1196 = arith.addf %add3A_1168, %get3A_1195 : vector<16xf32>
      %get3A_1197 = arith.constant 3 : i32
      %get3A_1198 = arith.constant 193 : i32
      %get3A_1199 = arith.index_cast %get3A_1197 : i32 to index
      %get3A_1200 = arith.index_cast %get3A_1198 : i32 to index
      %get3A_1201 = arith.constant 32 : index
      %get3A_1202 = tpu.vector_load %arg6[%get3A_1199, %get3A_1200, %get3A_1201] {strides = array<i32>} : memref<4x200x64xf32, #tpu.memory_space<vmem>>, vector<16xf32>,
      %add3A_1203 = arith.addf %add3A_1175, %get3A_1202 : vector<16xf32>
      %get3A_1204 = arith.constant 3 : i32
      %get3A_1205 = arith.constant 193 : i32
      %get3A_1206 = arith.index_cast %get3A_1204 : i32 to index
      %get3A_1207 = arith.index_cast %get3A_1205 : i32 to index
      %get3A_1208 = arith.constant 48 : index
      %get3A_1209 = tpu.vector_load %arg6[%get3A_1206, %get3A_1207, %get3A_1208] {strides = array<i32>} : memref<4x200x64xf32, #tpu.memory_space<vmem>>, vector<16xf32>,
      %add3A_1210 = arith.addf %add3A_1182, %get3A_1209 : vector<16xf32>
      %get3A_1211 = arith.constant 3 : i32
      %get3A_1212 = arith.constant 194 : i32
      %get3A_1213 = arith.index_cast %get3A_1211 : i32 to index
      %get3A_1214 = arith.index_cast %get3A_1212 : i32 to index
      %get3A_1215 = arith.constant 0 : index
      %get3A_1216 = tpu.vector_load %arg6[%get3A_1213, %get3A_1214, %get3A_1215] {strides = array<i32>} : memref<4x200x64xf32, #tpu.memory_space<vmem>>, vector<16xf32>,
      %add3A_1217 = arith.addf %add3A_1189, %get3A_1216 : vector<16xf32>
      %get3A_1218 = arith.constant 3 : i32
      %get3A_1219 = arith.constant 194 : i32
      %get3A_1220 = arith.index_cast %get3A_1218 : i32 to index
      %get3A_1221 = arith.index_cast %get3A_1219 : i32 to index
      %get3A_1222 = arith.constant 16 : index
      %get3A_1223 = tpu.vector_load %arg6[%get3A_1220, %get3A_1221, %get3A_1222] {strides = array<i32>} : memref<4x200x64xf32, #tpu.memory_space<vmem>>, vector<16xf32>,
      %add3A_1224 = arith.addf %add3A_1196, %get3A_1223 : vector<16xf32>
      %get3A_1225 = arith.constant 3 : i32
      %get3A_1226 = arith.constant 194 : i32
      %get3A_1227 = arith.index_cast %get3A_1225 : i32 to index
      %get3A_1228 = arith.index_cast %get3A_1226 : i32 to index
      %get3A_1229 = arith.constant 32 : index
      %get3A_1230 = tpu.vector_load %arg6[%get3A_1227, %get3A_1228, %get3A_1229] {strides = array<i32>} : memref<4x200x64xf32, #tpu.memory_space<vmem>>, vector<16xf32>,
      %add3A_1231 = arith.addf %add3A_1203, %get3A_1230 : vector<16xf32>
      %get3A_1232 = arith.constant 3 : i32
      %get3A_1233 = arith.constant 194 : i32
      %get3A_1234 = arith.index_cast %get3A_1232 : i32 to index
      %get3A_1235 = arith.index_cast %get3A_1233 : i32 to index
      %get3A_1236 = arith.constant 48 : index
      %get3A_1237 = tpu.vector_load %arg6[%get3A_1234, %get3A_1235, %get3A_1236] {strides = array<i32>} : memref<4x200x64xf32, #tpu.memory_space<vmem>>, vector<16xf32>,
      %add3A_1238 = arith.addf %add3A_1210, %get3A_1237 : vector<16xf32>
      %get3A_1239 = arith.constant 3 : i32
      %get3A_1240 = arith.constant 195 : i32
      %get3A_1241 = arith.index_cast %get3A_1239 : i32 to index
      %get3A_1242 = arith.index_cast %get3A_1240 : i32 to index
      %get3A_1243 = arith.constant 0 : index
      %get3A_1244 = tpu.vector_load %arg6[%get3A_1241, %get3A_1242, %get3A_1243] {strides = array<i32>} : memref<4x200x64xf32, #tpu.memory_space<vmem>>, vector<16xf32>,
      %add3A_1245 = arith.addf %add3A_1217, %get3A_1244 : vector<16xf32>
      %get3A_1246 = arith.constant 3 : i32
      %get3A_1247 = arith.constant 195 : i32
      %get3A_1248 = arith.index_cast %get3A_1246 : i32 to index
      %get3A_1249 = arith.index_cast %get3A_1247 : i32 to index
      %get3A_1250 = arith.constant 16 : index
      %get3A_1251 = tpu.vector_load %arg6[%get3A_1248, %get3A_1249, %get3A_1250] {strides = array<i32>} : memref<4x200x64xf32, #tpu.memory_space<vmem>>, vector<16xf32>,
      %add3A_1252 = arith.addf %add3A_1224, %get3A_1251 : vector<16xf32>
      %get3A_1253 = arith.constant 3 : i32
      %get3A_1254 = arith.constant 195 : i32
      %get3A_1255 = arith.index_cast %get3A_1253 : i32 to index
      %get3A_1256 = arith.index_cast %get3A_1254 : i32 to index
      %get3A_1257 = arith.constant 32 : index
      %get3A_1258 = tpu.vector_load %arg6[%get3A_1255, %get3A_1256, %get3A_1257] {strides = array<i32>} : memref<4x200x64xf32, #tpu.memory_space<vmem>>, vector<16xf32>,
      %add3A_1259 = arith.addf %add3A_1231, %get3A_1258 : vector<16xf32>
      %get3A_1260 = arith.constant 3 : i32
      %get3A_1261 = arith.constant 195 : i32
      %get3A_1262 = arith.index_cast %get3A_1260 : i32 to index
      %get3A_1263 = arith.index_cast %get3A_1261 : i32 to index
      %get3A_1264 = arith.constant 48 : index
      %get3A_1265 = tpu.vector_load %arg6[%get3A_1262, %get3A_1263, %get3A_1264] {strides = array<i32>} : memref<4x200x64xf32, #tpu.memory_space<vmem>>, vector<16xf32>,
      %add3A_1266 = arith.addf %add3A_1238, %get3A_1265 : vector<16xf32>
      %get3A_1267 = arith.constant 3 : i32
      %get3A_1268 = arith.constant 196 : i32
      %get3A_1269 = arith.index_cast %get3A_1267 : i32 to index
      %get3A_1270 = arith.index_cast %get3A_1268 : i32 to index
      %get3A_1271 = arith.constant 0 : index
      %get3A_1272 = tpu.vector_load %arg6[%get3A_1269, %get3A_1270, %get3A_1271] {strides = array<i32>} : memref<4x200x64xf32, #tpu.memory_space<vmem>>, vector<16xf32>,
      %add3A_1273 = arith.addf %add3A_1245, %get3A_1272 : vector<16xf32>
      %get3A_1274 = arith.constant 3 : i32
      %get3A_1275 = arith.constant 196 : i32
      %get3A_1276 = arith.index_cast %get3A_1274 : i32 to index
      %get3A_1277 = arith.index_cast %get3A_1275 : i32 to index
      %get3A_1278 = arith.constant 16 : index
      %get3A_1279 = tpu.vector_load %arg6[%get3A_1276, %get3A_1277, %get3A_1278] {strides = array<i32>} : memref<4x200x64xf32, #tpu.memory_space<vmem>>, vector<16xf32>,
      %add3A_1280 = arith.addf %add3A_1252, %get3A_1279 : vector<16xf32>
      %get3A_1281 = arith.constant 3 : i32
      %get3A_1282 = arith.constant 196 : i32
      %get3A_1283 = arith.index_cast %get3A_1281 : i32 to index
      %get3A_1284 = arith.index_cast %get3A_1282 : i32 to index
      %get3A_1285 = arith.constant 32 : index
      %get3A_1286 = tpu.vector_load %arg6[%get3A_1283, %get3A_1284, %get3A_1285] {strides = array<i32>} : memref<4x200x64xf32, #tpu.memory_space<vmem>>, vector<16xf32>,
      %add3A_1287 = arith.addf %add3A_1259, %get3A_1286 : vector<16xf32>
      %get3A_1288 = arith.constant 3 : i32
      %get3A_1289 = arith.constant 196 : i32
      %get3A_1290 = arith.index_cast %get3A_1288 : i32 to index
      %get3A_1291 = arith.index_cast %get3A_1289 : i32 to index
      %get3A_1292 = arith.constant 48 : index
      %get3A_1293 = tpu.vector_load %arg6[%get3A_1290, %get3A_1291, %get3A_1292] {strides = array<i32>} : memref<4x200x64xf32, #tpu.memory_space<vmem>>, vector<16xf32>,
      %add3A_1294 = arith.addf %add3A_1266, %get3A_1293 : vector<16xf32>
      %get3A_1295 = arith.constant 3 : i32
      %get3A_1296 = arith.constant 197 : i32
      %get3A_1297 = arith.index_cast %get3A_1295 : i32 to index
      %get3A_1298 = arith.index_cast %get3A_1296 : i32 to index
      %get3A_1299 = arith.constant 0 : index
      %get3A_1300 = tpu.vector_load %arg6[%get3A_1297, %get3A_1298, %get3A_1299] {strides = array<i32>} : memref<4x200x64xf32, #tpu.memory_space<vmem>>, vector<16xf32>,
      %add3A_1301 = arith.addf %add3A_1273, %get3A_1300 : vector<16xf32>
      %get3A_1302 = arith.constant 3 : i32
      %get3A_1303 = arith.constant 197 : i32
      %get3A_1304 = arith.index_cast %get3A_1302 : i32 to index
      %get3A_1305 = arith.index_cast %get3A_1303 : i32 to index
      %get3A_1306 = arith.constant 16 : index
      %get3A_1307 = tpu.vector_load %arg6[%get3A_1304, %get3A_1305, %get3A_1306] {strides = array<i32>} : memref<4x200x64xf32, #tpu.memory_space<vmem>>, vector<16xf32>,
      %add3A_1308 = arith.addf %add3A_1280, %get3A_1307 : vector<16xf32>
      %get3A_1309 = arith.constant 3 : i32
      %get3A_1310 = arith.constant 197 : i32
      %get3A_1311 = arith.index_cast %get3A_1309 : i32 to index
      %get3A_1312 = arith.index_cast %get3A_1310 : i32 to index
      %get3A_1313 = arith.constant 32 : index
      %get3A_1314 = tpu.vector_load %arg6[%get3A_1311, %get3A_1312, %get3A_1313] {strides = array<i32>} : memref<4x200x64xf32, #tpu.memory_space<vmem>>, vector<16xf32>,
      %add3A_1315 = arith.addf %add3A_1287, %get3A_1314 : vector<16xf32>
      %get3A_1316 = arith.constant 3 : i32
      %get3A_1317 = arith.constant 197 : i32
      %get3A_1318 = arith.index_cast %get3A_1316 : i32 to index
      %get3A_1319 = arith.index_cast %get3A_1317 : i32 to index
      %get3A_1320 = arith.constant 48 : index
      %get3A_1321 = tpu.vector_load %arg6[%get3A_1318, %get3A_1319, %get3A_1320] {strides = array<i32>} : memref<4x200x64xf32, #tpu.memory_space<vmem>>, vector<16xf32>,
      %add3A_1322 = arith.addf %add3A_1294, %get3A_1321 : vector<16xf32>
      %get3A_1323 = arith.constant 3 : i32
      %get3A_1324 = arith.constant 198 : i32
      %get3A_1325 = arith.index_cast %get3A_1323 : i32 to index
      %get3A_1326 = arith.index_cast %get3A_1324 : i32 to index
      %get3A_1327 = arith.constant 0 : index
      %get3A_1328 = tpu.vector_load %arg6[%get3A_1325, %get3A_1326, %get3A_1327] {strides = array<i32>} : memref<4x200x64xf32, #tpu.memory_space<vmem>>, vector<16xf32>,
      %add3A_1329 = arith.addf %add3A_1301, %get3A_1328 : vector<16xf32>
      %get3A_1330 = arith.constant 3 : i32
      %get3A_1331 = arith.constant 198 : i32
      %get3A_1332 = arith.index_cast %get3A_1330 : i32 to index
      %get3A_1333 = arith.index_cast %get3A_1331 : i32 to index
      %get3A_1334 = arith.constant 16 : index
      %get3A_1335 = tpu.vector_load %arg6[%get3A_1332, %get3A_1333, %get3A_1334] {strides = array<i32>} : memref<4x200x64xf32, #tpu.memory_space<vmem>>, vector<16xf32>,
      %add3A_1336 = arith.addf %add3A_1308, %get3A_1335 : vector<16xf32>
      %get3A_1337 = arith.constant 3 : i32
      %get3A_1338 = arith.constant 198 : i32
      %get3A_1339 = arith.index_cast %get3A_1337 : i32 to index
      %get3A_1340 = arith.index_cast %get3A_1338 : i32 to index
      %get3A_1341 = arith.constant 32 : index
      %get3A_1342 = tpu.vector_load %arg6[%get3A_1339, %get3A_1340, %get3A_1341] {strides = array<i32>} : memref<4x200x64xf32, #tpu.memory_space<vmem>>, vector<16xf32>,
      %add3A_1343 = arith.addf %add3A_1315, %get3A_1342 : vector<16xf32>
      %get3A_1344 = arith.constant 3 : i32
      %get3A_1345 = arith.constant 198 : i32
      %get3A_1346 = arith.index_cast %get3A_1344 : i32 to index
      %get3A_1347 = arith.index_cast %get3A_1345 : i32 to index
      %get3A_1348 = arith.constant 48 : index
      %get3A_1349 = tpu.vector_load %arg6[%get3A_1346, %get3A_1347, %get3A_1348] {strides = array<i32>} : memref<4x200x64xf32, #tpu.memory_space<vmem>>, vector<16xf32>,
      %add3A_1350 = arith.addf %add3A_1322, %get3A_1349 : vector<16xf32>
      %get3A_1351 = arith.constant 3 : i32
      %get3A_1352 = arith.constant 199 : i32
      %get3A_1353 = arith.index_cast %get3A_1351 : i32 to index
      %get3A_1354 = arith.index_cast %get3A_1352 : i32 to index
      %get3A_1355 = arith.constant 0 : index
      %get3A_1356 = tpu.vector_load %arg6[%get3A_1353, %get3A_1354, %get3A_1355] {strides = array<i32>} : memref<4x200x64xf32, #tpu.memory_space<vmem>>, vector<16xf32>,
      %add3A_1357 = arith.addf %add3A_1329, %get3A_1356 : vector<16xf32>
      %get3A_1358 = arith.constant 3 : i32
      %get3A_1359 = arith.constant 199 : i32
      %get3A_1360 = arith.index_cast %get3A_1358 : i32 to index
      %get3A_1361 = arith.index_cast %get3A_1359 : i32 to index
      %get3A_1362 = arith.constant 16 : index
      %get3A_1363 = tpu.vector_load %arg6[%get3A_1360, %get3A_1361, %get3A_1362] {strides = array<i32>} : memref<4x200x64xf32, #tpu.memory_space<vmem>>, vector<16xf32>,
      %add3A_1364 = arith.addf %add3A_1336, %get3A_1363 : vector<16xf32>
      %get3A_1365 = arith.constant 3 : i32
      %get3A_1366 = arith.constant 199 : i32
      %get3A_1367 = arith.index_cast %get3A_1365 : i32 to index
      %get3A_1368 = arith.index_cast %get3A_1366 : i32 to index
      %get3A_1369 = arith.constant 32 : index
      %get3A_1370 = tpu.vector_load %arg6[%get3A_1367, %get3A_1368, %get3A_1369] {strides = array<i32>} : memref<4x200x64xf32, #tpu.memory_space<vmem>>, vector<16xf32>,
      %add3A_1371 = arith.addf %add3A_1343, %get3A_1370 : vector<16xf32>
      %get3A_1372 = arith.constant 3 : i32
      %get3A_1373 = arith.constant 199 : i32
      %get3A_1374 = arith.index_cast %get3A_1372 : i32 to index
      %get3A_1375 = arith.index_cast %get3A_1373 : i32 to index
      %get3A_1376 = arith.constant 48 : index
      %get3A_1377 = tpu.vector_load %arg6[%get3A_1374, %get3A_1375, %get3A_1376] {strides = array<i32>} : memref<4x200x64xf32, #tpu.memory_space<vmem>>, vector<16xf32>,
      %add3A_1378 = arith.addf %add3A_1350, %get3A_1377 : vector<16xf32>
      %convert_element_type3A_1379 = arith.sitofp %add3A_1154 : vector<16xi32> to vector<16xf32>
      %max3A_1380 = arith.constant 1.000000e+00 : f32
      %max3A_1381 = vector.broadcast %max3A_1380 : f32 to vector<16xf32>
      %max3A_1382 = arith.maximumf %convert_element_type3A_1379, %max3A_1381 : vector<16xf32>
      %div3A_1383 = arith.constant 1.000000e+00 : f32
      %div3A_1384 = vector.broadcast %div3A_1383 : f32 to vector<16xf32>
      %div3A_1385 = arith.divf %div3A_1384, %max3A_1382 : vector<16xf32>
      %mul3A_1386 = arith.mulf %add3A_1357, %div3A_1385 : vector<16xf32>
      %swap3A_1387 = arith.index_cast %add3A_1093 : i32 to index
      %swap3A_1388 = arith.constant 0 : index
      %swap3A_1389 = tpu.vector_load %arg7[%swap3A_1387, %swap3A_1388] {strides = array<i32>} : memref<512x64xf32, #tpu.memory_space<vmem>>, vector<16xf32>,
      tpu.vector_store %arg7[%swap3A_1387, %swap3A_1388], %mul3A_1386 {strides = array<i32>} : memref<512x64xf32, #tpu.memory_space<vmem>>, vector<16xf32>,
      %mul3A_1390 = arith.mulf %add3A_1364, %div3A_1385 : vector<16xf32>
      %swap3A_1391 = arith.index_cast %add3A_1093 : i32 to index
      %swap3A_1392 = arith.constant 16 : index
      %swap3A_1393 = tpu.vector_load %arg7[%swap3A_1391, %swap3A_1392] {strides = array<i32>} : memref<512x64xf32, #tpu.memory_space<vmem>>, vector<16xf32>,
      tpu.vector_store %arg7[%swap3A_1391, %swap3A_1392], %mul3A_1390 {strides = array<i32>} : memref<512x64xf32, #tpu.memory_space<vmem>>, vector<16xf32>,
      %mul3A_1394 = arith.mulf %add3A_1371, %div3A_1385 : vector<16xf32>
      %swap3A_1395 = arith.index_cast %add3A_1093 : i32 to index
      %swap3A_1396 = arith.constant 32 : index
      %swap3A_1397 = tpu.vector_load %arg7[%swap3A_1395, %swap3A_1396] {strides = array<i32>} : memref<512x64xf32, #tpu.memory_space<vmem>>, vector<16xf32>,
      tpu.vector_store %arg7[%swap3A_1395, %swap3A_1396], %mul3A_1394 {strides = array<i32>} : memref<512x64xf32, #tpu.memory_space<vmem>>, vector<16xf32>,
      %mul3A_1398 = arith.mulf %add3A_1378, %div3A_1385 : vector<16xf32>
      %swap3A_1399 = arith.index_cast %add3A_1093 : i32 to index
      %swap3A_1400 = arith.constant 48 : index
      %swap3A_1401 = tpu.vector_load %arg7[%swap3A_1399, %swap3A_1400] {strides = array<i32>} : memref<512x64xf32, #tpu.memory_space<vmem>>, vector<16xf32>,
      tpu.vector_store %arg7[%swap3A_1399, %swap3A_1400], %mul3A_1398 {strides = array<i32>} : memref<512x64xf32, #tpu.memory_space<vmem>>, vector<16xf32>,
    }
    %scan3A_83 = arith.constant 128 : i32
    "tpu.region"() ({
      %run_scoped3A_84 = tpu.sem_alloc : memref<!tpu.dma_semaphore, #tpu.memory_space<semaphore_mem>>
      %dma_start3A_85 = arith.constant 0 : i32
      %dma_start3A_86 = tpu.memref_slice %arg4[%mul3A_2, %dma_start3A_85] : memref<16384x64xf32, #tpu.memory_space<hbm>> -> memref<512x64xf32, #tpu.memory_space<hbm>>
      %dma_start3A_87 = arith.constant 0 : i32
      %dma_start3A_88 = tpu.memref_slice %arg4[%mul3A_2, %dma_start3A_87] : memref<16384x64xf32, #tpu.memory_space<hbm>> -> memref<512x64xf32, #tpu.memory_space<hbm>>
      tpu.enqueue_dma source(%arg7 : memref<512x64xf32, #tpu.memory_space<vmem>>) target(%dma_start3A_88 : memref<512x64xf32, #tpu.memory_space<hbm>>) target_semaphore(%run_scoped3A_84 : memref<!tpu.dma_semaphore, #tpu.memory_space<semaphore_mem>>)
      %dma_wait3A = arith.constant 0 : i32
      %dma_wait3A_89 = tpu.memref_slice %arg4[%mul3A_2, %dma_wait3A] : memref<16384x64xf32, #tpu.memory_space<hbm>> -> memref<512x64xf32, #tpu.memory_space<hbm>>
      %dma_wait3A_90 = arith.constant 0 : i32
      %dma_wait3A_91 = tpu.memref_slice %arg4[%mul3A_2, %dma_wait3A_90] : memref<16384x64xf32, #tpu.memory_space<hbm>> -> memref<512x64xf32, #tpu.memory_space<hbm>>
      tpu.wait_dma2 semaphore(%run_scoped3A_84 : memref<!tpu.dma_semaphore, #tpu.memory_space<semaphore_mem>>) src(%arg7 : memref<512x64xf32, #tpu.memory_space<vmem>>) dst(%dma_wait3A_91 : memref<512x64xf32, #tpu.memory_space<hbm>>)
      tpu.yield
    }) : () -> ()
    return
  }
}

</mosaic_0001>

<sc_bundles>
// kernel: kernel.3.cloned.1.call-start
scs
__scs_entry_jumppad:
0x0: {  	(pc) =	sbr.rel $0x88, $3  }
0x1: {  	(tag) =	ssettag $0x0;
	lr =	simm.s32 $0x1  }
0x2: {  	[smem:$0x3F9F] =	sst lr;
	_ =	strace $0xD0000000  }
0x3: {  	_ = 	snop  }
0x4: {  	_ = 	snop  }
0x5: {  	_ = 	snop  }
0x6: {  	_ = 	snop  }
0x7: {  	_ = 	snop  }
__scs_overlays_trampoline_lowered:
0x8: {  	[smem:$0x3FAE] =	sst s0  }
0x9: {  	[smem:$0x3FAF] =	sst s1  }
0xa: {  	[smem:$0x3FB0] =	sst s2  }
0xb: {  	[smem:$0x3FB1] =	sst s3  }
0xc: {  	[smem:$0x3FB2] =	sst s4  }
0xd: {  	[smem:$0x3FB3] =	sst s5  }
0xe: {  	[smem:$0x3FB4] =	sst s6  }
0xf: {  	[smem:$0x3FB5] =	sst s7  }
0x10: {  	[smem:$0x3FB6] =	sst s8  }
0x11: {  	[smem:$0x3FB7] =	sst s9;
	s0 =	simm.s32 @!p0 $0x0  }
0x12: {  	s1 =	sld [smem:$0x3F9D];
	s0 =	simm.s32 @p0 $0x1  }
0x13: {  	[smem:$0x3FB8] =	sst s0;
	s0 =	simm.s32 @!p1 $0x0  }
0x14: {  	s2 =	sld [smem:$0x3F9C];
	s0 =	simm.s32 @p1 $0x1  }
0x15: {  	[smem:$0x3FB9] =	sst s0;
	s0 =	simm.s32 @!p2 $0x0  }
0x16: {  	s3 =	sld [smem:$0x3FDB];
	s0 =	simm.s32 @p2 $0x1  }
0x17: {  	s4 =	simm.s32 $0x1BF5;
	[smem:$0x3FBB] =	sst s0  }
0x18: {  	s0 =	sld [smem:$0x3F9E];
	_ =	swait.ge [sflag:s4], $0x0  }
0x19: {  	s7 =	sld [smem:$0x3F9F]  }
0x1a: {  	s8 =	sadd.s32 $0xFFFFE003, lr  }
0x1b: {  	s9 =	sadd.s32 $0xFFFFFEF7, lr;
	s5 =	simm.s32 $0xFFFFFFFF;
	p2 =	slt.u32 s8, $0xFFFFF086  }
0x1c: {  	p1 =	slt.u32 s9, $0xF7A;
	s5 =	simm.s32 @!p2 $0x0  }
0x1d: {  	s5 =	simm.s32 @p1 $0x1;
	p0 =	seq.s32 s7, s2  }
0x1e: {  	s7 =	smul.u32 @!p0 $0xF7A, s2;
	p2 =	seq.s32 @!p0 s5, $0x0  }
0x1f: {  	s9 =	smul.u32 $0xF7A, s1;
	s8 =	simm.s32 @!p0 $0x1BF5;
	p2 =	por !p2, p0  }
0x20: {  	[sflag:s8] =	ssyncset.s32 @!p0 $0xFFFFF086;
	s6 =	sadd.s32 @!p0 s3, s7;
	s7 =	simm.s32 @!p0 $0x108  }
0x21: {  	s3 =	sadd.s32 s3, s9;
	s6 =	sadd.s32 @!p0 $0x88, s6;
	s7 =	simm.s32 @p2 $0x1082  }
0x22: {  	[simem:s7], [sflag:s8] =	dma.local @!p0 [hbm:s6], $0xF7A  }
0x23: {  	s9 =	sor.u32 $0xD0000000, s2;
	s6 =	simm.s32 $0x108;
	_ =	swait.ge @!p0 [sflag:s8], $0x0  }
0x24: {  	s3 =	sadd.s32 $0x88, s3;
	s6 =	simm.s32 @!p1 $0x1082;
	[sflag:s4] =	ssyncset.s32 $0xFFFFF086  }
0x25: {  	[simem:s6], [sflag:s4] =	dma.local [hbm:s3], $0xF7A  }
0x26: {  	[smem:$0x3F9F] =	sst s1;
	(tag) =	ssettag s2;
	_ =	strace s9  }
0x27: {  	s1 =	sld [smem:$0x3FAF]  }
0x28: {  	s2 =	sld [smem:$0x3FB0]  }
0x29: {  	s4 =	sld [smem:$0x3FB2]  }
0x2a: {  	p0 =	seq.s32 s5, $0x0;
	s5 =	sld [smem:$0x3FB3]  }
0x2b: {  	s6 =	sld [smem:$0x3FB4]  }
0x2c: {  	s7 =	sld [smem:$0x3FB5]  }
0x2d: {  	s3 =	simm.s32 $0x108;
	s8 =	sld [smem:$0x3FB6]  }
0x2e: {  	s3 =	simm.s32 @!p0 $0x1082;
	s9 =	sld [smem:$0x3FB7]  }
0x2f: {  	lr =	sadd.s32 s0, s3;
	s0 =	sld [smem:$0x3FAE]  }
0x30: {  	s3 =	sld [smem:$0x3FB1]  }
0x31: {  	[smem:$0x3FBA] =	sst s10  }
0x32: {  	s10 =	sld [smem:$0x3FB8];
	_ =	sdelay $0x3  }
0x33: {  	p0 =	seq.s32 s10, $0x1;
	s10 =	sld [smem:$0x3FBA];
	_ =	sdelay $0x3  }
0x34: {  	[smem:$0x3FBA] =	sst s10  }
0x35: {  	s10 =	sld [smem:$0x3FB9];
	_ =	sdelay $0x3  }
0x36: {  	p1 =	seq.s32 s10, $0x1;
	s10 =	sld [smem:$0x3FBA];
	_ =	sdelay $0x3  }
0x37: {  	[smem:$0x3FBA] =	sst s10  }
0x38: {  	s10 =	sld [smem:$0x3FBB]  }
0x39: {  	_ = 	snop;
	(pc) =	sbr.ind lr, $3  }
0x3a: {  	_ = 	snop  }
0x3b: {  	_ = 	snop  }
0x3c: {  	p2 =	seq.s32 s10, $0x1;
	s10 =	sld [smem:$0x3FBA]  }
0x3d: {  	_ =	shalt  }
0x3e: {  	_ =	shalt  }
0x3f: {  	_ =	shalt  }
0x40: {  	_ =	shalt  }
0x41: {  	_ =	shalt  }
0x42: {  	_ =	shalt  }
0x43: {  	_ =	shalt  }
0x44: {  	_ =	shalt  }
0x45: {  	_ =	shalt  }
0x46: {  	_ =	shalt  }
0x47: {  	_ =	shalt  }
0x48: {  	_ =	shalt  }
0x49: {  	_ =	shalt  }
0x4a: {  	_ =	shalt  }
0x4b: {  	_ =	shalt  }
0x4c: {  	_ =	shalt  }
0x4d: {  	_ =	shalt  }
0x4e: {  	_ =	shalt  }
0x4f: {  	_ =	shalt  }
0x50: {  	_ =	shalt  }
0x51: {  	_ =	shalt  }
0x52: {  	_ =	shalt  }
0x53: {  	_ =	shalt  }
0x54: {  	_ =	shalt  }
0x55: {  	_ =	shalt  }
0x56: {  	_ =	shalt  }
0x57: {  	_ =	shalt  }
0x58: {  	_ =	shalt  }
0x59: {  	_ =	shalt  }
0x5a: {  	_ =	shalt  }
0x5b: {  	_ =	shalt  }
0x5c: {  	_ =	shalt  }
0x5d: {  	_ =	shalt  }
0x5e: {  	_ =	shalt  }
0x5f: {  	_ =	shalt  }
0x60: {  	_ =	shalt  }
0x61: {  	_ =	shalt  }
0x62: {  	_ =	shalt  }
0x63: {  	_ =	shalt  }
0x64: {  	_ =	shalt  }
0x65: {  	_ =	shalt  }
0x66: {  	_ =	shalt  }
0x67: {  	_ =	shalt  }
0x68: {  	_ =	shalt  }
0x69: {  	_ =	shalt  }
0x6a: {  	_ =	shalt  }
0x6b: {  	_ =	shalt  }
0x6c: {  	_ =	shalt  }
0x6d: {  	_ =	shalt  }
0x6e: {  	_ =	shalt  }
0x6f: {  	_ =	shalt  }
0x70: {  	_ =	shalt  }
0x71: {  	_ =	shalt  }
0x72: {  	_ =	shalt  }
0x73: {  	_ =	shalt  }
0x74: {  	_ =	shalt  }
0x75: {  	_ =	shalt  }
0x76: {  	_ =	shalt  }
0x77: {  	_ =	shalt  }
0x78: {  	_ =	shalt  }
0x79: {  	_ =	shalt  }
0x7a: {  	_ =	shalt  }
0x7b: {  	_ =	shalt  }
0x7c: {  	_ =	shalt  }
0x7d: {  	_ =	shalt  }
0x7e: {  	_ =	shalt  }
0x7f: {  	_ =	shalt  }
0x80: {  	_ =	shalt  }
0x81: {  	_ =	shalt  }
0x82: {  	_ =	shalt  }
0x83: {  	_ =	shalt  }
0x84: {  	_ =	shalt  }
0x85: {  	_ =	shalt  }
0x86: {  	_ =	shalt  }
0x87: {  	_ =	shalt  }
.Lfunc_end0:
.L_simem_size_0:
called_computation_lowered:
.L_overlay_start_0:
0x88: {  	s2 =	sld [smem:$0x3FD9]  }
0x89: {  	s3 =	sld [smem:$0x3FFE];
	_ =	sdelay $0x1  }
0x8a: {  	s1 =	srdreg.scid  }
0x8b: {  	s0 =	sand.u32 $0x1, s1  }
0x8c: {  	s17 =	sshll.u32 s0, $0xA;
	s2 =	sadd.s32 s3, s2  }
0x8d: {  	s2 =	sadd.s32 s2, s17  }
0x8e: {  	[smem:$0x3FC6] =	sst s2  }
0x8f: {  	_ = 	snop  }
0x90: {  	s2 =	sld [smem:$0x3FD0];
	(tm) =	ssettm $0x1  }
0x91: {  	s18 =	sld [smem:$0x3FFB];
	_ =	sdelay $0x3  }
0x92: {  	_ =	strace s18  }
0x93: {  	s3 =	sld [smem:$0x3FFC];
	_ =	sdelay $0x3  }
0x94: {  	_ =	strace s3  }
0x95: {  	s3 =	sld [smem:$0x3FFD];
	_ =	sdelay $0x3  }
0x96: {  	_ =	strace s3  }
0x97: {  	_ =	strace $0x8FFFFFFF  }
0x98: {  	s19 =	sld [smem:$0x3FDB];
	_ =	sdelay $0x1  }
0x99: {  	s4 =	simm.s32 $_scs_section_size  }
0x9a: {  	s5 =	simm.s32 $_size__tile_overlayer_lowered;
	s6 =	simm.s32 $_tile_overlayer_lowered  }
0x9b: {  	s22 =	simm.s32 $0x1BFF;
	s21 =	sshll.u32 s6, $0x1;
	s3 =	sadd.s32 s4, s19  }
0x9c: {  	s7 =	simm.s32 $0x0;
	s20 =	sshll.u32 s5, $0x1;
	s5 =	sadd.s32 s21, s3  }
0x9d: {  	[timem:s7], [sflag:s22] =	dma.local [hbm:s5], s20  }
0x9e: {  	_ =	swait.ge [sflag:s22], s20  }
0x9f: {  	s4 =	ssub.s32 $0x0, s20;
	[sflag:s22] =	ssyncset.done $0x0  }
0xa0: {  	[sflag:s22] =	ssyncadd.s32 s4;
	_ =	sdelay $0x1  }
0xa1: {  	s23 =	simm.s32 $0x1B8B  }
0xa2: {  	_ =	swait.ge [sflag:s23], $0x1  }
0xa3: {  	[sflag:s23] =	ssyncset.done $0x0  }
0xa4: {  	s25 =	simm.s32 $0x1B8E;
	s24 =	sld [smem:$0x3FFE];
	[sflag:s23] =	ssyncadd.s32 $0xFFFFFFFF  }
0xa5: {  	s26 =	simm.s32 $execute0_lowered;
	[smem:$0x3FD2] =	sst s25  }
0xa6: {  	s5 =	sshll.u32 s26, $0x1;
	_ =	strace $0x80000046;
	[dreg:$0x1] =	wrdreg $0xFFFFFFFF  }
0xa7: {  	s28 =	simm.s32 $_size_execute0_lowered;
	s3 =	sadd.s32 s3, s5;
	[dreg:$0x0] =	wrdreg $0x0  }
0xa8: {  	s5 =	sshll.u32 s28, $0x1;
	[dreg:$0x2] =	wrdreg s3  }
0xa9: {  	[dreg:$0x3] =	wrdreg s5  }
0xaa: {  	[dreg:$0x4] =	wrdreg $0xC0  }
0xab: {  	_ =	task [dreg:s7], $0x5FFFF  }
0xac: {  	[dreg:$0x1] =	wrdreg $0xFFFFFFFF  }
0xad: {  	[dreg:$0x0] =	wrdreg $0x60  }
0xae: {  	[dreg:$0x2] =	wrdreg s24  }
0xaf: {  	[dreg:$0x3] =	wrdreg s2  }
0xb0: {  	[dreg:$0x4] =	wrdreg $0x9  }
0xb1: {  	_ =	task.clear_ibuf [dreg:s7], $0x5FFFF;
	_ =	strace $0x90000046  }
0xb2: {  	s29 =	simm.s32 $0x9;
	_ =	strace $0x80000048  }
0xb3: {  	_ =	swait.ge [sflag:s29], $0x1  }
0xb4: {  	[sflag:s29] =	ssyncadd.s32 $0xFFFFFFFF  }
0xb5: {  	_ =	strace $0x90000048  }
0xb6: {  	_ =	sfence  }
0xb7: {  	s30 =	sld [smem:$0x0];
	_ =	sdelay $0x2  }
0xb8: {  	s31 =	sshll.u32 s1, $0xD;
	s1 =	sshrl.u32 s1, $0x2  }
0xb9: {  	s3 =	sand.u32 $0x4000, s31;
	s1 =	sadd.s32 s1, s30  }
0xba: {  	s0 =	sor.u32 s3, s0;
	s1 =	sshll.u32 s1, $0x11  }
0xbb: {  	s0 =	sor.u32 s1, s0  }
0xbc: {  	s0 =	sadd.s32 $0x8F2B, s0  }
0xbd: {  	[sflag:s0] =	ssyncadd.remote.s32 $0x1  }
0xbe: {  	_ =	sfence.sel $0xFFFF  }
0xbf: {  	[dreg:$0x0] =	wrdreg $0xFFFFFFFF;
	(pc) =	sbr.abs _section_cstart, $3  }
0xc0: {  	[dreg:$0x1] =	wrdreg $0xFFFFFFFF  }
0xc1: {  	_ =	task.clear_ibuf [dreg:s7], $0x2FFFF;
	_ =	strace $0x9FFFFFFF  }
0xc2: {  	(tm) =	ssettm $0x7FFFFFFF  }
0xc3: {  	_ =	shalt  }
tec
execute0_lowered:
.L_overlay_start_1:
0x0: {  	(tag) =	ssettag $0x1  }
0x1: {  	s0 =	rddreg [dreg:$0x0]  }
0x2: {  	s1 =	rddreg [dreg:$0x1];
	s3 =	srdreg.scid;
	s2 =	simm.s32 $0x0  }
0x3: {  	s4 =	stileid.u32;
	s9 =	simm.s32 $0x6;
	s10 =	simm.s32 $0x80  }
0x4: {  	s12 =	simm.s32 $0x48;
	s22 =	simm.s32 $0x2;
	s23 =	simm.s32 $0xAF00  }
0x5: {  	s24 =	simm.s32 $0xCF00;
	s25 =	simm.s32 $0x3;
	s3 =	sand.u32 $0x1, s3  }
0x6: {  	[smem:$0x7FF] =	sst s2;
	s4 =	sshll.u32 s4, $0xA;
	s5 =	sshll.u32 s3, $0x9  }
0x7: {  	_ =	strace $0x80000047;
	s6 =	ssub.s32 $0x2, s3;
	s3 =	sor.u32 s5, s4  }
0x8: {  	s4 =	sadd.s32 $0x600, s0;
	s7 =	sshrl.u32 s6, $0x1;
	s29 =	sshll.u32 s3, $0x3  }
0x9: {  	s8 =	smul.u32 $0x19, s3;
	s26 =	ssub.s32 s6, s7;
	s1 =	sadd.s32 s1, s29  }
0xa: {  	s5 =	sadd.s32 $0xF42A00, s0;
	s0 =	smax.u32 s26, $0x1;
	[dreg:$0x4] =	wrdreg s1  }
0xb: {  	s28 =	simm.s32 $0x5;
	s31 =	sadd.s32 s4, s8;
	[dreg:$0x5] =	wrdreg s0  }
0xc: {  	vm0 =	vcmask $0x3F20;
	s30 =	simm.s32 $0x0;
	s26 =	simm.s32 $0x4;
	[dreg:$0x3] =	wrdreg s31  }
.LBB2_1:
0xd: {  	s0 =	rddreg [dreg:$0x3]  }
0xe: {  	[tilespmem:s2], [sflag:$0x6] =	stream.linear.gather [hbm4b:s0+s2], $0xC80, $0x38;
	[tilespmem:$0x16100] =	vst v63  }
0xf: {  	_ =	swait.ge [sflag:s9], $0xC80  }
0x10: {  	[sflag:s9] =	ssyncset.done $0x0  }
0x11: {  	s14 =	simm.s32 $0x1900;
	[sflag:s9] =	ssyncadd.s32 $0xFFFFF380  }
0x12: {  	[tilespmem:s14], [sflag:$0x2] =	stream.indirect.gather [hbm4b:s5+s10], $0x40, s2, s10, $0xb8;
	[tilespmem:$0x16100] =	vst v63  }
0x13: {  	s15 =	simm.s32 $0x3900  }
0x14: {  	[tilespmem:s15], [sflag:$0x2] =	stream.indirect.gather [hbm4b:s5+s12], $0x40, s10, s12, $0xb8;
	[tilespmem:$0x16100] =	vst v63  }
0x15: {  	s16 =	simm.s32 $0xC8;
	s1 =	simm.s32 $0x4B00;
	s17 =	simm.s32 $0x148  }
0x16: {  	[tilespmem:s1], [sflag:$0x3] =	stream.indirect.gather [hbm4b:s5+s10], $0x40, s16, s10, $0xb8;
	[tilespmem:$0x16100] =	vst v63  }
0x17: {  	s18 =	simm.s32 $0x6B00;
	s19 =	simm.s32 $0x190;
	s20 =	simm.s32 $0x7D00  }
0x18: {  	[tilespmem:s18], [sflag:$0x3] =	stream.indirect.gather [hbm4b:s5+s12], $0x40, s17, s12, $0xb8;
	[tilespmem:$0x16100] =	vst v63  }
0x19: {  	s21 =	simm.s32 $0x210;
	s29 =	simm.s32 $0x9D00;
	s31 =	simm.s32 $0x0  }
0x1a: {  	[tilespmem:s20], [sflag:$0x4] =	stream.indirect.gather [hbm4b:s5+s10], $0x40, s19, s10, $0xb8;
	[tilespmem:$0x16100] =	vst v63  }
0x1b: {  	s11 =	simm.s32 $0x0;
	s0 =	simm.s32 $0x0;
	s1 =	simm.s32 $0x0  }
0x1c: {  	[tilespmem:s29], [sflag:$0x4] =	stream.indirect.gather [hbm4b:s5+s12], $0x40, s21, s12, $0xb8;
	[tilespmem:$0x16100] =	vst v63  }
.LBB2_2:
0x1d: {  	s7 =	sand.u32 $0x3, s11;
	p0 =	sgt.u32 s11, $0x7B  }
0x1e: {  	p1 =	sne.s32 @!p0 s7, $0x0  }
0x1f: {  	p1 =	por p0, p1  }
.Ltmp0:
0x20: {  	_ = 	snop;
	(pc) =	sbr.rel @p1 .LBB2_4-.Ltmp0, $2  }
0x21: {  	_ =	sdelay $0x2  }
0x22: {  	s6 =	sshrl.u32 s11, $0x2  }
0x23: {  	s7 =	sadd.s32 $0x1, s6  }
0x24: {  	s13 =	sshll.u32 s7, $0x4  }
.Ltmp1:
0x25: {  	s13 =	sadd.s32 s3, s13;
	(pc) =	sbr.rel .LBB2_5-.Ltmp1, $4  }
0x26: {  	s7 =	sand.u32 $0x1, s7;
	s13 =	smul.u32 $0x19, s13  }
0x27: {  	p0 =	seq.s32 s7, $0x1;
	s7 =	simm.s32 $0xC80  }
0x28: {  	s7 =	simm.s32 @!p0 $0x0;
	s13 =	sadd.s32 s4, s13  }
0x29: {  	[tilespmem:s7], [sflag:$0x1] =	stream.linear.gather [hbm4b:s13+s2], $0xC80, $0x38;
	[tilespmem:$0x16100] =	vst v63  }
.LBB2_4:
0x2a: {  	p1 =	sne.s32 @!p0 s7, $0x3  }
0x2b: {  	p0 =	por p1, p0  }
0x2c: {  	s7 =	simm.s32 @!p0 $0x1  }
0x2d: {  	_ =	swait.ge @!p0 [sflag:s7], $0xC80  }
0x2e: {  	[sflag:s7] =	ssyncset.done @!p0 $0x0  }
0x2f: {  	[sflag:s7] =	ssyncadd.s32 @!p0 $0xFFFFF380  }
.LBB2_5:
0x30: {  	s16 =	sshll.u32 s11, $0x2;
	_ =	swait.ge [sflag:s22], $0x2000  }
0x31: {  	s13 =	sor.u32 $0x3, s16;
	[sflag:s22] =	ssyncset.done $0x0  }
0x32: {  	s7 =	sshll.u32 s11, $0x1D;
	[sflag:s22] =	ssyncadd.s32 $0xFFFFE000;
	s14 =	sand.u32 $0xF, s13  }
0x33: {  	s7 =	sshra.s32 s7, $0x1F;
	_ =	swait.ge [sflag:s22], $0x1200;
	s14 =	smul.u32 $0xC8, s14  }
0x34: {  	s7 =	sand.u32 $0xC80, s7;
	[sflag:s22] =	ssyncset.done $0x0  }
0x35: {  	[sflag:s22] =	ssyncadd.s32 $0xFFFFEE00;
	s7 =	sadd.s32 s14, s7  }
0x36: {  	[tilespmem:s23], [sflag:$0x5] =	stream.indirect.gather [hbm4b:s5+s10], $0x40, s7, s10, $0xb8;
	[tilespmem:$0x16100] =	vst v63  }
0x37: {  	s20 =	simm.s32 $0x1B00;
	s7 =	sadd.s32 $0x80, s7  }
0x38: {  	[tilespmem:s24], [sflag:$0x5] =	stream.indirect.gather [hbm4b:s5+s12], $0x40, s7, s12, $0xb8;
	[tilespmem:$0x16100] =	vst v63  }
0x39: {  	v1 =	vld [tilespmem:s20+$0x1C0]  }
0x3a: {  	v0 =	vld [tilespmem:s20+$0x1D0]  }
0x3b: {  	v2 =	vld [tilespmem:s20+$0x180]  }
0x3c: {  	v3 =	vld [tilespmem:s20+$0x190]  }
0x3d: {  	v6 =	vld [tilespmem:s20+$0x140]  }
0x3e: {  	v7 =	vld [tilespmem:s20+$0x150]  }
0x3f: {  	v5 =	vld [tilespmem:s20+$0x160]  }
0x40: {  	v9 =	vld [tilespmem:s20+$0x100]  }
0x41: {  	v8 =	vld [tilespmem:s20+$0x110]  }
0x42: {  	v11 =	vld [tilespmem:s20+$0xC0]  }
0x43: {  	v10 =	vld [tilespmem:s20+$0xD0]  }
0x44: {  	v13 =	vld [tilespmem:s20+$0x80]  }
0x45: {  	v12 =	vld [tilespmem:s20+$0x90]  }
0x46: {  	v16 =	vld [tilespmem:s20+$0x40]  }
0x47: {  	v15 =	vld [tilespmem:s20+$0x50]  }
0x48: {  	v18 =	vld [tilespmem:s20+$0x0]  }
0x49: {  	v17 =	vld [tilespmem:s20+$0x10]  }
0x4a: {  	v20 =	vld [tilespmem:s20+$0xFFFFFFC0]  }
0x4b: {  	v19 =	vld [tilespmem:s20+$0xFFFFFFD0]  }
0x4c: {  	v22 =	vld [tilespmem:s20+$0xFFFFFF80]  }
0x4d: {  	v21 =	vld [tilespmem:s20+$0xFFFFFF90]  }
0x4e: {  	v24 =	vld [tilespmem:s20+$0xFFFFFF40]  }
0x4f: {  	v23 =	vld [tilespmem:s20+$0xFFFFFF50]  }
0x50: {  	v26 =	vld [tilespmem:s20+$0xFFFFFF00]  }
0x51: {  	v25 =	vld [tilespmem:s20+$0xFFFFFF10]  }
0x52: {  	v28 =	vld [tilespmem:s20+$0xFFFFFEC0]  }
0x53: {  	v27 =	vld [tilespmem:s20+$0xFFFFFED0]  }
0x54: {  	v31 =	vld [tilespmem:s20+$0xFFFFFE80]  }
0x55: {  	s6 =	sand.u32 $0x1, s6;
	v34 =	vld [tilespmem:s20+$0xFFFFFE90]  }
0x56: {  	s18 =	sand.u32 $0x3, s1;
	s15 =	sand.u32 $0xF, s0;
	p0 =	seq.s32 s6, $0x1;
	v35 =	vld [tilespmem:s20+$0xFFFFFE40]  }
0x57: {  	s19 =	sand.u32 $0xC, s16;
	s7 =	smul.u32 $0xC80, s18;
	s18 =	simm.s32 $0x3200;
	v36 =	vld [tilespmem:s20+$0xFFFFFE50]  }
0x58: {  	s21 =	sand.u32 $0x7, s31;
	s6 =	smul.u32 $0x320, s19;
	s18 =	simm.s32 @!p0 $0x0;
	v37 =	vld [tilespmem:s20+$0xFFFFFE00]  }
0x59: {  	s29 =	simm.s32 $0x0;
	s17 =	smul.u32 $0x320, s15;
	v38 =	vld [tilespmem:s20+$0xFFFFFE10];
	s7 =	sadd.s32 s7, s18  }
0x5a: {  	v29 =	vimm.f32 $0.0e+00;
	v4 =	vimm.s32 $0x0;
	v32 =	vimm.f32 $0.0e+00;
	s6 =	sshrl.u32 s6, $0x2;
	v39 =	vld [tilespmem:s20+$0xFFFFFE20];
	s15 =	sshrl.u32 s18, $0x2;
	s7 =	sshrl.u32 s7, $0x2  }
0x5b: {  	v33 =	vimm.f32 $0.0e+00;
	v30 =	vimm.f32 $0.0e+00;
	s19 =	smul.u32 $0x640, s21;
	v40 =	vld [tilespmem:s20+$0xFFFFFE30];
	s21 =	sadd.s32 s6, s15;
	s6 =	simm.s32 $0x40;
	v14 =	vmov s7  }
.LBB2_6:
0x5c: {  	p0 =	sne.s32 s6, $0x2C0;
	v41 =	vld [tilespmem:s20+$0xFFFFFE60]  }
0x5d: {  	v42 =	vld [tilespmem:s20+$0xFFFFFE70]  }
0x5e: {  	v43 =	vld [tilespmem:s20+$0xFFFFFEA0]  }
0x5f: {  	v29 =	vadd.f32 v37, v29;
	v32 =	vadd.f32 v38, v32;
	v37 =	vld [tilespmem:s20+$0xFFFFFEB0]  }
0x60: {  	v33 =	vadd.f32 v39, v33;
	v30 =	vadd.f32 v40, v30;
	v38 =	vld [tilespmem:s20+$0xFFFFFEE0]  }
0x61: {  	v29 =	vadd.f32 v35, v29;
	v32 =	vadd.f32 v36, v32;
	v35 =	vld [tilespmem:s20+$0xFFFFFEF0]  }
0x62: {  	v33 =	vadd.f32 v41, v33;
	v30 =	vadd.f32 v42, v30;
	v36 =	vld [tilespmem:s20+$0xFFFFFF20]  }
0x63: {  	v29 =	vadd.f32 v31, v29;
	v31 =	vadd.f32 v34, v32;
	v32 =	vld [tilespmem:s20+$0xFFFFFF30]  }
0x64: {  	v33 =	vadd.f32 v43, v33;
	v30 =	vadd.f32 v37, v30;
	v34 =	vld [tilespmem:s20+$0xFFFFFF60]  }
0x65: {  	v28 =	vadd.f32 v28, v29;
	v27 =	vadd.f32 v27, v31;
	v29 =	vld [tilespmem:s20+$0xFFFFFF70]  }
0x66: {  	v31 =	vadd.f32 v38, v33;
	v30 =	vadd.f32 v35, v30;
	v33 =	vld [tilespmem:s20+$0xFFFFFFA0]  }
0x67: {  	v26 =	vadd.f32 v26, v28;
	v25 =	vadd.f32 v25, v27;
	v27 =	vld [tilespmem:s20+$0xFFFFFFB0]  }
0x68: {  	v28 =	vadd.f32 v36, v31;
	v30 =	vadd.f32 v32, v30;
	v31 =	vld [tilespmem:s20+$0xFFFFFFE0]  }
0x69: {  	v24 =	vadd.f32 v24, v26;
	v23 =	vadd.f32 v23, v25;
	v25 =	vld [tilespmem:s20+$0xFFFFFFF0]  }
0x6a: {  	v26 =	vadd.f32 v34, v28;
	v28 =	vadd.f32 v29, v30;
	v29 =	vld [tilespmem:s20+$0x20]  }
0x6b: {  	v22 =	vadd.f32 v22, v24;
	v21 =	vadd.f32 v21, v23;
	v23 =	vld [tilespmem:s20+$0x30]  }
0x6c: {  	v24 =	vadd.f32 v33, v26;
	v26 =	vadd.f32 v27, v28;
	v27 =	vld [tilespmem:s20+$0x60]  }
0x6d: {  	v20 =	vadd.f32 v20, v22;
	v19 =	vadd.f32 v19, v21;
	v21 =	vld [tilespmem:s20+$0x70]  }
0x6e: {  	v22 =	vadd.f32 v31, v24;
	v24 =	vadd.f32 v25, v26;
	v25 =	vld [tilespmem:s20+$0xA0]  }
0x6f: {  	v18 =	vadd.f32 v18, v20;
	v17 =	vadd.f32 v17, v19;
	v19 =	vld [tilespmem:s20+$0xB0]  }
0x70: {  	v20 =	vadd.f32 v29, v22;
	v22 =	vadd.f32 v23, v24;
	v23 =	vld [tilespmem:s20+$0xE0]  }
0x71: {  	v16 =	vadd.f32 v16, v18;
	v15 =	vadd.f32 v15, v17;
	v17 =	vld [tilespmem:s20+$0xF0]  }
0x72: {  	v18 =	vadd.f32 v27, v20;
	v20 =	vadd.f32 v21, v22;
	v21 =	vld [tilespmem:s20+$0x120]  }
0x73: {  	v13 =	vadd.f32 v13, v16;
	v12 =	vadd.f32 v12, v15;
	v15 =	vld [tilespmem:s20+$0x130]  }
0x74: {  	s7 =	sshra.s32 s29, $0x2;
	s29 =	smov.u32 s6;
	v16 =	vadd.f32 v25, v18;
	v18 =	vadd.f32 v19, v20;
	v19 =	vld [tilespmem:s20+$0x170]  }
0x75: {  	v11 =	vadd.f32 v11, v13;
	v10 =	vadd.f32 v10, v12;
	v20 =	vld.idx.msk [tilespmem:v14+s7+$0x0 ss:$0x1], $0xffff  }
0x76: {  	v12 =	vadd.f32 v23, v16;
	v13 =	vadd.f32 v17, v18;
	v16 =	vld [tilespmem:s20+$0x1A0]  }
0x77: {  	v9 =	vadd.f32 v9, v11;
	v8 =	vadd.f32 v8, v10;
	v10 =	vld [tilespmem:s20+$0x1B0]  }
0x78: {  	v11 =	vadd.f32 v21, v12;
	v12 =	vadd.f32 v15, v13;
	v13 =	vld [tilespmem:s20+$0x1E0]  }
0x79: {  	v6 =	vadd.f32 v6, v9;
	v7 =	vadd.f32 v7, v8;
	v8 =	vld [tilespmem:s20+$0x1F0];
	s20 =	sadd.s32 $0x400, s20  }
0x7a: {  	v5 =	vadd.f32 v5, v11;
	v9 =	vld [tilespmem:s20+$0x1C0];
	v11 =	vadd.f32 v19, v12  }
0x7b: {  	v6 =	vadd.f32 v2, v6;
	vm1 =	vne.s32 v20, $0x0;
	v7 =	vadd.f32 v3, v7;
	v12 =	vld [tilespmem:s20+$0x1D0]  }
0x7c: {  	v15 =	vmpcnt.ones.xlane vm1;
	v5 =	vadd.f32 v16, v5;
	v2 =	vld [tilespmem:s20+$0x180];
	v10 =	vadd.f32 v10, v11  }
0x7d: {  	v29 =	vadd.f32 v1, v6;
	v32 =	vadd.f32 v0, v7;
	v3 =	vld [tilespmem:s20+$0x190]  }
0x7e: {  	v4 =	vadd.s32 v4, v15;
	v33 =	vadd.f32 v13, v5;
	v6 =	vld [tilespmem:s20+$0x140];
	v30 =	vadd.f32 v8, v10  }
0x7f: {  	v7 =	vld [tilespmem:s20+$0x150];
	v1 =	vmov v9  }
0x80: {  	v5 =	vld [tilespmem:s20+$0x160];
	v0 =	vmov v12  }
0x81: {  	v9 =	vld [tilespmem:s20+$0x100]  }
0x82: {  	v8 =	vld [tilespmem:s20+$0x110]  }
0x83: {  	v11 =	vld [tilespmem:s20+$0xC0]  }
0x84: {  	v10 =	vld [tilespmem:s20+$0xD0]  }
0x85: {  	v13 =	vld [tilespmem:s20+$0x80]  }
0x86: {  	v12 =	vld [tilespmem:s20+$0x90]  }
0x87: {  	v16 =	vld [tilespmem:s20+$0x40]  }
0x88: {  	v15 =	vld [tilespmem:s20+$0x50]  }
0x89: {  	v18 =	vld [tilespmem:s20+$0x0]  }
0x8a: {  	v17 =	vld [tilespmem:s20+$0x10]  }
0x8b: {  	v20 =	vld [tilespmem:s20+$0xFFFFFFC0]  }
0x8c: {  	v19 =	vld [tilespmem:s20+$0xFFFFFFD0]  }
0x8d: {  	v22 =	vld [tilespmem:s20+$0xFFFFFF80]  }
0x8e: {  	v21 =	vld [tilespmem:s20+$0xFFFFFF90]  }
0x8f: {  	v24 =	vld [tilespmem:s20+$0xFFFFFF40]  }
0x90: {  	v23 =	vld [tilespmem:s20+$0xFFFFFF50]  }
0x91: {  	v26 =	vld [tilespmem:s20+$0xFFFFFF00]  }
0x92: {  	v25 =	vld [tilespmem:s20+$0xFFFFFF10]  }
0x93: {  	v28 =	vld [tilespmem:s20+$0xFFFFFEC0]  }
0x94: {  	v27 =	vld [tilespmem:s20+$0xFFFFFED0]  }
0x95: {  	v31 =	vld [tilespmem:s20+$0xFFFFFE80]  }
0x96: {  	v34 =	vld [tilespmem:s20+$0xFFFFFE90]  }
0x97: {  	v35 =	vld [tilespmem:s20+$0xFFFFFE40]  }
.Ltmp2:
0x98: {  	v36 =	vld [tilespmem:s20+$0xFFFFFE50];
	(pc) =	sbr.rel @p0 .LBB2_6-.Ltmp2, $4  }
0x99: {  	v37 =	vld [tilespmem:s20+$0xFFFFFE00]  }
0x9a: {  	v38 =	vld [tilespmem:s20+$0xFFFFFE10]  }
0x9b: {  	v39 =	vld [tilespmem:s20+$0xFFFFFE20]  }
0x9c: {  	s6 =	sadd.s32 $0x40, s6;
	v40 =	vld [tilespmem:s20+$0xFFFFFE30]  }
0x9d: {  	v41 =	vld [tilespmem:s20+$0xFFFFFE60]  }
0x9e: {  	v42 =	vld [tilespmem:s20+$0xFFFFFE70]  }
0x9f: {  	v43 =	vld [tilespmem:s20+$0xFFFFFEA0]  }
0xa0: {  	v44 =	vld [tilespmem:s20+$0xFFFFFEB0]  }
0xa1: {  	v45 =	vld [tilespmem:s20+$0xFFFFFEE0]  }
0xa2: {  	v46 =	vld [tilespmem:s20+$0xFFFFFEF0]  }
0xa3: {  	v47 =	vld [tilespmem:s20+$0xFFFFFF20]  }
0xa4: {  	v48 =	vld [tilespmem:s20+$0xFFFFFF30]  }
0xa5: {  	v49 =	vld [tilespmem:s20+$0xFFFFFF60]  }
0xa6: {  	v50 =	vld [tilespmem:s20+$0xFFFFFF70]  }
0xa7: {  	v51 =	vld [tilespmem:s20+$0xFFFFFFA0]  }
0xa8: {  	v52 =	vld [tilespmem:s20+$0xFFFFFFB0]  }
0xa9: {  	v53 =	vld [tilespmem:s20+$0xFFFFFFE0]  }
0xaa: {  	v54 =	vld [tilespmem:s20+$0xFFFFFFF0]  }
0xab: {  	v55 =	vld [tilespmem:s20+$0x20]  }
0xac: {  	v56 =	vld [tilespmem:s20+$0x30]  }
0xad: {  	v57 =	vld [tilespmem:s20+$0x60]  }
0xae: {  	v58 =	vld [tilespmem:s20+$0x70]  }
0xaf: {  	v59 =	vld [tilespmem:s20+$0xB0];
	v29 =	vadd.f32 v37, v29;
	v32 =	vadd.f32 v38, v32  }
0xb0: {  	v60 =	vld [tilespmem:s20+$0xE0];
	v33 =	vadd.f32 v39, v33;
	v30 =	vadd.f32 v40, v30  }
0xb1: {  	v61 =	vld [tilespmem:s20+$0xF0];
	v29 =	vadd.f32 v35, v29;
	v32 =	vadd.f32 v36, v32  }
0xb2: {  	v62 =	vld [tilespmem:s20+$0x130];
	v33 =	vadd.f32 v41, v33;
	v30 =	vadd.f32 v42, v30  }
0xb3: {  	s6 =	sshra.s32 s29, $0x2;
	v37 =	vld [tilespmem:s20+$0xA0];
	v29 =	vadd.f32 v31, v29;
	v32 =	vadd.f32 v34, v32  }
0xb4: {  	v14 =	vld.idx.msk [tilespmem:v14+s6+$0x0 ss:$0x1], $0xffff;
	v33 =	vadd.f32 v43, v33;
	v30 =	vadd.f32 v44, v30  }
0xb5: {  	v31 =	vld [tilespmem:s20+$0x120];
	v28 =	vadd.f32 v28, v29;
	v27 =	vadd.f32 v27, v32  }
0xb6: {  	v29 =	vld [tilespmem:s20+$0x170];
	v63 =	vadd.f32 v45, v33;
	v30 =	vadd.f32 v46, v30  }
0xb7: {  	v26 =	vadd.f32 v26, v28;
	v28 =	vld [tilespmem:s20+$0x1A0];
	v25 =	vadd.f32 v25, v27  }
0xb8: {  	v27 =	vld [tilespmem:s20+$0x1B0];
	v32 =	vadd.f32 v47, v63;
	v30 =	vadd.f32 v48, v30  }
0xb9: {  	v24 =	vadd.f32 v24, v26;
	v26 =	vld [tilespmem:s20+$0x1E0];
	v23 =	vadd.f32 v23, v25  }
0xba: {  	v25 =	vld [tilespmem:s20+$0x1F0];
	v32 =	vadd.f32 v49, v32;
	v30 =	vadd.f32 v50, v30  }
0xbb: {  	v22 =	vadd.f32 v22, v24;
	v24 =	vld [tilespmem:s21+$0xB8];
	v21 =	vadd.f32 v21, v23  }
0xbc: {  	v23 =	vld [tilespmem:$0x4900];
	v32 =	vadd.f32 v51, v32;
	v30 =	vadd.f32 v52, v30  }
0xbd: {  	v20 =	vadd.f32 v20, v22;
	v22 =	vld [tilespmem:$0x4910];
	v19 =	vadd.f32 v19, v21  }
0xbe: {  	v21 =	vld [tilespmem:$0x4920];
	v32 =	vadd.f32 v53, v32;
	v30 =	vadd.f32 v54, v30  }
0xbf: {  	v18 =	vadd.f32 v18, v20;
	v20 =	vld [tilespmem:$0x4930];
	v17 =	vadd.f32 v17, v19  }
0xc0: {  	v19 =	vld [tilespmem:$0x4940];
	v32 =	vadd.f32 v55, v32;
	v30 =	vadd.f32 v56, v30  }
0xc1: {  	v16 =	vadd.f32 v16, v18;
	v18 =	vld [tilespmem:$0x4950];
	v15 =	vadd.f32 v15, v17  }
0xc2: {  	v17 =	vld [tilespmem:$0x4960];
	v32 =	vadd.f32 v57, v32;
	v30 =	vadd.f32 v58, v30  }
0xc3: {  	v13 =	vadd.f32 v13, v16;
	v16 =	vld [tilespmem:$0x4970];
	v12 =	vadd.f32 v12, v15  }
0xc4: {  	v15 =	vld [tilespmem:$0x4980];
	v32 =	vadd.f32 v37, v32;
	v30 =	vadd.f32 v59, v30  }
0xc5: {  	v11 =	vadd.f32 v11, v13;
	v13 =	vld [tilespmem:$0x4990];
	v10 =	vadd.f32 v10, v12  }
0xc6: {  	v12 =	vld [tilespmem:$0x49A0];
	v32 =	vadd.f32 v60, v32;
	v30 =	vadd.f32 v61, v30  }
0xc7: {  	v9 =	vadd.f32 v9, v11;
	v11 =	vld [tilespmem:$0x49B0];
	v8 =	vadd.f32 v8, v10  }
0xc8: {  	v10 =	vld [tilespmem:$0x49C0];
	v31 =	vadd.f32 v31, v32;
	v30 =	vadd.f32 v62, v30  }
0xc9: {  	v6 =	vadd.f32 v6, v9;
	v9 =	vld [tilespmem:$0x49D0];
	v7 =	vadd.f32 v7, v8  }
0xca: {  	vm1 =	vne.s32 v14, $0x0;
	v8 =	vld [tilespmem:$0x49E0];
	v5 =	vadd.f32 v5, v31;
	v14 =	vadd.f32 v29, v30  }
0xcb: {  	v2 =	vadd.f32 v2, v6;
	v6 =	vld [tilespmem:$0x49F0];
	v3 =	vadd.f32 v3, v7;
	v7 =	vmpcnt.ones.xlane vm1  }
0xcc: {  	v29 =	vld [tilespmem:$0x4A00];
	vm1 =	vne.s32 v24, $0x0;
	v5 =	vadd.f32 v28, v5;
	v14 =	vadd.f32 v27, v14  }
0xcd: {  	v1 =	vadd.f32 v1, v2;
	v2 =	vld [tilespmem:$0x4A10];
	vm1 =	vmand vm1, vm0;
	v0 =	vadd.f32 v0, v3  }
0xce: {  	v3 =	vld [tilespmem:$0x4A20];
	v24 =	vmpcnt.ones.xlane vm1;
	v4 =	vadd.s32 v4, v7;
	v7 =	vadd.f32 v25, v14  }
0xcf: {  	v5 =	vadd.f32 v26, v5;
	v1 =	vadd.f32 v23, v1;
	v23 =	vld [tilespmem:$0x4A30]  }
0xd0: {  	v0 =	vadd.f32 v22, v0;
	v14 =	vld [tilespmem:$0x4A40];
	v4 =	vadd.s32 v4, v24;
	v7 =	vadd.f32 v20, v7  }
0xd1: {  	v5 =	vadd.f32 v21, v5;
	v1 =	vadd.f32 v19, v1;
	v19 =	vld [tilespmem:$0x4A50];
	v4 =	vcvt.s32.f32 v4  }
0xd2: {  	v0 =	vadd.f32 v18, v0;
	v18 =	vld [tilespmem:$0x4A60];
	v7 =	vadd.f32 v16, v7  }
0xd3: {  	v5 =	vadd.f32 v17, v5;
	v1 =	vadd.f32 v15, v1;
	v15 =	vld [tilespmem:$0x4A70];
	v4 =	vmax.f32 v4, $1.000000000e+00  }
0xd4: {  	v0 =	vadd.f32 v13, v0;
	v13 =	vld [tilespmem:$0x4A80];
	(erf) = vrcp.f32 v4;
	v4 =	vadd.f32 v11, v7  }
0xd5: {  	v5 =	vadd.f32 v12, v5;
	v1 =	vadd.f32 v10, v1;
	v10 =	vld [tilespmem:$0x4A90]  }
0xd6: {  	v0 =	vadd.f32 v9, v0;
	v7 =	vld [tilespmem:$0x4AA0];
	v4 =	vadd.f32 v6, v4  }
0xd7: {  	v5 =	vadd.f32 v8, v5;
	v1 =	vadd.f32 v29, v1;
	v8 =	vld [tilespmem:$0x4AB0]  }
0xd8: {  	v0 =	vadd.f32 v2, v0;
	v2 =	vld [tilespmem:$0x4AC0];
	v4 =	vadd.f32 v23, v4  }
0xd9: {  	v3 =	vadd.f32 v3, v5;
	v1 =	vadd.f32 v14, v1;
	v5 =	vld [tilespmem:$0x4AD0]  }
0xda: {  	v6 =	vld [tilespmem:$0x4AE0];
	v0 =	vadd.f32 v19, v0;
	v4 =	vadd.f32 v15, v4  }
0xdb: {  	v9 =	vld [tilespmem:$0x4AF0];
	v3 =	vadd.f32 v18, v3;
	v1 =	vadd.f32 v13, v1  }
0xdc: {  	v0 =	vadd.f32 v10, v0  }
0xdd: {  	v3 =	vadd.f32 v7, v3;
	v1 =	vadd.f32 v2, v1  }
0xde: {  	v2 =	vadd.f32 v8, v4;
	v0 =	vadd.f32 v5, v0;
	v4 =	vpop (erf)  }
0xdf: {  	s7 =	sshll.u32 s11, $0x8;
	v3 =	vadd.f32 v6, v3;
	v1 =	vmul.f32 v1, v4  }
0xe0: {  	s6 =	sand.u32 $0x3FFFFF00, s7;
	v2 =	vadd.f32 v9, v2;
	v0 =	vmul.f32 v0, v4  }
0xe1: {  	[tilespmem:s6+$0xE100] =	vst v1;
	v1 =	vmul.f32 v3, v4  }
0xe2: {  	[tilespmem:s6+$0xE110] =	vst v0;
	v0 =	vmul.f32 v2, v4  }
0xe3: {  	[tilespmem:s6+$0xE120] =	vst v1  }
0xe4: {  	p0 =	seq.s32 s11, $0x7F;
	[tilespmem:s6+$0xE130] =	vst v0  }
0xe5: {  	s6 =	sadd.s32 @!p0 $0x4, s16;
	_ =	swait.ge [sflag:s25], $0x2000  }
0xe6: {  	s20 =	simm.s32 @!p0 $0x1900;
	s7 =	sand.u32 @!p0 $0xC, s6;
	[sflag:s25] =	ssyncset.done $0x0  }
0xe7: {  	s6 =	sshll.u32 @!p0 s6, $0x1B;
	s7 =	smul.u32 @!p0 $0x320, s7;
	[sflag:s25] =	ssyncadd.s32 $0xFFFFE000  }
0xe8: {  	s21 =	simm.s32 $0x4EF0;
	s6 =	sshra.s32 @!p0 s6, $0x1F;
	_ =	swait.ge [sflag:s25], $0x1200  }
0xe9: {  	s6 =	sand.u32 @!p0 $0xC80, s6;
	s7 =	sshrl.u32 @!p0 s7, $0x2;
	[sflag:s25] =	ssyncset.done $0x0  }
0xea: {  	s6 =	sadd.s32 @!p0 s7, s6;
	s7 =	simm.s32 @!p0 $0x80;
	[sflag:s25] =	ssyncadd.s32 $0xFFFFEE00  }
0xeb: {  	[tilespmem:s20], [sflag:$0x2] =	stream.indirect.gather @!p0 [hbm4b:s5+s7], $0x40, s6, s7, $0xb8;
	[tilespmem:$0x16100] =	vst v63  }
0xec: {  	s6 =	sadd.s32 @!p0 $0x80, s6;
	s7 =	simm.s32 @!p0 $0x48;
	s20 =	simm.s32 @!p0 $0x3900  }
0xed: {  	[tilespmem:s20], [sflag:$0x2] =	stream.indirect.gather @!p0 [hbm4b:s5+s7], $0x40, s6, s7, $0xb8;
	[tilespmem:$0x16100] =	vst v63  }
0xee: {  	v1 =	vld [tilespmem:s21+$0xFFFFFFD0]  }
0xef: {  	v0 =	vld [tilespmem:s21+$0xFFFFFFE0]  }
0xf0: {  	v2 =	vld [tilespmem:s21+$0xFFFFFF90]  }
0xf1: {  	v3 =	vld [tilespmem:s21+$0xFFFFFFA0]  }
0xf2: {  	v6 =	vld [tilespmem:s21+$0xFFFFFF50]  }
0xf3: {  	v7 =	vld [tilespmem:s21+$0xFFFFFF60]  }
0xf4: {  	v5 =	vld [tilespmem:s21+$0xFFFFFF70]  }
0xf5: {  	v9 =	vld [tilespmem:s21+$0xFFFFFF10]  }
0xf6: {  	v8 =	vld [tilespmem:s21+$0xFFFFFF20]  }
0xf7: {  	v11 =	vld [tilespmem:s21+$0xFFFFFED0]  }
0xf8: {  	v10 =	vld [tilespmem:s21+$0xFFFFFEE0]  }
0xf9: {  	v13 =	vld [tilespmem:s21+$0xFFFFFE90]  }
0xfa: {  	v12 =	vld [tilespmem:s21+$0xFFFFFEA0]  }
0xfb: {  	v16 =	vld [tilespmem:s21+$0xFFFFFE50]  }
0xfc: {  	v15 =	vld [tilespmem:s21+$0xFFFFFE60]  }
0xfd: {  	v18 =	vld [tilespmem:s21+$0xFFFFFE10]  }
0xfe: {  	v17 =	vld [tilespmem:s21+$0xFFFFFE20]  }
0xff: {  	v20 =	vld [tilespmem:s21+$0xFFFFFDD0]  }
0x100: {  	v19 =	vld [tilespmem:s21+$0xFFFFFDE0]  }
0x101: {  	v22 =	vld [tilespmem:s21+$0xFFFFFD90]  }
0x102: {  	v21 =	vld [tilespmem:s21+$0xFFFFFDA0]  }
0x103: {  	v24 =	vld [tilespmem:s21+$0xFFFFFD50]  }
0x104: {  	v23 =	vld [tilespmem:s21+$0xFFFFFD60]  }
0x105: {  	v26 =	vld [tilespmem:s21+$0xFFFFFD10]  }
0x106: {  	v25 =	vld [tilespmem:s21+$0xFFFFFD20]  }
0x107: {  	v28 =	vld [tilespmem:s21+$0xFFFFFCD0]  }
0x108: {  	v27 =	vld [tilespmem:s21+$0xFFFFFCE0]  }
0x109: {  	v34 =	vld [tilespmem:s21+$0xFFFFFC90]  }
0x10a: {  	v33 =	vld [tilespmem:s21+$0xFFFFFCA0]  }
0x10b: {  	s20 =	sor.u32 $0x1, s16;
	v35 =	vld [tilespmem:s21+$0xFFFFFC50]  }
0x10c: {  	s8 =	sand.u32 $0xD, s20;
	v36 =	vld [tilespmem:s21+$0xFFFFFC60]  }
0x10d: {  	s17 =	sadd.s32 s17, s18;
	v37 =	vld [tilespmem:s21+$0xFFFFFC10];
	s6 =	smul.u32 $0x320, s8  }
0x10e: {  	s17 =	sshrl.u32 s17, $0x2;
	v38 =	vld [tilespmem:s21+$0xFFFFFC20]  }
0x10f: {  	v32 =	vimm.f32 $0.0e+00;
	v31 =	vimm.f32 $0.0e+00;
	v30 =	vimm.f32 $0.0e+00;
	s7 =	sadd.s32 $0xC8, s17;
	v39 =	vld [tilespmem:s21+$0xFFFFFC30];
	s6 =	sshrl.u32 s6, $0x2  }
0x110: {  	v29 =	vimm.f32 $0.0e+00;
	v4 =	vimm.s32 $0x0;
	v14 =	vmov s7;
	v40 =	vld [tilespmem:s21+$0xFFFFFC40];
	s7 =	simm.s32 $0x40;
	s29 =	sadd.s32 s6, s15;
	s6 =	simm.s32 $0x0  }
.LBB2_8:
0x111: {  	p1 =	sne.s32 s7, $0x2C0;
	v41 =	vld [tilespmem:s21+$0xFFFFFC70]  }
0x112: {  	v42 =	vld [tilespmem:s21+$0xFFFFFC80]  }
0x113: {  	v43 =	vld [tilespmem:s21+$0xFFFFFCB0]  }
0x114: {  	v29 =	vadd.f32 v37, v29;
	v31 =	vadd.f32 v38, v31;
	v37 =	vld [tilespmem:s21+$0xFFFFFCC0]  }
0x115: {  	v32 =	vadd.f32 v39, v32;
	v30 =	vadd.f32 v40, v30;
	v38 =	vld [tilespmem:s21+$0xFFFFFCF0]  }
0x116: {  	v29 =	vadd.f32 v35, v29;
	v31 =	vadd.f32 v36, v31;
	v35 =	vld [tilespmem:s21+$0xFFFFFD00]  }
0x117: {  	v32 =	vadd.f32 v41, v32;
	v30 =	vadd.f32 v42, v30;
	v36 =	vld [tilespmem:s21+$0xFFFFFD30]  }
0x118: {  	v29 =	vadd.f32 v34, v29;
	v31 =	vadd.f32 v33, v31;
	v33 =	vld [tilespmem:s21+$0xFFFFFD40]  }
0x119: {  	v32 =	vadd.f32 v43, v32;
	v30 =	vadd.f32 v37, v30;
	v34 =	vld [tilespmem:s21+$0xFFFFFD70]  }
0x11a: {  	v28 =	vadd.f32 v28, v29;
	v27 =	vadd.f32 v27, v31;
	v29 =	vld [tilespmem:s21+$0xFFFFFD80]  }
0x11b: {  	v31 =	vadd.f32 v38, v32;
	v30 =	vadd.f32 v35, v30;
	v32 =	vld [tilespmem:s21+$0xFFFFFDB0]  }
0x11c: {  	v26 =	vadd.f32 v26, v28;
	v25 =	vadd.f32 v25, v27;
	v27 =	vld [tilespmem:s21+$0xFFFFFDC0]  }
0x11d: {  	v28 =	vadd.f32 v36, v31;
	v30 =	vadd.f32 v33, v30;
	v31 =	vld [tilespmem:s21+$0xFFFFFDF0]  }
0x11e: {  	v24 =	vadd.f32 v24, v26;
	v23 =	vadd.f32 v23, v25;
	v25 =	vld [tilespmem:s21+$0xFFFFFE00]  }
0x11f: {  	v26 =	vadd.f32 v34, v28;
	v28 =	vadd.f32 v29, v30;
	v29 =	vld [tilespmem:s21+$0xFFFFFE30]  }
0x120: {  	v22 =	vadd.f32 v22, v24;
	v21 =	vadd.f32 v21, v23;
	v23 =	vld [tilespmem:s21+$0xFFFFFE40]  }
0x121: {  	v24 =	vadd.f32 v32, v26;
	v26 =	vadd.f32 v27, v28;
	v27 =	vld [tilespmem:s21+$0xFFFFFE70]  }
0x122: {  	v20 =	vadd.f32 v20, v22;
	v19 =	vadd.f32 v19, v21;
	v21 =	vld [tilespmem:s21+$0xFFFFFE80]  }
0x123: {  	v22 =	vadd.f32 v31, v24;
	v24 =	vadd.f32 v25, v26;
	v25 =	vld [tilespmem:s21+$0xFFFFFEB0]  }
0x124: {  	v18 =	vadd.f32 v18, v20;
	v17 =	vadd.f32 v17, v19;
	v19 =	vld [tilespmem:s21+$0xFFFFFEC0]  }
0x125: {  	v20 =	vadd.f32 v29, v22;
	v22 =	vadd.f32 v23, v24;
	v23 =	vld [tilespmem:s21+$0xFFFFFEF0]  }
0x126: {  	v16 =	vadd.f32 v16, v18;
	v15 =	vadd.f32 v15, v17;
	v17 =	vld [tilespmem:s21+$0xFFFFFF00]  }
0x127: {  	v18 =	vadd.f32 v27, v20;
	v20 =	vadd.f32 v21, v22;
	v21 =	vld [tilespmem:s21+$0xFFFFFF30]  }
0x128: {  	v13 =	vadd.f32 v13, v16;
	v12 =	vadd.f32 v12, v15;
	v15 =	vld [tilespmem:s21+$0xFFFFFF40]  }
0x129: {  	s8 =	sshra.s32 s6, $0x2;
	s6 =	smov.u32 s7;
	v16 =	vadd.f32 v25, v18;
	v18 =	vadd.f32 v19, v20;
	v19 =	vld [tilespmem:s21+$0xFFFFFF80]  }
0x12a: {  	v11 =	vadd.f32 v11, v13;
	v10 =	vadd.f32 v10, v12;
	v20 =	vld.idx.msk [tilespmem:v14+s8+$0x0 ss:$0x1], $0xffff  }
0x12b: {  	v12 =	vadd.f32 v23, v16;
	v13 =	vadd.f32 v17, v18;
	v16 =	vld [tilespmem:s21+$0xFFFFFFB0]  }
0x12c: {  	v9 =	vadd.f32 v9, v11;
	v8 =	vadd.f32 v8, v10;
	v10 =	vld [tilespmem:s21+$0xFFFFFFC0]  }
0x12d: {  	v11 =	vadd.f32 v21, v12;
	v12 =	vadd.f32 v15, v13;
	v13 =	vld [tilespmem:s21+$0xFFFFFFF0]  }
0x12e: {  	v6 =	vadd.f32 v6, v9;
	v7 =	vadd.f32 v7, v8;
	v8 =	vld [tilespmem:s21+$0x0];
	s21 =	sadd.s32 $0x400, s21  }
0x12f: {  	v5 =	vadd.f32 v5, v11;
	v9 =	vld [tilespmem:s21+$0xFFFFFFD0];
	v11 =	vadd.f32 v19, v12  }
0x130: {  	v6 =	vadd.f32 v2, v6;
	vm1 =	vne.s32 v20, $0x0;
	v7 =	vadd.f32 v3, v7;
	v12 =	vld [tilespmem:s21+$0xFFFFFFE0]  }
0x131: {  	v15 =	vmpcnt.ones.xlane vm1;
	v5 =	vadd.f32 v16, v5;
	v2 =	vld [tilespmem:s21+$0xFFFFFF90];
	v10 =	vadd.f32 v10, v11  }
0x132: {  	v29 =	vadd.f32 v1, v6;
	v31 =	vadd.f32 v0, v7;
	v3 =	vld [tilespmem:s21+$0xFFFFFFA0]  }
0x133: {  	v4 =	vadd.s32 v4, v15;
	v32 =	vadd.f32 v13, v5;
	v6 =	vld [tilespmem:s21+$0xFFFFFF50];
	v30 =	vadd.f32 v8, v10  }
0x134: {  	v7 =	vld [tilespmem:s21+$0xFFFFFF60];
	v1 =	vmov v9  }
0x135: {  	v5 =	vld [tilespmem:s21+$0xFFFFFF70];
	v0 =	vmov v12  }
0x136: {  	v9 =	vld [tilespmem:s21+$0xFFFFFF10]  }
0x137: {  	v8 =	vld [tilespmem:s21+$0xFFFFFF20]  }
0x138: {  	v11 =	vld [tilespmem:s21+$0xFFFFFED0]  }
0x139: {  	v10 =	vld [tilespmem:s21+$0xFFFFFEE0]  }
0x13a: {  	v13 =	vld [tilespmem:s21+$0xFFFFFE90]  }
0x13b: {  	v12 =	vld [tilespmem:s21+$0xFFFFFEA0]  }
0x13c: {  	v16 =	vld [tilespmem:s21+$0xFFFFFE50]  }
0x13d: {  	v15 =	vld [tilespmem:s21+$0xFFFFFE60]  }
0x13e: {  	v18 =	vld [tilespmem:s21+$0xFFFFFE10]  }
0x13f: {  	v17 =	vld [tilespmem:s21+$0xFFFFFE20]  }
0x140: {  	v20 =	vld [tilespmem:s21+$0xFFFFFDD0]  }
0x141: {  	v19 =	vld [tilespmem:s21+$0xFFFFFDE0]  }
0x142: {  	v22 =	vld [tilespmem:s21+$0xFFFFFD90]  }
0x143: {  	v21 =	vld [tilespmem:s21+$0xFFFFFDA0]  }
0x144: {  	v24 =	vld [tilespmem:s21+$0xFFFFFD50]  }
0x145: {  	v23 =	vld [tilespmem:s21+$0xFFFFFD60]  }
0x146: {  	v26 =	vld [tilespmem:s21+$0xFFFFFD10]  }
0x147: {  	v25 =	vld [tilespmem:s21+$0xFFFFFD20]  }
0x148: {  	v28 =	vld [tilespmem:s21+$0xFFFFFCD0]  }
0x149: {  	v27 =	vld [tilespmem:s21+$0xFFFFFCE0]  }
0x14a: {  	v34 =	vld [tilespmem:s21+$0xFFFFFC90]  }
0x14b: {  	v33 =	vld [tilespmem:s21+$0xFFFFFCA0]  }
0x14c: {  	v35 =	vld [tilespmem:s21+$0xFFFFFC50]  }
.Ltmp3:
0x14d: {  	v36 =	vld [tilespmem:s21+$0xFFFFFC60];
	(pc) =	sbr.rel @p1 .LBB2_8-.Ltmp3, $4  }
0x14e: {  	v37 =	vld [tilespmem:s21+$0xFFFFFC10]  }
0x14f: {  	v38 =	vld [tilespmem:s21+$0xFFFFFC20]  }
0x150: {  	v39 =	vld [tilespmem:s21+$0xFFFFFC30]  }
0x151: {  	s7 =	sadd.s32 $0x40, s7;
	v40 =	vld [tilespmem:s21+$0xFFFFFC40]  }
0x152: {  	v41 =	vld [tilespmem:s21+$0xFFFFFC70]  }
0x153: {  	v42 =	vld [tilespmem:s21+$0xFFFFFC80]  }
0x154: {  	v43 =	vld [tilespmem:s21+$0xFFFFFCB0]  }
0x155: {  	v44 =	vld [tilespmem:s21+$0xFFFFFCC0]  }
0x156: {  	v45 =	vld [tilespmem:s21+$0xFFFFFCF0]  }
0x157: {  	v46 =	vld [tilespmem:s21+$0xFFFFFD00]  }
0x158: {  	v47 =	vld [tilespmem:s21+$0xFFFFFD30]  }
0x159: {  	v48 =	vld [tilespmem:s21+$0xFFFFFD40]  }
0x15a: {  	v49 =	vld [tilespmem:s21+$0xFFFFFD70]  }
0x15b: {  	v50 =	vld [tilespmem:s21+$0xFFFFFD80]  }
0x15c: {  	v51 =	vld [tilespmem:s21+$0xFFFFFDB0]  }
0x15d: {  	v52 =	vld [tilespmem:s21+$0xFFFFFDC0]  }
0x15e: {  	v53 =	vld [tilespmem:s21+$0xFFFFFDF0]  }
0x15f: {  	v54 =	vld [tilespmem:s21+$0xFFFFFE00]  }
0x160: {  	v55 =	vld [tilespmem:s21+$0xFFFFFE30]  }
0x161: {  	v56 =	vld [tilespmem:s21+$0xFFFFFE40]  }
0x162: {  	v57 =	vld [tilespmem:s21+$0xFFFFFE70]  }
0x163: {  	v58 =	vld [tilespmem:s21+$0xFFFFFE80]  }
0x164: {  	v61 =	vld [tilespmem:s21+$0xFFFFFEB0];
	v29 =	vadd.f32 v37, v29;
	v31 =	vadd.f32 v38, v31  }
0x165: {  	v62 =	vld [tilespmem:s21+$0xFFFFFEC0];
	v32 =	vadd.f32 v39, v32;
	v30 =	vadd.f32 v40, v30  }
0x166: {  	v63 =	vld [tilespmem:s21+$0xFFFFFEF0];
	s6 =	sshra.s32 s6, $0x2;
	v29 =	vadd.f32 v35, v29;
	v31 =	vadd.f32 v36, v31  }
0x167: {  	v14 =	vld.idx.msk [tilespmem:v14+s6+$0x0 ss:$0x1], $0xffff;
	v32 =	vadd.f32 v41, v32;
	v30 =	vadd.f32 v42, v30  }
0x168: {  	v40 =	vld [tilespmem:s21+$0xFFFFFF00];
	v29 =	vadd.f32 v34, v29;
	v31 =	vadd.f32 v33, v31  }
0x169: {  	v41 =	vld [tilespmem:s21+$0xFFFFFF30];
	v32 =	vadd.f32 v43, v32;
	v30 =	vadd.f32 v44, v30  }
0x16a: {  	v42 =	vld [tilespmem:s21+$0xFFFFFF40];
	v28 =	vadd.f32 v28, v29;
	v27 =	vadd.f32 v27, v31  }
0x16b: {  	v29 =	vld [tilespmem:s21+$0xFFFFFF80];
	v31 =	vadd.f32 v45, v32;
	v30 =	vadd.f32 v46, v30  }
0x16c: {  	v26 =	vadd.f32 v26, v28;
	v28 =	vld [tilespmem:s21+$0xFFFFFFB0];
	v25 =	vadd.f32 v25, v27  }
0x16d: {  	v27 =	vld [tilespmem:s21+$0xFFFFFFC0];
	v31 =	vadd.f32 v47, v31;
	v30 =	vadd.f32 v48, v30  }
0x16e: {  	v24 =	vadd.f32 v24, v26;
	v26 =	vld [tilespmem:s21+$0xFFFFFFF0];
	v23 =	vadd.f32 v23, v25  }
0x16f: {  	v25 =	vld [tilespmem:s21+$0x0];
	v31 =	vadd.f32 v49, v31;
	v30 =	vadd.f32 v50, v30  }
0x170: {  	v22 =	vadd.f32 v22, v24;
	v24 =	vld [tilespmem:s29+$0xB8];
	v21 =	vadd.f32 v21, v23  }
0x171: {  	v23 =	vld [tilespmem:$0x7B00];
	v31 =	vadd.f32 v51, v31;
	v30 =	vadd.f32 v52, v30  }
0x172: {  	v20 =	vadd.f32 v20, v22;
	v22 =	vld [tilespmem:$0x7B10];
	v19 =	vadd.f32 v19, v21  }
0x173: {  	v21 =	vld [tilespmem:$0x7B20];
	v31 =	vadd.f32 v53, v31;
	v30 =	vadd.f32 v54, v30  }
0x174: {  	v18 =	vadd.f32 v18, v20;
	v20 =	vld [tilespmem:$0x7B30];
	v17 =	vadd.f32 v17, v19  }
0x175: {  	v19 =	vld [tilespmem:$0x7B40];
	v31 =	vadd.f32 v55, v31;
	v30 =	vadd.f32 v56, v30  }
0x176: {  	v16 =	vadd.f32 v16, v18;
	v18 =	vld [tilespmem:$0x7B50];
	v15 =	vadd.f32 v15, v17  }
0x177: {  	v17 =	vld [tilespmem:$0x7B60];
	v31 =	vadd.f32 v57, v31;
	v30 =	vadd.f32 v58, v30  }
0x178: {  	v13 =	vadd.f32 v13, v16;
	v16 =	vld [tilespmem:$0x7B70];
	v12 =	vadd.f32 v12, v15  }
0x179: {  	v15 =	vld [tilespmem:$0x7B80];
	v31 =	vadd.f32 v61, v31;
	v30 =	vadd.f32 v62, v30  }
0x17a: {  	v11 =	vadd.f32 v11, v13;
	v13 =	vld [tilespmem:$0x7B90];
	v10 =	vadd.f32 v10, v12  }
0x17b: {  	v12 =	vld [tilespmem:$0x7BA0];
	v31 =	vadd.f32 v63, v31;
	v30 =	vadd.f32 v40, v30  }
0x17c: {  	v9 =	vadd.f32 v9, v11;
	v11 =	vld [tilespmem:$0x7BB0];
	v8 =	vadd.f32 v8, v10  }
0x17d: {  	v10 =	vld [tilespmem:$0x7BC0];
	v31 =	vadd.f32 v41, v31;
	v30 =	vadd.f32 v42, v30  }
0x17e: {  	v6 =	vadd.f32 v6, v9;
	v9 =	vld [tilespmem:$0x7BD0];
	v7 =	vadd.f32 v7, v8  }
0x17f: {  	vm1 =	vne.s32 v14, $0x0;
	v8 =	vld [tilespmem:$0x7BE0];
	v5 =	vadd.f32 v5, v31;
	v14 =	vadd.f32 v29, v30  }
0x180: {  	v2 =	vadd.f32 v2, v6;
	v6 =	vld [tilespmem:$0x7BF0];
	v3 =	vadd.f32 v3, v7;
	v7 =	vmpcnt.ones.xlane vm1  }
0x181: {  	v29 =	vld [tilespmem:$0x7C00];
	vm1 =	vne.s32 v24, $0x0;
	v5 =	vadd.f32 v28, v5;
	v14 =	vadd.f32 v27, v14  }
0x182: {  	v1 =	vadd.f32 v1, v2;
	v2 =	vld [tilespmem:$0x7C10];
	vm1 =	vmand vm1, vm0;
	v0 =	vadd.f32 v0, v3  }
0x183: {  	v3 =	vld [tilespmem:$0x7C20];
	v24 =	vmpcnt.ones.xlane vm1;
	v4 =	vadd.s32 v4, v7;
	v7 =	vadd.f32 v25, v14  }
0x184: {  	v5 =	vadd.f32 v26, v5;
	v1 =	vadd.f32 v23, v1;
	v23 =	vld [tilespmem:$0x7C30]  }
0x185: {  	v0 =	vadd.f32 v22, v0;
	v14 =	vld [tilespmem:$0x7C40];
	v4 =	vadd.s32 v4, v24;
	v7 =	vadd.f32 v20, v7  }
0x186: {  	v5 =	vadd.f32 v21, v5;
	v1 =	vadd.f32 v19, v1;
	v19 =	vld [tilespmem:$0x7C50];
	v4 =	vcvt.s32.f32 v4  }
0x187: {  	v0 =	vadd.f32 v18, v0;
	v18 =	vld [tilespmem:$0x7C60];
	v7 =	vadd.f32 v16, v7  }
0x188: {  	v5 =	vadd.f32 v17, v5;
	v1 =	vadd.f32 v15, v1;
	v15 =	vld [tilespmem:$0x7C70];
	v4 =	vmax.f32 v4, $1.000000000e+00  }
0x189: {  	v0 =	vadd.f32 v13, v0;
	v13 =	vld [tilespmem:$0x7C80];
	(erf) = vrcp.f32 v4;
	v4 =	vadd.f32 v11, v7  }
0x18a: {  	v5 =	vadd.f32 v12, v5;
	v1 =	vadd.f32 v10, v1;
	v10 =	vld [tilespmem:$0x7C90]  }
0x18b: {  	v0 =	vadd.f32 v9, v0;
	v7 =	vld [tilespmem:$0x7CA0];
	v4 =	vadd.f32 v6, v4  }
0x18c: {  	v5 =	vadd.f32 v8, v5;
	v1 =	vadd.f32 v29, v1;
	v8 =	vld [tilespmem:$0x7CB0]  }
0x18d: {  	v0 =	vadd.f32 v2, v0;
	v2 =	vld [tilespmem:$0x7CC0];
	v4 =	vadd.f32 v23, v4  }
0x18e: {  	v3 =	vadd.f32 v3, v5;
	v1 =	vadd.f32 v14, v1;
	v5 =	vld [tilespmem:$0x7CD0]  }
0x18f: {  	v6 =	vld [tilespmem:$0x7CE0];
	v0 =	vadd.f32 v19, v0;
	v4 =	vadd.f32 v15, v4  }
0x190: {  	v9 =	vld [tilespmem:$0x7CF0];
	v3 =	vadd.f32 v18, v3;
	v1 =	vadd.f32 v13, v1  }
0x191: {  	v0 =	vadd.f32 v10, v0  }
0x192: {  	v3 =	vadd.f32 v7, v3;
	v1 =	vadd.f32 v2, v1  }
0x193: {  	v2 =	vadd.f32 v8, v4;
	v0 =	vadd.f32 v5, v0;
	v4 =	vpop (erf)  }
0x194: {  	s7 =	sshll.u32 s20, $0x6;
	v3 =	vadd.f32 v6, v3;
	v1 =	vmul.f32 v1, v4  }
0x195: {  	s6 =	sand.u32 $0x3FFFFFC0, s7;
	v2 =	vadd.f32 v9, v2;
	v0 =	vmul.f32 v0, v4  }
0x196: {  	[tilespmem:s6+$0xE100] =	vst v1;
	v1 =	vmul.f32 v3, v4  }
0x197: {  	[tilespmem:s6+$0xE110] =	vst v0;
	v0 =	vmul.f32 v2, v4  }
0x198: {  	[tilespmem:s6+$0xE120] =	vst v1  }
0x199: {  	[tilespmem:s6+$0xE130] =	vst v0  }
0x19a: {  	s6 =	sadd.s32 @!p0 $0x5, s16;
	_ =	swait.ge [sflag:s26], $0x2000  }
0x19b: {  	s7 =	sand.u32 @!p0 $0xD, s6;
	[sflag:s26] =	ssyncset.done $0x0  }
0x19c: {  	s6 =	sshll.u32 @!p0 s6, $0x1B;
	s7 =	smul.u32 @!p0 $0x320, s7;
	[sflag:s26] =	ssyncadd.s32 $0xFFFFE000  }
0x19d: {  	s8 =	simm.s32 @!p0 $0x4B00;
	s6 =	sshra.s32 @!p0 s6, $0x1F;
	_ =	swait.ge [sflag:s26], $0x1200  }
0x19e: {  	s6 =	sand.u32 @!p0 $0xC80, s6;
	s7 =	sshrl.u32 @!p0 s7, $0x2;
	[sflag:s26] =	ssyncset.done $0x0  }
0x19f: {  	s6 =	sadd.s32 @!p0 s7, s6;
	s7 =	simm.s32 @!p0 $0x80;
	[sflag:s26] =	ssyncadd.s32 $0xFFFFEE00  }
0x1a0: {  	[tilespmem:s8], [sflag:$0x3] =	stream.indirect.gather @!p0 [hbm4b:s5+s7], $0x40, s6, s7, $0xb8;
	[tilespmem:$0x16100] =	vst v63  }
0x1a1: {  	s6 =	sadd.s32 @!p0 $0x80, s6;
	s7 =	simm.s32 @!p0 $0x48;
	s8 =	simm.s32 @!p0 $0x6B00  }
0x1a2: {  	[tilespmem:s8], [sflag:$0x3] =	stream.indirect.gather @!p0 [hbm4b:s5+s7], $0x40, s6, s7, $0xb8;
	[tilespmem:$0x16100] =	vst v63  }
0x1a3: {  	s8 =	simm.s32 $0x0  }
0x1a4: {  	v0 =	vld [tilespmem:s8+$0x80C0]  }
0x1a5: {  	v31 =	vld [tilespmem:s8+$0x8040]  }
0x1a6: {  	v30 =	vld [tilespmem:s8+$0x8050]  }
0x1a7: {  	v32 =	vld [tilespmem:s8+$0x8000]  }
0x1a8: {  	v33 =	vld [tilespmem:s8+$0x8010]  }
0x1a9: {  	v29 =	vld [tilespmem:s8+$0x7FC0]  }
0x1aa: {  	v34 =	vld [tilespmem:s8+$0x7FD0]  }
0x1ab: {  	v25 =	vld [tilespmem:s8+$0x7F80]  }
0x1ac: {  	v28 =	vld [tilespmem:s8+$0x7F90]  }
0x1ad: {  	v23 =	vld [tilespmem:s8+$0x7F40]  }
0x1ae: {  	v22 =	vld [tilespmem:s8+$0x7F50]  }
0x1af: {  	v21 =	vld [tilespmem:s8+$0x7F00]  }
0x1b0: {  	v20 =	vld [tilespmem:s8+$0x7F10]  }
0x1b1: {  	v19 =	vld [tilespmem:s8+$0x7EC0]  }
0x1b2: {  	v18 =	vld [tilespmem:s8+$0x7ED0]  }
0x1b3: {  	v17 =	vld [tilespmem:s8+$0x7E80]  }
0x1b4: {  	v16 =	vld [tilespmem:s8+$0x7E90]  }
0x1b5: {  	v15 =	vld [tilespmem:s8+$0x7E40]  }
0x1b6: {  	v14 =	vld [tilespmem:s8+$0x7E50]  }
0x1b7: {  	v13 =	vld [tilespmem:s8+$0x7E00]  }
0x1b8: {  	v12 =	vld [tilespmem:s8+$0x7E10]  }
0x1b9: {  	v11 =	vld [tilespmem:s8+$0x7DC0]  }
0x1ba: {  	v10 =	vld [tilespmem:s8+$0x7DD0]  }
0x1bb: {  	v8 =	vld [tilespmem:s8+$0x7D80]  }
0x1bc: {  	v9 =	vld [tilespmem:s8+$0x7D90]  }
0x1bd: {  	v6 =	vld [tilespmem:s8+$0x7D40]  }
0x1be: {  	v7 =	vld [tilespmem:s8+$0x7D50]  }
0x1bf: {  	v2 =	vld [tilespmem:s8+$0x7D00]  }
0x1c0: {  	v5 =	vld [tilespmem:s8+$0x7D10]  }
0x1c1: {  	v35 =	vld [tilespmem:s8+$0x7D20]  }
0x1c2: {  	v36 =	vld [tilespmem:s8+$0x7D30]  }
0x1c3: {  	v37 =	vld [tilespmem:s8+$0x7D60]  }
0x1c4: {  	v38 =	vld [tilespmem:s8+$0x7D70]  }
0x1c5: {  	v39 =	vld [tilespmem:s8+$0x7DA0]  }
0x1c6: {  	v40 =	vld [tilespmem:s8+$0x7DB0]  }
0x1c7: {  	v41 =	vld [tilespmem:s8+$0x7DE0]  }
0x1c8: {  	v42 =	vld [tilespmem:s8+$0x7DF0]  }
0x1c9: {  	v43 =	vld [tilespmem:s8+$0x7E20]  }
0x1ca: {  	v44 =	vld [tilespmem:s8+$0x7E30]  }
0x1cb: {  	v45 =	vld [tilespmem:s8+$0x7E60]  }
0x1cc: {  	v46 =	vld [tilespmem:s8+$0x7E70]  }
0x1cd: {  	v47 =	vld [tilespmem:s8+$0x7EA0]  }
0x1ce: {  	v48 =	vld [tilespmem:s8+$0x7EB0]  }
0x1cf: {  	v49 =	vld [tilespmem:s8+$0x7EE0]  }
0x1d0: {  	v50 =	vld [tilespmem:s8+$0x7EF0]  }
0x1d1: {  	v51 =	vld [tilespmem:s8+$0x7F20]  }
0x1d2: {  	v52 =	vld [tilespmem:s8+$0x7F30]  }
0x1d3: {  	v53 =	vld [tilespmem:s8+$0x7F60]  }
0x1d4: {  	v54 =	vld [tilespmem:s8+$0x7F70]  }
0x1d5: {  	v55 =	vld [tilespmem:s8+$0x7FA0]  }
0x1d6: {  	v56 =	vld [tilespmem:s8+$0x7FB0]  }
0x1d7: {  	v57 =	vld [tilespmem:s8+$0x7FE0]  }
0x1d8: {  	v58 =	vld [tilespmem:s8+$0x7FF0]  }
0x1d9: {  	v59 =	vld [tilespmem:s8+$0x8020]  }
0x1da: {  	v60 =	vld [tilespmem:s8+$0x8030]  }
0x1db: {  	v61 =	vld [tilespmem:s8+$0x8060]  }
0x1dc: {  	v62 =	vld [tilespmem:s8+$0x8070]  }
0x1dd: {  	v24 =	vld [tilespmem:s8+$0x80B0]  }
0x1de: {  	s21 =	sadd.s32 s19, s18;
	v27 =	vld [tilespmem:s8+$0x80E0]  }
0x1df: {  	s19 =	simm.s32 $0x400;
	s7 =	sshrl.u32 s21, $0x2;
	v26 =	vld [tilespmem:s8+$0x80F0]  }
0x1e0: {  	s20 =	sadd.s32 $0x190, s7;
	v1 =	vld [tilespmem:s19+$0x80D0]  }
0x1e1: {  	v63 =	vld [tilespmem:s20+$0x0]  }
0x1e2: {  	v3 =	vimm.f32 $0.0e+00;
	[tilespmem:$0x1FFE0] =	vst v0;
	v0 =	vld [tilespmem:s8+$0x80D0]  }
0x1e3: {  	v4 =	vadd.f32 v2, v3;
	v5 =	vadd.f32 v5, v3;
	v2 =	vld [tilespmem:s19+$0x8080]  }
0x1e4: {  	v35 =	vadd.f32 v35, v3;
	v36 =	vadd.f32 v36, v3;
	v3 =	vld [tilespmem:s19+$0x8090]  }
0x1e5: {  	v6 =	vadd.f32 v6, v4;
	v4 =	vld [tilespmem:s19+$0x80A0]  }
0x1e6: {  	v7 =	vadd.f32 v7, v5;
	v5 =	vld [tilespmem:s19+$0x8040]  }
0x1e7: {  	v35 =	vadd.f32 v37, v35;
	v36 =	vadd.f32 v38, v36;
	v37 =	vld [tilespmem:s19+$0x7D10]  }
0x1e8: {  	v38 =	vld [tilespmem:s19+$0x7D20]  }
0x1e9: {  	v8 =	vadd.f32 v8, v6;
	v6 =	vld [tilespmem:s19+$0x8050];
	v36 =	vadd.f32 v40, v36  }
0x1ea: {  	v9 =	vadd.f32 v9, v7;
	v7 =	vld [tilespmem:s19+$0x8000]  }
0x1eb: {  	[tilespmem:$0x1FFF0] =	vst v0;
	v0 =	vld [tilespmem:s8+$0x8080];
	v36 =	vadd.f32 v42, v36  }
0x1ec: {  	v11 =	vadd.f32 v11, v8;
	v8 =	vld [tilespmem:s19+$0x8010]  }
0x1ed: {  	v9 =	vadd.f32 v10, v9;
	v10 =	vld [tilespmem:s19+$0x7FC0];
	v36 =	vadd.f32 v44, v36  }
0x1ee: {  	v35 =	vadd.f32 v39, v35;
	v13 =	vadd.f32 v13, v11;
	v11 =	vld [tilespmem:s19+$0x7FD0]  }
0x1ef: {  	v9 =	vadd.f32 v12, v9;
	v12 =	vld [tilespmem:s19+$0x7F80];
	v36 =	vadd.f32 v46, v36  }
0x1f0: {  	v35 =	vadd.f32 v41, v35;
	[tilespmem:$0x1FFB0] =	vst v0;
	v0 =	vld [tilespmem:s8+$0x8090]  }
0x1f1: {  	v15 =	vadd.f32 v15, v13;
	v13 =	vld [tilespmem:s19+$0x7F90];
	v36 =	vadd.f32 v48, v36  }
0x1f2: {  	v35 =	vadd.f32 v43, v35;
	v9 =	vadd.f32 v14, v9;
	v14 =	vld [tilespmem:s19+$0x7F40]  }
0x1f3: {  	v17 =	vadd.f32 v17, v15;
	v15 =	vld [tilespmem:s19+$0x7F50];
	v36 =	vadd.f32 v50, v36  }
0x1f4: {  	v35 =	vadd.f32 v45, v35;
	v9 =	vadd.f32 v16, v9;
	v16 =	vld [tilespmem:s19+$0x7F00]  }
0x1f5: {  	v19 =	vadd.f32 v19, v17;
	v17 =	vld [tilespmem:s19+$0x7F10];
	v36 =	vadd.f32 v52, v36  }
0x1f6: {  	v35 =	vadd.f32 v47, v35;
	v9 =	vadd.f32 v18, v9;
	v18 =	vld [tilespmem:s19+$0x7EC0]  }
0x1f7: {  	[tilespmem:$0x1FFC0] =	vst v0;
	v0 =	vld [tilespmem:s8+$0x80A0];
	v36 =	vadd.f32 v54, v36  }
0x1f8: {  	v35 =	vadd.f32 v49, v35;
	v21 =	vadd.f32 v21, v19;
	v19 =	vld [tilespmem:s19+$0x7ED0]  }
0x1f9: {  	v9 =	vadd.f32 v20, v9;
	v20 =	vld [tilespmem:s19+$0x7E80];
	v36 =	vadd.f32 v56, v36  }
0x1fa: {  	v35 =	vadd.f32 v51, v35;
	v23 =	vadd.f32 v23, v21;
	v21 =	vld [tilespmem:s19+$0x7E90]  }
0x1fb: {  	v9 =	vadd.f32 v22, v9;
	v22 =	vld [tilespmem:s19+$0x7E40];
	v36 =	vadd.f32 v58, v36  }
0x1fc: {  	v35 =	vadd.f32 v53, v35;
	[tilespmem:$0x1FFD0] =	vst v0;
	v0 =	vld [tilespmem:s19+$0x80C0];
	v25 =	vadd.f32 v25, v23  }
0x1fd: {  	v9 =	vadd.f32 v28, v9;
	v23 =	vld [tilespmem:s19+$0x7E50];
	v36 =	vadd.f32 v60, v36  }
0x1fe: {  	v35 =	vadd.f32 v55, v35;
	v28 =	vld [tilespmem:s19+$0x7E00];
	v25 =	vadd.f32 v29, v25  }
0x1ff: {  	v58 =	vld [tilespmem:$0x1FFB0];
	v36 =	vadd.f32 v62, v36  }
0x200: {  	v29 =	vld [tilespmem:s19+$0x7E10];
	v35 =	vadd.f32 v57, v35;
	v25 =	vadd.f32 v32, v25  }
0x201: {  	v9 =	vadd.f32 v34, v9;
	v62 =	vadd.f32 v24, v36;
	v24 =	vld [tilespmem:$0x1FFE0]  }
0x202: {  	v34 =	vld [tilespmem:s19+$0x7DC0];
	v35 =	vadd.f32 v59, v35;
	v25 =	vadd.f32 v31, v25  }
0x203: {  	v59 =	vld [tilespmem:$0x1FFC0]  }
0x204: {  	v57 =	vadd.f32 v61, v35;
	v61 =	vld [tilespmem:$0x1FFD0];
	v25 =	vadd.f32 v58, v25  }
0x205: {  	v9 =	vadd.f32 v33, v9;
	v32 =	vld [tilespmem:s19+$0x7DD0]  }
0x206: {  	s18 =	sor.u32 $0x2, s16;
	v25 =	vadd.f32 v24, v25;
	v24 =	vld [tilespmem:$0x1FFF0]  }
0x207: {  	s29 =	sand.u32 $0xE, s18;
	v33 =	vld [tilespmem:s19+$0x7D80];
	v9 =	vadd.f32 v30, v9  }
0x208: {  	s6 =	smul.u32 $0x320, s29;
	vm1 =	vne.s32 v63, $0x0;
	v30 =	vld [tilespmem:s19+$0x7D90]  }
0x209: {  	v60 =	vmpcnt.ones.xlane vm1;
	v31 =	vld [tilespmem:s19+$0x7D40];
	v9 =	vadd.f32 v59, v9;
	v39 =	vadd.f32 v61, v57  }
0x20a: {  	s6 =	sshrl.u32 s6, $0x2;
	v63 =	vimm.s32 $0x0;
	v35 =	vld [tilespmem:s19+$0x7D50];
	v26 =	vadd.f32 v26, v62  }
0x20b: {  	s21 =	sadd.s32 s6, s15;
	s6 =	simm.s32 $0x2000;
	v36 =	vld [tilespmem:s19+$0x7D00];
	v27 =	vadd.f32 v27, v39;
	v24 =	vadd.f32 v24, v9;
	v9 =	vadd.s32 v63, v60  }
.LBB2_10:
0x20c: {  	p1 =	sne.s32 s6, $0xB000;
	v39 =	vld [tilespmem:s19+$0x7D30]  }
0x20d: {  	v40 =	vld [tilespmem:s19+$0x7D60]  }
0x20e: {  	v41 =	vld [tilespmem:s19+$0x7D70]  }
0x20f: {  	v42 =	vld [tilespmem:s19+$0x7DA0]  }
0x210: {  	v25 =	vadd.f32 v36, v25;
	v24 =	vadd.f32 v37, v24;
	v36 =	vld [tilespmem:s19+$0x7DB0]  }
0x211: {  	v27 =	vadd.f32 v38, v27;
	v26 =	vadd.f32 v39, v26;
	v37 =	vld [tilespmem:s19+$0x7DE0]  }
0x212: {  	v25 =	vadd.f32 v31, v25;
	v24 =	vadd.f32 v35, v24;
	v31 =	vld [tilespmem:s19+$0x7DF0]  }
0x213: {  	v27 =	vadd.f32 v40, v27;
	v26 =	vadd.f32 v41, v26;
	v35 =	vld [tilespmem:s19+$0x7E20]  }
0x214: {  	v25 =	vadd.f32 v33, v25;
	v24 =	vadd.f32 v30, v24;
	v30 =	vld [tilespmem:s19+$0x7E30]  }
0x215: {  	v27 =	vadd.f32 v42, v27;
	v26 =	vadd.f32 v36, v26;
	v33 =	vld [tilespmem:s19+$0x7E60]  }
0x216: {  	v25 =	vadd.f32 v34, v25;
	v24 =	vadd.f32 v32, v24;
	v32 =	vld [tilespmem:s19+$0x7E70]  }
0x217: {  	v27 =	vadd.f32 v37, v27;
	v26 =	vadd.f32 v31, v26;
	v31 =	vld [tilespmem:s19+$0x7EA0]  }
0x218: {  	v25 =	vadd.f32 v28, v25;
	v24 =	vadd.f32 v29, v24;
	v28 =	vld [tilespmem:s19+$0x7EB0]  }
0x219: {  	v27 =	vadd.f32 v35, v27;
	v26 =	vadd.f32 v30, v26;
	v29 =	vld [tilespmem:s19+$0x7EE0]  }
0x21a: {  	v22 =	vadd.f32 v22, v25;
	v23 =	vadd.f32 v23, v24;
	v24 =	vld [tilespmem:s19+$0x7EF0]  }
0x21b: {  	v25 =	vadd.f32 v33, v27;
	v26 =	vadd.f32 v32, v26;
	v27 =	vld [tilespmem:s19+$0x7F20]  }
0x21c: {  	v20 =	vadd.f32 v20, v22;
	v21 =	vadd.f32 v21, v23;
	v22 =	vld [tilespmem:s19+$0x7F30]  }
0x21d: {  	v23 =	vadd.f32 v31, v25;
	v25 =	vadd.f32 v28, v26;
	v26 =	vld [tilespmem:s19+$0x7F60]  }
0x21e: {  	v18 =	vadd.f32 v18, v20;
	v19 =	vadd.f32 v19, v21;
	v20 =	vld [tilespmem:s19+$0x7F70]  }
0x21f: {  	v21 =	vadd.f32 v29, v23;
	v23 =	vadd.f32 v24, v25;
	v24 =	vld [tilespmem:s19+$0x7FA0]  }
0x220: {  	v16 =	vadd.f32 v16, v18;
	v17 =	vadd.f32 v17, v19;
	v18 =	vld [tilespmem:s19+$0x7FB0]  }
0x221: {  	v19 =	vadd.f32 v27, v21;
	v21 =	vadd.f32 v22, v23;
	v22 =	vld [tilespmem:s19+$0x7FE0]  }
0x222: {  	v14 =	vadd.f32 v14, v16;
	v15 =	vadd.f32 v15, v17;
	v16 =	vld [tilespmem:s19+$0x7FF0]  }
0x223: {  	v17 =	vadd.f32 v26, v19;
	v19 =	vadd.f32 v20, v21;
	v20 =	vld [tilespmem:s19+$0x8020]  }
0x224: {  	v12 =	vadd.f32 v12, v14;
	v13 =	vadd.f32 v13, v15;
	v14 =	vld [tilespmem:s19+$0x8030]  }
0x225: {  	v15 =	vadd.f32 v24, v17;
	v17 =	vadd.f32 v18, v19;
	v18 =	vld [tilespmem:s19+$0x8060]  }
0x226: {  	s20 =	sadd.s32 $0x10, s20;
	v10 =	vadd.f32 v10, v12;
	v11 =	vadd.f32 v11, v13;
	v12 =	vld [tilespmem:s19+$0x8070]  }
0x227: {  	v15 =	vadd.f32 v22, v15;
	v13 =	vld [tilespmem:s20+$0x0];
	v16 =	vadd.f32 v16, v17  }
0x228: {  	v7 =	vadd.f32 v7, v10;
	v8 =	vadd.f32 v8, v11;
	v10 =	vld [tilespmem:s19+$0x80B0]  }
0x229: {  	v11 =	vadd.f32 v20, v15;
	v14 =	vadd.f32 v14, v16;
	v15 =	vld [tilespmem:s19+$0x80E0]  }
0x22a: {  	v5 =	vadd.f32 v5, v7;
	v6 =	vadd.f32 v6, v8;
	v7 =	vld [tilespmem:s19+$0x80F0];
	s19 =	sshra.s32 s6, $0x2  }
0x22b: {  	v11 =	vadd.f32 v18, v11;
	v8 =	vld [tilespmem:s19+$0x80C0];
	v12 =	vadd.f32 v12, v14  }
0x22c: {  	v5 =	vadd.f32 v2, v5;
	v6 =	vadd.f32 v3, v6;
	v14 =	vld [tilespmem:s19+$0x80D0];
	vm1 =	vne.s32 v13, $0x0  }
0x22d: {  	v11 =	vadd.f32 v4, v11;
	v2 =	vld [tilespmem:s19+$0x8080];
	v13 =	vmpcnt.ones.xlane vm1;
	v10 =	vadd.f32 v10, v12  }
0x22e: {  	v25 =	vadd.f32 v0, v5;
	v24 =	vadd.f32 v1, v6;
	v3 =	vld [tilespmem:s19+$0x8090]  }
0x22f: {  	v27 =	vadd.f32 v15, v11;
	v4 =	vld [tilespmem:s19+$0x80A0];
	v9 =	vadd.s32 v9, v13;
	v26 =	vadd.f32 v7, v10  }
0x230: {  	v5 =	vld [tilespmem:s19+$0x8040];
	v0 =	vmov v8  }
0x231: {  	v6 =	vld [tilespmem:s19+$0x8050];
	v1 =	vmov v14  }
0x232: {  	v7 =	vld [tilespmem:s19+$0x8000]  }
0x233: {  	v8 =	vld [tilespmem:s19+$0x8010]  }
0x234: {  	v10 =	vld [tilespmem:s19+$0x7FC0]  }
0x235: {  	v11 =	vld [tilespmem:s19+$0x7FD0]  }
0x236: {  	v12 =	vld [tilespmem:s19+$0x7F80]  }
0x237: {  	v13 =	vld [tilespmem:s19+$0x7F90]  }
0x238: {  	v14 =	vld [tilespmem:s19+$0x7F40]  }
0x239: {  	v15 =	vld [tilespmem:s19+$0x7F50]  }
0x23a: {  	v16 =	vld [tilespmem:s19+$0x7F00]  }
0x23b: {  	v17 =	vld [tilespmem:s19+$0x7F10]  }
0x23c: {  	v18 =	vld [tilespmem:s19+$0x7EC0]  }
0x23d: {  	v19 =	vld [tilespmem:s19+$0x7ED0]  }
0x23e: {  	v20 =	vld [tilespmem:s19+$0x7E80]  }
0x23f: {  	v21 =	vld [tilespmem:s19+$0x7E90]  }
0x240: {  	v22 =	vld [tilespmem:s19+$0x7E40]  }
0x241: {  	v23 =	vld [tilespmem:s19+$0x7E50]  }
0x242: {  	v28 =	vld [tilespmem:s19+$0x7E00]  }
0x243: {  	v29 =	vld [tilespmem:s19+$0x7E10]  }
0x244: {  	v34 =	vld [tilespmem:s19+$0x7DC0]  }
0x245: {  	v32 =	vld [tilespmem:s19+$0x7DD0]  }
0x246: {  	v33 =	vld [tilespmem:s19+$0x7D80]  }
0x247: {  	v30 =	vld [tilespmem:s19+$0x7D90]  }
.Ltmp4:
0x248: {  	v31 =	vld [tilespmem:s19+$0x7D40];
	(pc) =	sbr.rel @p1 .LBB2_10-.Ltmp4, $4  }
0x249: {  	v35 =	vld [tilespmem:s19+$0x7D50]  }
0x24a: {  	v36 =	vld [tilespmem:s19+$0x7D00]  }
0x24b: {  	v37 =	vld [tilespmem:s19+$0x7D10]  }
0x24c: {  	s6 =	sadd.s32 $0x1000, s6;
	v38 =	vld [tilespmem:s19+$0x7D20]  }
0x24d: {  	v39 =	vld [tilespmem:s19+$0x7D30]  }
0x24e: {  	v40 =	vld [tilespmem:s19+$0x7D60]  }
0x24f: {  	v41 =	vld [tilespmem:s19+$0x7D70]  }
0x250: {  	v42 =	vld [tilespmem:s19+$0x7DA0]  }
0x251: {  	v43 =	vld [tilespmem:s19+$0x7DB0]  }
0x252: {  	v44 =	vld [tilespmem:s19+$0x7DE0]  }
0x253: {  	v45 =	vld [tilespmem:s19+$0x7DF0]  }
0x254: {  	v46 =	vld [tilespmem:s19+$0x7E20]  }
0x255: {  	v47 =	vld [tilespmem:s19+$0x7E30]  }
0x256: {  	v48 =	vld [tilespmem:s19+$0x7E60]  }
0x257: {  	v49 =	vld [tilespmem:s19+$0x7E70]  }
0x258: {  	v50 =	vld [tilespmem:s19+$0x7EA0]  }
0x259: {  	v51 =	vld [tilespmem:s19+$0x7EB0]  }
0x25a: {  	v52 =	vld [tilespmem:s19+$0x7EE0]  }
0x25b: {  	v53 =	vld [tilespmem:s19+$0x7EF0]  }
0x25c: {  	v54 =	vld [tilespmem:s19+$0x7F20]  }
0x25d: {  	v55 =	vld [tilespmem:s19+$0x7F30]  }
0x25e: {  	v56 =	vld [tilespmem:s19+$0x7F60]  }
0x25f: {  	v57 =	vld [tilespmem:s19+$0x7F70]  }
0x260: {  	v62 =	vld [tilespmem:s19+$0x7FA0];
	v25 =	vadd.f32 v36, v25  }
0x261: {  	v63 =	vld [tilespmem:s19+$0x7FB0];
	v24 =	vadd.f32 v37, v24  }
0x262: {  	v27 =	vadd.f32 v38, v27;
	v25 =	vadd.f32 v31, v25;
	v31 =	vld [tilespmem:s19+$0x7FE0]  }
0x263: {  	v26 =	vadd.f32 v39, v26;
	v24 =	vadd.f32 v35, v24;
	v39 =	vld [tilespmem:s19+$0x7FF0]  }
0x264: {  	v27 =	vadd.f32 v40, v27;
	v25 =	vadd.f32 v33, v25;
	v40 =	vld [tilespmem:s19+$0x8020]  }
0x265: {  	v26 =	vadd.f32 v41, v26;
	v24 =	vadd.f32 v30, v24;
	v30 =	vld [tilespmem:s19+$0x8030]  }
0x266: {  	v27 =	vadd.f32 v42, v27;
	v25 =	vadd.f32 v34, v25;
	v42 =	vld [tilespmem:s19+$0x8060]  }
0x267: {  	s6 =	sadd.s32 $0x10, s20;
	v26 =	vadd.f32 v43, v26;
	v24 =	vadd.f32 v32, v24;
	v43 =	vld [tilespmem:s19+$0x8070]  }
0x268: {  	v27 =	vadd.f32 v44, v27;
	v25 =	vadd.f32 v28, v25;
	v28 =	vld [tilespmem:s6+$0x0]  }
0x269: {  	v26 =	vadd.f32 v45, v26;
	v24 =	vadd.f32 v29, v24;
	v29 =	vld [tilespmem:s19+$0x80B0]  }
0x26a: {  	v27 =	vadd.f32 v46, v27;
	v22 =	vadd.f32 v22, v25;
	v25 =	vld [tilespmem:s19+$0x80E0]  }
0x26b: {  	v26 =	vadd.f32 v47, v26;
	v23 =	vadd.f32 v23, v24;
	v24 =	vld [tilespmem:s19+$0x80F0]  }
0x26c: {  	v27 =	vadd.f32 v48, v27;
	v20 =	vadd.f32 v20, v22;
	v22 =	vld [tilespmem:s21+$0xB8]  }
0x26d: {  	v26 =	vadd.f32 v49, v26;
	v21 =	vadd.f32 v21, v23;
	v23 =	vld [tilespmem:$0xAD00]  }
0x26e: {  	vm1 =	vne.s32 v28, $0x0;
	v28 =	vld [tilespmem:$0xAE00];
	v27 =	vadd.f32 v50, v27;
	v18 =	vadd.f32 v18, v20  }
0x26f: {  	v20 =	vld [tilespmem:$0xAD10];
	v26 =	vadd.f32 v51, v26;
	v19 =	vadd.f32 v19, v21  }
0x270: {  	v21 =	vld [tilespmem:$0xAD20];
	v27 =	vadd.f32 v52, v27;
	v16 =	vadd.f32 v16, v18  }
0x271: {  	v18 =	vld [tilespmem:$0xAD30];
	v26 =	vadd.f32 v53, v26;
	v17 =	vadd.f32 v17, v19  }
0x272: {  	v19 =	vld [tilespmem:$0xAD40];
	v27 =	vadd.f32 v54, v27;
	v14 =	vadd.f32 v14, v16  }
0x273: {  	v16 =	vld [tilespmem:$0xAD50];
	v26 =	vadd.f32 v55, v26;
	v15 =	vadd.f32 v15, v17  }
0x274: {  	v17 =	vld [tilespmem:$0xAD60];
	v27 =	vadd.f32 v56, v27;
	v12 =	vadd.f32 v12, v14  }
0x275: {  	v14 =	vld [tilespmem:$0xAD70];
	v26 =	vadd.f32 v57, v26;
	v13 =	vadd.f32 v13, v15  }
0x276: {  	v15 =	vld [tilespmem:$0xAD80];
	v27 =	vadd.f32 v62, v27;
	v10 =	vadd.f32 v10, v12  }
0x277: {  	v12 =	vld [tilespmem:$0xAD90];
	v26 =	vadd.f32 v63, v26;
	v11 =	vadd.f32 v11, v13  }
0x278: {  	v13 =	vld [tilespmem:$0xADA0];
	v27 =	vadd.f32 v31, v27;
	v7 =	vadd.f32 v7, v10  }
0x279: {  	v10 =	vld [tilespmem:$0xADB0];
	v26 =	vadd.f32 v39, v26;
	v8 =	vadd.f32 v8, v11  }
0x27a: {  	v11 =	vld [tilespmem:$0xADC0];
	v27 =	vadd.f32 v40, v27;
	v5 =	vadd.f32 v5, v7  }
0x27b: {  	v7 =	vld [tilespmem:$0xADD0];
	v26 =	vadd.f32 v30, v26;
	v6 =	vadd.f32 v6, v8  }
0x27c: {  	v8 =	vld [tilespmem:$0xADE0];
	v27 =	vadd.f32 v42, v27;
	v2 =	vadd.f32 v2, v5  }
0x27d: {  	v5 =	vld [tilespmem:$0xADF0];
	v26 =	vadd.f32 v43, v26;
	v3 =	vadd.f32 v3, v6;
	v6 =	vmpcnt.ones.xlane vm1  }
0x27e: {  	vm1 =	vne.s32 v22, $0x0;
	v4 =	vadd.f32 v4, v27;
	v0 =	vadd.f32 v0, v2;
	v2 =	vld [tilespmem:$0xAE10]  }
0x27f: {  	vm1 =	vmand vm1, vm0;
	v22 =	vadd.f32 v29, v26;
	v1 =	vadd.f32 v1, v3;
	v3 =	vld [tilespmem:$0xAE20]  }
0x280: {  	v4 =	vadd.f32 v25, v4;
	v25 =	vmpcnt.ones.xlane vm1;
	v0 =	vadd.f32 v23, v0;
	v23 =	vld [tilespmem:$0xAE30]  }
0x281: {  	v6 =	vadd.s32 v9, v6;
	v9 =	vadd.f32 v24, v22;
	v1 =	vadd.f32 v20, v1;
	v20 =	vld [tilespmem:$0xAE40]  }
0x282: {  	v6 =	vadd.s32 v6, v25;
	v4 =	vadd.f32 v21, v4;
	v0 =	vadd.f32 v19, v0;
	v19 =	vld [tilespmem:$0xAE50]  }
0x283: {  	v9 =	vadd.f32 v18, v9;
	v1 =	vadd.f32 v16, v1;
	v16 =	vld [tilespmem:$0xAE60];
	v6 =	vcvt.s32.f32 v6  }
0x284: {  	v4 =	vadd.f32 v17, v4;
	v0 =	vadd.f32 v15, v0;
	v15 =	vld [tilespmem:$0xAE70]  }
0x285: {  	v9 =	vadd.f32 v14, v9;
	v1 =	vadd.f32 v12, v1;
	v12 =	vld [tilespmem:$0xAE80];
	v6 =	vmax.f32 v6, $1.000000000e+00  }
0x286: {  	v4 =	vadd.f32 v13, v4;
	v0 =	vadd.f32 v11, v0;
	v11 =	vld [tilespmem:$0xAE90];
	(erf) = vrcp.f32 v6  }
0x287: {  	v6 =	vadd.f32 v10, v9;
	v1 =	vadd.f32 v7, v1;
	v7 =	vld [tilespmem:$0xAEA0]  }
0x288: {  	v4 =	vadd.f32 v8, v4;
	v0 =	vadd.f32 v28, v0;
	v8 =	vld [tilespmem:$0xAEB0]  }
0x289: {  	v5 =	vadd.f32 v5, v6;
	v1 =	vadd.f32 v2, v1;
	v2 =	vld [tilespmem:$0xAEC0]  }
0x28a: {  	v3 =	vadd.f32 v3, v4;
	v0 =	vadd.f32 v20, v0;
	v4 =	vld [tilespmem:$0xAED0]  }
0x28b: {  	v6 =	vld [tilespmem:$0xAEE0];
	v5 =	vadd.f32 v23, v5;
	v1 =	vadd.f32 v19, v1  }
0x28c: {  	v9 =	vld [tilespmem:$0xAEF0];
	v3 =	vadd.f32 v16, v3;
	v0 =	vadd.f32 v12, v0  }
0x28d: {  	v5 =	vadd.f32 v15, v5;
	v1 =	vadd.f32 v11, v1  }
0x28e: {  	v3 =	vadd.f32 v7, v3;
	v0 =	vadd.f32 v2, v0  }
0x28f: {  	v2 =	vadd.f32 v8, v5;
	v1 =	vadd.f32 v4, v1;
	v4 =	vpop (erf)  }
0x290: {  	s21 =	sshll.u32 s18, $0x6;
	v3 =	vadd.f32 v6, v3;
	v0 =	vmul.f32 v0, v4  }
0x291: {  	s6 =	sand.u32 $0x3FFFFFC0, s21;
	v2 =	vadd.f32 v9, v2;
	v1 =	vmul.f32 v1, v4  }
0x292: {  	[tilespmem:s6+$0xE100] =	vst v0;
	v0 =	vmul.f32 v3, v4  }
0x293: {  	[tilespmem:s6+$0xE110] =	vst v1;
	v1 =	vmul.f32 v2, v4  }
0x294: {  	[tilespmem:s6+$0xE120] =	vst v0  }
0x295: {  	[tilespmem:s6+$0xE130] =	vst v1  }
0x296: {  	s6 =	sadd.s32 @!p0 $0x6, s16;
	_ =	swait.ge [sflag:s28], $0x2000  }
0x297: {  	s8 =	simm.s32 @!p0 $0x7D00;
	s7 =	sand.u32 @!p0 $0xE, s6;
	[sflag:s28] =	ssyncset.done $0x0  }
0x298: {  	s6 =	sshll.u32 @!p0 s6, $0x1B;
	s7 =	smul.u32 @!p0 $0x320, s7;
	[sflag:s28] =	ssyncadd.s32 $0xFFFFE000  }
0x299: {  	s29 =	simm.s32 $0x0;
	s6 =	sshra.s32 @!p0 s6, $0x1F;
	_ =	swait.ge [sflag:s28], $0x1200  }
0x29a: {  	s6 =	sand.u32 @!p0 $0xC80, s6;
	s7 =	sshrl.u32 @!p0 s7, $0x2;
	[sflag:s28] =	ssyncset.done $0x0  }
0x29b: {  	s6 =	sadd.s32 @!p0 s7, s6;
	s7 =	simm.s32 @!p0 $0x80;
	[sflag:s28] =	ssyncadd.s32 $0xFFFFEE00  }
0x29c: {  	[tilespmem:s8], [sflag:$0x4] =	stream.indirect.gather @!p0 [hbm4b:s5+s7], $0x40, s6, s7, $0xb8;
	[tilespmem:$0x16100] =	vst v63  }
0x29d: {  	s6 =	sadd.s32 @!p0 $0x80, s6;
	s7 =	simm.s32 @!p0 $0x48;
	s8 =	simm.s32 @!p0 $0x9D00  }
0x29e: {  	[tilespmem:s8], [sflag:$0x4] =	stream.indirect.gather @!p0 [hbm4b:s5+s7], $0x40, s6, s7, $0xb8;
	[tilespmem:$0x16100] =	vst v63  }
0x29f: {  	v0 =	vld [tilespmem:s29+$0xB2C0]  }
0x2a0: {  	v30 =	vld [tilespmem:s29+$0xB240]  }
0x2a1: {  	v31 =	vld [tilespmem:s29+$0xB250]  }
0x2a2: {  	v32 =	vld [tilespmem:s29+$0xB200]  }
0x2a3: {  	v33 =	vld [tilespmem:s29+$0xB210]  }
0x2a4: {  	v29 =	vld [tilespmem:s29+$0xB1C0]  }
0x2a5: {  	v34 =	vld [tilespmem:s29+$0xB1D0]  }
0x2a6: {  	v25 =	vld [tilespmem:s29+$0xB180]  }
0x2a7: {  	v28 =	vld [tilespmem:s29+$0xB190]  }
0x2a8: {  	v23 =	vld [tilespmem:s29+$0xB140]  }
0x2a9: {  	v22 =	vld [tilespmem:s29+$0xB150]  }
0x2aa: {  	v21 =	vld [tilespmem:s29+$0xB100]  }
0x2ab: {  	v20 =	vld [tilespmem:s29+$0xB110]  }
0x2ac: {  	v19 =	vld [tilespmem:s29+$0xB0C0]  }
0x2ad: {  	v18 =	vld [tilespmem:s29+$0xB0D0]  }
0x2ae: {  	v17 =	vld [tilespmem:s29+$0xB080]  }
0x2af: {  	v16 =	vld [tilespmem:s29+$0xB090]  }
0x2b0: {  	v15 =	vld [tilespmem:s29+$0xB040]  }
0x2b1: {  	v14 =	vld [tilespmem:s29+$0xB050]  }
0x2b2: {  	v13 =	vld [tilespmem:s29+$0xB000]  }
0x2b3: {  	v12 =	vld [tilespmem:s29+$0xB010]  }
0x2b4: {  	v11 =	vld [tilespmem:s29+$0xAFC0]  }
0x2b5: {  	v10 =	vld [tilespmem:s29+$0xAFD0]  }
0x2b6: {  	v8 =	vld [tilespmem:s29+$0xAF80]  }
0x2b7: {  	v9 =	vld [tilespmem:s29+$0xAF90]  }
0x2b8: {  	v6 =	vld [tilespmem:s29+$0xAF40]  }
0x2b9: {  	v7 =	vld [tilespmem:s29+$0xAF50]  }
0x2ba: {  	v2 =	vld [tilespmem:s29+$0xAF00]  }
0x2bb: {  	v5 =	vld [tilespmem:s29+$0xAF10]  }
0x2bc: {  	v35 =	vld [tilespmem:s29+$0xAF20]  }
0x2bd: {  	v36 =	vld [tilespmem:s29+$0xAF30]  }
0x2be: {  	v37 =	vld [tilespmem:s29+$0xAF60]  }
0x2bf: {  	v38 =	vld [tilespmem:s29+$0xAF70]  }
0x2c0: {  	v39 =	vld [tilespmem:s29+$0xAFA0]  }
0x2c1: {  	v40 =	vld [tilespmem:s29+$0xAFB0]  }
0x2c2: {  	v41 =	vld [tilespmem:s29+$0xAFE0]  }
0x2c3: {  	v42 =	vld [tilespmem:s29+$0xAFF0]  }
0x2c4: {  	v43 =	vld [tilespmem:s29+$0xB020]  }
0x2c5: {  	v44 =	vld [tilespmem:s29+$0xB030]  }
0x2c6: {  	v45 =	vld [tilespmem:s29+$0xB060]  }
0x2c7: {  	v46 =	vld [tilespmem:s29+$0xB070]  }
0x2c8: {  	v47 =	vld [tilespmem:s29+$0xB0A0]  }
0x2c9: {  	v48 =	vld [tilespmem:s29+$0xB0B0]  }
0x2ca: {  	v49 =	vld [tilespmem:s29+$0xB0E0]  }
0x2cb: {  	v50 =	vld [tilespmem:s29+$0xB0F0]  }
0x2cc: {  	v51 =	vld [tilespmem:s29+$0xB120]  }
0x2cd: {  	v52 =	vld [tilespmem:s29+$0xB130]  }
0x2ce: {  	v53 =	vld [tilespmem:s29+$0xB160]  }
0x2cf: {  	v54 =	vld [tilespmem:s29+$0xB170]  }
0x2d0: {  	v55 =	vld [tilespmem:s29+$0xB1A0]  }
0x2d1: {  	v56 =	vld [tilespmem:s29+$0xB1B0]  }
0x2d2: {  	v57 =	vld [tilespmem:s29+$0xB1E0]  }
0x2d3: {  	v58 =	vld [tilespmem:s29+$0xB1F0]  }
0x2d4: {  	v59 =	vld [tilespmem:s29+$0xB220]  }
0x2d5: {  	v60 =	vld [tilespmem:s29+$0xB230]  }
0x2d6: {  	v61 =	vld [tilespmem:s29+$0xB260]  }
0x2d7: {  	s17 =	sadd.s32 $0x258, s17;
	v62 =	vld [tilespmem:s29+$0xB270]  }
0x2d8: {  	v63 =	vld [tilespmem:s17+$0x0]  }
0x2d9: {  	v24 =	vld [tilespmem:s29+$0xB2B0]  }
0x2da: {  	v27 =	vld [tilespmem:s29+$0xB2E0]  }
0x2db: {  	s16 =	simm.s32 $0x400;
	v26 =	vld [tilespmem:s29+$0xB2F0]  }
0x2dc: {  	v1 =	vld [tilespmem:s16+$0xB2D0]  }
0x2dd: {  	v3 =	vimm.f32 $0.0e+00;
	[tilespmem:$0x1FF90] =	vst v0;
	v0 =	vld [tilespmem:s29+$0xB2D0]  }
0x2de: {  	v4 =	vadd.f32 v2, v3;
	v5 =	vadd.f32 v5, v3;
	v2 =	vld [tilespmem:s16+$0xB280]  }
0x2df: {  	v35 =	vadd.f32 v35, v3;
	v36 =	vadd.f32 v36, v3;
	v3 =	vld [tilespmem:s16+$0xB290]  }
0x2e0: {  	v6 =	vadd.f32 v6, v4;
	v4 =	vld [tilespmem:s16+$0xB2A0]  }
0x2e1: {  	v7 =	vadd.f32 v7, v5;
	v5 =	vld [tilespmem:s16+$0xB240]  }
0x2e2: {  	v35 =	vadd.f32 v37, v35;
	v36 =	vadd.f32 v38, v36;
	v37 =	vld [tilespmem:s16+$0xAF10]  }
0x2e3: {  	v38 =	vld [tilespmem:s16+$0xAF20]  }
0x2e4: {  	v8 =	vadd.f32 v8, v6;
	v6 =	vld [tilespmem:s16+$0xB250];
	v36 =	vadd.f32 v40, v36  }
0x2e5: {  	v9 =	vadd.f32 v9, v7;
	v7 =	vld [tilespmem:s16+$0xB200]  }
0x2e6: {  	[tilespmem:$0x1FFA0] =	vst v0;
	v0 =	vld [tilespmem:s29+$0xB280];
	v36 =	vadd.f32 v42, v36  }
0x2e7: {  	v11 =	vadd.f32 v11, v8;
	v8 =	vld [tilespmem:s16+$0xB210]  }
0x2e8: {  	v9 =	vadd.f32 v10, v9;
	v10 =	vld [tilespmem:s16+$0xB1C0];
	v36 =	vadd.f32 v44, v36  }
0x2e9: {  	v35 =	vadd.f32 v39, v35;
	v13 =	vadd.f32 v13, v11;
	v11 =	vld [tilespmem:s16+$0xB1D0]  }
0x2ea: {  	v9 =	vadd.f32 v12, v9;
	v12 =	vld [tilespmem:s16+$0xB180];
	v36 =	vadd.f32 v46, v36  }
0x2eb: {  	v35 =	vadd.f32 v41, v35;
	[tilespmem:$0x1FF60] =	vst v0;
	v0 =	vld [tilespmem:s29+$0xB290]  }
0x2ec: {  	v15 =	vadd.f32 v15, v13;
	v13 =	vld [tilespmem:s16+$0xB190];
	v36 =	vadd.f32 v48, v36  }
0x2ed: {  	v35 =	vadd.f32 v43, v35;
	v9 =	vadd.f32 v14, v9;
	v14 =	vld [tilespmem:s16+$0xB140]  }
0x2ee: {  	v17 =	vadd.f32 v17, v15;
	v15 =	vld [tilespmem:s16+$0xB150];
	v36 =	vadd.f32 v50, v36  }
0x2ef: {  	v35 =	vadd.f32 v45, v35;
	v9 =	vadd.f32 v16, v9;
	v16 =	vld [tilespmem:s16+$0xB100]  }
0x2f0: {  	v19 =	vadd.f32 v19, v17;
	v17 =	vld [tilespmem:s16+$0xB110];
	v36 =	vadd.f32 v52, v36  }
0x2f1: {  	v35 =	vadd.f32 v47, v35;
	v9 =	vadd.f32 v18, v9;
	v18 =	vld [tilespmem:s16+$0xB0C0]  }
0x2f2: {  	[tilespmem:$0x1FF70] =	vst v0;
	v0 =	vld [tilespmem:s29+$0xB2A0];
	v36 =	vadd.f32 v54, v36  }
0x2f3: {  	v35 =	vadd.f32 v49, v35;
	v21 =	vadd.f32 v21, v19;
	v19 =	vld [tilespmem:s16+$0xB0D0]  }
0x2f4: {  	v9 =	vadd.f32 v20, v9;
	v20 =	vld [tilespmem:s16+$0xB080];
	v36 =	vadd.f32 v56, v36  }
0x2f5: {  	v35 =	vadd.f32 v51, v35;
	v23 =	vadd.f32 v23, v21;
	v21 =	vld [tilespmem:s16+$0xB090]  }
0x2f6: {  	v9 =	vadd.f32 v22, v9;
	v22 =	vld [tilespmem:s16+$0xB040];
	v36 =	vadd.f32 v58, v36  }
0x2f7: {  	v35 =	vadd.f32 v53, v35;
	[tilespmem:$0x1FF80] =	vst v0;
	v0 =	vld [tilespmem:s16+$0xB2C0];
	v25 =	vadd.f32 v25, v23  }
0x2f8: {  	v9 =	vadd.f32 v28, v9;
	v23 =	vld [tilespmem:s16+$0xB050];
	v36 =	vadd.f32 v60, v36  }
0x2f9: {  	v35 =	vadd.f32 v55, v35;
	v28 =	vld [tilespmem:s16+$0xB000];
	v25 =	vadd.f32 v29, v25  }
0x2fa: {  	v58 =	vld [tilespmem:$0x1FF60];
	v36 =	vadd.f32 v62, v36  }
0x2fb: {  	v29 =	vld [tilespmem:s16+$0xB010];
	v35 =	vadd.f32 v57, v35;
	v25 =	vadd.f32 v32, v25  }
0x2fc: {  	v9 =	vadd.f32 v34, v9;
	v62 =	vadd.f32 v24, v36;
	v24 =	vld [tilespmem:$0x1FF90]  }
0x2fd: {  	v34 =	vld [tilespmem:s16+$0xAFC0];
	v35 =	vadd.f32 v59, v35;
	v25 =	vadd.f32 v30, v25  }
0x2fe: {  	v59 =	vld [tilespmem:$0x1FF70]  }
0x2ff: {  	v57 =	vadd.f32 v61, v35;
	v61 =	vld [tilespmem:$0x1FF80];
	v25 =	vadd.f32 v58, v25  }
0x300: {  	v9 =	vadd.f32 v33, v9;
	v32 =	vld [tilespmem:s16+$0xAFD0]  }
0x301: {  	v25 =	vadd.f32 v24, v25;
	v24 =	vld [tilespmem:$0x1FFA0]  }
0x302: {  	v33 =	vld [tilespmem:s16+$0xAF80];
	v9 =	vadd.f32 v31, v9  }
0x303: {  	vm1 =	vne.s32 v63, $0x0;
	v30 =	vld [tilespmem:s16+$0xAF90]  }
0x304: {  	v60 =	vmpcnt.ones.xlane vm1;
	v31 =	vld [tilespmem:s16+$0xAF40];
	v9 =	vadd.f32 v59, v9;
	v39 =	vadd.f32 v61, v57  }
0x305: {  	v63 =	vimm.s32 $0x0;
	v35 =	vld [tilespmem:s16+$0xAF50];
	v26 =	vadd.f32 v26, v62  }
0x306: {  	s14 =	sadd.s32 s14, s15;
	s6 =	simm.s32 $0x2000;
	v36 =	vld [tilespmem:s16+$0xAF00];
	v27 =	vadd.f32 v27, v39;
	v24 =	vadd.f32 v24, v9;
	v9 =	vadd.s32 v63, v60  }
.LBB2_12:
0x307: {  	p0 =	sne.s32 s6, $0xB000;
	v39 =	vld [tilespmem:s16+$0xAF30]  }
0x308: {  	v40 =	vld [tilespmem:s16+$0xAF60]  }
0x309: {  	v41 =	vld [tilespmem:s16+$0xAF70]  }
0x30a: {  	v42 =	vld [tilespmem:s16+$0xAFA0]  }
0x30b: {  	v25 =	vadd.f32 v36, v25;
	v24 =	vadd.f32 v37, v24;
	v36 =	vld [tilespmem:s16+$0xAFB0]  }
0x30c: {  	v27 =	vadd.f32 v38, v27;
	v26 =	vadd.f32 v39, v26;
	v37 =	vld [tilespmem:s16+$0xAFE0]  }
0x30d: {  	v25 =	vadd.f32 v31, v25;
	v24 =	vadd.f32 v35, v24;
	v31 =	vld [tilespmem:s16+$0xAFF0]  }
0x30e: {  	v27 =	vadd.f32 v40, v27;
	v26 =	vadd.f32 v41, v26;
	v35 =	vld [tilespmem:s16+$0xB020]  }
0x30f: {  	v25 =	vadd.f32 v33, v25;
	v24 =	vadd.f32 v30, v24;
	v30 =	vld [tilespmem:s16+$0xB030]  }
0x310: {  	v27 =	vadd.f32 v42, v27;
	v26 =	vadd.f32 v36, v26;
	v33 =	vld [tilespmem:s16+$0xB060]  }
0x311: {  	v25 =	vadd.f32 v34, v25;
	v24 =	vadd.f32 v32, v24;
	v32 =	vld [tilespmem:s16+$0xB070]  }
0x312: {  	v27 =	vadd.f32 v37, v27;
	v26 =	vadd.f32 v31, v26;
	v31 =	vld [tilespmem:s16+$0xB0A0]  }
0x313: {  	v25 =	vadd.f32 v28, v25;
	v24 =	vadd.f32 v29, v24;
	v28 =	vld [tilespmem:s16+$0xB0B0]  }
0x314: {  	v27 =	vadd.f32 v35, v27;
	v26 =	vadd.f32 v30, v26;
	v29 =	vld [tilespmem:s16+$0xB0E0]  }
0x315: {  	v22 =	vadd.f32 v22, v25;
	v23 =	vadd.f32 v23, v24;
	v24 =	vld [tilespmem:s16+$0xB0F0]  }
0x316: {  	v25 =	vadd.f32 v33, v27;
	v26 =	vadd.f32 v32, v26;
	v27 =	vld [tilespmem:s16+$0xB120]  }
0x317: {  	v20 =	vadd.f32 v20, v22;
	v21 =	vadd.f32 v21, v23;
	v22 =	vld [tilespmem:s16+$0xB130]  }
0x318: {  	v23 =	vadd.f32 v31, v25;
	v25 =	vadd.f32 v28, v26;
	v26 =	vld [tilespmem:s16+$0xB160]  }
0x319: {  	v18 =	vadd.f32 v18, v20;
	v19 =	vadd.f32 v19, v21;
	v20 =	vld [tilespmem:s16+$0xB170]  }
0x31a: {  	v21 =	vadd.f32 v29, v23;
	v23 =	vadd.f32 v24, v25;
	v24 =	vld [tilespmem:s16+$0xB1A0]  }
0x31b: {  	v16 =	vadd.f32 v16, v18;
	v17 =	vadd.f32 v17, v19;
	v18 =	vld [tilespmem:s16+$0xB1B0]  }
0x31c: {  	v19 =	vadd.f32 v27, v21;
	v21 =	vadd.f32 v22, v23;
	v22 =	vld [tilespmem:s16+$0xB1E0]  }
0x31d: {  	v14 =	vadd.f32 v14, v16;
	v15 =	vadd.f32 v15, v17;
	v16 =	vld [tilespmem:s16+$0xB1F0]  }
0x31e: {  	v17 =	vadd.f32 v26, v19;
	v19 =	vadd.f32 v20, v21;
	v20 =	vld [tilespmem:s16+$0xB220]  }
0x31f: {  	v12 =	vadd.f32 v12, v14;
	v13 =	vadd.f32 v13, v15;
	v14 =	vld [tilespmem:s16+$0xB230]  }
0x320: {  	v15 =	vadd.f32 v24, v17;
	v17 =	vadd.f32 v18, v19;
	v18 =	vld [tilespmem:s16+$0xB260]  }
0x321: {  	s17 =	sadd.s32 $0x10, s17;
	v10 =	vadd.f32 v10, v12;
	v11 =	vadd.f32 v11, v13;
	v12 =	vld [tilespmem:s16+$0xB270]  }
0x322: {  	v15 =	vadd.f32 v22, v15;
	v13 =	vld [tilespmem:s17+$0x0];
	v16 =	vadd.f32 v16, v17  }
0x323: {  	v7 =	vadd.f32 v7, v10;
	v8 =	vadd.f32 v8, v11;
	v10 =	vld [tilespmem:s16+$0xB2B0]  }
0x324: {  	v11 =	vadd.f32 v20, v15;
	v14 =	vadd.f32 v14, v16;
	v15 =	vld [tilespmem:s16+$0xB2E0]  }
0x325: {  	v5 =	vadd.f32 v5, v7;
	v6 =	vadd.f32 v6, v8;
	v7 =	vld [tilespmem:s16+$0xB2F0];
	s16 =	sshra.s32 s6, $0x2  }
0x326: {  	v11 =	vadd.f32 v18, v11;
	v8 =	vld [tilespmem:s16+$0xB2C0];
	v12 =	vadd.f32 v12, v14  }
0x327: {  	v5 =	vadd.f32 v2, v5;
	v6 =	vadd.f32 v3, v6;
	v14 =	vld [tilespmem:s16+$0xB2D0];
	vm1 =	vne.s32 v13, $0x0  }
0x328: {  	v11 =	vadd.f32 v4, v11;
	v2 =	vld [tilespmem:s16+$0xB280];
	v13 =	vmpcnt.ones.xlane vm1;
	v10 =	vadd.f32 v10, v12  }
0x329: {  	v25 =	vadd.f32 v0, v5;
	v24 =	vadd.f32 v1, v6;
	v3 =	vld [tilespmem:s16+$0xB290]  }
0x32a: {  	v27 =	vadd.f32 v15, v11;
	v4 =	vld [tilespmem:s16+$0xB2A0];
	v9 =	vadd.s32 v9, v13;
	v26 =	vadd.f32 v7, v10  }
0x32b: {  	v5 =	vld [tilespmem:s16+$0xB240];
	v0 =	vmov v8  }
0x32c: {  	v6 =	vld [tilespmem:s16+$0xB250];
	v1 =	vmov v14  }
0x32d: {  	v7 =	vld [tilespmem:s16+$0xB200]  }
0x32e: {  	v8 =	vld [tilespmem:s16+$0xB210]  }
0x32f: {  	v10 =	vld [tilespmem:s16+$0xB1C0]  }
0x330: {  	v11 =	vld [tilespmem:s16+$0xB1D0]  }
0x331: {  	v12 =	vld [tilespmem:s16+$0xB180]  }
0x332: {  	v13 =	vld [tilespmem:s16+$0xB190]  }
0x333: {  	v14 =	vld [tilespmem:s16+$0xB140]  }
0x334: {  	v15 =	vld [tilespmem:s16+$0xB150]  }
0x335: {  	v16 =	vld [tilespmem:s16+$0xB100]  }
0x336: {  	v17 =	vld [tilespmem:s16+$0xB110]  }
0x337: {  	v18 =	vld [tilespmem:s16+$0xB0C0]  }
0x338: {  	v19 =	vld [tilespmem:s16+$0xB0D0]  }
0x339: {  	v20 =	vld [tilespmem:s16+$0xB080]  }
0x33a: {  	v21 =	vld [tilespmem:s16+$0xB090]  }
0x33b: {  	v22 =	vld [tilespmem:s16+$0xB040]  }
0x33c: {  	v23 =	vld [tilespmem:s16+$0xB050]  }
0x33d: {  	v28 =	vld [tilespmem:s16+$0xB000]  }
0x33e: {  	v29 =	vld [tilespmem:s16+$0xB010]  }
0x33f: {  	v34 =	vld [tilespmem:s16+$0xAFC0]  }
0x340: {  	v32 =	vld [tilespmem:s16+$0xAFD0]  }
0x341: {  	v33 =	vld [tilespmem:s16+$0xAF80]  }
0x342: {  	v30 =	vld [tilespmem:s16+$0xAF90]  }
.Ltmp5:
0x343: {  	v31 =	vld [tilespmem:s16+$0xAF40];
	(pc) =	sbr.rel @p0 .LBB2_12-.Ltmp5, $4  }
0x344: {  	v35 =	vld [tilespmem:s16+$0xAF50]  }
0x345: {  	v36 =	vld [tilespmem:s16+$0xAF00]  }
0x346: {  	v37 =	vld [tilespmem:s16+$0xAF10]  }
0x347: {  	s6 =	sadd.s32 $0x1000, s6;
	v38 =	vld [tilespmem:s16+$0xAF20]  }
0x348: {  	v39 =	vld [tilespmem:s16+$0xAF30]  }
0x349: {  	v40 =	vld [tilespmem:s16+$0xAF60]  }
0x34a: {  	v41 =	vld [tilespmem:s16+$0xAF70]  }
0x34b: {  	v42 =	vld [tilespmem:s16+$0xAFA0]  }
0x34c: {  	v43 =	vld [tilespmem:s16+$0xAFB0]  }
0x34d: {  	v44 =	vld [tilespmem:s16+$0xAFE0]  }
0x34e: {  	v45 =	vld [tilespmem:s16+$0xAFF0]  }
0x34f: {  	v46 =	vld [tilespmem:s16+$0xB020]  }
0x350: {  	v47 =	vld [tilespmem:s16+$0xB030]  }
0x351: {  	v48 =	vld [tilespmem:s16+$0xB060]  }
0x352: {  	v49 =	vld [tilespmem:s16+$0xB070]  }
0x353: {  	v50 =	vld [tilespmem:s16+$0xB0A0]  }
0x354: {  	v51 =	vld [tilespmem:s16+$0xB0B0]  }
0x355: {  	v52 =	vld [tilespmem:s16+$0xB0E0]  }
0x356: {  	v53 =	vld [tilespmem:s16+$0xB0F0]  }
0x357: {  	v54 =	vld [tilespmem:s16+$0xB120]  }
0x358: {  	v55 =	vld [tilespmem:s16+$0xB130]  }
0x359: {  	v56 =	vld [tilespmem:s16+$0xB160]  }
0x35a: {  	v57 =	vld [tilespmem:s16+$0xB170]  }
0x35b: {  	v62 =	vld [tilespmem:s16+$0xB1A0];
	v25 =	vadd.f32 v36, v25  }
0x35c: {  	v63 =	vld [tilespmem:s16+$0xB1B0];
	v24 =	vadd.f32 v37, v24  }
0x35d: {  	v58 =	vld [tilespmem:$0xDF60];
	v27 =	vadd.f32 v38, v27;
	v25 =	vadd.f32 v31, v25  }
0x35e: {  	v59 =	vld [tilespmem:$0xDF70];
	v26 =	vadd.f32 v39, v26;
	v24 =	vadd.f32 v35, v24  }
0x35f: {  	v60 =	vld [tilespmem:$0xDF80];
	v27 =	vadd.f32 v40, v27;
	v25 =	vadd.f32 v33, v25  }
0x360: {  	v61 =	vld [tilespmem:$0xDF90];
	v26 =	vadd.f32 v41, v26;
	v24 =	vadd.f32 v30, v24  }
0x361: {  	v36 =	vld [tilespmem:$0xDFD0];
	v27 =	vadd.f32 v42, v27;
	v25 =	vadd.f32 v34, v25  }
0x362: {  	v37 =	vld [tilespmem:$0xDFE0];
	v26 =	vadd.f32 v43, v26;
	v24 =	vadd.f32 v32, v24  }
0x363: {  	v38 =	vld [tilespmem:s16+$0xB1E0];
	v27 =	vadd.f32 v44, v27;
	v25 =	vadd.f32 v28, v25  }
0x364: {  	v39 =	vld [tilespmem:s16+$0xB1F0];
	v26 =	vadd.f32 v45, v26;
	v24 =	vadd.f32 v29, v24  }
0x365: {  	v35 =	vld [tilespmem:$0xDFC0];
	v27 =	vadd.f32 v46, v27;
	v22 =	vadd.f32 v22, v25  }
0x366: {  	v40 =	vld [tilespmem:s16+$0xB220];
	v26 =	vadd.f32 v47, v26;
	v23 =	vadd.f32 v23, v24  }
0x367: {  	v41 =	vld [tilespmem:s16+$0xB230];
	v27 =	vadd.f32 v48, v27;
	v20 =	vadd.f32 v20, v22  }
0x368: {  	v42 =	vld [tilespmem:s16+$0xB260];
	v26 =	vadd.f32 v49, v26;
	v21 =	vadd.f32 v21, v23  }
0x369: {  	s6 =	sadd.s32 $0x10, s17;
	v43 =	vld [tilespmem:s16+$0xB270];
	v27 =	vadd.f32 v50, v27;
	v18 =	vadd.f32 v18, v20  }
0x36a: {  	v44 =	vld [tilespmem:s6+$0x0];
	v26 =	vadd.f32 v51, v26;
	v19 =	vadd.f32 v19, v21  }
0x36b: {  	v45 =	vld [tilespmem:s16+$0xB2B0];
	v27 =	vadd.f32 v52, v27;
	v16 =	vadd.f32 v16, v18  }
0x36c: {  	v46 =	vld [tilespmem:s16+$0xB2E0];
	v26 =	vadd.f32 v53, v26;
	v17 =	vadd.f32 v17, v19  }
0x36d: {  	v47 =	vld [tilespmem:s16+$0xB2F0];
	v27 =	vadd.f32 v54, v27;
	v14 =	vadd.f32 v14, v16  }
0x36e: {  	v48 =	vld [tilespmem:s14+$0xB8];
	v26 =	vadd.f32 v55, v26;
	v15 =	vadd.f32 v15, v17  }
0x36f: {  	v49 =	vld [tilespmem:$0xDF00];
	v27 =	vadd.f32 v56, v27;
	v12 =	vadd.f32 v12, v14  }
0x370: {  	v50 =	vld [tilespmem:$0xDF10];
	v26 =	vadd.f32 v57, v26;
	v13 =	vadd.f32 v13, v15  }
0x371: {  	v51 =	vld [tilespmem:$0xDF20];
	v27 =	vadd.f32 v62, v27;
	v10 =	vadd.f32 v10, v12  }
0x372: {  	v52 =	vld [tilespmem:$0xDF30];
	v26 =	vadd.f32 v63, v26;
	v11 =	vadd.f32 v11, v13  }
0x373: {  	v53 =	vld [tilespmem:$0xDF40];
	v27 =	vadd.f32 v38, v27;
	v7 =	vadd.f32 v7, v10  }
0x374: {  	v54 =	vld [tilespmem:$0xDF50];
	v26 =	vadd.f32 v39, v26;
	v8 =	vadd.f32 v8, v11  }
0x375: {  	v55 =	vld [tilespmem:$0xE0B0];
	v27 =	vadd.f32 v40, v27;
	v5 =	vadd.f32 v5, v7  }
0x376: {  	v56 =	vld [tilespmem:$0xE0C0];
	v26 =	vadd.f32 v41, v26;
	v6 =	vadd.f32 v6, v8  }
0x377: {  	vm1 =	vne.s32 v44, $0x0;
	v62 =	vld [tilespmem:$0xDFA0];
	v27 =	vadd.f32 v42, v27;
	v2 =	vadd.f32 v2, v5  }
0x378: {  	v63 =	vld [tilespmem:$0xDFB0];
	v39 =	vmpcnt.ones.xlane vm1;
	v26 =	vadd.f32 v43, v26;
	v3 =	vadd.f32 v3, v6  }
0x379: {  	v38 =	vld [tilespmem:$0xDFF0];
	vm1 =	vne.s32 v48, $0x0;
	v4 =	vadd.f32 v4, v27;
	v0 =	vadd.f32 v0, v2  }
0x37a: {  	v48 =	vld [tilespmem:$0xE050];
	vm1 =	vmand vm1, vm0;
	v42 =	vadd.f32 v45, v26;
	v1 =	vadd.f32 v1, v3  }
0x37b: {  	v40 =	vld [tilespmem:$0xE000];
	v44 =	vmpcnt.ones.xlane vm1;
	v4 =	vadd.f32 v46, v4;
	v0 =	vadd.f32 v49, v0  }
0x37c: {  	v41 =	vld [tilespmem:$0xE010];
	v6 =	vadd.s32 v9, v39;
	v46 =	vadd.f32 v47, v42;
	v1 =	vadd.f32 v50, v1  }
0x37d: {  	v43 =	vld [tilespmem:$0xE020];
	v6 =	vadd.s32 v6, v44;
	v4 =	vadd.f32 v51, v4;
	v0 =	vadd.f32 v53, v0  }
0x37e: {  	v45 =	vld [tilespmem:$0xE030];
	v6 =	vcvt.s32.f32 v6;
	v9 =	vadd.f32 v52, v46;
	v1 =	vadd.f32 v54, v1  }
0x37f: {  	v49 =	vld [tilespmem:$0xE060];
	v4 =	vadd.f32 v58, v4;
	v0 =	vadd.f32 v60, v0  }
0x380: {  	v47 =	vld [tilespmem:$0xE040];
	v6 =	vmax.f32 v6, $1.000000000e+00;
	v9 =	vadd.f32 v59, v9;
	v1 =	vadd.f32 v61, v1  }
0x381: {  	v50 =	vld [tilespmem:$0xE070];
	(erf) = vrcp.f32 v6;
	v4 =	vadd.f32 v62, v4;
	v0 =	vadd.f32 v35, v0  }
0x382: {  	v51 =	vld [tilespmem:$0xE080];
	v53 =	vadd.f32 v63, v9;
	v1 =	vadd.f32 v36, v1  }
0x383: {  	v52 =	vld [tilespmem:$0xE090];
	v4 =	vadd.f32 v37, v4;
	v0 =	vadd.f32 v40, v0  }
0x384: {  	v54 =	vld [tilespmem:$0xE0A0];
	v5 =	vadd.f32 v38, v53;
	v1 =	vadd.f32 v41, v1  }
0x385: {  	v57 =	vld [tilespmem:$0xE0D0];
	v3 =	vadd.f32 v43, v4;
	v0 =	vadd.f32 v47, v0  }
0x386: {  	v58 =	vld [tilespmem:$0xE0E0];
	v5 =	vadd.f32 v45, v5;
	v1 =	vadd.f32 v48, v1  }
0x387: {  	v59 =	vld [tilespmem:$0xE0F0];
	v3 =	vadd.f32 v49, v3;
	v0 =	vadd.f32 v51, v0  }
0x388: {  	v5 =	vadd.f32 v50, v5;
	v1 =	vadd.f32 v52, v1  }
0x389: {  	v3 =	vadd.f32 v54, v3;
	v0 =	vadd.f32 v56, v0  }
0x38a: {  	s11 =	sadd.s32 $0x1, s11;
	v61 =	vpop (erf);
	v60 =	vadd.f32 v55, v5;
	v1 =	vadd.f32 v57, v1  }
0x38b: {  	s29 =	sshll.u32 s13, $0x6;
	p0 =	sne.s32 s11, $0x80;
	v3 =	vadd.f32 v58, v3;
	v0 =	vmul.f32 v0, v61  }
.Ltmp6:
0x38c: {  	s6 =	sand.u32 $0x3FFFFFC0, s29;
	v2 =	vadd.f32 v59, v60;
	v1 =	vmul.f32 v1, v61;
	(pc) =	sbr.rel @p0 .LBB2_2-.Ltmp6, $4  }
0x38d: {  	[tilespmem:s6+$0xE100] =	vst v0;
	v62 =	vmul.f32 v3, v61  }
0x38e: {  	[tilespmem:s6+$0xE110] =	vst v1;
	v63 =	vmul.f32 v2, v61  }
0x38f: {  	[tilespmem:s6+$0xE120] =	vst v62  }
0x390: {  	s1 =	sadd.s32 $0x1, s1;
	s0 =	sadd.s32 $0x4, s0;
	s31 =	sadd.s32 $0x2, s31;
	[tilespmem:s6+$0xE130] =	vst v63  }
0x391: {  	s0 =	rddreg [dreg:$0x4];
	s1 =	simm.s32 $0xE100  }
0x392: {  	[hbm4b:s0+s2] =	stream.linear.scatter [tilespmem:s1], [sflag:$0x6], $0x8000, $0x38;
	[tilespmem:$0x16100] =	vst v63  }
0x393: {  	_ =	swait.ge [sflag:s9], $0x8000  }
0x394: {  	s30 =	sadd.s32 $0x1, s30;
	s31 =	rddreg [dreg:$0x5]  }
0x395: {  	p0 =	sne.s32 s30, s31  }
.Ltmp7:
0x396: {  	_ = 	snop;
	(pc) =	sbr.rel @p0 .LBB2_1-.Ltmp7, $3  }
0x397: {  	_ =	sdelay $0x1  }
0x398: {  	[sflag:s9] =	ssyncset.done $0x0  }
0x399: {  	[sflag:s9] =	ssyncadd.s32 $0xFFFF8000  }
0x39a: {  	_ =	sfence.sel $0x180000  }
0x39b: {  	[bflag:$0x0] =	sbarrier.arrive $0xFFFF  }
0x39c: {  	_ =	strace $0x90000047  }
0x39d: {  	s0 =	stileid.u32;
	[bflag:$0x2] =	sbarrier.arrive $0xFFFF  }
0x39e: {  	p0 =	sne.s32 s0, $0x0;
	s0 =	rddreg [dreg:$0x2]  }
0x39f: {  	s0 =	sadd.s32 @!p0 $0x100000, s0  }
0x3a0: {  	[sflag:s0] =	ssyncadd.tile.s32 @!p0 $0x1;
	_ =	shalt  }
.Lfunc_end2:
_tile_overlayer_lowered:
.L_overlay_start_2:
0x3a1: {  	(tag) =	ssettag $0x2  }
0x3a2: {  	s0 =	rddreg [dreg:$0x0];
	s2 =	stileid.u32  }
0x3a3: {  	s1 =	rddreg [dreg:$0x1];
	p0 =	sne.s32 s2, $0x0  }
0x3a4: {  	s3 =	rddreg [dreg:$0x2];
	[bflag:$0x3] =	sbarrier.arrive $0xFFFF;
	s2 =	simm.s32 @!p0 $0x1C06  }
0x3a5: {  	[timem:s3], [sflag:s2] =	dma.local @!p0 [hbm:s0], s1  }
0x3a6: {  	s0 =	simm.s32 @!p0 $0x6  }
0x3a7: {  	_ =	swait.ge @!p0 [sflag:s0], s1  }
0x3a8: {  	s1 =	ssub.s32 @!p0 $0x0, s1;
	[sflag:s0] =	ssyncset.done @!p0 $0x0  }
0x3a9: {  	[sflag:s0] =	ssyncadd.s32 @!p0 s1  }
0x3aa: {  	[bflag:$0x3] =	sbarrier.arrive $0xFFFF  }
0x3ab: {  	_ =	shalt  }

</sc_bundles>
